<compile_context>
chip_gen: v7x
topology: tpu7x:2x2x1
jax: 0.10.2.dev20260603
libtpu: 0.0.44.dev20260713+nightly
codegen_flags: <defaults>
</compile_context>

<pallas_src>
import jax
import jax.numpy as jnp
from jax import lax
from jax.experimental import pallas as pl
from jax.experimental.pallas import tpu as pltpu, tpu_sc as plsc

_B = 32
_C = 384
_D = 64 * 64
_R = 8
_N = _C // _R
_NBUF = 3


def _body(x_hbm, perm_hbm, out_hbm, perm_v, idx_v, bufs, gsems, ssems):
    nc = plsc.get_sparse_core_info().num_cores
    wid = lax.axis_index("s") * nc + lax.axis_index("c")
    base = wid * _C

    pltpu.sync_copy(perm_hbm, perm_v)
    for j in range(_C // 16):
        sl = pl.ds(j * 16, 16)
        idx_v[sl] = perm_v[sl] + base

    def start_gather(i, b):
        v = idx_v[pl.ds(i * _R, 16)]
        for k in range(_R):
            pltpu.async_copy(x_hbm.at[pl.ds(v[k], 1)],
                             bufs.at[pl.ds(b * _R + k, 1)], gsems.at[b])

    def wait_gather(b):
        pltpu.make_async_copy(x_hbm.at[pl.ds(0, _R)],
                              bufs.at[pl.ds(b * _R, _R)], gsems.at[b]).wait()

    def start_scatter(i, b):
        dst = out_hbm.at[pl.ds(base + i * _R, _R)]
        pltpu.async_copy(bufs.at[pl.ds(b * _R, _R)], dst, ssems.at[b])

    def wait_scatter(b):
        pltpu.make_async_copy(bufs.at[pl.ds(b * _R, _R)],
                              out_hbm.at[pl.ds(0, _R)], ssems.at[b]).wait()

    start_gather(0, 0)
    start_gather(1, 1)

    start_gather(2, 2)
    wait_gather(0)
    start_scatter(0, 0)
    for b in (1, 2):
        i = b
        wait_scatter((b + 2) % _NBUF)
        start_gather(i + 2, (b + 2) % _NBUF)
        wait_gather(b)
        start_scatter(i, b)

    @pl.loop(1, _N // _NBUF - 1)
    def _round(r):
        i0 = r * _NBUF
        for b in range(_NBUF):
            i = i0 + b
            wait_scatter((b + 2) % _NBUF)
            start_gather(i + 2, (b + 2) % _NBUF)
            wait_gather(b)
            start_scatter(i, b)

    wait_scatter(2)
    start_gather(_N - 1, 2)
    wait_gather(0)
    start_scatter(_N - 3, 0)
    wait_gather(1)
    start_scatter(_N - 2, 1)
    wait_gather(2)
    start_scatter(_N - 1, 2)

    for b in range(_NBUF):
        wait_scatter(b)


@jax.jit
def kernel(x, perm):
    x2d = x.reshape(_B * _C, _D)
    mesh = plsc.VectorSubcoreMesh(core_axis_name="c", subcore_axis_name="s")
    run = pl.kernel(
        _body,
        out_type=jax.ShapeDtypeStruct((_B * _C, _D), jnp.float32),
        mesh=mesh,
        scratch_types=[
            pltpu.VMEM((_C,), jnp.int32),
            pltpu.VMEM((_C + 16,), jnp.int32),
            pltpu.VMEM((_NBUF * _R, _D), jnp.float32),
            pltpu.SemaphoreType.DMA((_NBUF,)),
            pltpu.SemaphoreType.DMA((_NBUF,)),
        ],
    )
    out = run(x2d, perm)
    return out.reshape(_B, _C, 64, 64)

# --- scband reference (transcript-rebuilt; emitter-appended) ---
"""Pipeline reference for scband-permute-data-26053271618126 (READ-ONLY COPY).

The authoritative reference and input builder live on the scoring server;
editing this copy changes nothing except your own understanding.
"""

import jax, jax.numpy as jnp
import numpy as np

C = 384
SEED = 0

def _make_perm():
    np.random.seed(SEED)
    perm = np.random.permutation(C)
    np.random.seed()
    return perm

def setup_inputs(seed: int = 0) -> dict:
    key = jax.random.key(seed)
    x = jax.random.normal(key, (32, C, 64, 64), dtype=jnp.float32)
    perm = jnp.asarray(_make_perm(), dtype=jnp.int32)
    return {"x": x, "perm": perm}

def reference(x, perm):
    # channel-wise permutation gather: y = x[:, perm]
    y = jnp.take(x, perm, axis=1)
    return y

if __name__ == "__main__":
    import jax
    _d = setup_inputs()
    print(jax.jit(kernel)(*tuple(_d.values())))

</pallas_src>

<mosaic_0001>
#map = affine_map<(d0, d1) -> (0, 0)>
#map1 = affine_map<(d0, d1) -> (0)>
module attributes {stable_mosaic.version = 14 : i64} {
  func.func @_body(%arg0: i32, %arg1: i32, %arg2: memref<12288x4096xf32, #tpu.memory_space<hbm>>, %arg3: memref<384xi32, #tpu.memory_space<hbm>>, %arg4: memref<12288x4096xf32, #tpu.memory_space<hbm>>, %arg5: memref<384xi32, #tpu.memory_space<vmem>>, %arg6: memref<400xi32, #tpu.memory_space<vmem>>, %arg7: memref<24x4096xf32, #tpu.memory_space<vmem>>, %arg8: memref<3x!tpu.dma_semaphore, #tpu.memory_space<semaphore_mem>>, %arg9: memref<3x!tpu.dma_semaphore, #tpu.memory_space<semaphore_mem>>) attributes {dimension_semantics = [#tpu.dimension_semantics<core_parallel>, #tpu.dimension_semantics<subcore_parallel>], iteration_bounds = array<i64: 2, 16>, scalar_prefetch = 0 : i64, scratch_operands = 5 : i64, tpu.core_type = #tpu.core_type<sc_vector_subcore>, window_params = [{transform_indices = #map}, {transform_indices = #map1}, {transform_indices = #map}]} {
    %mul3A = arith.constant 2 : i32
    %mul3A_0 = arith.muli %arg1, %mul3A : i32
    %add3A = arith.addi %mul3A_0, %arg0 : i32
    %mul3A_1 = arith.constant 384 : i32
    %mul3A_2 = arith.muli %add3A, %mul3A_1 : i32
    "tpu.region"() ({
      %run_scoped3A = tpu.sem_alloc : memref<!tpu.dma_semaphore, #tpu.memory_space<semaphore_mem>>
      tpu.enqueue_dma source(%arg3 : memref<384xi32, #tpu.memory_space<hbm>>) target(%arg5 : memref<384xi32, #tpu.memory_space<vmem>>) target_semaphore(%run_scoped3A : memref<!tpu.dma_semaphore, #tpu.memory_space<semaphore_mem>>)
      tpu.wait_dma2 semaphore(%run_scoped3A : memref<!tpu.dma_semaphore, #tpu.memory_space<semaphore_mem>>) src(%arg3 : memref<384xi32, #tpu.memory_space<hbm>>) dst(%arg5 : memref<384xi32, #tpu.memory_space<vmem>>)
      tpu.yield
    }) : () -> ()
    %get3A = arith.constant 0 : index
    %get3A_3 = tpu.vector_load %arg5[%get3A] {strides = array<i32>} : memref<384xi32, #tpu.memory_space<vmem>>, vector<16xi32>,
    %get3A_4 = vector.shape_cast %get3A_3 : vector<16xi32> to vector<16xi32>
    %add3A_5 = vector.broadcast %mul3A_2 : i32 to vector<16xi32>
    %add3A_6 = arith.addi %get3A_4, %add3A_5 : vector<16xi32>
    %swap3A = arith.constant 0 : index
    %swap3A_7 = tpu.vector_load %arg6[%swap3A] {strides = array<i32>} : memref<400xi32, #tpu.memory_space<vmem>>, vector<16xi32>,
    %swap3A_8 = vector.shape_cast %swap3A_7 : vector<16xi32> to vector<16xi32>
    %swap3A_9 = vector.shape_cast %add3A_6 : vector<16xi32> to vector<16xi32>
    tpu.vector_store %arg6[%swap3A], %swap3A_9 {strides = array<i32>} : memref<400xi32, #tpu.memory_space<vmem>>, vector<16xi32>,
    %get3A_10 = arith.constant 16 : index
    %get3A_11 = tpu.vector_load %arg5[%get3A_10] {strides = array<i32>} : memref<384xi32, #tpu.memory_space<vmem>>, vector<16xi32>,
    %get3A_12 = vector.shape_cast %get3A_11 : vector<16xi32> to vector<16xi32>
    %add3A_13 = vector.broadcast %mul3A_2 : i32 to vector<16xi32>
    %add3A_14 = arith.addi %get3A_12, %add3A_13 : vector<16xi32>
    %swap3A_15 = arith.constant 16 : index
    %swap3A_16 = tpu.vector_load %arg6[%swap3A_15] {strides = array<i32>} : memref<400xi32, #tpu.memory_space<vmem>>, vector<16xi32>,
    %swap3A_17 = vector.shape_cast %swap3A_16 : vector<16xi32> to vector<16xi32>
    %swap3A_18 = vector.shape_cast %add3A_14 : vector<16xi32> to vector<16xi32>
    tpu.vector_store %arg6[%swap3A_15], %swap3A_18 {strides = array<i32>} : memref<400xi32, #tpu.memory_space<vmem>>, vector<16xi32>,
    %get3A_19 = arith.constant 32 : index
    %get3A_20 = tpu.vector_load %arg5[%get3A_19] {strides = array<i32>} : memref<384xi32, #tpu.memory_space<vmem>>, vector<16xi32>,
    %get3A_21 = vector.shape_cast %get3A_20 : vector<16xi32> to vector<16xi32>
    %add3A_22 = vector.broadcast %mul3A_2 : i32 to vector<16xi32>
    %add3A_23 = arith.addi %get3A_21, %add3A_22 : vector<16xi32>
    %swap3A_24 = arith.constant 32 : index
    %swap3A_25 = tpu.vector_load %arg6[%swap3A_24] {strides = array<i32>} : memref<400xi32, #tpu.memory_space<vmem>>, vector<16xi32>,
    %swap3A_26 = vector.shape_cast %swap3A_25 : vector<16xi32> to vector<16xi32>
    %swap3A_27 = vector.shape_cast %add3A_23 : vector<16xi32> to vector<16xi32>
    tpu.vector_store %arg6[%swap3A_24], %swap3A_27 {strides = array<i32>} : memref<400xi32, #tpu.memory_space<vmem>>, vector<16xi32>,
    %get3A_28 = arith.constant 48 : index
    %get3A_29 = tpu.vector_load %arg5[%get3A_28] {strides = array<i32>} : memref<384xi32, #tpu.memory_space<vmem>>, vector<16xi32>,
    %get3A_30 = vector.shape_cast %get3A_29 : vector<16xi32> to vector<16xi32>
    %add3A_31 = vector.broadcast %mul3A_2 : i32 to vector<16xi32>
    %add3A_32 = arith.addi %get3A_30, %add3A_31 : vector<16xi32>
    %swap3A_33 = arith.constant 48 : index
    %swap3A_34 = tpu.vector_load %arg6[%swap3A_33] {strides = array<i32>} : memref<400xi32, #tpu.memory_space<vmem>>, vector<16xi32>,
    %swap3A_35 = vector.shape_cast %swap3A_34 : vector<16xi32> to vector<16xi32>
    %swap3A_36 = vector.shape_cast %add3A_32 : vector<16xi32> to vector<16xi32>
    tpu.vector_store %arg6[%swap3A_33], %swap3A_36 {strides = array<i32>} : memref<400xi32, #tpu.memory_space<vmem>>, vector<16xi32>,
    %get3A_37 = arith.constant 64 : index
    %get3A_38 = tpu.vector_load %arg5[%get3A_37] {strides = array<i32>} : memref<384xi32, #tpu.memory_space<vmem>>, vector<16xi32>,
    %get3A_39 = vector.shape_cast %get3A_38 : vector<16xi32> to vector<16xi32>
    %add3A_40 = vector.broadcast %mul3A_2 : i32 to vector<16xi32>
    %add3A_41 = arith.addi %get3A_39, %add3A_40 : vector<16xi32>
    %swap3A_42 = arith.constant 64 : index
    %swap3A_43 = tpu.vector_load %arg6[%swap3A_42] {strides = array<i32>} : memref<400xi32, #tpu.memory_space<vmem>>, vector<16xi32>,
    %swap3A_44 = vector.shape_cast %swap3A_43 : vector<16xi32> to vector<16xi32>
    %swap3A_45 = vector.shape_cast %add3A_41 : vector<16xi32> to vector<16xi32>
    tpu.vector_store %arg6[%swap3A_42], %swap3A_45 {strides = array<i32>} : memref<400xi32, #tpu.memory_space<vmem>>, vector<16xi32>,
    %get3A_46 = arith.constant 80 : index
    %get3A_47 = tpu.vector_load %arg5[%get3A_46] {strides = array<i32>} : memref<384xi32, #tpu.memory_space<vmem>>, vector<16xi32>,
    %get3A_48 = vector.shape_cast %get3A_47 : vector<16xi32> to vector<16xi32>
    %add3A_49 = vector.broadcast %mul3A_2 : i32 to vector<16xi32>
    %add3A_50 = arith.addi %get3A_48, %add3A_49 : vector<16xi32>
    %swap3A_51 = arith.constant 80 : index
    %swap3A_52 = tpu.vector_load %arg6[%swap3A_51] {strides = array<i32>} : memref<400xi32, #tpu.memory_space<vmem>>, vector<16xi32>,
    %swap3A_53 = vector.shape_cast %swap3A_52 : vector<16xi32> to vector<16xi32>
    %swap3A_54 = vector.shape_cast %add3A_50 : vector<16xi32> to vector<16xi32>
    tpu.vector_store %arg6[%swap3A_51], %swap3A_54 {strides = array<i32>} : memref<400xi32, #tpu.memory_space<vmem>>, vector<16xi32>,
    %get3A_55 = arith.constant 96 : index
    %get3A_56 = tpu.vector_load %arg5[%get3A_55] {strides = array<i32>} : memref<384xi32, #tpu.memory_space<vmem>>, vector<16xi32>,
    %get3A_57 = vector.shape_cast %get3A_56 : vector<16xi32> to vector<16xi32>
    %add3A_58 = vector.broadcast %mul3A_2 : i32 to vector<16xi32>
    %add3A_59 = arith.addi %get3A_57, %add3A_58 : vector<16xi32>
    %swap3A_60 = arith.constant 96 : index
    %swap3A_61 = tpu.vector_load %arg6[%swap3A_60] {strides = array<i32>} : memref<400xi32, #tpu.memory_space<vmem>>, vector<16xi32>,
    %swap3A_62 = vector.shape_cast %swap3A_61 : vector<16xi32> to vector<16xi32>
    %swap3A_63 = vector.shape_cast %add3A_59 : vector<16xi32> to vector<16xi32>
    tpu.vector_store %arg6[%swap3A_60], %swap3A_63 {strides = array<i32>} : memref<400xi32, #tpu.memory_space<vmem>>, vector<16xi32>,
    %get3A_64 = arith.constant 112 : index
    %get3A_65 = tpu.vector_load %arg5[%get3A_64] {strides = array<i32>} : memref<384xi32, #tpu.memory_space<vmem>>, vector<16xi32>,
    %get3A_66 = vector.shape_cast %get3A_65 : vector<16xi32> to vector<16xi32>
    %add3A_67 = vector.broadcast %mul3A_2 : i32 to vector<16xi32>
    %add3A_68 = arith.addi %get3A_66, %add3A_67 : vector<16xi32>
    %swap3A_69 = arith.constant 112 : index
    %swap3A_70 = tpu.vector_load %arg6[%swap3A_69] {strides = array<i32>} : memref<400xi32, #tpu.memory_space<vmem>>, vector<16xi32>,
    %swap3A_71 = vector.shape_cast %swap3A_70 : vector<16xi32> to vector<16xi32>
    %swap3A_72 = vector.shape_cast %add3A_68 : vector<16xi32> to vector<16xi32>
    tpu.vector_store %arg6[%swap3A_69], %swap3A_72 {strides = array<i32>} : memref<400xi32, #tpu.memory_space<vmem>>, vector<16xi32>,
    %get3A_73 = arith.constant 128 : index
    %get3A_74 = tpu.vector_load %arg5[%get3A_73] {strides = array<i32>} : memref<384xi32, #tpu.memory_space<vmem>>, vector<16xi32>,
    %get3A_75 = vector.shape_cast %get3A_74 : vector<16xi32> to vector<16xi32>
    %add3A_76 = vector.broadcast %mul3A_2 : i32 to vector<16xi32>
    %add3A_77 = arith.addi %get3A_75, %add3A_76 : vector<16xi32>
    %swap3A_78 = arith.constant 128 : index
    %swap3A_79 = tpu.vector_load %arg6[%swap3A_78] {strides = array<i32>} : memref<400xi32, #tpu.memory_space<vmem>>, vector<16xi32>,
    %swap3A_80 = vector.shape_cast %swap3A_79 : vector<16xi32> to vector<16xi32>
    %swap3A_81 = vector.shape_cast %add3A_77 : vector<16xi32> to vector<16xi32>
    tpu.vector_store %arg6[%swap3A_78], %swap3A_81 {strides = array<i32>} : memref<400xi32, #tpu.memory_space<vmem>>, vector<16xi32>,
    %get3A_82 = arith.constant 144 : index
    %get3A_83 = tpu.vector_load %arg5[%get3A_82] {strides = array<i32>} : memref<384xi32, #tpu.memory_space<vmem>>, vector<16xi32>,
    %get3A_84 = vector.shape_cast %get3A_83 : vector<16xi32> to vector<16xi32>
    %add3A_85 = vector.broadcast %mul3A_2 : i32 to vector<16xi32>
    %add3A_86 = arith.addi %get3A_84, %add3A_85 : vector<16xi32>
    %swap3A_87 = arith.constant 144 : index
    %swap3A_88 = tpu.vector_load %arg6[%swap3A_87] {strides = array<i32>} : memref<400xi32, #tpu.memory_space<vmem>>, vector<16xi32>,
    %swap3A_89 = vector.shape_cast %swap3A_88 : vector<16xi32> to vector<16xi32>
    %swap3A_90 = vector.shape_cast %add3A_86 : vector<16xi32> to vector<16xi32>
    tpu.vector_store %arg6[%swap3A_87], %swap3A_90 {strides = array<i32>} : memref<400xi32, #tpu.memory_space<vmem>>, vector<16xi32>,
    %get3A_91 = arith.constant 160 : index
    %get3A_92 = tpu.vector_load %arg5[%get3A_91] {strides = array<i32>} : memref<384xi32, #tpu.memory_space<vmem>>, vector<16xi32>,
    %get3A_93 = vector.shape_cast %get3A_92 : vector<16xi32> to vector<16xi32>
    %add3A_94 = vector.broadcast %mul3A_2 : i32 to vector<16xi32>
    %add3A_95 = arith.addi %get3A_93, %add3A_94 : vector<16xi32>
    %swap3A_96 = arith.constant 160 : index
    %swap3A_97 = tpu.vector_load %arg6[%swap3A_96] {strides = array<i32>} : memref<400xi32, #tpu.memory_space<vmem>>, vector<16xi32>,
    %swap3A_98 = vector.shape_cast %swap3A_97 : vector<16xi32> to vector<16xi32>
    %swap3A_99 = vector.shape_cast %add3A_95 : vector<16xi32> to vector<16xi32>
    tpu.vector_store %arg6[%swap3A_96], %swap3A_99 {strides = array<i32>} : memref<400xi32, #tpu.memory_space<vmem>>, vector<16xi32>,
    %get3A_100 = arith.constant 176 : index
    %get3A_101 = tpu.vector_load %arg5[%get3A_100] {strides = array<i32>} : memref<384xi32, #tpu.memory_space<vmem>>, vector<16xi32>,
    %get3A_102 = vector.shape_cast %get3A_101 : vector<16xi32> to vector<16xi32>
    %add3A_103 = vector.broadcast %mul3A_2 : i32 to vector<16xi32>
    %add3A_104 = arith.addi %get3A_102, %add3A_103 : vector<16xi32>
    %swap3A_105 = arith.constant 176 : index
    %swap3A_106 = tpu.vector_load %arg6[%swap3A_105] {strides = array<i32>} : memref<400xi32, #tpu.memory_space<vmem>>, vector<16xi32>,
    %swap3A_107 = vector.shape_cast %swap3A_106 : vector<16xi32> to vector<16xi32>
    %swap3A_108 = vector.shape_cast %add3A_104 : vector<16xi32> to vector<16xi32>
    tpu.vector_store %arg6[%swap3A_105], %swap3A_108 {strides = array<i32>} : memref<400xi32, #tpu.memory_space<vmem>>, vector<16xi32>,
    %get3A_109 = arith.constant 192 : index
    %get3A_110 = tpu.vector_load %arg5[%get3A_109] {strides = array<i32>} : memref<384xi32, #tpu.memory_space<vmem>>, vector<16xi32>,
    %get3A_111 = vector.shape_cast %get3A_110 : vector<16xi32> to vector<16xi32>
    %add3A_112 = vector.broadcast %mul3A_2 : i32 to vector<16xi32>
    %add3A_113 = arith.addi %get3A_111, %add3A_112 : vector<16xi32>
    %swap3A_114 = arith.constant 192 : index
    %swap3A_115 = tpu.vector_load %arg6[%swap3A_114] {strides = array<i32>} : memref<400xi32, #tpu.memory_space<vmem>>, vector<16xi32>,
    %swap3A_116 = vector.shape_cast %swap3A_115 : vector<16xi32> to vector<16xi32>
    %swap3A_117 = vector.shape_cast %add3A_113 : vector<16xi32> to vector<16xi32>
    tpu.vector_store %arg6[%swap3A_114], %swap3A_117 {strides = array<i32>} : memref<400xi32, #tpu.memory_space<vmem>>, vector<16xi32>,
    %get3A_118 = arith.constant 208 : index
    %get3A_119 = tpu.vector_load %arg5[%get3A_118] {strides = array<i32>} : memref<384xi32, #tpu.memory_space<vmem>>, vector<16xi32>,
    %get3A_120 = vector.shape_cast %get3A_119 : vector<16xi32> to vector<16xi32>
    %add3A_121 = vector.broadcast %mul3A_2 : i32 to vector<16xi32>
    %add3A_122 = arith.addi %get3A_120, %add3A_121 : vector<16xi32>
    %swap3A_123 = arith.constant 208 : index
    %swap3A_124 = tpu.vector_load %arg6[%swap3A_123] {strides = array<i32>} : memref<400xi32, #tpu.memory_space<vmem>>, vector<16xi32>,
    %swap3A_125 = vector.shape_cast %swap3A_124 : vector<16xi32> to vector<16xi32>
    %swap3A_126 = vector.shape_cast %add3A_122 : vector<16xi32> to vector<16xi32>
    tpu.vector_store %arg6[%swap3A_123], %swap3A_126 {strides = array<i32>} : memref<400xi32, #tpu.memory_space<vmem>>, vector<16xi32>,
    %get3A_127 = arith.constant 224 : index
    %get3A_128 = tpu.vector_load %arg5[%get3A_127] {strides = array<i32>} : memref<384xi32, #tpu.memory_space<vmem>>, vector<16xi32>,
    %get3A_129 = vector.shape_cast %get3A_128 : vector<16xi32> to vector<16xi32>
    %add3A_130 = vector.broadcast %mul3A_2 : i32 to vector<16xi32>
    %add3A_131 = arith.addi %get3A_129, %add3A_130 : vector<16xi32>
    %swap3A_132 = arith.constant 224 : index
    %swap3A_133 = tpu.vector_load %arg6[%swap3A_132] {strides = array<i32>} : memref<400xi32, #tpu.memory_space<vmem>>, vector<16xi32>,
    %swap3A_134 = vector.shape_cast %swap3A_133 : vector<16xi32> to vector<16xi32>
    %swap3A_135 = vector.shape_cast %add3A_131 : vector<16xi32> to vector<16xi32>
    tpu.vector_store %arg6[%swap3A_132], %swap3A_135 {strides = array<i32>} : memref<400xi32, #tpu.memory_space<vmem>>, vector<16xi32>,
    %get3A_136 = arith.constant 240 : index
    %get3A_137 = tpu.vector_load %arg5[%get3A_136] {strides = array<i32>} : memref<384xi32, #tpu.memory_space<vmem>>, vector<16xi32>,
    %get3A_138 = vector.shape_cast %get3A_137 : vector<16xi32> to vector<16xi32>
    %add3A_139 = vector.broadcast %mul3A_2 : i32 to vector<16xi32>
    %add3A_140 = arith.addi %get3A_138, %add3A_139 : vector<16xi32>
    %swap3A_141 = arith.constant 240 : index
    %swap3A_142 = tpu.vector_load %arg6[%swap3A_141] {strides = array<i32>} : memref<400xi32, #tpu.memory_space<vmem>>, vector<16xi32>,
    %swap3A_143 = vector.shape_cast %swap3A_142 : vector<16xi32> to vector<16xi32>
    %swap3A_144 = vector.shape_cast %add3A_140 : vector<16xi32> to vector<16xi32>
    tpu.vector_store %arg6[%swap3A_141], %swap3A_144 {strides = array<i32>} : memref<400xi32, #tpu.memory_space<vmem>>, vector<16xi32>,
    %get3A_145 = arith.constant 256 : index
    %get3A_146 = tpu.vector_load %arg5[%get3A_145] {strides = array<i32>} : memref<384xi32, #tpu.memory_space<vmem>>, vector<16xi32>,
    %get3A_147 = vector.shape_cast %get3A_146 : vector<16xi32> to vector<16xi32>
    %add3A_148 = vector.broadcast %mul3A_2 : i32 to vector<16xi32>
    %add3A_149 = arith.addi %get3A_147, %add3A_148 : vector<16xi32>
    %swap3A_150 = arith.constant 256 : index
    %swap3A_151 = tpu.vector_load %arg6[%swap3A_150] {strides = array<i32>} : memref<400xi32, #tpu.memory_space<vmem>>, vector<16xi32>,
    %swap3A_152 = vector.shape_cast %swap3A_151 : vector<16xi32> to vector<16xi32>
    %swap3A_153 = vector.shape_cast %add3A_149 : vector<16xi32> to vector<16xi32>
    tpu.vector_store %arg6[%swap3A_150], %swap3A_153 {strides = array<i32>} : memref<400xi32, #tpu.memory_space<vmem>>, vector<16xi32>,
    %get3A_154 = arith.constant 272 : index
    %get3A_155 = tpu.vector_load %arg5[%get3A_154] {strides = array<i32>} : memref<384xi32, #tpu.memory_space<vmem>>, vector<16xi32>,
    %get3A_156 = vector.shape_cast %get3A_155 : vector<16xi32> to vector<16xi32>
    %add3A_157 = vector.broadcast %mul3A_2 : i32 to vector<16xi32>
    %add3A_158 = arith.addi %get3A_156, %add3A_157 : vector<16xi32>
    %swap3A_159 = arith.constant 272 : index
    %swap3A_160 = tpu.vector_load %arg6[%swap3A_159] {strides = array<i32>} : memref<400xi32, #tpu.memory_space<vmem>>, vector<16xi32>,
    %swap3A_161 = vector.shape_cast %swap3A_160 : vector<16xi32> to vector<16xi32>
    %swap3A_162 = vector.shape_cast %add3A_158 : vector<16xi32> to vector<16xi32>
    tpu.vector_store %arg6[%swap3A_159], %swap3A_162 {strides = array<i32>} : memref<400xi32, #tpu.memory_space<vmem>>, vector<16xi32>,
    %get3A_163 = arith.constant 288 : index
    %get3A_164 = tpu.vector_load %arg5[%get3A_163] {strides = array<i32>} : memref<384xi32, #tpu.memory_space<vmem>>, vector<16xi32>,
    %get3A_165 = vector.shape_cast %get3A_164 : vector<16xi32> to vector<16xi32>
    %add3A_166 = vector.broadcast %mul3A_2 : i32 to vector<16xi32>
    %add3A_167 = arith.addi %get3A_165, %add3A_166 : vector<16xi32>
    %swap3A_168 = arith.constant 288 : index
    %swap3A_169 = tpu.vector_load %arg6[%swap3A_168] {strides = array<i32>} : memref<400xi32, #tpu.memory_space<vmem>>, vector<16xi32>,
    %swap3A_170 = vector.shape_cast %swap3A_169 : vector<16xi32> to vector<16xi32>
    %swap3A_171 = vector.shape_cast %add3A_167 : vector<16xi32> to vector<16xi32>
    tpu.vector_store %arg6[%swap3A_168], %swap3A_171 {strides = array<i32>} : memref<400xi32, #tpu.memory_space<vmem>>, vector<16xi32>,
    %get3A_172 = arith.constant 304 : index
    %get3A_173 = tpu.vector_load %arg5[%get3A_172] {strides = array<i32>} : memref<384xi32, #tpu.memory_space<vmem>>, vector<16xi32>,
    %get3A_174 = vector.shape_cast %get3A_173 : vector<16xi32> to vector<16xi32>
    %add3A_175 = vector.broadcast %mul3A_2 : i32 to vector<16xi32>
    %add3A_176 = arith.addi %get3A_174, %add3A_175 : vector<16xi32>
    %swap3A_177 = arith.constant 304 : index
    %swap3A_178 = tpu.vector_load %arg6[%swap3A_177] {strides = array<i32>} : memref<400xi32, #tpu.memory_space<vmem>>, vector<16xi32>,
    %swap3A_179 = vector.shape_cast %swap3A_178 : vector<16xi32> to vector<16xi32>
    %swap3A_180 = vector.shape_cast %add3A_176 : vector<16xi32> to vector<16xi32>
    tpu.vector_store %arg6[%swap3A_177], %swap3A_180 {strides = array<i32>} : memref<400xi32, #tpu.memory_space<vmem>>, vector<16xi32>,
    %get3A_181 = arith.constant 320 : index
    %get3A_182 = tpu.vector_load %arg5[%get3A_181] {strides = array<i32>} : memref<384xi32, #tpu.memory_space<vmem>>, vector<16xi32>,
    %get3A_183 = vector.shape_cast %get3A_182 : vector<16xi32> to vector<16xi32>
    %add3A_184 = vector.broadcast %mul3A_2 : i32 to vector<16xi32>
    %add3A_185 = arith.addi %get3A_183, %add3A_184 : vector<16xi32>
    %swap3A_186 = arith.constant 320 : index
    %swap3A_187 = tpu.vector_load %arg6[%swap3A_186] {strides = array<i32>} : memref<400xi32, #tpu.memory_space<vmem>>, vector<16xi32>,
    %swap3A_188 = vector.shape_cast %swap3A_187 : vector<16xi32> to vector<16xi32>
    %swap3A_189 = vector.shape_cast %add3A_185 : vector<16xi32> to vector<16xi32>
    tpu.vector_store %arg6[%swap3A_186], %swap3A_189 {strides = array<i32>} : memref<400xi32, #tpu.memory_space<vmem>>, vector<16xi32>,
    %get3A_190 = arith.constant 336 : index
    %get3A_191 = tpu.vector_load %arg5[%get3A_190] {strides = array<i32>} : memref<384xi32, #tpu.memory_space<vmem>>, vector<16xi32>,
    %get3A_192 = vector.shape_cast %get3A_191 : vector<16xi32> to vector<16xi32>
    %add3A_193 = vector.broadcast %mul3A_2 : i32 to vector<16xi32>
    %add3A_194 = arith.addi %get3A_192, %add3A_193 : vector<16xi32>
    %swap3A_195 = arith.constant 336 : index
    %swap3A_196 = tpu.vector_load %arg6[%swap3A_195] {strides = array<i32>} : memref<400xi32, #tpu.memory_space<vmem>>, vector<16xi32>,
    %swap3A_197 = vector.shape_cast %swap3A_196 : vector<16xi32> to vector<16xi32>
    %swap3A_198 = vector.shape_cast %add3A_194 : vector<16xi32> to vector<16xi32>
    tpu.vector_store %arg6[%swap3A_195], %swap3A_198 {strides = array<i32>} : memref<400xi32, #tpu.memory_space<vmem>>, vector<16xi32>,
    %get3A_199 = arith.constant 352 : index
    %get3A_200 = tpu.vector_load %arg5[%get3A_199] {strides = array<i32>} : memref<384xi32, #tpu.memory_space<vmem>>, vector<16xi32>,
    %get3A_201 = vector.shape_cast %get3A_200 : vector<16xi32> to vector<16xi32>
    %add3A_202 = vector.broadcast %mul3A_2 : i32 to vector<16xi32>
    %add3A_203 = arith.addi %get3A_201, %add3A_202 : vector<16xi32>
    %swap3A_204 = arith.constant 352 : index
    %swap3A_205 = tpu.vector_load %arg6[%swap3A_204] {strides = array<i32>} : memref<400xi32, #tpu.memory_space<vmem>>, vector<16xi32>,
    %swap3A_206 = vector.shape_cast %swap3A_205 : vector<16xi32> to vector<16xi32>
    %swap3A_207 = vector.shape_cast %add3A_203 : vector<16xi32> to vector<16xi32>
    tpu.vector_store %arg6[%swap3A_204], %swap3A_207 {strides = array<i32>} : memref<400xi32, #tpu.memory_space<vmem>>, vector<16xi32>,
    %get3A_208 = arith.constant 368 : index
    %get3A_209 = tpu.vector_load %arg5[%get3A_208] {strides = array<i32>} : memref<384xi32, #tpu.memory_space<vmem>>, vector<16xi32>,
    %get3A_210 = vector.shape_cast %get3A_209 : vector<16xi32> to vector<16xi32>
    %add3A_211 = vector.broadcast %mul3A_2 : i32 to vector<16xi32>
    %add3A_212 = arith.addi %get3A_210, %add3A_211 : vector<16xi32>
    %swap3A_213 = arith.constant 368 : index
    %swap3A_214 = tpu.vector_load %arg6[%swap3A_213] {strides = array<i32>} : memref<400xi32, #tpu.memory_space<vmem>>, vector<16xi32>,
    %swap3A_215 = vector.shape_cast %swap3A_214 : vector<16xi32> to vector<16xi32>
    %swap3A_216 = vector.shape_cast %add3A_212 : vector<16xi32> to vector<16xi32>
    tpu.vector_store %arg6[%swap3A_213], %swap3A_216 {strides = array<i32>} : memref<400xi32, #tpu.memory_space<vmem>>, vector<16xi32>,
    %get3A_217 = arith.constant 0 : index
    %get3A_218 = tpu.vector_load %arg6[%get3A_217] {strides = array<i32>} : memref<400xi32, #tpu.memory_space<vmem>>, vector<16xi32>,
    %get3A_219 = vector.shape_cast %get3A_218 : vector<16xi32> to vector<16xi32>
    %slice3A = vector.extract_strided_slice %get3A_219 {offsets = [0], sizes = [1], strides = [1]} : vector<16xi32> to vector<1xi32>
    %squeeze3A = vector.extract %slice3A[0] : i32 from vector<1xi32>
    %dma_start3A = arith.constant 0 : i32
    %dma_start3A_220 = arith.constant 0 : i32
    %dma_start3A_221 = arith.constant 0 : i32
    %dma_start3A_222 = tpu.memref_slice %arg7[%dma_start3A_220, %dma_start3A_221] : memref<24x4096xf32, #tpu.memory_space<vmem>> -> memref<1x4096xf32, #tpu.memory_space<vmem>>
    %dma_start3A_223 = arith.constant 0 : i32
    %dma_start3A_224 = tpu.memref_slice %arg2[%squeeze3A, %dma_start3A_223] : memref<12288x4096xf32, #tpu.memory_space<hbm>> -> memref<1x4096xf32, #tpu.memory_space<hbm>>
    %dma_start3A_225 = tpu.memref_slice %arg8[%dma_start3A] : memref<3x!tpu.dma_semaphore, #tpu.memory_space<semaphore_mem>> -> memref<1x!tpu.dma_semaphore, #tpu.memory_space<semaphore_mem>>
    %dma_start3A_226 = tpu.memref_squeeze %dma_start3A_225 : memref<1x!tpu.dma_semaphore, #tpu.memory_space<semaphore_mem>> -> memref<!tpu.dma_semaphore, #tpu.memory_space<semaphore_mem>>
    %dma_start3A_227 = arith.constant 0 : i32
    %dma_start3A_228 = arith.constant 0 : i32
    %dma_start3A_229 = tpu.memref_slice %arg7[%dma_start3A_227, %dma_start3A_228] : memref<24x4096xf32, #tpu.memory_space<vmem>> -> memref<1x4096xf32, #tpu.memory_space<vmem>>
    %dma_start3A_230 = arith.constant 0 : i32
    %dma_start3A_231 = tpu.memref_slice %arg2[%squeeze3A, %dma_start3A_230] : memref<12288x4096xf32, #tpu.memory_space<hbm>> -> memref<1x4096xf32, #tpu.memory_space<hbm>>
    tpu.enqueue_dma source(%dma_start3A_231 : memref<1x4096xf32, #tpu.memory_space<hbm>>) target(%dma_start3A_229 : memref<1x4096xf32, #tpu.memory_space<vmem>>) target_semaphore(%dma_start3A_226 : memref<!tpu.dma_semaphore, #tpu.memory_space<semaphore_mem>>)
    %slice3A_232 = vector.extract_strided_slice %get3A_219 {offsets = [1], sizes = [1], strides = [1]} : vector<16xi32> to vector<1xi32>
    %squeeze3A_233 = vector.extract %slice3A_232[0] : i32 from vector<1xi32>
    %dma_start3A_234 = arith.constant 0 : i32
    %dma_start3A_235 = arith.constant 1 : i32
    %dma_start3A_236 = arith.constant 0 : i32
    %dma_start3A_237 = tpu.memref_slice %arg7[%dma_start3A_235, %dma_start3A_236] : memref<24x4096xf32, #tpu.memory_space<vmem>> -> memref<1x4096xf32, #tpu.memory_space<vmem>>
    %dma_start3A_238 = arith.constant 0 : i32
    %dma_start3A_239 = tpu.memref_slice %arg2[%squeeze3A_233, %dma_start3A_238] : memref<12288x4096xf32, #tpu.memory_space<hbm>> -> memref<1x4096xf32, #tpu.memory_space<hbm>>
    %dma_start3A_240 = tpu.memref_slice %arg8[%dma_start3A_234] : memref<3x!tpu.dma_semaphore, #tpu.memory_space<semaphore_mem>> -> memref<1x!tpu.dma_semaphore, #tpu.memory_space<semaphore_mem>>
    %dma_start3A_241 = tpu.memref_squeeze %dma_start3A_240 : memref<1x!tpu.dma_semaphore, #tpu.memory_space<semaphore_mem>> -> memref<!tpu.dma_semaphore, #tpu.memory_space<semaphore_mem>>
    %dma_start3A_242 = arith.constant 1 : i32
    %dma_start3A_243 = arith.constant 0 : i32
    %dma_start3A_244 = tpu.memref_slice %arg7[%dma_start3A_242, %dma_start3A_243] : memref<24x4096xf32, #tpu.memory_space<vmem>> -> memref<1x4096xf32, #tpu.memory_space<vmem>>
    %dma_start3A_245 = arith.constant 0 : i32
    %dma_start3A_246 = tpu.memref_slice %arg2[%squeeze3A_233, %dma_start3A_245] : memref<12288x4096xf32, #tpu.memory_space<hbm>> -> memref<1x4096xf32, #tpu.memory_space<hbm>>
    tpu.enqueue_dma source(%dma_start3A_246 : memref<1x4096xf32, #tpu.memory_space<hbm>>) target(%dma_start3A_244 : memref<1x4096xf32, #tpu.memory_space<vmem>>) target_semaphore(%dma_start3A_241 : memref<!tpu.dma_semaphore, #tpu.memory_space<semaphore_mem>>)
    %slice3A_247 = vector.extract_strided_slice %get3A_219 {offsets = [2], sizes = [1], strides = [1]} : vector<16xi32> to vector<1xi32>
    %squeeze3A_248 = vector.extract %slice3A_247[0] : i32 from vector<1xi32>
    %dma_start3A_249 = arith.constant 0 : i32
    %dma_start3A_250 = arith.constant 2 : i32
    %dma_start3A_251 = arith.constant 0 : i32
    %dma_start3A_252 = tpu.memref_slice %arg7[%dma_start3A_250, %dma_start3A_251] : memref<24x4096xf32, #tpu.memory_space<vmem>> -> memref<1x4096xf32, #tpu.memory_space<vmem>>
    %dma_start3A_253 = arith.constant 0 : i32
    %dma_start3A_254 = tpu.memref_slice %arg2[%squeeze3A_248, %dma_start3A_253] : memref<12288x4096xf32, #tpu.memory_space<hbm>> -> memref<1x4096xf32, #tpu.memory_space<hbm>>
    %dma_start3A_255 = tpu.memref_slice %arg8[%dma_start3A_249] : memref<3x!tpu.dma_semaphore, #tpu.memory_space<semaphore_mem>> -> memref<1x!tpu.dma_semaphore, #tpu.memory_space<semaphore_mem>>
    %dma_start3A_256 = tpu.memref_squeeze %dma_start3A_255 : memref<1x!tpu.dma_semaphore, #tpu.memory_space<semaphore_mem>> -> memref<!tpu.dma_semaphore, #tpu.memory_space<semaphore_mem>>
    %dma_start3A_257 = arith.constant 2 : i32
    %dma_start3A_258 = arith.constant 0 : i32
    %dma_start3A_259 = tpu.memref_slice %arg7[%dma_start3A_257, %dma_start3A_258] : memref<24x4096xf32, #tpu.memory_space<vmem>> -> memref<1x4096xf32, #tpu.memory_space<vmem>>
    %dma_start3A_260 = arith.constant 0 : i32
    %dma_start3A_261 = tpu.memref_slice %arg2[%squeeze3A_248, %dma_start3A_260] : memref<12288x4096xf32, #tpu.memory_space<hbm>> -> memref<1x4096xf32, #tpu.memory_space<hbm>>
    tpu.enqueue_dma source(%dma_start3A_261 : memref<1x4096xf32, #tpu.memory_space<hbm>>) target(%dma_start3A_259 : memref<1x4096xf32, #tpu.memory_space<vmem>>) target_semaphore(%dma_start3A_256 : memref<!tpu.dma_semaphore, #tpu.memory_space<semaphore_mem>>)
    %slice3A_262 = vector.extract_strided_slice %get3A_219 {offsets = [3], sizes = [1], strides = [1]} : vector<16xi32> to vector<1xi32>
    %squeeze3A_263 = vector.extract %slice3A_262[0] : i32 from vector<1xi32>
    %dma_start3A_264 = arith.constant 0 : i32
    %dma_start3A_265 = arith.constant 3 : i32
    %dma_start3A_266 = arith.constant 0 : i32
    %dma_start3A_267 = tpu.memref_slice %arg7[%dma_start3A_265, %dma_start3A_266] : memref<24x4096xf32, #tpu.memory_space<vmem>> -> memref<1x4096xf32, #tpu.memory_space<vmem>>
    %dma_start3A_268 = arith.constant 0 : i32
    %dma_start3A_269 = tpu.memref_slice %arg2[%squeeze3A_263, %dma_start3A_268] : memref<12288x4096xf32, #tpu.memory_space<hbm>> -> memref<1x4096xf32, #tpu.memory_space<hbm>>
    %dma_start3A_270 = tpu.memref_slice %arg8[%dma_start3A_264] : memref<3x!tpu.dma_semaphore, #tpu.memory_space<semaphore_mem>> -> memref<1x!tpu.dma_semaphore, #tpu.memory_space<semaphore_mem>>
    %dma_start3A_271 = tpu.memref_squeeze %dma_start3A_270 : memref<1x!tpu.dma_semaphore, #tpu.memory_space<semaphore_mem>> -> memref<!tpu.dma_semaphore, #tpu.memory_space<semaphore_mem>>
    %dma_start3A_272 = arith.constant 3 : i32
    %dma_start3A_273 = arith.constant 0 : i32
    %dma_start3A_274 = tpu.memref_slice %arg7[%dma_start3A_272, %dma_start3A_273] : memref<24x4096xf32, #tpu.memory_space<vmem>> -> memref<1x4096xf32, #tpu.memory_space<vmem>>
    %dma_start3A_275 = arith.constant 0 : i32
    %dma_start3A_276 = tpu.memref_slice %arg2[%squeeze3A_263, %dma_start3A_275] : memref<12288x4096xf32, #tpu.memory_space<hbm>> -> memref<1x4096xf32, #tpu.memory_space<hbm>>
    tpu.enqueue_dma source(%dma_start3A_276 : memref<1x4096xf32, #tpu.memory_space<hbm>>) target(%dma_start3A_274 : memref<1x4096xf32, #tpu.memory_space<vmem>>) target_semaphore(%dma_start3A_271 : memref<!tpu.dma_semaphore, #tpu.memory_space<semaphore_mem>>)
    %slice3A_277 = vector.extract_strided_slice %get3A_219 {offsets = [4], sizes = [1], strides = [1]} : vector<16xi32> to vector<1xi32>
    %squeeze3A_278 = vector.extract %slice3A_277[0] : i32 from vector<1xi32>
    %dma_start3A_279 = arith.constant 0 : i32
    %dma_start3A_280 = arith.constant 4 : i32
    %dma_start3A_281 = arith.constant 0 : i32
    %dma_start3A_282 = tpu.memref_slice %arg7[%dma_start3A_280, %dma_start3A_281] : memref<24x4096xf32, #tpu.memory_space<vmem>> -> memref<1x4096xf32, #tpu.memory_space<vmem>>
    %dma_start3A_283 = arith.constant 0 : i32
    %dma_start3A_284 = tpu.memref_slice %arg2[%squeeze3A_278, %dma_start3A_283] : memref<12288x4096xf32, #tpu.memory_space<hbm>> -> memref<1x4096xf32, #tpu.memory_space<hbm>>
    %dma_start3A_285 = tpu.memref_slice %arg8[%dma_start3A_279] : memref<3x!tpu.dma_semaphore, #tpu.memory_space<semaphore_mem>> -> memref<1x!tpu.dma_semaphore, #tpu.memory_space<semaphore_mem>>
    %dma_start3A_286 = tpu.memref_squeeze %dma_start3A_285 : memref<1x!tpu.dma_semaphore, #tpu.memory_space<semaphore_mem>> -> memref<!tpu.dma_semaphore, #tpu.memory_space<semaphore_mem>>
    %dma_start3A_287 = arith.constant 4 : i32
    %dma_start3A_288 = arith.constant 0 : i32
    %dma_start3A_289 = tpu.memref_slice %arg7[%dma_start3A_287, %dma_start3A_288] : memref<24x4096xf32, #tpu.memory_space<vmem>> -> memref<1x4096xf32, #tpu.memory_space<vmem>>
    %dma_start3A_290 = arith.constant 0 : i32
    %dma_start3A_291 = tpu.memref_slice %arg2[%squeeze3A_278, %dma_start3A_290] : memref<12288x4096xf32, #tpu.memory_space<hbm>> -> memref<1x4096xf32, #tpu.memory_space<hbm>>
    tpu.enqueue_dma source(%dma_start3A_291 : memref<1x4096xf32, #tpu.memory_space<hbm>>) target(%dma_start3A_289 : memref<1x4096xf32, #tpu.memory_space<vmem>>) target_semaphore(%dma_start3A_286 : memref<!tpu.dma_semaphore, #tpu.memory_space<semaphore_mem>>)
    %slice3A_292 = vector.extract_strided_slice %get3A_219 {offsets = [5], sizes = [1], strides = [1]} : vector<16xi32> to vector<1xi32>
    %squeeze3A_293 = vector.extract %slice3A_292[0] : i32 from vector<1xi32>
    %dma_start3A_294 = arith.constant 0 : i32
    %dma_start3A_295 = arith.constant 5 : i32
    %dma_start3A_296 = arith.constant 0 : i32
    %dma_start3A_297 = tpu.memref_slice %arg7[%dma_start3A_295, %dma_start3A_296] : memref<24x4096xf32, #tpu.memory_space<vmem>> -> memref<1x4096xf32, #tpu.memory_space<vmem>>
    %dma_start3A_298 = arith.constant 0 : i32
    %dma_start3A_299 = tpu.memref_slice %arg2[%squeeze3A_293, %dma_start3A_298] : memref<12288x4096xf32, #tpu.memory_space<hbm>> -> memref<1x4096xf32, #tpu.memory_space<hbm>>
    %dma_start3A_300 = tpu.memref_slice %arg8[%dma_start3A_294] : memref<3x!tpu.dma_semaphore, #tpu.memory_space<semaphore_mem>> -> memref<1x!tpu.dma_semaphore, #tpu.memory_space<semaphore_mem>>
    %dma_start3A_301 = tpu.memref_squeeze %dma_start3A_300 : memref<1x!tpu.dma_semaphore, #tpu.memory_space<semaphore_mem>> -> memref<!tpu.dma_semaphore, #tpu.memory_space<semaphore_mem>>
    %dma_start3A_302 = arith.constant 5 : i32
    %dma_start3A_303 = arith.constant 0 : i32
    %dma_start3A_304 = tpu.memref_slice %arg7[%dma_start3A_302, %dma_start3A_303] : memref<24x4096xf32, #tpu.memory_space<vmem>> -> memref<1x4096xf32, #tpu.memory_space<vmem>>
    %dma_start3A_305 = arith.constant 0 : i32
    %dma_start3A_306 = tpu.memref_slice %arg2[%squeeze3A_293, %dma_start3A_305] : memref<12288x4096xf32, #tpu.memory_space<hbm>> -> memref<1x4096xf32, #tpu.memory_space<hbm>>
    tpu.enqueue_dma source(%dma_start3A_306 : memref<1x4096xf32, #tpu.memory_space<hbm>>) target(%dma_start3A_304 : memref<1x4096xf32, #tpu.memory_space<vmem>>) target_semaphore(%dma_start3A_301 : memref<!tpu.dma_semaphore, #tpu.memory_space<semaphore_mem>>)
    %slice3A_307 = vector.extract_strided_slice %get3A_219 {offsets = [6], sizes = [1], strides = [1]} : vector<16xi32> to vector<1xi32>
    %squeeze3A_308 = vector.extract %slice3A_307[0] : i32 from vector<1xi32>
    %dma_start3A_309 = arith.constant 0 : i32
    %dma_start3A_310 = arith.constant 6 : i32
    %dma_start3A_311 = arith.constant 0 : i32
    %dma_start3A_312 = tpu.memref_slice %arg7[%dma_start3A_310, %dma_start3A_311] : memref<24x4096xf32, #tpu.memory_space<vmem>> -> memref<1x4096xf32, #tpu.memory_space<vmem>>
    %dma_start3A_313 = arith.constant 0 : i32
    %dma_start3A_314 = tpu.memref_slice %arg2[%squeeze3A_308, %dma_start3A_313] : memref<12288x4096xf32, #tpu.memory_space<hbm>> -> memref<1x4096xf32, #tpu.memory_space<hbm>>
    %dma_start3A_315 = tpu.memref_slice %arg8[%dma_start3A_309] : memref<3x!tpu.dma_semaphore, #tpu.memory_space<semaphore_mem>> -> memref<1x!tpu.dma_semaphore, #tpu.memory_space<semaphore_mem>>
    %dma_start3A_316 = tpu.memref_squeeze %dma_start3A_315 : memref<1x!tpu.dma_semaphore, #tpu.memory_space<semaphore_mem>> -> memref<!tpu.dma_semaphore, #tpu.memory_space<semaphore_mem>>
    %dma_start3A_317 = arith.constant 6 : i32
    %dma_start3A_318 = arith.constant 0 : i32
    %dma_start3A_319 = tpu.memref_slice %arg7[%dma_start3A_317, %dma_start3A_318] : memref<24x4096xf32, #tpu.memory_space<vmem>> -> memref<1x4096xf32, #tpu.memory_space<vmem>>
    %dma_start3A_320 = arith.constant 0 : i32
    %dma_start3A_321 = tpu.memref_slice %arg2[%squeeze3A_308, %dma_start3A_320] : memref<12288x4096xf32, #tpu.memory_space<hbm>> -> memref<1x4096xf32, #tpu.memory_space<hbm>>
    tpu.enqueue_dma source(%dma_start3A_321 : memref<1x4096xf32, #tpu.memory_space<hbm>>) target(%dma_start3A_319 : memref<1x4096xf32, #tpu.memory_space<vmem>>) target_semaphore(%dma_start3A_316 : memref<!tpu.dma_semaphore, #tpu.memory_space<semaphore_mem>>)
    %slice3A_322 = vector.extract_strided_slice %get3A_219 {offsets = [7], sizes = [1], strides = [1]} : vector<16xi32> to vector<1xi32>
    %squeeze3A_323 = vector.extract %slice3A_322[0] : i32 from vector<1xi32>
    %dma_start3A_324 = arith.constant 0 : i32
    %dma_start3A_325 = arith.constant 7 : i32
    %dma_start3A_326 = arith.constant 0 : i32
    %dma_start3A_327 = tpu.memref_slice %arg7[%dma_start3A_325, %dma_start3A_326] : memref<24x4096xf32, #tpu.memory_space<vmem>> -> memref<1x4096xf32, #tpu.memory_space<vmem>>
    %dma_start3A_328 = arith.constant 0 : i32
    %dma_start3A_329 = tpu.memref_slice %arg2[%squeeze3A_323, %dma_start3A_328] : memref<12288x4096xf32, #tpu.memory_space<hbm>> -> memref<1x4096xf32, #tpu.memory_space<hbm>>
    %dma_start3A_330 = tpu.memref_slice %arg8[%dma_start3A_324] : memref<3x!tpu.dma_semaphore, #tpu.memory_space<semaphore_mem>> -> memref<1x!tpu.dma_semaphore, #tpu.memory_space<semaphore_mem>>
    %dma_start3A_331 = tpu.memref_squeeze %dma_start3A_330 : memref<1x!tpu.dma_semaphore, #tpu.memory_space<semaphore_mem>> -> memref<!tpu.dma_semaphore, #tpu.memory_space<semaphore_mem>>
    %dma_start3A_332 = arith.constant 7 : i32
    %dma_start3A_333 = arith.constant 0 : i32
    %dma_start3A_334 = tpu.memref_slice %arg7[%dma_start3A_332, %dma_start3A_333] : memref<24x4096xf32, #tpu.memory_space<vmem>> -> memref<1x4096xf32, #tpu.memory_space<vmem>>
    %dma_start3A_335 = arith.constant 0 : i32
    %dma_start3A_336 = tpu.memref_slice %arg2[%squeeze3A_323, %dma_start3A_335] : memref<12288x4096xf32, #tpu.memory_space<hbm>> -> memref<1x4096xf32, #tpu.memory_space<hbm>>
    tpu.enqueue_dma source(%dma_start3A_336 : memref<1x4096xf32, #tpu.memory_space<hbm>>) target(%dma_start3A_334 : memref<1x4096xf32, #tpu.memory_space<vmem>>) target_semaphore(%dma_start3A_331 : memref<!tpu.dma_semaphore, #tpu.memory_space<semaphore_mem>>)
    %get3A_337 = arith.constant 8 : index
    %get3A_338 = tpu.vector_load %arg6[%get3A_337] {strides = array<i32>} : memref<400xi32, #tpu.memory_space<vmem>>, vector<16xi32>,
    %get3A_339 = vector.shape_cast %get3A_338 : vector<16xi32> to vector<16xi32>
    %slice3A_340 = vector.extract_strided_slice %get3A_339 {offsets = [0], sizes = [1], strides = [1]} : vector<16xi32> to vector<1xi32>
    %squeeze3A_341 = vector.extract %slice3A_340[0] : i32 from vector<1xi32>
    %dma_start3A_342 = arith.constant 1 : i32
    %dma_start3A_343 = arith.constant 8 : i32
    %dma_start3A_344 = arith.constant 0 : i32
    %dma_start3A_345 = tpu.memref_slice %arg7[%dma_start3A_343, %dma_start3A_344] : memref<24x4096xf32, #tpu.memory_space<vmem>> -> memref<1x4096xf32, #tpu.memory_space<vmem>>
    %dma_start3A_346 = arith.constant 0 : i32
    %dma_start3A_347 = tpu.memref_slice %arg2[%squeeze3A_341, %dma_start3A_346] : memref<12288x4096xf32, #tpu.memory_space<hbm>> -> memref<1x4096xf32, #tpu.memory_space<hbm>>
    %dma_start3A_348 = tpu.memref_slice %arg8[%dma_start3A_342] : memref<3x!tpu.dma_semaphore, #tpu.memory_space<semaphore_mem>> -> memref<1x!tpu.dma_semaphore, #tpu.memory_space<semaphore_mem>>
    %dma_start3A_349 = tpu.memref_squeeze %dma_start3A_348 : memref<1x!tpu.dma_semaphore, #tpu.memory_space<semaphore_mem>> -> memref<!tpu.dma_semaphore, #tpu.memory_space<semaphore_mem>>
    %dma_start3A_350 = arith.constant 8 : i32
    %dma_start3A_351 = arith.constant 0 : i32
    %dma_start3A_352 = tpu.memref_slice %arg7[%dma_start3A_350, %dma_start3A_351] : memref<24x4096xf32, #tpu.memory_space<vmem>> -> memref<1x4096xf32, #tpu.memory_space<vmem>>
    %dma_start3A_353 = arith.constant 0 : i32
    %dma_start3A_354 = tpu.memref_slice %arg2[%squeeze3A_341, %dma_start3A_353] : memref<12288x4096xf32, #tpu.memory_space<hbm>> -> memref<1x4096xf32, #tpu.memory_space<hbm>>
    tpu.enqueue_dma source(%dma_start3A_354 : memref<1x4096xf32, #tpu.memory_space<hbm>>) target(%dma_start3A_352 : memref<1x4096xf32, #tpu.memory_space<vmem>>) target_semaphore(%dma_start3A_349 : memref<!tpu.dma_semaphore, #tpu.memory_space<semaphore_mem>>)
    %slice3A_355 = vector.extract_strided_slice %get3A_339 {offsets = [1], sizes = [1], strides = [1]} : vector<16xi32> to vector<1xi32>
    %squeeze3A_356 = vector.extract %slice3A_355[0] : i32 from vector<1xi32>
    %dma_start3A_357 = arith.constant 1 : i32
    %dma_start3A_358 = arith.constant 9 : i32
    %dma_start3A_359 = arith.constant 0 : i32
    %dma_start3A_360 = tpu.memref_slice %arg7[%dma_start3A_358, %dma_start3A_359] : memref<24x4096xf32, #tpu.memory_space<vmem>> -> memref<1x4096xf32, #tpu.memory_space<vmem>>
    %dma_start3A_361 = arith.constant 0 : i32
    %dma_start3A_362 = tpu.memref_slice %arg2[%squeeze3A_356, %dma_start3A_361] : memref<12288x4096xf32, #tpu.memory_space<hbm>> -> memref<1x4096xf32, #tpu.memory_space<hbm>>
    %dma_start3A_363 = tpu.memref_slice %arg8[%dma_start3A_357] : memref<3x!tpu.dma_semaphore, #tpu.memory_space<semaphore_mem>> -> memref<1x!tpu.dma_semaphore, #tpu.memory_space<semaphore_mem>>
    %dma_start3A_364 = tpu.memref_squeeze %dma_start3A_363 : memref<1x!tpu.dma_semaphore, #tpu.memory_space<semaphore_mem>> -> memref<!tpu.dma_semaphore, #tpu.memory_space<semaphore_mem>>
    %dma_start3A_365 = arith.constant 9 : i32
    %dma_start3A_366 = arith.constant 0 : i32
    %dma_start3A_367 = tpu.memref_slice %arg7[%dma_start3A_365, %dma_start3A_366] : memref<24x4096xf32, #tpu.memory_space<vmem>> -> memref<1x4096xf32, #tpu.memory_space<vmem>>
    %dma_start3A_368 = arith.constant 0 : i32
    %dma_start3A_369 = tpu.memref_slice %arg2[%squeeze3A_356, %dma_start3A_368] : memref<12288x4096xf32, #tpu.memory_space<hbm>> -> memref<1x4096xf32, #tpu.memory_space<hbm>>
    tpu.enqueue_dma source(%dma_start3A_369 : memref<1x4096xf32, #tpu.memory_space<hbm>>) target(%dma_start3A_367 : memref<1x4096xf32, #tpu.memory_space<vmem>>) target_semaphore(%dma_start3A_364 : memref<!tpu.dma_semaphore, #tpu.memory_space<semaphore_mem>>)
    %slice3A_370 = vector.extract_strided_slice %get3A_339 {offsets = [2], sizes = [1], strides = [1]} : vector<16xi32> to vector<1xi32>
    %squeeze3A_371 = vector.extract %slice3A_370[0] : i32 from vector<1xi32>
    %dma_start3A_372 = arith.constant 1 : i32
    %dma_start3A_373 = arith.constant 10 : i32
    %dma_start3A_374 = arith.constant 0 : i32
    %dma_start3A_375 = tpu.memref_slice %arg7[%dma_start3A_373, %dma_start3A_374] : memref<24x4096xf32, #tpu.memory_space<vmem>> -> memref<1x4096xf32, #tpu.memory_space<vmem>>
    %dma_start3A_376 = arith.constant 0 : i32
    %dma_start3A_377 = tpu.memref_slice %arg2[%squeeze3A_371, %dma_start3A_376] : memref<12288x4096xf32, #tpu.memory_space<hbm>> -> memref<1x4096xf32, #tpu.memory_space<hbm>>
    %dma_start3A_378 = tpu.memref_slice %arg8[%dma_start3A_372] : memref<3x!tpu.dma_semaphore, #tpu.memory_space<semaphore_mem>> -> memref<1x!tpu.dma_semaphore, #tpu.memory_space<semaphore_mem>>
    %dma_start3A_379 = tpu.memref_squeeze %dma_start3A_378 : memref<1x!tpu.dma_semaphore, #tpu.memory_space<semaphore_mem>> -> memref<!tpu.dma_semaphore, #tpu.memory_space<semaphore_mem>>
    %dma_start3A_380 = arith.constant 10 : i32
    %dma_start3A_381 = arith.constant 0 : i32
    %dma_start3A_382 = tpu.memref_slice %arg7[%dma_start3A_380, %dma_start3A_381] : memref<24x4096xf32, #tpu.memory_space<vmem>> -> memref<1x4096xf32, #tpu.memory_space<vmem>>
    %dma_start3A_383 = arith.constant 0 : i32
    %dma_start3A_384 = tpu.memref_slice %arg2[%squeeze3A_371, %dma_start3A_383] : memref<12288x4096xf32, #tpu.memory_space<hbm>> -> memref<1x4096xf32, #tpu.memory_space<hbm>>
    tpu.enqueue_dma source(%dma_start3A_384 : memref<1x4096xf32, #tpu.memory_space<hbm>>) target(%dma_start3A_382 : memref<1x4096xf32, #tpu.memory_space<vmem>>) target_semaphore(%dma_start3A_379 : memref<!tpu.dma_semaphore, #tpu.memory_space<semaphore_mem>>)
    %slice3A_385 = vector.extract_strided_slice %get3A_339 {offsets = [3], sizes = [1], strides = [1]} : vector<16xi32> to vector<1xi32>
    %squeeze3A_386 = vector.extract %slice3A_385[0] : i32 from vector<1xi32>
    %dma_start3A_387 = arith.constant 1 : i32
    %dma_start3A_388 = arith.constant 11 : i32
    %dma_start3A_389 = arith.constant 0 : i32
    %dma_start3A_390 = tpu.memref_slice %arg7[%dma_start3A_388, %dma_start3A_389] : memref<24x4096xf32, #tpu.memory_space<vmem>> -> memref<1x4096xf32, #tpu.memory_space<vmem>>
    %dma_start3A_391 = arith.constant 0 : i32
    %dma_start3A_392 = tpu.memref_slice %arg2[%squeeze3A_386, %dma_start3A_391] : memref<12288x4096xf32, #tpu.memory_space<hbm>> -> memref<1x4096xf32, #tpu.memory_space<hbm>>
    %dma_start3A_393 = tpu.memref_slice %arg8[%dma_start3A_387] : memref<3x!tpu.dma_semaphore, #tpu.memory_space<semaphore_mem>> -> memref<1x!tpu.dma_semaphore, #tpu.memory_space<semaphore_mem>>
    %dma_start3A_394 = tpu.memref_squeeze %dma_start3A_393 : memref<1x!tpu.dma_semaphore, #tpu.memory_space<semaphore_mem>> -> memref<!tpu.dma_semaphore, #tpu.memory_space<semaphore_mem>>
    %dma_start3A_395 = arith.constant 11 : i32
    %dma_start3A_396 = arith.constant 0 : i32
    %dma_start3A_397 = tpu.memref_slice %arg7[%dma_start3A_395, %dma_start3A_396] : memref<24x4096xf32, #tpu.memory_space<vmem>> -> memref<1x4096xf32, #tpu.memory_space<vmem>>
    %dma_start3A_398 = arith.constant 0 : i32
    %dma_start3A_399 = tpu.memref_slice %arg2[%squeeze3A_386, %dma_start3A_398] : memref<12288x4096xf32, #tpu.memory_space<hbm>> -> memref<1x4096xf32, #tpu.memory_space<hbm>>
    tpu.enqueue_dma source(%dma_start3A_399 : memref<1x4096xf32, #tpu.memory_space<hbm>>) target(%dma_start3A_397 : memref<1x4096xf32, #tpu.memory_space<vmem>>) target_semaphore(%dma_start3A_394 : memref<!tpu.dma_semaphore, #tpu.memory_space<semaphore_mem>>)
    %slice3A_400 = vector.extract_strided_slice %get3A_339 {offsets = [4], sizes = [1], strides = [1]} : vector<16xi32> to vector<1xi32>
    %squeeze3A_401 = vector.extract %slice3A_400[0] : i32 from vector<1xi32>
    %dma_start3A_402 = arith.constant 1 : i32
    %dma_start3A_403 = arith.constant 12 : i32
    %dma_start3A_404 = arith.constant 0 : i32
    %dma_start3A_405 = tpu.memref_slice %arg7[%dma_start3A_403, %dma_start3A_404] : memref<24x4096xf32, #tpu.memory_space<vmem>> -> memref<1x4096xf32, #tpu.memory_space<vmem>>
    %dma_start3A_406 = arith.constant 0 : i32
    %dma_start3A_407 = tpu.memref_slice %arg2[%squeeze3A_401, %dma_start3A_406] : memref<12288x4096xf32, #tpu.memory_space<hbm>> -> memref<1x4096xf32, #tpu.memory_space<hbm>>
    %dma_start3A_408 = tpu.memref_slice %arg8[%dma_start3A_402] : memref<3x!tpu.dma_semaphore, #tpu.memory_space<semaphore_mem>> -> memref<1x!tpu.dma_semaphore, #tpu.memory_space<semaphore_mem>>
    %dma_start3A_409 = tpu.memref_squeeze %dma_start3A_408 : memref<1x!tpu.dma_semaphore, #tpu.memory_space<semaphore_mem>> -> memref<!tpu.dma_semaphore, #tpu.memory_space<semaphore_mem>>
    %dma_start3A_410 = arith.constant 12 : i32
    %dma_start3A_411 = arith.constant 0 : i32
    %dma_start3A_412 = tpu.memref_slice %arg7[%dma_start3A_410, %dma_start3A_411] : memref<24x4096xf32, #tpu.memory_space<vmem>> -> memref<1x4096xf32, #tpu.memory_space<vmem>>
    %dma_start3A_413 = arith.constant 0 : i32
    %dma_start3A_414 = tpu.memref_slice %arg2[%squeeze3A_401, %dma_start3A_413] : memref<12288x4096xf32, #tpu.memory_space<hbm>> -> memref<1x4096xf32, #tpu.memory_space<hbm>>
    tpu.enqueue_dma source(%dma_start3A_414 : memref<1x4096xf32, #tpu.memory_space<hbm>>) target(%dma_start3A_412 : memref<1x4096xf32, #tpu.memory_space<vmem>>) target_semaphore(%dma_start3A_409 : memref<!tpu.dma_semaphore, #tpu.memory_space<semaphore_mem>>)
    %slice3A_415 = vector.extract_strided_slice %get3A_339 {offsets = [5], sizes = [1], strides = [1]} : vector<16xi32> to vector<1xi32>
    %squeeze3A_416 = vector.extract %slice3A_415[0] : i32 from vector<1xi32>
    %dma_start3A_417 = arith.constant 1 : i32
    %dma_start3A_418 = arith.constant 13 : i32
    %dma_start3A_419 = arith.constant 0 : i32
    %dma_start3A_420 = tpu.memref_slice %arg7[%dma_start3A_418, %dma_start3A_419] : memref<24x4096xf32, #tpu.memory_space<vmem>> -> memref<1x4096xf32, #tpu.memory_space<vmem>>
    %dma_start3A_421 = arith.constant 0 : i32
    %dma_start3A_422 = tpu.memref_slice %arg2[%squeeze3A_416, %dma_start3A_421] : memref<12288x4096xf32, #tpu.memory_space<hbm>> -> memref<1x4096xf32, #tpu.memory_space<hbm>>
    %dma_start3A_423 = tpu.memref_slice %arg8[%dma_start3A_417] : memref<3x!tpu.dma_semaphore, #tpu.memory_space<semaphore_mem>> -> memref<1x!tpu.dma_semaphore, #tpu.memory_space<semaphore_mem>>
    %dma_start3A_424 = tpu.memref_squeeze %dma_start3A_423 : memref<1x!tpu.dma_semaphore, #tpu.memory_space<semaphore_mem>> -> memref<!tpu.dma_semaphore, #tpu.memory_space<semaphore_mem>>
    %dma_start3A_425 = arith.constant 13 : i32
    %dma_start3A_426 = arith.constant 0 : i32
    %dma_start3A_427 = tpu.memref_slice %arg7[%dma_start3A_425, %dma_start3A_426] : memref<24x4096xf32, #tpu.memory_space<vmem>> -> memref<1x4096xf32, #tpu.memory_space<vmem>>
    %dma_start3A_428 = arith.constant 0 : i32
    %dma_start3A_429 = tpu.memref_slice %arg2[%squeeze3A_416, %dma_start3A_428] : memref<12288x4096xf32, #tpu.memory_space<hbm>> -> memref<1x4096xf32, #tpu.memory_space<hbm>>
    tpu.enqueue_dma source(%dma_start3A_429 : memref<1x4096xf32, #tpu.memory_space<hbm>>) target(%dma_start3A_427 : memref<1x4096xf32, #tpu.memory_space<vmem>>) target_semaphore(%dma_start3A_424 : memref<!tpu.dma_semaphore, #tpu.memory_space<semaphore_mem>>)
    %slice3A_430 = vector.extract_strided_slice %get3A_339 {offsets = [6], sizes = [1], strides = [1]} : vector<16xi32> to vector<1xi32>
    %squeeze3A_431 = vector.extract %slice3A_430[0] : i32 from vector<1xi32>
    %dma_start3A_432 = arith.constant 1 : i32
    %dma_start3A_433 = arith.constant 14 : i32
    %dma_start3A_434 = arith.constant 0 : i32
    %dma_start3A_435 = tpu.memref_slice %arg7[%dma_start3A_433, %dma_start3A_434] : memref<24x4096xf32, #tpu.memory_space<vmem>> -> memref<1x4096xf32, #tpu.memory_space<vmem>>
    %dma_start3A_436 = arith.constant 0 : i32
    %dma_start3A_437 = tpu.memref_slice %arg2[%squeeze3A_431, %dma_start3A_436] : memref<12288x4096xf32, #tpu.memory_space<hbm>> -> memref<1x4096xf32, #tpu.memory_space<hbm>>
    %dma_start3A_438 = tpu.memref_slice %arg8[%dma_start3A_432] : memref<3x!tpu.dma_semaphore, #tpu.memory_space<semaphore_mem>> -> memref<1x!tpu.dma_semaphore, #tpu.memory_space<semaphore_mem>>
    %dma_start3A_439 = tpu.memref_squeeze %dma_start3A_438 : memref<1x!tpu.dma_semaphore, #tpu.memory_space<semaphore_mem>> -> memref<!tpu.dma_semaphore, #tpu.memory_space<semaphore_mem>>
    %dma_start3A_440 = arith.constant 14 : i32
    %dma_start3A_441 = arith.constant 0 : i32
    %dma_start3A_442 = tpu.memref_slice %arg7[%dma_start3A_440, %dma_start3A_441] : memref<24x4096xf32, #tpu.memory_space<vmem>> -> memref<1x4096xf32, #tpu.memory_space<vmem>>
    %dma_start3A_443 = arith.constant 0 : i32
    %dma_start3A_444 = tpu.memref_slice %arg2[%squeeze3A_431, %dma_start3A_443] : memref<12288x4096xf32, #tpu.memory_space<hbm>> -> memref<1x4096xf32, #tpu.memory_space<hbm>>
    tpu.enqueue_dma source(%dma_start3A_444 : memref<1x4096xf32, #tpu.memory_space<hbm>>) target(%dma_start3A_442 : memref<1x4096xf32, #tpu.memory_space<vmem>>) target_semaphore(%dma_start3A_439 : memref<!tpu.dma_semaphore, #tpu.memory_space<semaphore_mem>>)
    %slice3A_445 = vector.extract_strided_slice %get3A_339 {offsets = [7], sizes = [1], strides = [1]} : vector<16xi32> to vector<1xi32>
    %squeeze3A_446 = vector.extract %slice3A_445[0] : i32 from vector<1xi32>
    %dma_start3A_447 = arith.constant 1 : i32
    %dma_start3A_448 = arith.constant 15 : i32
    %dma_start3A_449 = arith.constant 0 : i32
    %dma_start3A_450 = tpu.memref_slice %arg7[%dma_start3A_448, %dma_start3A_449] : memref<24x4096xf32, #tpu.memory_space<vmem>> -> memref<1x4096xf32, #tpu.memory_space<vmem>>
    %dma_start3A_451 = arith.constant 0 : i32
    %dma_start3A_452 = tpu.memref_slice %arg2[%squeeze3A_446, %dma_start3A_451] : memref<12288x4096xf32, #tpu.memory_space<hbm>> -> memref<1x4096xf32, #tpu.memory_space<hbm>>
    %dma_start3A_453 = tpu.memref_slice %arg8[%dma_start3A_447] : memref<3x!tpu.dma_semaphore, #tpu.memory_space<semaphore_mem>> -> memref<1x!tpu.dma_semaphore, #tpu.memory_space<semaphore_mem>>
    %dma_start3A_454 = tpu.memref_squeeze %dma_start3A_453 : memref<1x!tpu.dma_semaphore, #tpu.memory_space<semaphore_mem>> -> memref<!tpu.dma_semaphore, #tpu.memory_space<semaphore_mem>>
    %dma_start3A_455 = arith.constant 15 : i32
    %dma_start3A_456 = arith.constant 0 : i32
    %dma_start3A_457 = tpu.memref_slice %arg7[%dma_start3A_455, %dma_start3A_456] : memref<24x4096xf32, #tpu.memory_space<vmem>> -> memref<1x4096xf32, #tpu.memory_space<vmem>>
    %dma_start3A_458 = arith.constant 0 : i32
    %dma_start3A_459 = tpu.memref_slice %arg2[%squeeze3A_446, %dma_start3A_458] : memref<12288x4096xf32, #tpu.memory_space<hbm>> -> memref<1x4096xf32, #tpu.memory_space<hbm>>
    tpu.enqueue_dma source(%dma_start3A_459 : memref<1x4096xf32, #tpu.memory_space<hbm>>) target(%dma_start3A_457 : memref<1x4096xf32, #tpu.memory_space<vmem>>) target_semaphore(%dma_start3A_454 : memref<!tpu.dma_semaphore, #tpu.memory_space<semaphore_mem>>)
    %get3A_460 = arith.constant 16 : index
    %get3A_461 = tpu.vector_load %arg6[%get3A_460] {strides = array<i32>} : memref<400xi32, #tpu.memory_space<vmem>>, vector<16xi32>,
    %get3A_462 = vector.shape_cast %get3A_461 : vector<16xi32> to vector<16xi32>
    %slice3A_463 = vector.extract_strided_slice %get3A_462 {offsets = [0], sizes = [1], strides = [1]} : vector<16xi32> to vector<1xi32>
    %squeeze3A_464 = vector.extract %slice3A_463[0] : i32 from vector<1xi32>
    %dma_start3A_465 = arith.constant 2 : i32
    %dma_start3A_466 = arith.constant 16 : i32
    %dma_start3A_467 = arith.constant 0 : i32
    %dma_start3A_468 = tpu.memref_slice %arg7[%dma_start3A_466, %dma_start3A_467] : memref<24x4096xf32, #tpu.memory_space<vmem>> -> memref<1x4096xf32, #tpu.memory_space<vmem>>
    %dma_start3A_469 = arith.constant 0 : i32
    %dma_start3A_470 = tpu.memref_slice %arg2[%squeeze3A_464, %dma_start3A_469] : memref<12288x4096xf32, #tpu.memory_space<hbm>> -> memref<1x4096xf32, #tpu.memory_space<hbm>>
    %dma_start3A_471 = tpu.memref_slice %arg8[%dma_start3A_465] : memref<3x!tpu.dma_semaphore, #tpu.memory_space<semaphore_mem>> -> memref<1x!tpu.dma_semaphore, #tpu.memory_space<semaphore_mem>>
    %dma_start3A_472 = tpu.memref_squeeze %dma_start3A_471 : memref<1x!tpu.dma_semaphore, #tpu.memory_space<semaphore_mem>> -> memref<!tpu.dma_semaphore, #tpu.memory_space<semaphore_mem>>
    %dma_start3A_473 = arith.constant 16 : i32
    %dma_start3A_474 = arith.constant 0 : i32
    %dma_start3A_475 = tpu.memref_slice %arg7[%dma_start3A_473, %dma_start3A_474] : memref<24x4096xf32, #tpu.memory_space<vmem>> -> memref<1x4096xf32, #tpu.memory_space<vmem>>
    %dma_start3A_476 = arith.constant 0 : i32
    %dma_start3A_477 = tpu.memref_slice %arg2[%squeeze3A_464, %dma_start3A_476] : memref<12288x4096xf32, #tpu.memory_space<hbm>> -> memref<1x4096xf32, #tpu.memory_space<hbm>>
    tpu.enqueue_dma source(%dma_start3A_477 : memref<1x4096xf32, #tpu.memory_space<hbm>>) target(%dma_start3A_475 : memref<1x4096xf32, #tpu.memory_space<vmem>>) target_semaphore(%dma_start3A_472 : memref<!tpu.dma_semaphore, #tpu.memory_space<semaphore_mem>>)
    %slice3A_478 = vector.extract_strided_slice %get3A_462 {offsets = [1], sizes = [1], strides = [1]} : vector<16xi32> to vector<1xi32>
    %squeeze3A_479 = vector.extract %slice3A_478[0] : i32 from vector<1xi32>
    %dma_start3A_480 = arith.constant 2 : i32
    %dma_start3A_481 = arith.constant 17 : i32
    %dma_start3A_482 = arith.constant 0 : i32
    %dma_start3A_483 = tpu.memref_slice %arg7[%dma_start3A_481, %dma_start3A_482] : memref<24x4096xf32, #tpu.memory_space<vmem>> -> memref<1x4096xf32, #tpu.memory_space<vmem>>
    %dma_start3A_484 = arith.constant 0 : i32
    %dma_start3A_485 = tpu.memref_slice %arg2[%squeeze3A_479, %dma_start3A_484] : memref<12288x4096xf32, #tpu.memory_space<hbm>> -> memref<1x4096xf32, #tpu.memory_space<hbm>>
    %dma_start3A_486 = tpu.memref_slice %arg8[%dma_start3A_480] : memref<3x!tpu.dma_semaphore, #tpu.memory_space<semaphore_mem>> -> memref<1x!tpu.dma_semaphore, #tpu.memory_space<semaphore_mem>>
    %dma_start3A_487 = tpu.memref_squeeze %dma_start3A_486 : memref<1x!tpu.dma_semaphore, #tpu.memory_space<semaphore_mem>> -> memref<!tpu.dma_semaphore, #tpu.memory_space<semaphore_mem>>
    %dma_start3A_488 = arith.constant 17 : i32
    %dma_start3A_489 = arith.constant 0 : i32
    %dma_start3A_490 = tpu.memref_slice %arg7[%dma_start3A_488, %dma_start3A_489] : memref<24x4096xf32, #tpu.memory_space<vmem>> -> memref<1x4096xf32, #tpu.memory_space<vmem>>
    %dma_start3A_491 = arith.constant 0 : i32
    %dma_start3A_492 = tpu.memref_slice %arg2[%squeeze3A_479, %dma_start3A_491] : memref<12288x4096xf32, #tpu.memory_space<hbm>> -> memref<1x4096xf32, #tpu.memory_space<hbm>>
    tpu.enqueue_dma source(%dma_start3A_492 : memref<1x4096xf32, #tpu.memory_space<hbm>>) target(%dma_start3A_490 : memref<1x4096xf32, #tpu.memory_space<vmem>>) target_semaphore(%dma_start3A_487 : memref<!tpu.dma_semaphore, #tpu.memory_space<semaphore_mem>>)
    %slice3A_493 = vector.extract_strided_slice %get3A_462 {offsets = [2], sizes = [1], strides = [1]} : vector<16xi32> to vector<1xi32>
    %squeeze3A_494 = vector.extract %slice3A_493[0] : i32 from vector<1xi32>
    %dma_start3A_495 = arith.constant 2 : i32
    %dma_start3A_496 = arith.constant 18 : i32
    %dma_start3A_497 = arith.constant 0 : i32
    %dma_start3A_498 = tpu.memref_slice %arg7[%dma_start3A_496, %dma_start3A_497] : memref<24x4096xf32, #tpu.memory_space<vmem>> -> memref<1x4096xf32, #tpu.memory_space<vmem>>
    %dma_start3A_499 = arith.constant 0 : i32
    %dma_start3A_500 = tpu.memref_slice %arg2[%squeeze3A_494, %dma_start3A_499] : memref<12288x4096xf32, #tpu.memory_space<hbm>> -> memref<1x4096xf32, #tpu.memory_space<hbm>>
    %dma_start3A_501 = tpu.memref_slice %arg8[%dma_start3A_495] : memref<3x!tpu.dma_semaphore, #tpu.memory_space<semaphore_mem>> -> memref<1x!tpu.dma_semaphore, #tpu.memory_space<semaphore_mem>>
    %dma_start3A_502 = tpu.memref_squeeze %dma_start3A_501 : memref<1x!tpu.dma_semaphore, #tpu.memory_space<semaphore_mem>> -> memref<!tpu.dma_semaphore, #tpu.memory_space<semaphore_mem>>
    %dma_start3A_503 = arith.constant 18 : i32
    %dma_start3A_504 = arith.constant 0 : i32
    %dma_start3A_505 = tpu.memref_slice %arg7[%dma_start3A_503, %dma_start3A_504] : memref<24x4096xf32, #tpu.memory_space<vmem>> -> memref<1x4096xf32, #tpu.memory_space<vmem>>
    %dma_start3A_506 = arith.constant 0 : i32
    %dma_start3A_507 = tpu.memref_slice %arg2[%squeeze3A_494, %dma_start3A_506] : memref<12288x4096xf32, #tpu.memory_space<hbm>> -> memref<1x4096xf32, #tpu.memory_space<hbm>>
    tpu.enqueue_dma source(%dma_start3A_507 : memref<1x4096xf32, #tpu.memory_space<hbm>>) target(%dma_start3A_505 : memref<1x4096xf32, #tpu.memory_space<vmem>>) target_semaphore(%dma_start3A_502 : memref<!tpu.dma_semaphore, #tpu.memory_space<semaphore_mem>>)
    %slice3A_508 = vector.extract_strided_slice %get3A_462 {offsets = [3], sizes = [1], strides = [1]} : vector<16xi32> to vector<1xi32>
    %squeeze3A_509 = vector.extract %slice3A_508[0] : i32 from vector<1xi32>
    %dma_start3A_510 = arith.constant 2 : i32
    %dma_start3A_511 = arith.constant 19 : i32
    %dma_start3A_512 = arith.constant 0 : i32
    %dma_start3A_513 = tpu.memref_slice %arg7[%dma_start3A_511, %dma_start3A_512] : memref<24x4096xf32, #tpu.memory_space<vmem>> -> memref<1x4096xf32, #tpu.memory_space<vmem>>
    %dma_start3A_514 = arith.constant 0 : i32
    %dma_start3A_515 = tpu.memref_slice %arg2[%squeeze3A_509, %dma_start3A_514] : memref<12288x4096xf32, #tpu.memory_space<hbm>> -> memref<1x4096xf32, #tpu.memory_space<hbm>>
    %dma_start3A_516 = tpu.memref_slice %arg8[%dma_start3A_510] : memref<3x!tpu.dma_semaphore, #tpu.memory_space<semaphore_mem>> -> memref<1x!tpu.dma_semaphore, #tpu.memory_space<semaphore_mem>>
    %dma_start3A_517 = tpu.memref_squeeze %dma_start3A_516 : memref<1x!tpu.dma_semaphore, #tpu.memory_space<semaphore_mem>> -> memref<!tpu.dma_semaphore, #tpu.memory_space<semaphore_mem>>
    %dma_start3A_518 = arith.constant 19 : i32
    %dma_start3A_519 = arith.constant 0 : i32
    %dma_start3A_520 = tpu.memref_slice %arg7[%dma_start3A_518, %dma_start3A_519] : memref<24x4096xf32, #tpu.memory_space<vmem>> -> memref<1x4096xf32, #tpu.memory_space<vmem>>
    %dma_start3A_521 = arith.constant 0 : i32
    %dma_start3A_522 = tpu.memref_slice %arg2[%squeeze3A_509, %dma_start3A_521] : memref<12288x4096xf32, #tpu.memory_space<hbm>> -> memref<1x4096xf32, #tpu.memory_space<hbm>>
    tpu.enqueue_dma source(%dma_start3A_522 : memref<1x4096xf32, #tpu.memory_space<hbm>>) target(%dma_start3A_520 : memref<1x4096xf32, #tpu.memory_space<vmem>>) target_semaphore(%dma_start3A_517 : memref<!tpu.dma_semaphore, #tpu.memory_space<semaphore_mem>>)
    %slice3A_523 = vector.extract_strided_slice %get3A_462 {offsets = [4], sizes = [1], strides = [1]} : vector<16xi32> to vector<1xi32>
    %squeeze3A_524 = vector.extract %slice3A_523[0] : i32 from vector<1xi32>
    %dma_start3A_525 = arith.constant 2 : i32
    %dma_start3A_526 = arith.constant 20 : i32
    %dma_start3A_527 = arith.constant 0 : i32
    %dma_start3A_528 = tpu.memref_slice %arg7[%dma_start3A_526, %dma_start3A_527] : memref<24x4096xf32, #tpu.memory_space<vmem>> -> memref<1x4096xf32, #tpu.memory_space<vmem>>
    %dma_start3A_529 = arith.constant 0 : i32
    %dma_start3A_530 = tpu.memref_slice %arg2[%squeeze3A_524, %dma_start3A_529] : memref<12288x4096xf32, #tpu.memory_space<hbm>> -> memref<1x4096xf32, #tpu.memory_space<hbm>>
    %dma_start3A_531 = tpu.memref_slice %arg8[%dma_start3A_525] : memref<3x!tpu.dma_semaphore, #tpu.memory_space<semaphore_mem>> -> memref<1x!tpu.dma_semaphore, #tpu.memory_space<semaphore_mem>>
    %dma_start3A_532 = tpu.memref_squeeze %dma_start3A_531 : memref<1x!tpu.dma_semaphore, #tpu.memory_space<semaphore_mem>> -> memref<!tpu.dma_semaphore, #tpu.memory_space<semaphore_mem>>
    %dma_start3A_533 = arith.constant 20 : i32
    %dma_start3A_534 = arith.constant 0 : i32
    %dma_start3A_535 = tpu.memref_slice %arg7[%dma_start3A_533, %dma_start3A_534] : memref<24x4096xf32, #tpu.memory_space<vmem>> -> memref<1x4096xf32, #tpu.memory_space<vmem>>
    %dma_start3A_536 = arith.constant 0 : i32
    %dma_start3A_537 = tpu.memref_slice %arg2[%squeeze3A_524, %dma_start3A_536] : memref<12288x4096xf32, #tpu.memory_space<hbm>> -> memref<1x4096xf32, #tpu.memory_space<hbm>>
    tpu.enqueue_dma source(%dma_start3A_537 : memref<1x4096xf32, #tpu.memory_space<hbm>>) target(%dma_start3A_535 : memref<1x4096xf32, #tpu.memory_space<vmem>>) target_semaphore(%dma_start3A_532 : memref<!tpu.dma_semaphore, #tpu.memory_space<semaphore_mem>>)
    %slice3A_538 = vector.extract_strided_slice %get3A_462 {offsets = [5], sizes = [1], strides = [1]} : vector<16xi32> to vector<1xi32>
    %squeeze3A_539 = vector.extract %slice3A_538[0] : i32 from vector<1xi32>
    %dma_start3A_540 = arith.constant 2 : i32
    %dma_start3A_541 = arith.constant 21 : i32
    %dma_start3A_542 = arith.constant 0 : i32
    %dma_start3A_543 = tpu.memref_slice %arg7[%dma_start3A_541, %dma_start3A_542] : memref<24x4096xf32, #tpu.memory_space<vmem>> -> memref<1x4096xf32, #tpu.memory_space<vmem>>
    %dma_start3A_544 = arith.constant 0 : i32
    %dma_start3A_545 = tpu.memref_slice %arg2[%squeeze3A_539, %dma_start3A_544] : memref<12288x4096xf32, #tpu.memory_space<hbm>> -> memref<1x4096xf32, #tpu.memory_space<hbm>>
    %dma_start3A_546 = tpu.memref_slice %arg8[%dma_start3A_540] : memref<3x!tpu.dma_semaphore, #tpu.memory_space<semaphore_mem>> -> memref<1x!tpu.dma_semaphore, #tpu.memory_space<semaphore_mem>>
    %dma_start3A_547 = tpu.memref_squeeze %dma_start3A_546 : memref<1x!tpu.dma_semaphore, #tpu.memory_space<semaphore_mem>> -> memref<!tpu.dma_semaphore, #tpu.memory_space<semaphore_mem>>
    %dma_start3A_548 = arith.constant 21 : i32
    %dma_start3A_549 = arith.constant 0 : i32
    %dma_start3A_550 = tpu.memref_slice %arg7[%dma_start3A_548, %dma_start3A_549] : memref<24x4096xf32, #tpu.memory_space<vmem>> -> memref<1x4096xf32, #tpu.memory_space<vmem>>
    %dma_start3A_551 = arith.constant 0 : i32
    %dma_start3A_552 = tpu.memref_slice %arg2[%squeeze3A_539, %dma_start3A_551] : memref<12288x4096xf32, #tpu.memory_space<hbm>> -> memref<1x4096xf32, #tpu.memory_space<hbm>>
    tpu.enqueue_dma source(%dma_start3A_552 : memref<1x4096xf32, #tpu.memory_space<hbm>>) target(%dma_start3A_550 : memref<1x4096xf32, #tpu.memory_space<vmem>>) target_semaphore(%dma_start3A_547 : memref<!tpu.dma_semaphore, #tpu.memory_space<semaphore_mem>>)
    %slice3A_553 = vector.extract_strided_slice %get3A_462 {offsets = [6], sizes = [1], strides = [1]} : vector<16xi32> to vector<1xi32>
    %squeeze3A_554 = vector.extract %slice3A_553[0] : i32 from vector<1xi32>
    %dma_start3A_555 = arith.constant 2 : i32
    %dma_start3A_556 = arith.constant 22 : i32
    %dma_start3A_557 = arith.constant 0 : i32
    %dma_start3A_558 = tpu.memref_slice %arg7[%dma_start3A_556, %dma_start3A_557] : memref<24x4096xf32, #tpu.memory_space<vmem>> -> memref<1x4096xf32, #tpu.memory_space<vmem>>
    %dma_start3A_559 = arith.constant 0 : i32
    %dma_start3A_560 = tpu.memref_slice %arg2[%squeeze3A_554, %dma_start3A_559] : memref<12288x4096xf32, #tpu.memory_space<hbm>> -> memref<1x4096xf32, #tpu.memory_space<hbm>>
    %dma_start3A_561 = tpu.memref_slice %arg8[%dma_start3A_555] : memref<3x!tpu.dma_semaphore, #tpu.memory_space<semaphore_mem>> -> memref<1x!tpu.dma_semaphore, #tpu.memory_space<semaphore_mem>>
    %dma_start3A_562 = tpu.memref_squeeze %dma_start3A_561 : memref<1x!tpu.dma_semaphore, #tpu.memory_space<semaphore_mem>> -> memref<!tpu.dma_semaphore, #tpu.memory_space<semaphore_mem>>
    %dma_start3A_563 = arith.constant 22 : i32
    %dma_start3A_564 = arith.constant 0 : i32
    %dma_start3A_565 = tpu.memref_slice %arg7[%dma_start3A_563, %dma_start3A_564] : memref<24x4096xf32, #tpu.memory_space<vmem>> -> memref<1x4096xf32, #tpu.memory_space<vmem>>
    %dma_start3A_566 = arith.constant 0 : i32
    %dma_start3A_567 = tpu.memref_slice %arg2[%squeeze3A_554, %dma_start3A_566] : memref<12288x4096xf32, #tpu.memory_space<hbm>> -> memref<1x4096xf32, #tpu.memory_space<hbm>>
    tpu.enqueue_dma source(%dma_start3A_567 : memref<1x4096xf32, #tpu.memory_space<hbm>>) target(%dma_start3A_565 : memref<1x4096xf32, #tpu.memory_space<vmem>>) target_semaphore(%dma_start3A_562 : memref<!tpu.dma_semaphore, #tpu.memory_space<semaphore_mem>>)
    %slice3A_568 = vector.extract_strided_slice %get3A_462 {offsets = [7], sizes = [1], strides = [1]} : vector<16xi32> to vector<1xi32>
    %squeeze3A_569 = vector.extract %slice3A_568[0] : i32 from vector<1xi32>
    %dma_start3A_570 = arith.constant 2 : i32
    %dma_start3A_571 = arith.constant 23 : i32
    %dma_start3A_572 = arith.constant 0 : i32
    %dma_start3A_573 = tpu.memref_slice %arg7[%dma_start3A_571, %dma_start3A_572] : memref<24x4096xf32, #tpu.memory_space<vmem>> -> memref<1x4096xf32, #tpu.memory_space<vmem>>
    %dma_start3A_574 = arith.constant 0 : i32
    %dma_start3A_575 = tpu.memref_slice %arg2[%squeeze3A_569, %dma_start3A_574] : memref<12288x4096xf32, #tpu.memory_space<hbm>> -> memref<1x4096xf32, #tpu.memory_space<hbm>>
    %dma_start3A_576 = tpu.memref_slice %arg8[%dma_start3A_570] : memref<3x!tpu.dma_semaphore, #tpu.memory_space<semaphore_mem>> -> memref<1x!tpu.dma_semaphore, #tpu.memory_space<semaphore_mem>>
    %dma_start3A_577 = tpu.memref_squeeze %dma_start3A_576 : memref<1x!tpu.dma_semaphore, #tpu.memory_space<semaphore_mem>> -> memref<!tpu.dma_semaphore, #tpu.memory_space<semaphore_mem>>
    %dma_start3A_578 = arith.constant 23 : i32
    %dma_start3A_579 = arith.constant 0 : i32
    %dma_start3A_580 = tpu.memref_slice %arg7[%dma_start3A_578, %dma_start3A_579] : memref<24x4096xf32, #tpu.memory_space<vmem>> -> memref<1x4096xf32, #tpu.memory_space<vmem>>
    %dma_start3A_581 = arith.constant 0 : i32
    %dma_start3A_582 = tpu.memref_slice %arg2[%squeeze3A_569, %dma_start3A_581] : memref<12288x4096xf32, #tpu.memory_space<hbm>> -> memref<1x4096xf32, #tpu.memory_space<hbm>>
    tpu.enqueue_dma source(%dma_start3A_582 : memref<1x4096xf32, #tpu.memory_space<hbm>>) target(%dma_start3A_580 : memref<1x4096xf32, #tpu.memory_space<vmem>>) target_semaphore(%dma_start3A_577 : memref<!tpu.dma_semaphore, #tpu.memory_space<semaphore_mem>>)
    %dma_wait3A = arith.constant 0 : i32
    %dma_wait3A_583 = arith.constant 0 : i32
    %dma_wait3A_584 = arith.constant 0 : i32
    %dma_wait3A_585 = tpu.memref_slice %arg7[%dma_wait3A_583, %dma_wait3A_584] : memref<24x4096xf32, #tpu.memory_space<vmem>> -> memref<8x4096xf32, #tpu.memory_space<vmem>>
    %dma_wait3A_586 = arith.constant 0 : i32
    %dma_wait3A_587 = arith.constant 0 : i32
    %dma_wait3A_588 = tpu.memref_slice %arg2[%dma_wait3A_586, %dma_wait3A_587] : memref<12288x4096xf32, #tpu.memory_space<hbm>> -> memref<8x4096xf32, #tpu.memory_space<hbm>>
    %dma_wait3A_589 = tpu.memref_slice %arg8[%dma_wait3A] : memref<3x!tpu.dma_semaphore, #tpu.memory_space<semaphore_mem>> -> memref<1x!tpu.dma_semaphore, #tpu.memory_space<semaphore_mem>>
    %dma_wait3A_590 = tpu.memref_squeeze %dma_wait3A_589 : memref<1x!tpu.dma_semaphore, #tpu.memory_space<semaphore_mem>> -> memref<!tpu.dma_semaphore, #tpu.memory_space<semaphore_mem>>
    %dma_wait3A_591 = arith.constant 0 : i32
    %dma_wait3A_592 = arith.constant 0 : i32
    %dma_wait3A_593 = tpu.memref_slice %arg7[%dma_wait3A_591, %dma_wait3A_592] : memref<24x4096xf32, #tpu.memory_space<vmem>> -> memref<8x4096xf32, #tpu.memory_space<vmem>>
    %dma_wait3A_594 = arith.constant 0 : i32
    %dma_wait3A_595 = arith.constant 0 : i32
    %dma_wait3A_596 = tpu.memref_slice %arg2[%dma_wait3A_594, %dma_wait3A_595] : memref<12288x4096xf32, #tpu.memory_space<hbm>> -> memref<8x4096xf32, #tpu.memory_space<hbm>>
    tpu.wait_dma2 semaphore(%dma_wait3A_590 : memref<!tpu.dma_semaphore, #tpu.memory_space<semaphore_mem>>) src(%dma_wait3A_596 : memref<8x4096xf32, #tpu.memory_space<hbm>>) dst(%dma_wait3A_593 : memref<8x4096xf32, #tpu.memory_space<vmem>>)
    %add3A_597 = arith.constant 0 : i32
    %add3A_598 = arith.addi %mul3A_2, %add3A_597 : i32
    %dma_start3A_599 = arith.constant 0 : i32
    %dma_start3A_600 = arith.constant 0 : i32
    %dma_start3A_601 = arith.constant 0 : i32
    %dma_start3A_602 = tpu.memref_slice %arg7[%dma_start3A_600, %dma_start3A_601] : memref<24x4096xf32, #tpu.memory_space<vmem>> -> memref<8x4096xf32, #tpu.memory_space<vmem>>
    %dma_start3A_603 = arith.constant 0 : i32
    %dma_start3A_604 = tpu.memref_slice %arg4[%add3A_598, %dma_start3A_603] : memref<12288x4096xf32, #tpu.memory_space<hbm>> -> memref<8x4096xf32, #tpu.memory_space<hbm>>
    %dma_start3A_605 = tpu.memref_slice %arg9[%dma_start3A_599] : memref<3x!tpu.dma_semaphore, #tpu.memory_space<semaphore_mem>> -> memref<1x!tpu.dma_semaphore, #tpu.memory_space<semaphore_mem>>
    %dma_start3A_606 = tpu.memref_squeeze %dma_start3A_605 : memref<1x!tpu.dma_semaphore, #tpu.memory_space<semaphore_mem>> -> memref<!tpu.dma_semaphore, #tpu.memory_space<semaphore_mem>>
    %dma_start3A_607 = arith.constant 0 : i32
    %dma_start3A_608 = tpu.memref_slice %arg4[%add3A_598, %dma_start3A_607] : memref<12288x4096xf32, #tpu.memory_space<hbm>> -> memref<8x4096xf32, #tpu.memory_space<hbm>>
    %dma_start3A_609 = arith.constant 0 : i32
    %dma_start3A_610 = arith.constant 0 : i32
    %dma_start3A_611 = tpu.memref_slice %arg7[%dma_start3A_609, %dma_start3A_610] : memref<24x4096xf32, #tpu.memory_space<vmem>> -> memref<8x4096xf32, #tpu.memory_space<vmem>>
    tpu.enqueue_dma source(%dma_start3A_611 : memref<8x4096xf32, #tpu.memory_space<vmem>>) target(%dma_start3A_608 : memref<8x4096xf32, #tpu.memory_space<hbm>>) target_semaphore(%dma_start3A_606 : memref<!tpu.dma_semaphore, #tpu.memory_space<semaphore_mem>>)
    %dma_wait3A_612 = arith.constant 0 : i32
    %dma_wait3A_613 = arith.constant 0 : i32
    %dma_wait3A_614 = arith.constant 0 : i32
    %dma_wait3A_615 = tpu.memref_slice %arg7[%dma_wait3A_613, %dma_wait3A_614] : memref<24x4096xf32, #tpu.memory_space<vmem>> -> memref<8x4096xf32, #tpu.memory_space<vmem>>
    %dma_wait3A_616 = arith.constant 0 : i32
    %dma_wait3A_617 = arith.constant 0 : i32
    %dma_wait3A_618 = tpu.memref_slice %arg4[%dma_wait3A_616, %dma_wait3A_617] : memref<12288x4096xf32, #tpu.memory_space<hbm>> -> memref<8x4096xf32, #tpu.memory_space<hbm>>
    %dma_wait3A_619 = tpu.memref_slice %arg9[%dma_wait3A_612] : memref<3x!tpu.dma_semaphore, #tpu.memory_space<semaphore_mem>> -> memref<1x!tpu.dma_semaphore, #tpu.memory_space<semaphore_mem>>
    %dma_wait3A_620 = tpu.memref_squeeze %dma_wait3A_619 : memref<1x!tpu.dma_semaphore, #tpu.memory_space<semaphore_mem>> -> memref<!tpu.dma_semaphore, #tpu.memory_space<semaphore_mem>>
    %dma_wait3A_621 = arith.constant 0 : i32
    %dma_wait3A_622 = arith.constant 0 : i32
    %dma_wait3A_623 = tpu.memref_slice %arg4[%dma_wait3A_621, %dma_wait3A_622] : memref<12288x4096xf32, #tpu.memory_space<hbm>> -> memref<8x4096xf32, #tpu.memory_space<hbm>>
    %dma_wait3A_624 = arith.constant 0 : i32
    %dma_wait3A_625 = arith.constant 0 : i32
    %dma_wait3A_626 = tpu.memref_slice %arg7[%dma_wait3A_624, %dma_wait3A_625] : memref<24x4096xf32, #tpu.memory_space<vmem>> -> memref<8x4096xf32, #tpu.memory_space<vmem>>
    tpu.wait_dma2 semaphore(%dma_wait3A_620 : memref<!tpu.dma_semaphore, #tpu.memory_space<semaphore_mem>>) src(%dma_wait3A_626 : memref<8x4096xf32, #tpu.memory_space<vmem>>) dst(%dma_wait3A_623 : memref<8x4096xf32, #tpu.memory_space<hbm>>)
    %get3A_627 = arith.constant 24 : index
    %get3A_628 = tpu.vector_load %arg6[%get3A_627] {strides = array<i32>} : memref<400xi32, #tpu.memory_space<vmem>>, vector<16xi32>,
    %get3A_629 = vector.shape_cast %get3A_628 : vector<16xi32> to vector<16xi32>
    %slice3A_630 = vector.extract_strided_slice %get3A_629 {offsets = [0], sizes = [1], strides = [1]} : vector<16xi32> to vector<1xi32>
    %squeeze3A_631 = vector.extract %slice3A_630[0] : i32 from vector<1xi32>
    %dma_start3A_632 = arith.constant 0 : i32
    %dma_start3A_633 = arith.constant 0 : i32
    %dma_start3A_634 = arith.constant 0 : i32
    %dma_start3A_635 = tpu.memref_slice %arg7[%dma_start3A_633, %dma_start3A_634] : memref<24x4096xf32, #tpu.memory_space<vmem>> -> memref<1x4096xf32, #tpu.memory_space<vmem>>
    %dma_start3A_636 = arith.constant 0 : i32
    %dma_start3A_637 = tpu.memref_slice %arg2[%squeeze3A_631, %dma_start3A_636] : memref<12288x4096xf32, #tpu.memory_space<hbm>> -> memref<1x4096xf32, #tpu.memory_space<hbm>>
    %dma_start3A_638 = tpu.memref_slice %arg8[%dma_start3A_632] : memref<3x!tpu.dma_semaphore, #tpu.memory_space<semaphore_mem>> -> memref<1x!tpu.dma_semaphore, #tpu.memory_space<semaphore_mem>>
    %dma_start3A_639 = tpu.memref_squeeze %dma_start3A_638 : memref<1x!tpu.dma_semaphore, #tpu.memory_space<semaphore_mem>> -> memref<!tpu.dma_semaphore, #tpu.memory_space<semaphore_mem>>
    %dma_start3A_640 = arith.constant 0 : i32
    %dma_start3A_641 = arith.constant 0 : i32
    %dma_start3A_642 = tpu.memref_slice %arg7[%dma_start3A_640, %dma_start3A_641] : memref<24x4096xf32, #tpu.memory_space<vmem>> -> memref<1x4096xf32, #tpu.memory_space<vmem>>
    %dma_start3A_643 = arith.constant 0 : i32
    %dma_start3A_644 = tpu.memref_slice %arg2[%squeeze3A_631, %dma_start3A_643] : memref<12288x4096xf32, #tpu.memory_space<hbm>> -> memref<1x4096xf32, #tpu.memory_space<hbm>>
    tpu.enqueue_dma source(%dma_start3A_644 : memref<1x4096xf32, #tpu.memory_space<hbm>>) target(%dma_start3A_642 : memref<1x4096xf32, #tpu.memory_space<vmem>>) target_semaphore(%dma_start3A_639 : memref<!tpu.dma_semaphore, #tpu.memory_space<semaphore_mem>>)
    %slice3A_645 = vector.extract_strided_slice %get3A_629 {offsets = [1], sizes = [1], strides = [1]} : vector<16xi32> to vector<1xi32>
    %squeeze3A_646 = vector.extract %slice3A_645[0] : i32 from vector<1xi32>
    %dma_start3A_647 = arith.constant 0 : i32
    %dma_start3A_648 = arith.constant 1 : i32
    %dma_start3A_649 = arith.constant 0 : i32
    %dma_start3A_650 = tpu.memref_slice %arg7[%dma_start3A_648, %dma_start3A_649] : memref<24x4096xf32, #tpu.memory_space<vmem>> -> memref<1x4096xf32, #tpu.memory_space<vmem>>
    %dma_start3A_651 = arith.constant 0 : i32
    %dma_start3A_652 = tpu.memref_slice %arg2[%squeeze3A_646, %dma_start3A_651] : memref<12288x4096xf32, #tpu.memory_space<hbm>> -> memref<1x4096xf32, #tpu.memory_space<hbm>>
    %dma_start3A_653 = tpu.memref_slice %arg8[%dma_start3A_647] : memref<3x!tpu.dma_semaphore, #tpu.memory_space<semaphore_mem>> -> memref<1x!tpu.dma_semaphore, #tpu.memory_space<semaphore_mem>>
    %dma_start3A_654 = tpu.memref_squeeze %dma_start3A_653 : memref<1x!tpu.dma_semaphore, #tpu.memory_space<semaphore_mem>> -> memref<!tpu.dma_semaphore, #tpu.memory_space<semaphore_mem>>
    %dma_start3A_655 = arith.constant 1 : i32
    %dma_start3A_656 = arith.constant 0 : i32
    %dma_start3A_657 = tpu.memref_slice %arg7[%dma_start3A_655, %dma_start3A_656] : memref<24x4096xf32, #tpu.memory_space<vmem>> -> memref<1x4096xf32, #tpu.memory_space<vmem>>
    %dma_start3A_658 = arith.constant 0 : i32
    %dma_start3A_659 = tpu.memref_slice %arg2[%squeeze3A_646, %dma_start3A_658] : memref<12288x4096xf32, #tpu.memory_space<hbm>> -> memref<1x4096xf32, #tpu.memory_space<hbm>>
    tpu.enqueue_dma source(%dma_start3A_659 : memref<1x4096xf32, #tpu.memory_space<hbm>>) target(%dma_start3A_657 : memref<1x4096xf32, #tpu.memory_space<vmem>>) target_semaphore(%dma_start3A_654 : memref<!tpu.dma_semaphore, #tpu.memory_space<semaphore_mem>>)
    %slice3A_660 = vector.extract_strided_slice %get3A_629 {offsets = [2], sizes = [1], strides = [1]} : vector<16xi32> to vector<1xi32>
    %squeeze3A_661 = vector.extract %slice3A_660[0] : i32 from vector<1xi32>
    %dma_start3A_662 = arith.constant 0 : i32
    %dma_start3A_663 = arith.constant 2 : i32
    %dma_start3A_664 = arith.constant 0 : i32
    %dma_start3A_665 = tpu.memref_slice %arg7[%dma_start3A_663, %dma_start3A_664] : memref<24x4096xf32, #tpu.memory_space<vmem>> -> memref<1x4096xf32, #tpu.memory_space<vmem>>
    %dma_start3A_666 = arith.constant 0 : i32
    %dma_start3A_667 = tpu.memref_slice %arg2[%squeeze3A_661, %dma_start3A_666] : memref<12288x4096xf32, #tpu.memory_space<hbm>> -> memref<1x4096xf32, #tpu.memory_space<hbm>>
    %dma_start3A_668 = tpu.memref_slice %arg8[%dma_start3A_662] : memref<3x!tpu.dma_semaphore, #tpu.memory_space<semaphore_mem>> -> memref<1x!tpu.dma_semaphore, #tpu.memory_space<semaphore_mem>>
    %dma_start3A_669 = tpu.memref_squeeze %dma_start3A_668 : memref<1x!tpu.dma_semaphore, #tpu.memory_space<semaphore_mem>> -> memref<!tpu.dma_semaphore, #tpu.memory_space<semaphore_mem>>
    %dma_start3A_670 = arith.constant 2 : i32
    %dma_start3A_671 = arith.constant 0 : i32
    %dma_start3A_672 = tpu.memref_slice %arg7[%dma_start3A_670, %dma_start3A_671] : memref<24x4096xf32, #tpu.memory_space<vmem>> -> memref<1x4096xf32, #tpu.memory_space<vmem>>
    %dma_start3A_673 = arith.constant 0 : i32
    %dma_start3A_674 = tpu.memref_slice %arg2[%squeeze3A_661, %dma_start3A_673] : memref<12288x4096xf32, #tpu.memory_space<hbm>> -> memref<1x4096xf32, #tpu.memory_space<hbm>>
    tpu.enqueue_dma source(%dma_start3A_674 : memref<1x4096xf32, #tpu.memory_space<hbm>>) target(%dma_start3A_672 : memref<1x4096xf32, #tpu.memory_space<vmem>>) target_semaphore(%dma_start3A_669 : memref<!tpu.dma_semaphore, #tpu.memory_space<semaphore_mem>>)
    %slice3A_675 = vector.extract_strided_slice %get3A_629 {offsets = [3], sizes = [1], strides = [1]} : vector<16xi32> to vector<1xi32>
    %squeeze3A_676 = vector.extract %slice3A_675[0] : i32 from vector<1xi32>
    %dma_start3A_677 = arith.constant 0 : i32
    %dma_start3A_678 = arith.constant 3 : i32
    %dma_start3A_679 = arith.constant 0 : i32
    %dma_start3A_680 = tpu.memref_slice %arg7[%dma_start3A_678, %dma_start3A_679] : memref<24x4096xf32, #tpu.memory_space<vmem>> -> memref<1x4096xf32, #tpu.memory_space<vmem>>
    %dma_start3A_681 = arith.constant 0 : i32
    %dma_start3A_682 = tpu.memref_slice %arg2[%squeeze3A_676, %dma_start3A_681] : memref<12288x4096xf32, #tpu.memory_space<hbm>> -> memref<1x4096xf32, #tpu.memory_space<hbm>>
    %dma_start3A_683 = tpu.memref_slice %arg8[%dma_start3A_677] : memref<3x!tpu.dma_semaphore, #tpu.memory_space<semaphore_mem>> -> memref<1x!tpu.dma_semaphore, #tpu.memory_space<semaphore_mem>>
    %dma_start3A_684 = tpu.memref_squeeze %dma_start3A_683 : memref<1x!tpu.dma_semaphore, #tpu.memory_space<semaphore_mem>> -> memref<!tpu.dma_semaphore, #tpu.memory_space<semaphore_mem>>
    %dma_start3A_685 = arith.constant 3 : i32
    %dma_start3A_686 = arith.constant 0 : i32
    %dma_start3A_687 = tpu.memref_slice %arg7[%dma_start3A_685, %dma_start3A_686] : memref<24x4096xf32, #tpu.memory_space<vmem>> -> memref<1x4096xf32, #tpu.memory_space<vmem>>
    %dma_start3A_688 = arith.constant 0 : i32
    %dma_start3A_689 = tpu.memref_slice %arg2[%squeeze3A_676, %dma_start3A_688] : memref<12288x4096xf32, #tpu.memory_space<hbm>> -> memref<1x4096xf32, #tpu.memory_space<hbm>>
    tpu.enqueue_dma source(%dma_start3A_689 : memref<1x4096xf32, #tpu.memory_space<hbm>>) target(%dma_start3A_687 : memref<1x4096xf32, #tpu.memory_space<vmem>>) target_semaphore(%dma_start3A_684 : memref<!tpu.dma_semaphore, #tpu.memory_space<semaphore_mem>>)
    %slice3A_690 = vector.extract_strided_slice %get3A_629 {offsets = [4], sizes = [1], strides = [1]} : vector<16xi32> to vector<1xi32>
    %squeeze3A_691 = vector.extract %slice3A_690[0] : i32 from vector<1xi32>
    %dma_start3A_692 = arith.constant 0 : i32
    %dma_start3A_693 = arith.constant 4 : i32
    %dma_start3A_694 = arith.constant 0 : i32
    %dma_start3A_695 = tpu.memref_slice %arg7[%dma_start3A_693, %dma_start3A_694] : memref<24x4096xf32, #tpu.memory_space<vmem>> -> memref<1x4096xf32, #tpu.memory_space<vmem>>
    %dma_start3A_696 = arith.constant 0 : i32
    %dma_start3A_697 = tpu.memref_slice %arg2[%squeeze3A_691, %dma_start3A_696] : memref<12288x4096xf32, #tpu.memory_space<hbm>> -> memref<1x4096xf32, #tpu.memory_space<hbm>>
    %dma_start3A_698 = tpu.memref_slice %arg8[%dma_start3A_692] : memref<3x!tpu.dma_semaphore, #tpu.memory_space<semaphore_mem>> -> memref<1x!tpu.dma_semaphore, #tpu.memory_space<semaphore_mem>>
    %dma_start3A_699 = tpu.memref_squeeze %dma_start3A_698 : memref<1x!tpu.dma_semaphore, #tpu.memory_space<semaphore_mem>> -> memref<!tpu.dma_semaphore, #tpu.memory_space<semaphore_mem>>
    %dma_start3A_700 = arith.constant 4 : i32
    %dma_start3A_701 = arith.constant 0 : i32
    %dma_start3A_702 = tpu.memref_slice %arg7[%dma_start3A_700, %dma_start3A_701] : memref<24x4096xf32, #tpu.memory_space<vmem>> -> memref<1x4096xf32, #tpu.memory_space<vmem>>
    %dma_start3A_703 = arith.constant 0 : i32
    %dma_start3A_704 = tpu.memref_slice %arg2[%squeeze3A_691, %dma_start3A_703] : memref<12288x4096xf32, #tpu.memory_space<hbm>> -> memref<1x4096xf32, #tpu.memory_space<hbm>>
    tpu.enqueue_dma source(%dma_start3A_704 : memref<1x4096xf32, #tpu.memory_space<hbm>>) target(%dma_start3A_702 : memref<1x4096xf32, #tpu.memory_space<vmem>>) target_semaphore(%dma_start3A_699 : memref<!tpu.dma_semaphore, #tpu.memory_space<semaphore_mem>>)
    %slice3A_705 = vector.extract_strided_slice %get3A_629 {offsets = [5], sizes = [1], strides = [1]} : vector<16xi32> to vector<1xi32>
    %squeeze3A_706 = vector.extract %slice3A_705[0] : i32 from vector<1xi32>
    %dma_start3A_707 = arith.constant 0 : i32
    %dma_start3A_708 = arith.constant 5 : i32
    %dma_start3A_709 = arith.constant 0 : i32
    %dma_start3A_710 = tpu.memref_slice %arg7[%dma_start3A_708, %dma_start3A_709] : memref<24x4096xf32, #tpu.memory_space<vmem>> -> memref<1x4096xf32, #tpu.memory_space<vmem>>
    %dma_start3A_711 = arith.constant 0 : i32
    %dma_start3A_712 = tpu.memref_slice %arg2[%squeeze3A_706, %dma_start3A_711] : memref<12288x4096xf32, #tpu.memory_space<hbm>> -> memref<1x4096xf32, #tpu.memory_space<hbm>>
    %dma_start3A_713 = tpu.memref_slice %arg8[%dma_start3A_707] : memref<3x!tpu.dma_semaphore, #tpu.memory_space<semaphore_mem>> -> memref<1x!tpu.dma_semaphore, #tpu.memory_space<semaphore_mem>>
    %dma_start3A_714 = tpu.memref_squeeze %dma_start3A_713 : memref<1x!tpu.dma_semaphore, #tpu.memory_space<semaphore_mem>> -> memref<!tpu.dma_semaphore, #tpu.memory_space<semaphore_mem>>
    %dma_start3A_715 = arith.constant 5 : i32
    %dma_start3A_716 = arith.constant 0 : i32
    %dma_start3A_717 = tpu.memref_slice %arg7[%dma_start3A_715, %dma_start3A_716] : memref<24x4096xf32, #tpu.memory_space<vmem>> -> memref<1x4096xf32, #tpu.memory_space<vmem>>
    %dma_start3A_718 = arith.constant 0 : i32
    %dma_start3A_719 = tpu.memref_slice %arg2[%squeeze3A_706, %dma_start3A_718] : memref<12288x4096xf32, #tpu.memory_space<hbm>> -> memref<1x4096xf32, #tpu.memory_space<hbm>>
    tpu.enqueue_dma source(%dma_start3A_719 : memref<1x4096xf32, #tpu.memory_space<hbm>>) target(%dma_start3A_717 : memref<1x4096xf32, #tpu.memory_space<vmem>>) target_semaphore(%dma_start3A_714 : memref<!tpu.dma_semaphore, #tpu.memory_space<semaphore_mem>>)
    %slice3A_720 = vector.extract_strided_slice %get3A_629 {offsets = [6], sizes = [1], strides = [1]} : vector<16xi32> to vector<1xi32>
    %squeeze3A_721 = vector.extract %slice3A_720[0] : i32 from vector<1xi32>
    %dma_start3A_722 = arith.constant 0 : i32
    %dma_start3A_723 = arith.constant 6 : i32
    %dma_start3A_724 = arith.constant 0 : i32
    %dma_start3A_725 = tpu.memref_slice %arg7[%dma_start3A_723, %dma_start3A_724] : memref<24x4096xf32, #tpu.memory_space<vmem>> -> memref<1x4096xf32, #tpu.memory_space<vmem>>
    %dma_start3A_726 = arith.constant 0 : i32
    %dma_start3A_727 = tpu.memref_slice %arg2[%squeeze3A_721, %dma_start3A_726] : memref<12288x4096xf32, #tpu.memory_space<hbm>> -> memref<1x4096xf32, #tpu.memory_space<hbm>>
    %dma_start3A_728 = tpu.memref_slice %arg8[%dma_start3A_722] : memref<3x!tpu.dma_semaphore, #tpu.memory_space<semaphore_mem>> -> memref<1x!tpu.dma_semaphore, #tpu.memory_space<semaphore_mem>>
    %dma_start3A_729 = tpu.memref_squeeze %dma_start3A_728 : memref<1x!tpu.dma_semaphore, #tpu.memory_space<semaphore_mem>> -> memref<!tpu.dma_semaphore, #tpu.memory_space<semaphore_mem>>
    %dma_start3A_730 = arith.constant 6 : i32
    %dma_start3A_731 = arith.constant 0 : i32
    %dma_start3A_732 = tpu.memref_slice %arg7[%dma_start3A_730, %dma_start3A_731] : memref<24x4096xf32, #tpu.memory_space<vmem>> -> memref<1x4096xf32, #tpu.memory_space<vmem>>
    %dma_start3A_733 = arith.constant 0 : i32
    %dma_start3A_734 = tpu.memref_slice %arg2[%squeeze3A_721, %dma_start3A_733] : memref<12288x4096xf32, #tpu.memory_space<hbm>> -> memref<1x4096xf32, #tpu.memory_space<hbm>>
    tpu.enqueue_dma source(%dma_start3A_734 : memref<1x4096xf32, #tpu.memory_space<hbm>>) target(%dma_start3A_732 : memref<1x4096xf32, #tpu.memory_space<vmem>>) target_semaphore(%dma_start3A_729 : memref<!tpu.dma_semaphore, #tpu.memory_space<semaphore_mem>>)
    %slice3A_735 = vector.extract_strided_slice %get3A_629 {offsets = [7], sizes = [1], strides = [1]} : vector<16xi32> to vector<1xi32>
    %squeeze3A_736 = vector.extract %slice3A_735[0] : i32 from vector<1xi32>
    %dma_start3A_737 = arith.constant 0 : i32
    %dma_start3A_738 = arith.constant 7 : i32
    %dma_start3A_739 = arith.constant 0 : i32
    %dma_start3A_740 = tpu.memref_slice %arg7[%dma_start3A_738, %dma_start3A_739] : memref<24x4096xf32, #tpu.memory_space<vmem>> -> memref<1x4096xf32, #tpu.memory_space<vmem>>
    %dma_start3A_741 = arith.constant 0 : i32
    %dma_start3A_742 = tpu.memref_slice %arg2[%squeeze3A_736, %dma_start3A_741] : memref<12288x4096xf32, #tpu.memory_space<hbm>> -> memref<1x4096xf32, #tpu.memory_space<hbm>>
    %dma_start3A_743 = tpu.memref_slice %arg8[%dma_start3A_737] : memref<3x!tpu.dma_semaphore, #tpu.memory_space<semaphore_mem>> -> memref<1x!tpu.dma_semaphore, #tpu.memory_space<semaphore_mem>>
    %dma_start3A_744 = tpu.memref_squeeze %dma_start3A_743 : memref<1x!tpu.dma_semaphore, #tpu.memory_space<semaphore_mem>> -> memref<!tpu.dma_semaphore, #tpu.memory_space<semaphore_mem>>
    %dma_start3A_745 = arith.constant 7 : i32
    %dma_start3A_746 = arith.constant 0 : i32
    %dma_start3A_747 = tpu.memref_slice %arg7[%dma_start3A_745, %dma_start3A_746] : memref<24x4096xf32, #tpu.memory_space<vmem>> -> memref<1x4096xf32, #tpu.memory_space<vmem>>
    %dma_start3A_748 = arith.constant 0 : i32
    %dma_start3A_749 = tpu.memref_slice %arg2[%squeeze3A_736, %dma_start3A_748] : memref<12288x4096xf32, #tpu.memory_space<hbm>> -> memref<1x4096xf32, #tpu.memory_space<hbm>>
    tpu.enqueue_dma source(%dma_start3A_749 : memref<1x4096xf32, #tpu.memory_space<hbm>>) target(%dma_start3A_747 : memref<1x4096xf32, #tpu.memory_space<vmem>>) target_semaphore(%dma_start3A_744 : memref<!tpu.dma_semaphore, #tpu.memory_space<semaphore_mem>>)
    %dma_wait3A_750 = arith.constant 1 : i32
    %dma_wait3A_751 = arith.constant 8 : i32
    %dma_wait3A_752 = arith.constant 0 : i32
    %dma_wait3A_753 = tpu.memref_slice %arg7[%dma_wait3A_751, %dma_wait3A_752] : memref<24x4096xf32, #tpu.memory_space<vmem>> -> memref<8x4096xf32, #tpu.memory_space<vmem>>
    %dma_wait3A_754 = arith.constant 0 : i32
    %dma_wait3A_755 = arith.constant 0 : i32
    %dma_wait3A_756 = tpu.memref_slice %arg2[%dma_wait3A_754, %dma_wait3A_755] : memref<12288x4096xf32, #tpu.memory_space<hbm>> -> memref<8x4096xf32, #tpu.memory_space<hbm>>
    %dma_wait3A_757 = tpu.memref_slice %arg8[%dma_wait3A_750] : memref<3x!tpu.dma_semaphore, #tpu.memory_space<semaphore_mem>> -> memref<1x!tpu.dma_semaphore, #tpu.memory_space<semaphore_mem>>
    %dma_wait3A_758 = tpu.memref_squeeze %dma_wait3A_757 : memref<1x!tpu.dma_semaphore, #tpu.memory_space<semaphore_mem>> -> memref<!tpu.dma_semaphore, #tpu.memory_space<semaphore_mem>>
    %dma_wait3A_759 = arith.constant 8 : i32
    %dma_wait3A_760 = arith.constant 0 : i32
    %dma_wait3A_761 = tpu.memref_slice %arg7[%dma_wait3A_759, %dma_wait3A_760] : memref<24x4096xf32, #tpu.memory_space<vmem>> -> memref<8x4096xf32, #tpu.memory_space<vmem>>
    %dma_wait3A_762 = arith.constant 0 : i32
    %dma_wait3A_763 = arith.constant 0 : i32
    %dma_wait3A_764 = tpu.memref_slice %arg2[%dma_wait3A_762, %dma_wait3A_763] : memref<12288x4096xf32, #tpu.memory_space<hbm>> -> memref<8x4096xf32, #tpu.memory_space<hbm>>
    tpu.wait_dma2 semaphore(%dma_wait3A_758 : memref<!tpu.dma_semaphore, #tpu.memory_space<semaphore_mem>>) src(%dma_wait3A_764 : memref<8x4096xf32, #tpu.memory_space<hbm>>) dst(%dma_wait3A_761 : memref<8x4096xf32, #tpu.memory_space<vmem>>)
    %add3A_765 = arith.constant 8 : i32
    %add3A_766 = arith.addi %mul3A_2, %add3A_765 : i32
    %dma_start3A_767 = arith.constant 1 : i32
    %dma_start3A_768 = arith.constant 8 : i32
    %dma_start3A_769 = arith.constant 0 : i32
    %dma_start3A_770 = tpu.memref_slice %arg7[%dma_start3A_768, %dma_start3A_769] : memref<24x4096xf32, #tpu.memory_space<vmem>> -> memref<8x4096xf32, #tpu.memory_space<vmem>>
    %dma_start3A_771 = arith.constant 0 : i32
    %dma_start3A_772 = tpu.memref_slice %arg4[%add3A_766, %dma_start3A_771] : memref<12288x4096xf32, #tpu.memory_space<hbm>> -> memref<8x4096xf32, #tpu.memory_space<hbm>>
    %dma_start3A_773 = tpu.memref_slice %arg9[%dma_start3A_767] : memref<3x!tpu.dma_semaphore, #tpu.memory_space<semaphore_mem>> -> memref<1x!tpu.dma_semaphore, #tpu.memory_space<semaphore_mem>>
    %dma_start3A_774 = tpu.memref_squeeze %dma_start3A_773 : memref<1x!tpu.dma_semaphore, #tpu.memory_space<semaphore_mem>> -> memref<!tpu.dma_semaphore, #tpu.memory_space<semaphore_mem>>
    %dma_start3A_775 = arith.constant 0 : i32
    %dma_start3A_776 = tpu.memref_slice %arg4[%add3A_766, %dma_start3A_775] : memref<12288x4096xf32, #tpu.memory_space<hbm>> -> memref<8x4096xf32, #tpu.memory_space<hbm>>
    %dma_start3A_777 = arith.constant 8 : i32
    %dma_start3A_778 = arith.constant 0 : i32
    %dma_start3A_779 = tpu.memref_slice %arg7[%dma_start3A_777, %dma_start3A_778] : memref<24x4096xf32, #tpu.memory_space<vmem>> -> memref<8x4096xf32, #tpu.memory_space<vmem>>
    tpu.enqueue_dma source(%dma_start3A_779 : memref<8x4096xf32, #tpu.memory_space<vmem>>) target(%dma_start3A_776 : memref<8x4096xf32, #tpu.memory_space<hbm>>) target_semaphore(%dma_start3A_774 : memref<!tpu.dma_semaphore, #tpu.memory_space<semaphore_mem>>)
    %dma_wait3A_780 = arith.constant 1 : i32
    %dma_wait3A_781 = arith.constant 8 : i32
    %dma_wait3A_782 = arith.constant 0 : i32
    %dma_wait3A_783 = tpu.memref_slice %arg7[%dma_wait3A_781, %dma_wait3A_782] : memref<24x4096xf32, #tpu.memory_space<vmem>> -> memref<8x4096xf32, #tpu.memory_space<vmem>>
    %dma_wait3A_784 = arith.constant 0 : i32
    %dma_wait3A_785 = arith.constant 0 : i32
    %dma_wait3A_786 = tpu.memref_slice %arg4[%dma_wait3A_784, %dma_wait3A_785] : memref<12288x4096xf32, #tpu.memory_space<hbm>> -> memref<8x4096xf32, #tpu.memory_space<hbm>>
    %dma_wait3A_787 = tpu.memref_slice %arg9[%dma_wait3A_780] : memref<3x!tpu.dma_semaphore, #tpu.memory_space<semaphore_mem>> -> memref<1x!tpu.dma_semaphore, #tpu.memory_space<semaphore_mem>>
    %dma_wait3A_788 = tpu.memref_squeeze %dma_wait3A_787 : memref<1x!tpu.dma_semaphore, #tpu.memory_space<semaphore_mem>> -> memref<!tpu.dma_semaphore, #tpu.memory_space<semaphore_mem>>
    %dma_wait3A_789 = arith.constant 0 : i32
    %dma_wait3A_790 = arith.constant 0 : i32
    %dma_wait3A_791 = tpu.memref_slice %arg4[%dma_wait3A_789, %dma_wait3A_790] : memref<12288x4096xf32, #tpu.memory_space<hbm>> -> memref<8x4096xf32, #tpu.memory_space<hbm>>
    %dma_wait3A_792 = arith.constant 8 : i32
    %dma_wait3A_793 = arith.constant 0 : i32
    %dma_wait3A_794 = tpu.memref_slice %arg7[%dma_wait3A_792, %dma_wait3A_793] : memref<24x4096xf32, #tpu.memory_space<vmem>> -> memref<8x4096xf32, #tpu.memory_space<vmem>>
    tpu.wait_dma2 semaphore(%dma_wait3A_788 : memref<!tpu.dma_semaphore, #tpu.memory_space<semaphore_mem>>) src(%dma_wait3A_794 : memref<8x4096xf32, #tpu.memory_space<vmem>>) dst(%dma_wait3A_791 : memref<8x4096xf32, #tpu.memory_space<hbm>>)
    %get3A_795 = arith.constant 32 : index
    %get3A_796 = tpu.vector_load %arg6[%get3A_795] {strides = array<i32>} : memref<400xi32, #tpu.memory_space<vmem>>, vector<16xi32>,
    %get3A_797 = vector.shape_cast %get3A_796 : vector<16xi32> to vector<16xi32>
    %slice3A_798 = vector.extract_strided_slice %get3A_797 {offsets = [0], sizes = [1], strides = [1]} : vector<16xi32> to vector<1xi32>
    %squeeze3A_799 = vector.extract %slice3A_798[0] : i32 from vector<1xi32>
    %dma_start3A_800 = arith.constant 1 : i32
    %dma_start3A_801 = arith.constant 8 : i32
    %dma_start3A_802 = arith.constant 0 : i32
    %dma_start3A_803 = tpu.memref_slice %arg7[%dma_start3A_801, %dma_start3A_802] : memref<24x4096xf32, #tpu.memory_space<vmem>> -> memref<1x4096xf32, #tpu.memory_space<vmem>>
    %dma_start3A_804 = arith.constant 0 : i32
    %dma_start3A_805 = tpu.memref_slice %arg2[%squeeze3A_799, %dma_start3A_804] : memref<12288x4096xf32, #tpu.memory_space<hbm>> -> memref<1x4096xf32, #tpu.memory_space<hbm>>
    %dma_start3A_806 = tpu.memref_slice %arg8[%dma_start3A_800] : memref<3x!tpu.dma_semaphore, #tpu.memory_space<semaphore_mem>> -> memref<1x!tpu.dma_semaphore, #tpu.memory_space<semaphore_mem>>
    %dma_start3A_807 = tpu.memref_squeeze %dma_start3A_806 : memref<1x!tpu.dma_semaphore, #tpu.memory_space<semaphore_mem>> -> memref<!tpu.dma_semaphore, #tpu.memory_space<semaphore_mem>>
    %dma_start3A_808 = arith.constant 8 : i32
    %dma_start3A_809 = arith.constant 0 : i32
    %dma_start3A_810 = tpu.memref_slice %arg7[%dma_start3A_808, %dma_start3A_809] : memref<24x4096xf32, #tpu.memory_space<vmem>> -> memref<1x4096xf32, #tpu.memory_space<vmem>>
    %dma_start3A_811 = arith.constant 0 : i32
    %dma_start3A_812 = tpu.memref_slice %arg2[%squeeze3A_799, %dma_start3A_811] : memref<12288x4096xf32, #tpu.memory_space<hbm>> -> memref<1x4096xf32, #tpu.memory_space<hbm>>
    tpu.enqueue_dma source(%dma_start3A_812 : memref<1x4096xf32, #tpu.memory_space<hbm>>) target(%dma_start3A_810 : memref<1x4096xf32, #tpu.memory_space<vmem>>) target_semaphore(%dma_start3A_807 : memref<!tpu.dma_semaphore, #tpu.memory_space<semaphore_mem>>)
    %slice3A_813 = vector.extract_strided_slice %get3A_797 {offsets = [1], sizes = [1], strides = [1]} : vector<16xi32> to vector<1xi32>
    %squeeze3A_814 = vector.extract %slice3A_813[0] : i32 from vector<1xi32>
    %dma_start3A_815 = arith.constant 1 : i32
    %dma_start3A_816 = arith.constant 9 : i32
    %dma_start3A_817 = arith.constant 0 : i32
    %dma_start3A_818 = tpu.memref_slice %arg7[%dma_start3A_816, %dma_start3A_817] : memref<24x4096xf32, #tpu.memory_space<vmem>> -> memref<1x4096xf32, #tpu.memory_space<vmem>>
    %dma_start3A_819 = arith.constant 0 : i32
    %dma_start3A_820 = tpu.memref_slice %arg2[%squeeze3A_814, %dma_start3A_819] : memref<12288x4096xf32, #tpu.memory_space<hbm>> -> memref<1x4096xf32, #tpu.memory_space<hbm>>
    %dma_start3A_821 = tpu.memref_slice %arg8[%dma_start3A_815] : memref<3x!tpu.dma_semaphore, #tpu.memory_space<semaphore_mem>> -> memref<1x!tpu.dma_semaphore, #tpu.memory_space<semaphore_mem>>
    %dma_start3A_822 = tpu.memref_squeeze %dma_start3A_821 : memref<1x!tpu.dma_semaphore, #tpu.memory_space<semaphore_mem>> -> memref<!tpu.dma_semaphore, #tpu.memory_space<semaphore_mem>>
    %dma_start3A_823 = arith.constant 9 : i32
    %dma_start3A_824 = arith.constant 0 : i32
    %dma_start3A_825 = tpu.memref_slice %arg7[%dma_start3A_823, %dma_start3A_824] : memref<24x4096xf32, #tpu.memory_space<vmem>> -> memref<1x4096xf32, #tpu.memory_space<vmem>>
    %dma_start3A_826 = arith.constant 0 : i32
    %dma_start3A_827 = tpu.memref_slice %arg2[%squeeze3A_814, %dma_start3A_826] : memref<12288x4096xf32, #tpu.memory_space<hbm>> -> memref<1x4096xf32, #tpu.memory_space<hbm>>
    tpu.enqueue_dma source(%dma_start3A_827 : memref<1x4096xf32, #tpu.memory_space<hbm>>) target(%dma_start3A_825 : memref<1x4096xf32, #tpu.memory_space<vmem>>) target_semaphore(%dma_start3A_822 : memref<!tpu.dma_semaphore, #tpu.memory_space<semaphore_mem>>)
    %slice3A_828 = vector.extract_strided_slice %get3A_797 {offsets = [2], sizes = [1], strides = [1]} : vector<16xi32> to vector<1xi32>
    %squeeze3A_829 = vector.extract %slice3A_828[0] : i32 from vector<1xi32>
    %dma_start3A_830 = arith.constant 1 : i32
    %dma_start3A_831 = arith.constant 10 : i32
    %dma_start3A_832 = arith.constant 0 : i32
    %dma_start3A_833 = tpu.memref_slice %arg7[%dma_start3A_831, %dma_start3A_832] : memref<24x4096xf32, #tpu.memory_space<vmem>> -> memref<1x4096xf32, #tpu.memory_space<vmem>>
    %dma_start3A_834 = arith.constant 0 : i32
    %dma_start3A_835 = tpu.memref_slice %arg2[%squeeze3A_829, %dma_start3A_834] : memref<12288x4096xf32, #tpu.memory_space<hbm>> -> memref<1x4096xf32, #tpu.memory_space<hbm>>
    %dma_start3A_836 = tpu.memref_slice %arg8[%dma_start3A_830] : memref<3x!tpu.dma_semaphore, #tpu.memory_space<semaphore_mem>> -> memref<1x!tpu.dma_semaphore, #tpu.memory_space<semaphore_mem>>
    %dma_start3A_837 = tpu.memref_squeeze %dma_start3A_836 : memref<1x!tpu.dma_semaphore, #tpu.memory_space<semaphore_mem>> -> memref<!tpu.dma_semaphore, #tpu.memory_space<semaphore_mem>>
    %dma_start3A_838 = arith.constant 10 : i32
    %dma_start3A_839 = arith.constant 0 : i32
    %dma_start3A_840 = tpu.memref_slice %arg7[%dma_start3A_838, %dma_start3A_839] : memref<24x4096xf32, #tpu.memory_space<vmem>> -> memref<1x4096xf32, #tpu.memory_space<vmem>>
    %dma_start3A_841 = arith.constant 0 : i32
    %dma_start3A_842 = tpu.memref_slice %arg2[%squeeze3A_829, %dma_start3A_841] : memref<12288x4096xf32, #tpu.memory_space<hbm>> -> memref<1x4096xf32, #tpu.memory_space<hbm>>
    tpu.enqueue_dma source(%dma_start3A_842 : memref<1x4096xf32, #tpu.memory_space<hbm>>) target(%dma_start3A_840 : memref<1x4096xf32, #tpu.memory_space<vmem>>) target_semaphore(%dma_start3A_837 : memref<!tpu.dma_semaphore, #tpu.memory_space<semaphore_mem>>)
    %slice3A_843 = vector.extract_strided_slice %get3A_797 {offsets = [3], sizes = [1], strides = [1]} : vector<16xi32> to vector<1xi32>
    %squeeze3A_844 = vector.extract %slice3A_843[0] : i32 from vector<1xi32>
    %dma_start3A_845 = arith.constant 1 : i32
    %dma_start3A_846 = arith.constant 11 : i32
    %dma_start3A_847 = arith.constant 0 : i32
    %dma_start3A_848 = tpu.memref_slice %arg7[%dma_start3A_846, %dma_start3A_847] : memref<24x4096xf32, #tpu.memory_space<vmem>> -> memref<1x4096xf32, #tpu.memory_space<vmem>>
    %dma_start3A_849 = arith.constant 0 : i32
    %dma_start3A_850 = tpu.memref_slice %arg2[%squeeze3A_844, %dma_start3A_849] : memref<12288x4096xf32, #tpu.memory_space<hbm>> -> memref<1x4096xf32, #tpu.memory_space<hbm>>
    %dma_start3A_851 = tpu.memref_slice %arg8[%dma_start3A_845] : memref<3x!tpu.dma_semaphore, #tpu.memory_space<semaphore_mem>> -> memref<1x!tpu.dma_semaphore, #tpu.memory_space<semaphore_mem>>
    %dma_start3A_852 = tpu.memref_squeeze %dma_start3A_851 : memref<1x!tpu.dma_semaphore, #tpu.memory_space<semaphore_mem>> -> memref<!tpu.dma_semaphore, #tpu.memory_space<semaphore_mem>>
    %dma_start3A_853 = arith.constant 11 : i32
    %dma_start3A_854 = arith.constant 0 : i32
    %dma_start3A_855 = tpu.memref_slice %arg7[%dma_start3A_853, %dma_start3A_854] : memref<24x4096xf32, #tpu.memory_space<vmem>> -> memref<1x4096xf32, #tpu.memory_space<vmem>>
    %dma_start3A_856 = arith.constant 0 : i32
    %dma_start3A_857 = tpu.memref_slice %arg2[%squeeze3A_844, %dma_start3A_856] : memref<12288x4096xf32, #tpu.memory_space<hbm>> -> memref<1x4096xf32, #tpu.memory_space<hbm>>
    tpu.enqueue_dma source(%dma_start3A_857 : memref<1x4096xf32, #tpu.memory_space<hbm>>) target(%dma_start3A_855 : memref<1x4096xf32, #tpu.memory_space<vmem>>) target_semaphore(%dma_start3A_852 : memref<!tpu.dma_semaphore, #tpu.memory_space<semaphore_mem>>)
    %slice3A_858 = vector.extract_strided_slice %get3A_797 {offsets = [4], sizes = [1], strides = [1]} : vector<16xi32> to vector<1xi32>
    %squeeze3A_859 = vector.extract %slice3A_858[0] : i32 from vector<1xi32>
    %dma_start3A_860 = arith.constant 1 : i32
    %dma_start3A_861 = arith.constant 12 : i32
    %dma_start3A_862 = arith.constant 0 : i32
    %dma_start3A_863 = tpu.memref_slice %arg7[%dma_start3A_861, %dma_start3A_862] : memref<24x4096xf32, #tpu.memory_space<vmem>> -> memref<1x4096xf32, #tpu.memory_space<vmem>>
    %dma_start3A_864 = arith.constant 0 : i32
    %dma_start3A_865 = tpu.memref_slice %arg2[%squeeze3A_859, %dma_start3A_864] : memref<12288x4096xf32, #tpu.memory_space<hbm>> -> memref<1x4096xf32, #tpu.memory_space<hbm>>
    %dma_start3A_866 = tpu.memref_slice %arg8[%dma_start3A_860] : memref<3x!tpu.dma_semaphore, #tpu.memory_space<semaphore_mem>> -> memref<1x!tpu.dma_semaphore, #tpu.memory_space<semaphore_mem>>
    %dma_start3A_867 = tpu.memref_squeeze %dma_start3A_866 : memref<1x!tpu.dma_semaphore, #tpu.memory_space<semaphore_mem>> -> memref<!tpu.dma_semaphore, #tpu.memory_space<semaphore_mem>>
    %dma_start3A_868 = arith.constant 12 : i32
    %dma_start3A_869 = arith.constant 0 : i32
    %dma_start3A_870 = tpu.memref_slice %arg7[%dma_start3A_868, %dma_start3A_869] : memref<24x4096xf32, #tpu.memory_space<vmem>> -> memref<1x4096xf32, #tpu.memory_space<vmem>>
    %dma_start3A_871 = arith.constant 0 : i32
    %dma_start3A_872 = tpu.memref_slice %arg2[%squeeze3A_859, %dma_start3A_871] : memref<12288x4096xf32, #tpu.memory_space<hbm>> -> memref<1x4096xf32, #tpu.memory_space<hbm>>
    tpu.enqueue_dma source(%dma_start3A_872 : memref<1x4096xf32, #tpu.memory_space<hbm>>) target(%dma_start3A_870 : memref<1x4096xf32, #tpu.memory_space<vmem>>) target_semaphore(%dma_start3A_867 : memref<!tpu.dma_semaphore, #tpu.memory_space<semaphore_mem>>)
    %slice3A_873 = vector.extract_strided_slice %get3A_797 {offsets = [5], sizes = [1], strides = [1]} : vector<16xi32> to vector<1xi32>
    %squeeze3A_874 = vector.extract %slice3A_873[0] : i32 from vector<1xi32>
    %dma_start3A_875 = arith.constant 1 : i32
    %dma_start3A_876 = arith.constant 13 : i32
    %dma_start3A_877 = arith.constant 0 : i32
    %dma_start3A_878 = tpu.memref_slice %arg7[%dma_start3A_876, %dma_start3A_877] : memref<24x4096xf32, #tpu.memory_space<vmem>> -> memref<1x4096xf32, #tpu.memory_space<vmem>>
    %dma_start3A_879 = arith.constant 0 : i32
    %dma_start3A_880 = tpu.memref_slice %arg2[%squeeze3A_874, %dma_start3A_879] : memref<12288x4096xf32, #tpu.memory_space<hbm>> -> memref<1x4096xf32, #tpu.memory_space<hbm>>
    %dma_start3A_881 = tpu.memref_slice %arg8[%dma_start3A_875] : memref<3x!tpu.dma_semaphore, #tpu.memory_space<semaphore_mem>> -> memref<1x!tpu.dma_semaphore, #tpu.memory_space<semaphore_mem>>
    %dma_start3A_882 = tpu.memref_squeeze %dma_start3A_881 : memref<1x!tpu.dma_semaphore, #tpu.memory_space<semaphore_mem>> -> memref<!tpu.dma_semaphore, #tpu.memory_space<semaphore_mem>>
    %dma_start3A_883 = arith.constant 13 : i32
    %dma_start3A_884 = arith.constant 0 : i32
    %dma_start3A_885 = tpu.memref_slice %arg7[%dma_start3A_883, %dma_start3A_884] : memref<24x4096xf32, #tpu.memory_space<vmem>> -> memref<1x4096xf32, #tpu.memory_space<vmem>>
    %dma_start3A_886 = arith.constant 0 : i32
    %dma_start3A_887 = tpu.memref_slice %arg2[%squeeze3A_874, %dma_start3A_886] : memref<12288x4096xf32, #tpu.memory_space<hbm>> -> memref<1x4096xf32, #tpu.memory_space<hbm>>
    tpu.enqueue_dma source(%dma_start3A_887 : memref<1x4096xf32, #tpu.memory_space<hbm>>) target(%dma_start3A_885 : memref<1x4096xf32, #tpu.memory_space<vmem>>) target_semaphore(%dma_start3A_882 : memref<!tpu.dma_semaphore, #tpu.memory_space<semaphore_mem>>)
    %slice3A_888 = vector.extract_strided_slice %get3A_797 {offsets = [6], sizes = [1], strides = [1]} : vector<16xi32> to vector<1xi32>
    %squeeze3A_889 = vector.extract %slice3A_888[0] : i32 from vector<1xi32>
    %dma_start3A_890 = arith.constant 1 : i32
    %dma_start3A_891 = arith.constant 14 : i32
    %dma_start3A_892 = arith.constant 0 : i32
    %dma_start3A_893 = tpu.memref_slice %arg7[%dma_start3A_891, %dma_start3A_892] : memref<24x4096xf32, #tpu.memory_space<vmem>> -> memref<1x4096xf32, #tpu.memory_space<vmem>>
    %dma_start3A_894 = arith.constant 0 : i32
    %dma_start3A_895 = tpu.memref_slice %arg2[%squeeze3A_889, %dma_start3A_894] : memref<12288x4096xf32, #tpu.memory_space<hbm>> -> memref<1x4096xf32, #tpu.memory_space<hbm>>
    %dma_start3A_896 = tpu.memref_slice %arg8[%dma_start3A_890] : memref<3x!tpu.dma_semaphore, #tpu.memory_space<semaphore_mem>> -> memref<1x!tpu.dma_semaphore, #tpu.memory_space<semaphore_mem>>
    %dma_start3A_897 = tpu.memref_squeeze %dma_start3A_896 : memref<1x!tpu.dma_semaphore, #tpu.memory_space<semaphore_mem>> -> memref<!tpu.dma_semaphore, #tpu.memory_space<semaphore_mem>>
    %dma_start3A_898 = arith.constant 14 : i32
    %dma_start3A_899 = arith.constant 0 : i32
    %dma_start3A_900 = tpu.memref_slice %arg7[%dma_start3A_898, %dma_start3A_899] : memref<24x4096xf32, #tpu.memory_space<vmem>> -> memref<1x4096xf32, #tpu.memory_space<vmem>>
    %dma_start3A_901 = arith.constant 0 : i32
    %dma_start3A_902 = tpu.memref_slice %arg2[%squeeze3A_889, %dma_start3A_901] : memref<12288x4096xf32, #tpu.memory_space<hbm>> -> memref<1x4096xf32, #tpu.memory_space<hbm>>
    tpu.enqueue_dma source(%dma_start3A_902 : memref<1x4096xf32, #tpu.memory_space<hbm>>) target(%dma_start3A_900 : memref<1x4096xf32, #tpu.memory_space<vmem>>) target_semaphore(%dma_start3A_897 : memref<!tpu.dma_semaphore, #tpu.memory_space<semaphore_mem>>)
    %slice3A_903 = vector.extract_strided_slice %get3A_797 {offsets = [7], sizes = [1], strides = [1]} : vector<16xi32> to vector<1xi32>
    %squeeze3A_904 = vector.extract %slice3A_903[0] : i32 from vector<1xi32>
    %dma_start3A_905 = arith.constant 1 : i32
    %dma_start3A_906 = arith.constant 15 : i32
    %dma_start3A_907 = arith.constant 0 : i32
    %dma_start3A_908 = tpu.memref_slice %arg7[%dma_start3A_906, %dma_start3A_907] : memref<24x4096xf32, #tpu.memory_space<vmem>> -> memref<1x4096xf32, #tpu.memory_space<vmem>>
    %dma_start3A_909 = arith.constant 0 : i32
    %dma_start3A_910 = tpu.memref_slice %arg2[%squeeze3A_904, %dma_start3A_909] : memref<12288x4096xf32, #tpu.memory_space<hbm>> -> memref<1x4096xf32, #tpu.memory_space<hbm>>
    %dma_start3A_911 = tpu.memref_slice %arg8[%dma_start3A_905] : memref<3x!tpu.dma_semaphore, #tpu.memory_space<semaphore_mem>> -> memref<1x!tpu.dma_semaphore, #tpu.memory_space<semaphore_mem>>
    %dma_start3A_912 = tpu.memref_squeeze %dma_start3A_911 : memref<1x!tpu.dma_semaphore, #tpu.memory_space<semaphore_mem>> -> memref<!tpu.dma_semaphore, #tpu.memory_space<semaphore_mem>>
    %dma_start3A_913 = arith.constant 15 : i32
    %dma_start3A_914 = arith.constant 0 : i32
    %dma_start3A_915 = tpu.memref_slice %arg7[%dma_start3A_913, %dma_start3A_914] : memref<24x4096xf32, #tpu.memory_space<vmem>> -> memref<1x4096xf32, #tpu.memory_space<vmem>>
    %dma_start3A_916 = arith.constant 0 : i32
    %dma_start3A_917 = tpu.memref_slice %arg2[%squeeze3A_904, %dma_start3A_916] : memref<12288x4096xf32, #tpu.memory_space<hbm>> -> memref<1x4096xf32, #tpu.memory_space<hbm>>
    tpu.enqueue_dma source(%dma_start3A_917 : memref<1x4096xf32, #tpu.memory_space<hbm>>) target(%dma_start3A_915 : memref<1x4096xf32, #tpu.memory_space<vmem>>) target_semaphore(%dma_start3A_912 : memref<!tpu.dma_semaphore, #tpu.memory_space<semaphore_mem>>)
    %dma_wait3A_918 = arith.constant 2 : i32
    %dma_wait3A_919 = arith.constant 16 : i32
    %dma_wait3A_920 = arith.constant 0 : i32
    %dma_wait3A_921 = tpu.memref_slice %arg7[%dma_wait3A_919, %dma_wait3A_920] : memref<24x4096xf32, #tpu.memory_space<vmem>> -> memref<8x4096xf32, #tpu.memory_space<vmem>>
    %dma_wait3A_922 = arith.constant 0 : i32
    %dma_wait3A_923 = arith.constant 0 : i32
    %dma_wait3A_924 = tpu.memref_slice %arg2[%dma_wait3A_922, %dma_wait3A_923] : memref<12288x4096xf32, #tpu.memory_space<hbm>> -> memref<8x4096xf32, #tpu.memory_space<hbm>>
    %dma_wait3A_925 = tpu.memref_slice %arg8[%dma_wait3A_918] : memref<3x!tpu.dma_semaphore, #tpu.memory_space<semaphore_mem>> -> memref<1x!tpu.dma_semaphore, #tpu.memory_space<semaphore_mem>>
    %dma_wait3A_926 = tpu.memref_squeeze %dma_wait3A_925 : memref<1x!tpu.dma_semaphore, #tpu.memory_space<semaphore_mem>> -> memref<!tpu.dma_semaphore, #tpu.memory_space<semaphore_mem>>
    %dma_wait3A_927 = arith.constant 16 : i32
    %dma_wait3A_928 = arith.constant 0 : i32
    %dma_wait3A_929 = tpu.memref_slice %arg7[%dma_wait3A_927, %dma_wait3A_928] : memref<24x4096xf32, #tpu.memory_space<vmem>> -> memref<8x4096xf32, #tpu.memory_space<vmem>>
    %dma_wait3A_930 = arith.constant 0 : i32
    %dma_wait3A_931 = arith.constant 0 : i32
    %dma_wait3A_932 = tpu.memref_slice %arg2[%dma_wait3A_930, %dma_wait3A_931] : memref<12288x4096xf32, #tpu.memory_space<hbm>> -> memref<8x4096xf32, #tpu.memory_space<hbm>>
    tpu.wait_dma2 semaphore(%dma_wait3A_926 : memref<!tpu.dma_semaphore, #tpu.memory_space<semaphore_mem>>) src(%dma_wait3A_932 : memref<8x4096xf32, #tpu.memory_space<hbm>>) dst(%dma_wait3A_929 : memref<8x4096xf32, #tpu.memory_space<vmem>>)
    %add3A_933 = arith.constant 16 : i32
    %add3A_934 = arith.addi %mul3A_2, %add3A_933 : i32
    %dma_start3A_935 = arith.constant 2 : i32
    %dma_start3A_936 = arith.constant 16 : i32
    %dma_start3A_937 = arith.constant 0 : i32
    %dma_start3A_938 = tpu.memref_slice %arg7[%dma_start3A_936, %dma_start3A_937] : memref<24x4096xf32, #tpu.memory_space<vmem>> -> memref<8x4096xf32, #tpu.memory_space<vmem>>
    %dma_start3A_939 = arith.constant 0 : i32
    %dma_start3A_940 = tpu.memref_slice %arg4[%add3A_934, %dma_start3A_939] : memref<12288x4096xf32, #tpu.memory_space<hbm>> -> memref<8x4096xf32, #tpu.memory_space<hbm>>
    %dma_start3A_941 = tpu.memref_slice %arg9[%dma_start3A_935] : memref<3x!tpu.dma_semaphore, #tpu.memory_space<semaphore_mem>> -> memref<1x!tpu.dma_semaphore, #tpu.memory_space<semaphore_mem>>
    %dma_start3A_942 = tpu.memref_squeeze %dma_start3A_941 : memref<1x!tpu.dma_semaphore, #tpu.memory_space<semaphore_mem>> -> memref<!tpu.dma_semaphore, #tpu.memory_space<semaphore_mem>>
    %dma_start3A_943 = arith.constant 0 : i32
    %dma_start3A_944 = tpu.memref_slice %arg4[%add3A_934, %dma_start3A_943] : memref<12288x4096xf32, #tpu.memory_space<hbm>> -> memref<8x4096xf32, #tpu.memory_space<hbm>>
    %dma_start3A_945 = arith.constant 16 : i32
    %dma_start3A_946 = arith.constant 0 : i32
    %dma_start3A_947 = tpu.memref_slice %arg7[%dma_start3A_945, %dma_start3A_946] : memref<24x4096xf32, #tpu.memory_space<vmem>> -> memref<8x4096xf32, #tpu.memory_space<vmem>>
    tpu.enqueue_dma source(%dma_start3A_947 : memref<8x4096xf32, #tpu.memory_space<vmem>>) target(%dma_start3A_944 : memref<8x4096xf32, #tpu.memory_space<hbm>>) target_semaphore(%dma_start3A_942 : memref<!tpu.dma_semaphore, #tpu.memory_space<semaphore_mem>>)
    %scan3A = arith.constant 0 : i32
    %scan3A_948 = arith.constant 14 : i32
    %scan3A_949 = arith.addi %scan3A, %scan3A_948 : i32
    %scan3A_950 = arith.constant 1 : i32
    scf.for %scan3A_1225 = %scan3A to %scan3A_949 step %scan3A_950  : i32 {
      %mul3A_1226 = arith.constant 1 : i32
      %mul3A_1227 = arith.muli %scan3A_1225, %mul3A_1226 : i32
      %add3A_1228 = arith.constant 1 : i32
      %add3A_1229 = arith.addi %add3A_1228, %mul3A_1227 : i32
      %mul3A_1230 = arith.constant 3 : i32
      %mul3A_1231 = arith.muli %add3A_1229, %mul3A_1230 : i32
      %add3A_1232 = arith.constant 0 : i32
      %add3A_1233 = arith.addi %mul3A_1231, %add3A_1232 : i32
      %dma_wait3A_1234 = arith.constant 2 : i32
      %dma_wait3A_1235 = arith.constant 16 : i32
      %dma_wait3A_1236 = arith.constant 0 : i32
      %dma_wait3A_1237 = tpu.memref_slice %arg7[%dma_wait3A_1235, %dma_wait3A_1236] : memref<24x4096xf32, #tpu.memory_space<vmem>> -> memref<8x4096xf32, #tpu.memory_space<vmem>>
      %dma_wait3A_1238 = arith.constant 0 : i32
      %dma_wait3A_1239 = arith.constant 0 : i32
      %dma_wait3A_1240 = tpu.memref_slice %arg4[%dma_wait3A_1238, %dma_wait3A_1239] : memref<12288x4096xf32, #tpu.memory_space<hbm>> -> memref<8x4096xf32, #tpu.memory_space<hbm>>
      %dma_wait3A_1241 = tpu.memref_slice %arg9[%dma_wait3A_1234] : memref<3x!tpu.dma_semaphore, #tpu.memory_space<semaphore_mem>> -> memref<1x!tpu.dma_semaphore, #tpu.memory_space<semaphore_mem>>
      %dma_wait3A_1242 = tpu.memref_squeeze %dma_wait3A_1241 : memref<1x!tpu.dma_semaphore, #tpu.memory_space<semaphore_mem>> -> memref<!tpu.dma_semaphore, #tpu.memory_space<semaphore_mem>>
      %dma_wait3A_1243 = arith.constant 0 : i32
      %dma_wait3A_1244 = arith.constant 0 : i32
      %dma_wait3A_1245 = tpu.memref_slice %arg4[%dma_wait3A_1243, %dma_wait3A_1244] : memref<12288x4096xf32, #tpu.memory_space<hbm>> -> memref<8x4096xf32, #tpu.memory_space<hbm>>
      %dma_wait3A_1246 = arith.constant 16 : i32
      %dma_wait3A_1247 = arith.constant 0 : i32
      %dma_wait3A_1248 = tpu.memref_slice %arg7[%dma_wait3A_1246, %dma_wait3A_1247] : memref<24x4096xf32, #tpu.memory_space<vmem>> -> memref<8x4096xf32, #tpu.memory_space<vmem>>
      tpu.wait_dma2 semaphore(%dma_wait3A_1242 : memref<!tpu.dma_semaphore, #tpu.memory_space<semaphore_mem>>) src(%dma_wait3A_1248 : memref<8x4096xf32, #tpu.memory_space<vmem>>) dst(%dma_wait3A_1245 : memref<8x4096xf32, #tpu.memory_space<hbm>>)
      %add3A_1249 = arith.constant 2 : i32
      %add3A_1250 = arith.addi %add3A_1233, %add3A_1249 : i32
      %mul3A_1251 = arith.constant 8 : i32
      %mul3A_1252 = arith.muli %add3A_1250, %mul3A_1251 : i32
      %get3A_1253 = arith.index_cast %mul3A_1252 : i32 to index
      %get3A_1254 = tpu.vector_load %arg6[%get3A_1253] {strides = array<i32>} : memref<400xi32, #tpu.memory_space<vmem>>, vector<16xi32>,
      %get3A_1255 = vector.shape_cast %get3A_1254 : vector<16xi32> to vector<16xi32>
      %slice3A_1256 = vector.extract_strided_slice %get3A_1255 {offsets = [0], sizes = [1], strides = [1]} : vector<16xi32> to vector<1xi32>
      %squeeze3A_1257 = vector.extract %slice3A_1256[0] : i32 from vector<1xi32>
      %dma_start3A_1258 = arith.constant 2 : i32
      %dma_start3A_1259 = arith.constant 16 : i32
      %dma_start3A_1260 = arith.constant 0 : i32
      %dma_start3A_1261 = tpu.memref_slice %arg7[%dma_start3A_1259, %dma_start3A_1260] : memref<24x4096xf32, #tpu.memory_space<vmem>> -> memref<1x4096xf32, #tpu.memory_space<vmem>>
      %dma_start3A_1262 = arith.constant 0 : i32
      %dma_start3A_1263 = tpu.memref_slice %arg2[%squeeze3A_1257, %dma_start3A_1262] : memref<12288x4096xf32, #tpu.memory_space<hbm>> -> memref<1x4096xf32, #tpu.memory_space<hbm>>
      %dma_start3A_1264 = tpu.memref_slice %arg8[%dma_start3A_1258] : memref<3x!tpu.dma_semaphore, #tpu.memory_space<semaphore_mem>> -> memref<1x!tpu.dma_semaphore, #tpu.memory_space<semaphore_mem>>
      %dma_start3A_1265 = tpu.memref_squeeze %dma_start3A_1264 : memref<1x!tpu.dma_semaphore, #tpu.memory_space<semaphore_mem>> -> memref<!tpu.dma_semaphore, #tpu.memory_space<semaphore_mem>>
      %dma_start3A_1266 = arith.constant 16 : i32
      %dma_start3A_1267 = arith.constant 0 : i32
      %dma_start3A_1268 = tpu.memref_slice %arg7[%dma_start3A_1266, %dma_start3A_1267] : memref<24x4096xf32, #tpu.memory_space<vmem>> -> memref<1x4096xf32, #tpu.memory_space<vmem>>
      %dma_start3A_1269 = arith.constant 0 : i32
      %dma_start3A_1270 = tpu.memref_slice %arg2[%squeeze3A_1257, %dma_start3A_1269] : memref<12288x4096xf32, #tpu.memory_space<hbm>> -> memref<1x4096xf32, #tpu.memory_space<hbm>>
      tpu.enqueue_dma source(%dma_start3A_1270 : memref<1x4096xf32, #tpu.memory_space<hbm>>) target(%dma_start3A_1268 : memref<1x4096xf32, #tpu.memory_space<vmem>>) target_semaphore(%dma_start3A_1265 : memref<!tpu.dma_semaphore, #tpu.memory_space<semaphore_mem>>)
      %slice3A_1271 = vector.extract_strided_slice %get3A_1255 {offsets = [1], sizes = [1], strides = [1]} : vector<16xi32> to vector<1xi32>
      %squeeze3A_1272 = vector.extract %slice3A_1271[0] : i32 from vector<1xi32>
      %dma_start3A_1273 = arith.constant 2 : i32
      %dma_start3A_1274 = arith.constant 17 : i32
      %dma_start3A_1275 = arith.constant 0 : i32
      %dma_start3A_1276 = tpu.memref_slice %arg7[%dma_start3A_1274, %dma_start3A_1275] : memref<24x4096xf32, #tpu.memory_space<vmem>> -> memref<1x4096xf32, #tpu.memory_space<vmem>>
      %dma_start3A_1277 = arith.constant 0 : i32
      %dma_start3A_1278 = tpu.memref_slice %arg2[%squeeze3A_1272, %dma_start3A_1277] : memref<12288x4096xf32, #tpu.memory_space<hbm>> -> memref<1x4096xf32, #tpu.memory_space<hbm>>
      %dma_start3A_1279 = tpu.memref_slice %arg8[%dma_start3A_1273] : memref<3x!tpu.dma_semaphore, #tpu.memory_space<semaphore_mem>> -> memref<1x!tpu.dma_semaphore, #tpu.memory_space<semaphore_mem>>
      %dma_start3A_1280 = tpu.memref_squeeze %dma_start3A_1279 : memref<1x!tpu.dma_semaphore, #tpu.memory_space<semaphore_mem>> -> memref<!tpu.dma_semaphore, #tpu.memory_space<semaphore_mem>>
      %dma_start3A_1281 = arith.constant 17 : i32
      %dma_start3A_1282 = arith.constant 0 : i32
      %dma_start3A_1283 = tpu.memref_slice %arg7[%dma_start3A_1281, %dma_start3A_1282] : memref<24x4096xf32, #tpu.memory_space<vmem>> -> memref<1x4096xf32, #tpu.memory_space<vmem>>
      %dma_start3A_1284 = arith.constant 0 : i32
      %dma_start3A_1285 = tpu.memref_slice %arg2[%squeeze3A_1272, %dma_start3A_1284] : memref<12288x4096xf32, #tpu.memory_space<hbm>> -> memref<1x4096xf32, #tpu.memory_space<hbm>>
      tpu.enqueue_dma source(%dma_start3A_1285 : memref<1x4096xf32, #tpu.memory_space<hbm>>) target(%dma_start3A_1283 : memref<1x4096xf32, #tpu.memory_space<vmem>>) target_semaphore(%dma_start3A_1280 : memref<!tpu.dma_semaphore, #tpu.memory_space<semaphore_mem>>)
      %slice3A_1286 = vector.extract_strided_slice %get3A_1255 {offsets = [2], sizes = [1], strides = [1]} : vector<16xi32> to vector<1xi32>
      %squeeze3A_1287 = vector.extract %slice3A_1286[0] : i32 from vector<1xi32>
      %dma_start3A_1288 = arith.constant 2 : i32
      %dma_start3A_1289 = arith.constant 18 : i32
      %dma_start3A_1290 = arith.constant 0 : i32
      %dma_start3A_1291 = tpu.memref_slice %arg7[%dma_start3A_1289, %dma_start3A_1290] : memref<24x4096xf32, #tpu.memory_space<vmem>> -> memref<1x4096xf32, #tpu.memory_space<vmem>>
      %dma_start3A_1292 = arith.constant 0 : i32
      %dma_start3A_1293 = tpu.memref_slice %arg2[%squeeze3A_1287, %dma_start3A_1292] : memref<12288x4096xf32, #tpu.memory_space<hbm>> -> memref<1x4096xf32, #tpu.memory_space<hbm>>
      %dma_start3A_1294 = tpu.memref_slice %arg8[%dma_start3A_1288] : memref<3x!tpu.dma_semaphore, #tpu.memory_space<semaphore_mem>> -> memref<1x!tpu.dma_semaphore, #tpu.memory_space<semaphore_mem>>
      %dma_start3A_1295 = tpu.memref_squeeze %dma_start3A_1294 : memref<1x!tpu.dma_semaphore, #tpu.memory_space<semaphore_mem>> -> memref<!tpu.dma_semaphore, #tpu.memory_space<semaphore_mem>>
      %dma_start3A_1296 = arith.constant 18 : i32
      %dma_start3A_1297 = arith.constant 0 : i32
      %dma_start3A_1298 = tpu.memref_slice %arg7[%dma_start3A_1296, %dma_start3A_1297] : memref<24x4096xf32, #tpu.memory_space<vmem>> -> memref<1x4096xf32, #tpu.memory_space<vmem>>
      %dma_start3A_1299 = arith.constant 0 : i32
      %dma_start3A_1300 = tpu.memref_slice %arg2[%squeeze3A_1287, %dma_start3A_1299] : memref<12288x4096xf32, #tpu.memory_space<hbm>> -> memref<1x4096xf32, #tpu.memory_space<hbm>>
      tpu.enqueue_dma source(%dma_start3A_1300 : memref<1x4096xf32, #tpu.memory_space<hbm>>) target(%dma_start3A_1298 : memref<1x4096xf32, #tpu.memory_space<vmem>>) target_semaphore(%dma_start3A_1295 : memref<!tpu.dma_semaphore, #tpu.memory_space<semaphore_mem>>)
      %slice3A_1301 = vector.extract_strided_slice %get3A_1255 {offsets = [3], sizes = [1], strides = [1]} : vector<16xi32> to vector<1xi32>
      %squeeze3A_1302 = vector.extract %slice3A_1301[0] : i32 from vector<1xi32>
      %dma_start3A_1303 = arith.constant 2 : i32
      %dma_start3A_1304 = arith.constant 19 : i32
      %dma_start3A_1305 = arith.constant 0 : i32
      %dma_start3A_1306 = tpu.memref_slice %arg7[%dma_start3A_1304, %dma_start3A_1305] : memref<24x4096xf32, #tpu.memory_space<vmem>> -> memref<1x4096xf32, #tpu.memory_space<vmem>>
      %dma_start3A_1307 = arith.constant 0 : i32
      %dma_start3A_1308 = tpu.memref_slice %arg2[%squeeze3A_1302, %dma_start3A_1307] : memref<12288x4096xf32, #tpu.memory_space<hbm>> -> memref<1x4096xf32, #tpu.memory_space<hbm>>
      %dma_start3A_1309 = tpu.memref_slice %arg8[%dma_start3A_1303] : memref<3x!tpu.dma_semaphore, #tpu.memory_space<semaphore_mem>> -> memref<1x!tpu.dma_semaphore, #tpu.memory_space<semaphore_mem>>
      %dma_start3A_1310 = tpu.memref_squeeze %dma_start3A_1309 : memref<1x!tpu.dma_semaphore, #tpu.memory_space<semaphore_mem>> -> memref<!tpu.dma_semaphore, #tpu.memory_space<semaphore_mem>>
      %dma_start3A_1311 = arith.constant 19 : i32
      %dma_start3A_1312 = arith.constant 0 : i32
      %dma_start3A_1313 = tpu.memref_slice %arg7[%dma_start3A_1311, %dma_start3A_1312] : memref<24x4096xf32, #tpu.memory_space<vmem>> -> memref<1x4096xf32, #tpu.memory_space<vmem>>
      %dma_start3A_1314 = arith.constant 0 : i32
      %dma_start3A_1315 = tpu.memref_slice %arg2[%squeeze3A_1302, %dma_start3A_1314] : memref<12288x4096xf32, #tpu.memory_space<hbm>> -> memref<1x4096xf32, #tpu.memory_space<hbm>>
      tpu.enqueue_dma source(%dma_start3A_1315 : memref<1x4096xf32, #tpu.memory_space<hbm>>) target(%dma_start3A_1313 : memref<1x4096xf32, #tpu.memory_space<vmem>>) target_semaphore(%dma_start3A_1310 : memref<!tpu.dma_semaphore, #tpu.memory_space<semaphore_mem>>)
      %slice3A_1316 = vector.extract_strided_slice %get3A_1255 {offsets = [4], sizes = [1], strides = [1]} : vector<16xi32> to vector<1xi32>
      %squeeze3A_1317 = vector.extract %slice3A_1316[0] : i32 from vector<1xi32>
      %dma_start3A_1318 = arith.constant 2 : i32
      %dma_start3A_1319 = arith.constant 20 : i32
      %dma_start3A_1320 = arith.constant 0 : i32
      %dma_start3A_1321 = tpu.memref_slice %arg7[%dma_start3A_1319, %dma_start3A_1320] : memref<24x4096xf32, #tpu.memory_space<vmem>> -> memref<1x4096xf32, #tpu.memory_space<vmem>>
      %dma_start3A_1322 = arith.constant 0 : i32
      %dma_start3A_1323 = tpu.memref_slice %arg2[%squeeze3A_1317, %dma_start3A_1322] : memref<12288x4096xf32, #tpu.memory_space<hbm>> -> memref<1x4096xf32, #tpu.memory_space<hbm>>
      %dma_start3A_1324 = tpu.memref_slice %arg8[%dma_start3A_1318] : memref<3x!tpu.dma_semaphore, #tpu.memory_space<semaphore_mem>> -> memref<1x!tpu.dma_semaphore, #tpu.memory_space<semaphore_mem>>
      %dma_start3A_1325 = tpu.memref_squeeze %dma_start3A_1324 : memref<1x!tpu.dma_semaphore, #tpu.memory_space<semaphore_mem>> -> memref<!tpu.dma_semaphore, #tpu.memory_space<semaphore_mem>>
      %dma_start3A_1326 = arith.constant 20 : i32
      %dma_start3A_1327 = arith.constant 0 : i32
      %dma_start3A_1328 = tpu.memref_slice %arg7[%dma_start3A_1326, %dma_start3A_1327] : memref<24x4096xf32, #tpu.memory_space<vmem>> -> memref<1x4096xf32, #tpu.memory_space<vmem>>
      %dma_start3A_1329 = arith.constant 0 : i32
      %dma_start3A_1330 = tpu.memref_slice %arg2[%squeeze3A_1317, %dma_start3A_1329] : memref<12288x4096xf32, #tpu.memory_space<hbm>> -> memref<1x4096xf32, #tpu.memory_space<hbm>>
      tpu.enqueue_dma source(%dma_start3A_1330 : memref<1x4096xf32, #tpu.memory_space<hbm>>) target(%dma_start3A_1328 : memref<1x4096xf32, #tpu.memory_space<vmem>>) target_semaphore(%dma_start3A_1325 : memref<!tpu.dma_semaphore, #tpu.memory_space<semaphore_mem>>)
      %slice3A_1331 = vector.extract_strided_slice %get3A_1255 {offsets = [5], sizes = [1], strides = [1]} : vector<16xi32> to vector<1xi32>
      %squeeze3A_1332 = vector.extract %slice3A_1331[0] : i32 from vector<1xi32>
      %dma_start3A_1333 = arith.constant 2 : i32
      %dma_start3A_1334 = arith.constant 21 : i32
      %dma_start3A_1335 = arith.constant 0 : i32
      %dma_start3A_1336 = tpu.memref_slice %arg7[%dma_start3A_1334, %dma_start3A_1335] : memref<24x4096xf32, #tpu.memory_space<vmem>> -> memref<1x4096xf32, #tpu.memory_space<vmem>>
      %dma_start3A_1337 = arith.constant 0 : i32
      %dma_start3A_1338 = tpu.memref_slice %arg2[%squeeze3A_1332, %dma_start3A_1337] : memref<12288x4096xf32, #tpu.memory_space<hbm>> -> memref<1x4096xf32, #tpu.memory_space<hbm>>
      %dma_start3A_1339 = tpu.memref_slice %arg8[%dma_start3A_1333] : memref<3x!tpu.dma_semaphore, #tpu.memory_space<semaphore_mem>> -> memref<1x!tpu.dma_semaphore, #tpu.memory_space<semaphore_mem>>
      %dma_start3A_1340 = tpu.memref_squeeze %dma_start3A_1339 : memref<1x!tpu.dma_semaphore, #tpu.memory_space<semaphore_mem>> -> memref<!tpu.dma_semaphore, #tpu.memory_space<semaphore_mem>>
      %dma_start3A_1341 = arith.constant 21 : i32
      %dma_start3A_1342 = arith.constant 0 : i32
      %dma_start3A_1343 = tpu.memref_slice %arg7[%dma_start3A_1341, %dma_start3A_1342] : memref<24x4096xf32, #tpu.memory_space<vmem>> -> memref<1x4096xf32, #tpu.memory_space<vmem>>
      %dma_start3A_1344 = arith.constant 0 : i32
      %dma_start3A_1345 = tpu.memref_slice %arg2[%squeeze3A_1332, %dma_start3A_1344] : memref<12288x4096xf32, #tpu.memory_space<hbm>> -> memref<1x4096xf32, #tpu.memory_space<hbm>>
      tpu.enqueue_dma source(%dma_start3A_1345 : memref<1x4096xf32, #tpu.memory_space<hbm>>) target(%dma_start3A_1343 : memref<1x4096xf32, #tpu.memory_space<vmem>>) target_semaphore(%dma_start3A_1340 : memref<!tpu.dma_semaphore, #tpu.memory_space<semaphore_mem>>)
      %slice3A_1346 = vector.extract_strided_slice %get3A_1255 {offsets = [6], sizes = [1], strides = [1]} : vector<16xi32> to vector<1xi32>
      %squeeze3A_1347 = vector.extract %slice3A_1346[0] : i32 from vector<1xi32>
      %dma_start3A_1348 = arith.constant 2 : i32
      %dma_start3A_1349 = arith.constant 22 : i32
      %dma_start3A_1350 = arith.constant 0 : i32
      %dma_start3A_1351 = tpu.memref_slice %arg7[%dma_start3A_1349, %dma_start3A_1350] : memref<24x4096xf32, #tpu.memory_space<vmem>> -> memref<1x4096xf32, #tpu.memory_space<vmem>>
      %dma_start3A_1352 = arith.constant 0 : i32
      %dma_start3A_1353 = tpu.memref_slice %arg2[%squeeze3A_1347, %dma_start3A_1352] : memref<12288x4096xf32, #tpu.memory_space<hbm>> -> memref<1x4096xf32, #tpu.memory_space<hbm>>
      %dma_start3A_1354 = tpu.memref_slice %arg8[%dma_start3A_1348] : memref<3x!tpu.dma_semaphore, #tpu.memory_space<semaphore_mem>> -> memref<1x!tpu.dma_semaphore, #tpu.memory_space<semaphore_mem>>
      %dma_start3A_1355 = tpu.memref_squeeze %dma_start3A_1354 : memref<1x!tpu.dma_semaphore, #tpu.memory_space<semaphore_mem>> -> memref<!tpu.dma_semaphore, #tpu.memory_space<semaphore_mem>>
      %dma_start3A_1356 = arith.constant 22 : i32
      %dma_start3A_1357 = arith.constant 0 : i32
      %dma_start3A_1358 = tpu.memref_slice %arg7[%dma_start3A_1356, %dma_start3A_1357] : memref<24x4096xf32, #tpu.memory_space<vmem>> -> memref<1x4096xf32, #tpu.memory_space<vmem>>
      %dma_start3A_1359 = arith.constant 0 : i32
      %dma_start3A_1360 = tpu.memref_slice %arg2[%squeeze3A_1347, %dma_start3A_1359] : memref<12288x4096xf32, #tpu.memory_space<hbm>> -> memref<1x4096xf32, #tpu.memory_space<hbm>>
      tpu.enqueue_dma source(%dma_start3A_1360 : memref<1x4096xf32, #tpu.memory_space<hbm>>) target(%dma_start3A_1358 : memref<1x4096xf32, #tpu.memory_space<vmem>>) target_semaphore(%dma_start3A_1355 : memref<!tpu.dma_semaphore, #tpu.memory_space<semaphore_mem>>)
      %slice3A_1361 = vector.extract_strided_slice %get3A_1255 {offsets = [7], sizes = [1], strides = [1]} : vector<16xi32> to vector<1xi32>
      %squeeze3A_1362 = vector.extract %slice3A_1361[0] : i32 from vector<1xi32>
      %dma_start3A_1363 = arith.constant 2 : i32
      %dma_start3A_1364 = arith.constant 23 : i32
      %dma_start3A_1365 = arith.constant 0 : i32
      %dma_start3A_1366 = tpu.memref_slice %arg7[%dma_start3A_1364, %dma_start3A_1365] : memref<24x4096xf32, #tpu.memory_space<vmem>> -> memref<1x4096xf32, #tpu.memory_space<vmem>>
      %dma_start3A_1367 = arith.constant 0 : i32
      %dma_start3A_1368 = tpu.memref_slice %arg2[%squeeze3A_1362, %dma_start3A_1367] : memref<12288x4096xf32, #tpu.memory_space<hbm>> -> memref<1x4096xf32, #tpu.memory_space<hbm>>
      %dma_start3A_1369 = tpu.memref_slice %arg8[%dma_start3A_1363] : memref<3x!tpu.dma_semaphore, #tpu.memory_space<semaphore_mem>> -> memref<1x!tpu.dma_semaphore, #tpu.memory_space<semaphore_mem>>
      %dma_start3A_1370 = tpu.memref_squeeze %dma_start3A_1369 : memref<1x!tpu.dma_semaphore, #tpu.memory_space<semaphore_mem>> -> memref<!tpu.dma_semaphore, #tpu.memory_space<semaphore_mem>>
      %dma_start3A_1371 = arith.constant 23 : i32
      %dma_start3A_1372 = arith.constant 0 : i32
      %dma_start3A_1373 = tpu.memref_slice %arg7[%dma_start3A_1371, %dma_start3A_1372] : memref<24x4096xf32, #tpu.memory_space<vmem>> -> memref<1x4096xf32, #tpu.memory_space<vmem>>
      %dma_start3A_1374 = arith.constant 0 : i32
      %dma_start3A_1375 = tpu.memref_slice %arg2[%squeeze3A_1362, %dma_start3A_1374] : memref<12288x4096xf32, #tpu.memory_space<hbm>> -> memref<1x4096xf32, #tpu.memory_space<hbm>>
      tpu.enqueue_dma source(%dma_start3A_1375 : memref<1x4096xf32, #tpu.memory_space<hbm>>) target(%dma_start3A_1373 : memref<1x4096xf32, #tpu.memory_space<vmem>>) target_semaphore(%dma_start3A_1370 : memref<!tpu.dma_semaphore, #tpu.memory_space<semaphore_mem>>)
      %dma_wait3A_1376 = arith.constant 0 : i32
      %dma_wait3A_1377 = arith.constant 0 : i32
      %dma_wait3A_1378 = arith.constant 0 : i32
      %dma_wait3A_1379 = tpu.memref_slice %arg7[%dma_wait3A_1377, %dma_wait3A_1378] : memref<24x4096xf32, #tpu.memory_space<vmem>> -> memref<8x4096xf32, #tpu.memory_space<vmem>>
      %dma_wait3A_1380 = arith.constant 0 : i32
      %dma_wait3A_1381 = arith.constant 0 : i32
      %dma_wait3A_1382 = tpu.memref_slice %arg2[%dma_wait3A_1380, %dma_wait3A_1381] : memref<12288x4096xf32, #tpu.memory_space<hbm>> -> memref<8x4096xf32, #tpu.memory_space<hbm>>
      %dma_wait3A_1383 = tpu.memref_slice %arg8[%dma_wait3A_1376] : memref<3x!tpu.dma_semaphore, #tpu.memory_space<semaphore_mem>> -> memref<1x!tpu.dma_semaphore, #tpu.memory_space<semaphore_mem>>
      %dma_wait3A_1384 = tpu.memref_squeeze %dma_wait3A_1383 : memref<1x!tpu.dma_semaphore, #tpu.memory_space<semaphore_mem>> -> memref<!tpu.dma_semaphore, #tpu.memory_space<semaphore_mem>>
      %dma_wait3A_1385 = arith.constant 0 : i32
      %dma_wait3A_1386 = arith.constant 0 : i32
      %dma_wait3A_1387 = tpu.memref_slice %arg7[%dma_wait3A_1385, %dma_wait3A_1386] : memref<24x4096xf32, #tpu.memory_space<vmem>> -> memref<8x4096xf32, #tpu.memory_space<vmem>>
      %dma_wait3A_1388 = arith.constant 0 : i32
      %dma_wait3A_1389 = arith.constant 0 : i32
      %dma_wait3A_1390 = tpu.memref_slice %arg2[%dma_wait3A_1388, %dma_wait3A_1389] : memref<12288x4096xf32, #tpu.memory_space<hbm>> -> memref<8x4096xf32, #tpu.memory_space<hbm>>
      tpu.wait_dma2 semaphore(%dma_wait3A_1384 : memref<!tpu.dma_semaphore, #tpu.memory_space<semaphore_mem>>) src(%dma_wait3A_1390 : memref<8x4096xf32, #tpu.memory_space<hbm>>) dst(%dma_wait3A_1387 : memref<8x4096xf32, #tpu.memory_space<vmem>>)
      %mul3A_1391 = arith.constant 8 : i32
      %mul3A_1392 = arith.muli %add3A_1233, %mul3A_1391 : i32
      %add3A_1393 = arith.addi %mul3A_2, %mul3A_1392 : i32
      %dma_start3A_1394 = arith.constant 0 : i32
      %dma_start3A_1395 = arith.constant 0 : i32
      %dma_start3A_1396 = arith.constant 0 : i32
      %dma_start3A_1397 = tpu.memref_slice %arg7[%dma_start3A_1395, %dma_start3A_1396] : memref<24x4096xf32, #tpu.memory_space<vmem>> -> memref<8x4096xf32, #tpu.memory_space<vmem>>
      %dma_start3A_1398 = arith.constant 0 : i32
      %dma_start3A_1399 = tpu.memref_slice %arg4[%add3A_1393, %dma_start3A_1398] : memref<12288x4096xf32, #tpu.memory_space<hbm>> -> memref<8x4096xf32, #tpu.memory_space<hbm>>
      %dma_start3A_1400 = tpu.memref_slice %arg9[%dma_start3A_1394] : memref<3x!tpu.dma_semaphore, #tpu.memory_space<semaphore_mem>> -> memref<1x!tpu.dma_semaphore, #tpu.memory_space<semaphore_mem>>
      %dma_start3A_1401 = tpu.memref_squeeze %dma_start3A_1400 : memref<1x!tpu.dma_semaphore, #tpu.memory_space<semaphore_mem>> -> memref<!tpu.dma_semaphore, #tpu.memory_space<semaphore_mem>>
      %dma_start3A_1402 = arith.constant 0 : i32
      %dma_start3A_1403 = tpu.memref_slice %arg4[%add3A_1393, %dma_start3A_1402] : memref<12288x4096xf32, #tpu.memory_space<hbm>> -> memref<8x4096xf32, #tpu.memory_space<hbm>>
      %dma_start3A_1404 = arith.constant 0 : i32
      %dma_start3A_1405 = arith.constant 0 : i32
      %dma_start3A_1406 = tpu.memref_slice %arg7[%dma_start3A_1404, %dma_start3A_1405] : memref<24x4096xf32, #tpu.memory_space<vmem>> -> memref<8x4096xf32, #tpu.memory_space<vmem>>
      tpu.enqueue_dma source(%dma_start3A_1406 : memref<8x4096xf32, #tpu.memory_space<vmem>>) target(%dma_start3A_1403 : memref<8x4096xf32, #tpu.memory_space<hbm>>) target_semaphore(%dma_start3A_1401 : memref<!tpu.dma_semaphore, #tpu.memory_space<semaphore_mem>>)
      %add3A_1407 = arith.constant 1 : i32
      %add3A_1408 = arith.addi %mul3A_1231, %add3A_1407 : i32
      %dma_wait3A_1409 = arith.constant 0 : i32
      %dma_wait3A_1410 = arith.constant 0 : i32
      %dma_wait3A_1411 = arith.constant 0 : i32
      %dma_wait3A_1412 = tpu.memref_slice %arg7[%dma_wait3A_1410, %dma_wait3A_1411] : memref<24x4096xf32, #tpu.memory_space<vmem>> -> memref<8x4096xf32, #tpu.memory_space<vmem>>
      %dma_wait3A_1413 = arith.constant 0 : i32
      %dma_wait3A_1414 = arith.constant 0 : i32
      %dma_wait3A_1415 = tpu.memref_slice %arg4[%dma_wait3A_1413, %dma_wait3A_1414] : memref<12288x4096xf32, #tpu.memory_space<hbm>> -> memref<8x4096xf32, #tpu.memory_space<hbm>>
      %dma_wait3A_1416 = tpu.memref_slice %arg9[%dma_wait3A_1409] : memref<3x!tpu.dma_semaphore, #tpu.memory_space<semaphore_mem>> -> memref<1x!tpu.dma_semaphore, #tpu.memory_space<semaphore_mem>>
      %dma_wait3A_1417 = tpu.memref_squeeze %dma_wait3A_1416 : memref<1x!tpu.dma_semaphore, #tpu.memory_space<semaphore_mem>> -> memref<!tpu.dma_semaphore, #tpu.memory_space<semaphore_mem>>
      %dma_wait3A_1418 = arith.constant 0 : i32
      %dma_wait3A_1419 = arith.constant 0 : i32
      %dma_wait3A_1420 = tpu.memref_slice %arg4[%dma_wait3A_1418, %dma_wait3A_1419] : memref<12288x4096xf32, #tpu.memory_space<hbm>> -> memref<8x4096xf32, #tpu.memory_space<hbm>>
      %dma_wait3A_1421 = arith.constant 0 : i32
      %dma_wait3A_1422 = arith.constant 0 : i32
      %dma_wait3A_1423 = tpu.memref_slice %arg7[%dma_wait3A_1421, %dma_wait3A_1422] : memref<24x4096xf32, #tpu.memory_space<vmem>> -> memref<8x4096xf32, #tpu.memory_space<vmem>>
      tpu.wait_dma2 semaphore(%dma_wait3A_1417 : memref<!tpu.dma_semaphore, #tpu.memory_space<semaphore_mem>>) src(%dma_wait3A_1423 : memref<8x4096xf32, #tpu.memory_space<vmem>>) dst(%dma_wait3A_1420 : memref<8x4096xf32, #tpu.memory_space<hbm>>)
      %add3A_1424 = arith.constant 2 : i32
      %add3A_1425 = arith.addi %add3A_1408, %add3A_1424 : i32
      %mul3A_1426 = arith.constant 8 : i32
      %mul3A_1427 = arith.muli %add3A_1425, %mul3A_1426 : i32
      %get3A_1428 = arith.index_cast %mul3A_1427 : i32 to index
      %get3A_1429 = tpu.vector_load %arg6[%get3A_1428] {strides = array<i32>} : memref<400xi32, #tpu.memory_space<vmem>>, vector<16xi32>,
      %get3A_1430 = vector.shape_cast %get3A_1429 : vector<16xi32> to vector<16xi32>
      %slice3A_1431 = vector.extract_strided_slice %get3A_1430 {offsets = [0], sizes = [1], strides = [1]} : vector<16xi32> to vector<1xi32>
      %squeeze3A_1432 = vector.extract %slice3A_1431[0] : i32 from vector<1xi32>
      %dma_start3A_1433 = arith.constant 0 : i32
      %dma_start3A_1434 = arith.constant 0 : i32
      %dma_start3A_1435 = arith.constant 0 : i32
      %dma_start3A_1436 = tpu.memref_slice %arg7[%dma_start3A_1434, %dma_start3A_1435] : memref<24x4096xf32, #tpu.memory_space<vmem>> -> memref<1x4096xf32, #tpu.memory_space<vmem>>
      %dma_start3A_1437 = arith.constant 0 : i32
      %dma_start3A_1438 = tpu.memref_slice %arg2[%squeeze3A_1432, %dma_start3A_1437] : memref<12288x4096xf32, #tpu.memory_space<hbm>> -> memref<1x4096xf32, #tpu.memory_space<hbm>>
      %dma_start3A_1439 = tpu.memref_slice %arg8[%dma_start3A_1433] : memref<3x!tpu.dma_semaphore, #tpu.memory_space<semaphore_mem>> -> memref<1x!tpu.dma_semaphore, #tpu.memory_space<semaphore_mem>>
      %dma_start3A_1440 = tpu.memref_squeeze %dma_start3A_1439 : memref<1x!tpu.dma_semaphore, #tpu.memory_space<semaphore_mem>> -> memref<!tpu.dma_semaphore, #tpu.memory_space<semaphore_mem>>
      %dma_start3A_1441 = arith.constant 0 : i32
      %dma_start3A_1442 = arith.constant 0 : i32
      %dma_start3A_1443 = tpu.memref_slice %arg7[%dma_start3A_1441, %dma_start3A_1442] : memref<24x4096xf32, #tpu.memory_space<vmem>> -> memref<1x4096xf32, #tpu.memory_space<vmem>>
      %dma_start3A_1444 = arith.constant 0 : i32
      %dma_start3A_1445 = tpu.memref_slice %arg2[%squeeze3A_1432, %dma_start3A_1444] : memref<12288x4096xf32, #tpu.memory_space<hbm>> -> memref<1x4096xf32, #tpu.memory_space<hbm>>
      tpu.enqueue_dma source(%dma_start3A_1445 : memref<1x4096xf32, #tpu.memory_space<hbm>>) target(%dma_start3A_1443 : memref<1x4096xf32, #tpu.memory_space<vmem>>) target_semaphore(%dma_start3A_1440 : memref<!tpu.dma_semaphore, #tpu.memory_space<semaphore_mem>>)
      %slice3A_1446 = vector.extract_strided_slice %get3A_1430 {offsets = [1], sizes = [1], strides = [1]} : vector<16xi32> to vector<1xi32>
      %squeeze3A_1447 = vector.extract %slice3A_1446[0] : i32 from vector<1xi32>
      %dma_start3A_1448 = arith.constant 0 : i32
      %dma_start3A_1449 = arith.constant 1 : i32
      %dma_start3A_1450 = arith.constant 0 : i32
      %dma_start3A_1451 = tpu.memref_slice %arg7[%dma_start3A_1449, %dma_start3A_1450] : memref<24x4096xf32, #tpu.memory_space<vmem>> -> memref<1x4096xf32, #tpu.memory_space<vmem>>
      %dma_start3A_1452 = arith.constant 0 : i32
      %dma_start3A_1453 = tpu.memref_slice %arg2[%squeeze3A_1447, %dma_start3A_1452] : memref<12288x4096xf32, #tpu.memory_space<hbm>> -> memref<1x4096xf32, #tpu.memory_space<hbm>>
      %dma_start3A_1454 = tpu.memref_slice %arg8[%dma_start3A_1448] : memref<3x!tpu.dma_semaphore, #tpu.memory_space<semaphore_mem>> -> memref<1x!tpu.dma_semaphore, #tpu.memory_space<semaphore_mem>>
      %dma_start3A_1455 = tpu.memref_squeeze %dma_start3A_1454 : memref<1x!tpu.dma_semaphore, #tpu.memory_space<semaphore_mem>> -> memref<!tpu.dma_semaphore, #tpu.memory_space<semaphore_mem>>
      %dma_start3A_1456 = arith.constant 1 : i32
      %dma_start3A_1457 = arith.constant 0 : i32
      %dma_start3A_1458 = tpu.memref_slice %arg7[%dma_start3A_1456, %dma_start3A_1457] : memref<24x4096xf32, #tpu.memory_space<vmem>> -> memref<1x4096xf32, #tpu.memory_space<vmem>>
      %dma_start3A_1459 = arith.constant 0 : i32
      %dma_start3A_1460 = tpu.memref_slice %arg2[%squeeze3A_1447, %dma_start3A_1459] : memref<12288x4096xf32, #tpu.memory_space<hbm>> -> memref<1x4096xf32, #tpu.memory_space<hbm>>
      tpu.enqueue_dma source(%dma_start3A_1460 : memref<1x4096xf32, #tpu.memory_space<hbm>>) target(%dma_start3A_1458 : memref<1x4096xf32, #tpu.memory_space<vmem>>) target_semaphore(%dma_start3A_1455 : memref<!tpu.dma_semaphore, #tpu.memory_space<semaphore_mem>>)
      %slice3A_1461 = vector.extract_strided_slice %get3A_1430 {offsets = [2], sizes = [1], strides = [1]} : vector<16xi32> to vector<1xi32>
      %squeeze3A_1462 = vector.extract %slice3A_1461[0] : i32 from vector<1xi32>
      %dma_start3A_1463 = arith.constant 0 : i32
      %dma_start3A_1464 = arith.constant 2 : i32
      %dma_start3A_1465 = arith.constant 0 : i32
      %dma_start3A_1466 = tpu.memref_slice %arg7[%dma_start3A_1464, %dma_start3A_1465] : memref<24x4096xf32, #tpu.memory_space<vmem>> -> memref<1x4096xf32, #tpu.memory_space<vmem>>
      %dma_start3A_1467 = arith.constant 0 : i32
      %dma_start3A_1468 = tpu.memref_slice %arg2[%squeeze3A_1462, %dma_start3A_1467] : memref<12288x4096xf32, #tpu.memory_space<hbm>> -> memref<1x4096xf32, #tpu.memory_space<hbm>>
      %dma_start3A_1469 = tpu.memref_slice %arg8[%dma_start3A_1463] : memref<3x!tpu.dma_semaphore, #tpu.memory_space<semaphore_mem>> -> memref<1x!tpu.dma_semaphore, #tpu.memory_space<semaphore_mem>>
      %dma_start3A_1470 = tpu.memref_squeeze %dma_start3A_1469 : memref<1x!tpu.dma_semaphore, #tpu.memory_space<semaphore_mem>> -> memref<!tpu.dma_semaphore, #tpu.memory_space<semaphore_mem>>
      %dma_start3A_1471 = arith.constant 2 : i32
      %dma_start3A_1472 = arith.constant 0 : i32
      %dma_start3A_1473 = tpu.memref_slice %arg7[%dma_start3A_1471, %dma_start3A_1472] : memref<24x4096xf32, #tpu.memory_space<vmem>> -> memref<1x4096xf32, #tpu.memory_space<vmem>>
      %dma_start3A_1474 = arith.constant 0 : i32
      %dma_start3A_1475 = tpu.memref_slice %arg2[%squeeze3A_1462, %dma_start3A_1474] : memref<12288x4096xf32, #tpu.memory_space<hbm>> -> memref<1x4096xf32, #tpu.memory_space<hbm>>
      tpu.enqueue_dma source(%dma_start3A_1475 : memref<1x4096xf32, #tpu.memory_space<hbm>>) target(%dma_start3A_1473 : memref<1x4096xf32, #tpu.memory_space<vmem>>) target_semaphore(%dma_start3A_1470 : memref<!tpu.dma_semaphore, #tpu.memory_space<semaphore_mem>>)
      %slice3A_1476 = vector.extract_strided_slice %get3A_1430 {offsets = [3], sizes = [1], strides = [1]} : vector<16xi32> to vector<1xi32>
      %squeeze3A_1477 = vector.extract %slice3A_1476[0] : i32 from vector<1xi32>
      %dma_start3A_1478 = arith.constant 0 : i32
      %dma_start3A_1479 = arith.constant 3 : i32
      %dma_start3A_1480 = arith.constant 0 : i32
      %dma_start3A_1481 = tpu.memref_slice %arg7[%dma_start3A_1479, %dma_start3A_1480] : memref<24x4096xf32, #tpu.memory_space<vmem>> -> memref<1x4096xf32, #tpu.memory_space<vmem>>
      %dma_start3A_1482 = arith.constant 0 : i32
      %dma_start3A_1483 = tpu.memref_slice %arg2[%squeeze3A_1477, %dma_start3A_1482] : memref<12288x4096xf32, #tpu.memory_space<hbm>> -> memref<1x4096xf32, #tpu.memory_space<hbm>>
      %dma_start3A_1484 = tpu.memref_slice %arg8[%dma_start3A_1478] : memref<3x!tpu.dma_semaphore, #tpu.memory_space<semaphore_mem>> -> memref<1x!tpu.dma_semaphore, #tpu.memory_space<semaphore_mem>>
      %dma_start3A_1485 = tpu.memref_squeeze %dma_start3A_1484 : memref<1x!tpu.dma_semaphore, #tpu.memory_space<semaphore_mem>> -> memref<!tpu.dma_semaphore, #tpu.memory_space<semaphore_mem>>
      %dma_start3A_1486 = arith.constant 3 : i32
      %dma_start3A_1487 = arith.constant 0 : i32
      %dma_start3A_1488 = tpu.memref_slice %arg7[%dma_start3A_1486, %dma_start3A_1487] : memref<24x4096xf32, #tpu.memory_space<vmem>> -> memref<1x4096xf32, #tpu.memory_space<vmem>>
      %dma_start3A_1489 = arith.constant 0 : i32
      %dma_start3A_1490 = tpu.memref_slice %arg2[%squeeze3A_1477, %dma_start3A_1489] : memref<12288x4096xf32, #tpu.memory_space<hbm>> -> memref<1x4096xf32, #tpu.memory_space<hbm>>
      tpu.enqueue_dma source(%dma_start3A_1490 : memref<1x4096xf32, #tpu.memory_space<hbm>>) target(%dma_start3A_1488 : memref<1x4096xf32, #tpu.memory_space<vmem>>) target_semaphore(%dma_start3A_1485 : memref<!tpu.dma_semaphore, #tpu.memory_space<semaphore_mem>>)
      %slice3A_1491 = vector.extract_strided_slice %get3A_1430 {offsets = [4], sizes = [1], strides = [1]} : vector<16xi32> to vector<1xi32>
      %squeeze3A_1492 = vector.extract %slice3A_1491[0] : i32 from vector<1xi32>
      %dma_start3A_1493 = arith.constant 0 : i32
      %dma_start3A_1494 = arith.constant 4 : i32
      %dma_start3A_1495 = arith.constant 0 : i32
      %dma_start3A_1496 = tpu.memref_slice %arg7[%dma_start3A_1494, %dma_start3A_1495] : memref<24x4096xf32, #tpu.memory_space<vmem>> -> memref<1x4096xf32, #tpu.memory_space<vmem>>
      %dma_start3A_1497 = arith.constant 0 : i32
      %dma_start3A_1498 = tpu.memref_slice %arg2[%squeeze3A_1492, %dma_start3A_1497] : memref<12288x4096xf32, #tpu.memory_space<hbm>> -> memref<1x4096xf32, #tpu.memory_space<hbm>>
      %dma_start3A_1499 = tpu.memref_slice %arg8[%dma_start3A_1493] : memref<3x!tpu.dma_semaphore, #tpu.memory_space<semaphore_mem>> -> memref<1x!tpu.dma_semaphore, #tpu.memory_space<semaphore_mem>>
      %dma_start3A_1500 = tpu.memref_squeeze %dma_start3A_1499 : memref<1x!tpu.dma_semaphore, #tpu.memory_space<semaphore_mem>> -> memref<!tpu.dma_semaphore, #tpu.memory_space<semaphore_mem>>
      %dma_start3A_1501 = arith.constant 4 : i32
      %dma_start3A_1502 = arith.constant 0 : i32
      %dma_start3A_1503 = tpu.memref_slice %arg7[%dma_start3A_1501, %dma_start3A_1502] : memref<24x4096xf32, #tpu.memory_space<vmem>> -> memref<1x4096xf32, #tpu.memory_space<vmem>>
      %dma_start3A_1504 = arith.constant 0 : i32
      %dma_start3A_1505 = tpu.memref_slice %arg2[%squeeze3A_1492, %dma_start3A_1504] : memref<12288x4096xf32, #tpu.memory_space<hbm>> -> memref<1x4096xf32, #tpu.memory_space<hbm>>
      tpu.enqueue_dma source(%dma_start3A_1505 : memref<1x4096xf32, #tpu.memory_space<hbm>>) target(%dma_start3A_1503 : memref<1x4096xf32, #tpu.memory_space<vmem>>) target_semaphore(%dma_start3A_1500 : memref<!tpu.dma_semaphore, #tpu.memory_space<semaphore_mem>>)
      %slice3A_1506 = vector.extract_strided_slice %get3A_1430 {offsets = [5], sizes = [1], strides = [1]} : vector<16xi32> to vector<1xi32>
      %squeeze3A_1507 = vector.extract %slice3A_1506[0] : i32 from vector<1xi32>
      %dma_start3A_1508 = arith.constant 0 : i32
      %dma_start3A_1509 = arith.constant 5 : i32
      %dma_start3A_1510 = arith.constant 0 : i32
      %dma_start3A_1511 = tpu.memref_slice %arg7[%dma_start3A_1509, %dma_start3A_1510] : memref<24x4096xf32, #tpu.memory_space<vmem>> -> memref<1x4096xf32, #tpu.memory_space<vmem>>
      %dma_start3A_1512 = arith.constant 0 : i32
      %dma_start3A_1513 = tpu.memref_slice %arg2[%squeeze3A_1507, %dma_start3A_1512] : memref<12288x4096xf32, #tpu.memory_space<hbm>> -> memref<1x4096xf32, #tpu.memory_space<hbm>>
      %dma_start3A_1514 = tpu.memref_slice %arg8[%dma_start3A_1508] : memref<3x!tpu.dma_semaphore, #tpu.memory_space<semaphore_mem>> -> memref<1x!tpu.dma_semaphore, #tpu.memory_space<semaphore_mem>>
      %dma_start3A_1515 = tpu.memref_squeeze %dma_start3A_1514 : memref<1x!tpu.dma_semaphore, #tpu.memory_space<semaphore_mem>> -> memref<!tpu.dma_semaphore, #tpu.memory_space<semaphore_mem>>
      %dma_start3A_1516 = arith.constant 5 : i32
      %dma_start3A_1517 = arith.constant 0 : i32
      %dma_start3A_1518 = tpu.memref_slice %arg7[%dma_start3A_1516, %dma_start3A_1517] : memref<24x4096xf32, #tpu.memory_space<vmem>> -> memref<1x4096xf32, #tpu.memory_space<vmem>>
      %dma_start3A_1519 = arith.constant 0 : i32
      %dma_start3A_1520 = tpu.memref_slice %arg2[%squeeze3A_1507, %dma_start3A_1519] : memref<12288x4096xf32, #tpu.memory_space<hbm>> -> memref<1x4096xf32, #tpu.memory_space<hbm>>
      tpu.enqueue_dma source(%dma_start3A_1520 : memref<1x4096xf32, #tpu.memory_space<hbm>>) target(%dma_start3A_1518 : memref<1x4096xf32, #tpu.memory_space<vmem>>) target_semaphore(%dma_start3A_1515 : memref<!tpu.dma_semaphore, #tpu.memory_space<semaphore_mem>>)
      %slice3A_1521 = vector.extract_strided_slice %get3A_1430 {offsets = [6], sizes = [1], strides = [1]} : vector<16xi32> to vector<1xi32>
      %squeeze3A_1522 = vector.extract %slice3A_1521[0] : i32 from vector<1xi32>
      %dma_start3A_1523 = arith.constant 0 : i32
      %dma_start3A_1524 = arith.constant 6 : i32
      %dma_start3A_1525 = arith.constant 0 : i32
      %dma_start3A_1526 = tpu.memref_slice %arg7[%dma_start3A_1524, %dma_start3A_1525] : memref<24x4096xf32, #tpu.memory_space<vmem>> -> memref<1x4096xf32, #tpu.memory_space<vmem>>
      %dma_start3A_1527 = arith.constant 0 : i32
      %dma_start3A_1528 = tpu.memref_slice %arg2[%squeeze3A_1522, %dma_start3A_1527] : memref<12288x4096xf32, #tpu.memory_space<hbm>> -> memref<1x4096xf32, #tpu.memory_space<hbm>>
      %dma_start3A_1529 = tpu.memref_slice %arg8[%dma_start3A_1523] : memref<3x!tpu.dma_semaphore, #tpu.memory_space<semaphore_mem>> -> memref<1x!tpu.dma_semaphore, #tpu.memory_space<semaphore_mem>>
      %dma_start3A_1530 = tpu.memref_squeeze %dma_start3A_1529 : memref<1x!tpu.dma_semaphore, #tpu.memory_space<semaphore_mem>> -> memref<!tpu.dma_semaphore, #tpu.memory_space<semaphore_mem>>
      %dma_start3A_1531 = arith.constant 6 : i32
      %dma_start3A_1532 = arith.constant 0 : i32
      %dma_start3A_1533 = tpu.memref_slice %arg7[%dma_start3A_1531, %dma_start3A_1532] : memref<24x4096xf32, #tpu.memory_space<vmem>> -> memref<1x4096xf32, #tpu.memory_space<vmem>>
      %dma_start3A_1534 = arith.constant 0 : i32
      %dma_start3A_1535 = tpu.memref_slice %arg2[%squeeze3A_1522, %dma_start3A_1534] : memref<12288x4096xf32, #tpu.memory_space<hbm>> -> memref<1x4096xf32, #tpu.memory_space<hbm>>
      tpu.enqueue_dma source(%dma_start3A_1535 : memref<1x4096xf32, #tpu.memory_space<hbm>>) target(%dma_start3A_1533 : memref<1x4096xf32, #tpu.memory_space<vmem>>) target_semaphore(%dma_start3A_1530 : memref<!tpu.dma_semaphore, #tpu.memory_space<semaphore_mem>>)
      %slice3A_1536 = vector.extract_strided_slice %get3A_1430 {offsets = [7], sizes = [1], strides = [1]} : vector<16xi32> to vector<1xi32>
      %squeeze3A_1537 = vector.extract %slice3A_1536[0] : i32 from vector<1xi32>
      %dma_start3A_1538 = arith.constant 0 : i32
      %dma_start3A_1539 = arith.constant 7 : i32
      %dma_start3A_1540 = arith.constant 0 : i32
      %dma_start3A_1541 = tpu.memref_slice %arg7[%dma_start3A_1539, %dma_start3A_1540] : memref<24x4096xf32, #tpu.memory_space<vmem>> -> memref<1x4096xf32, #tpu.memory_space<vmem>>
      %dma_start3A_1542 = arith.constant 0 : i32
      %dma_start3A_1543 = tpu.memref_slice %arg2[%squeeze3A_1537, %dma_start3A_1542] : memref<12288x4096xf32, #tpu.memory_space<hbm>> -> memref<1x4096xf32, #tpu.memory_space<hbm>>
      %dma_start3A_1544 = tpu.memref_slice %arg8[%dma_start3A_1538] : memref<3x!tpu.dma_semaphore, #tpu.memory_space<semaphore_mem>> -> memref<1x!tpu.dma_semaphore, #tpu.memory_space<semaphore_mem>>
      %dma_start3A_1545 = tpu.memref_squeeze %dma_start3A_1544 : memref<1x!tpu.dma_semaphore, #tpu.memory_space<semaphore_mem>> -> memref<!tpu.dma_semaphore, #tpu.memory_space<semaphore_mem>>
      %dma_start3A_1546 = arith.constant 7 : i32
      %dma_start3A_1547 = arith.constant 0 : i32
      %dma_start3A_1548 = tpu.memref_slice %arg7[%dma_start3A_1546, %dma_start3A_1547] : memref<24x4096xf32, #tpu.memory_space<vmem>> -> memref<1x4096xf32, #tpu.memory_space<vmem>>
      %dma_start3A_1549 = arith.constant 0 : i32
      %dma_start3A_1550 = tpu.memref_slice %arg2[%squeeze3A_1537, %dma_start3A_1549] : memref<12288x4096xf32, #tpu.memory_space<hbm>> -> memref<1x4096xf32, #tpu.memory_space<hbm>>
      tpu.enqueue_dma source(%dma_start3A_1550 : memref<1x4096xf32, #tpu.memory_space<hbm>>) target(%dma_start3A_1548 : memref<1x4096xf32, #tpu.memory_space<vmem>>) target_semaphore(%dma_start3A_1545 : memref<!tpu.dma_semaphore, #tpu.memory_space<semaphore_mem>>)
      %dma_wait3A_1551 = arith.constant 1 : i32
      %dma_wait3A_1552 = arith.constant 8 : i32
      %dma_wait3A_1553 = arith.constant 0 : i32
      %dma_wait3A_1554 = tpu.memref_slice %arg7[%dma_wait3A_1552, %dma_wait3A_1553] : memref<24x4096xf32, #tpu.memory_space<vmem>> -> memref<8x4096xf32, #tpu.memory_space<vmem>>
      %dma_wait3A_1555 = arith.constant 0 : i32
      %dma_wait3A_1556 = arith.constant 0 : i32
      %dma_wait3A_1557 = tpu.memref_slice %arg2[%dma_wait3A_1555, %dma_wait3A_1556] : memref<12288x4096xf32, #tpu.memory_space<hbm>> -> memref<8x4096xf32, #tpu.memory_space<hbm>>
      %dma_wait3A_1558 = tpu.memref_slice %arg8[%dma_wait3A_1551] : memref<3x!tpu.dma_semaphore, #tpu.memory_space<semaphore_mem>> -> memref<1x!tpu.dma_semaphore, #tpu.memory_space<semaphore_mem>>
      %dma_wait3A_1559 = tpu.memref_squeeze %dma_wait3A_1558 : memref<1x!tpu.dma_semaphore, #tpu.memory_space<semaphore_mem>> -> memref<!tpu.dma_semaphore, #tpu.memory_space<semaphore_mem>>
      %dma_wait3A_1560 = arith.constant 8 : i32
      %dma_wait3A_1561 = arith.constant 0 : i32
      %dma_wait3A_1562 = tpu.memref_slice %arg7[%dma_wait3A_1560, %dma_wait3A_1561] : memref<24x4096xf32, #tpu.memory_space<vmem>> -> memref<8x4096xf32, #tpu.memory_space<vmem>>
      %dma_wait3A_1563 = arith.constant 0 : i32
      %dma_wait3A_1564 = arith.constant 0 : i32
      %dma_wait3A_1565 = tpu.memref_slice %arg2[%dma_wait3A_1563, %dma_wait3A_1564] : memref<12288x4096xf32, #tpu.memory_space<hbm>> -> memref<8x4096xf32, #tpu.memory_space<hbm>>
      tpu.wait_dma2 semaphore(%dma_wait3A_1559 : memref<!tpu.dma_semaphore, #tpu.memory_space<semaphore_mem>>) src(%dma_wait3A_1565 : memref<8x4096xf32, #tpu.memory_space<hbm>>) dst(%dma_wait3A_1562 : memref<8x4096xf32, #tpu.memory_space<vmem>>)
      %mul3A_1566 = arith.constant 8 : i32
      %mul3A_1567 = arith.muli %add3A_1408, %mul3A_1566 : i32
      %add3A_1568 = arith.addi %mul3A_2, %mul3A_1567 : i32
      %dma_start3A_1569 = arith.constant 1 : i32
      %dma_start3A_1570 = arith.constant 8 : i32
      %dma_start3A_1571 = arith.constant 0 : i32
      %dma_start3A_1572 = tpu.memref_slice %arg7[%dma_start3A_1570, %dma_start3A_1571] : memref<24x4096xf32, #tpu.memory_space<vmem>> -> memref<8x4096xf32, #tpu.memory_space<vmem>>
      %dma_start3A_1573 = arith.constant 0 : i32
      %dma_start3A_1574 = tpu.memref_slice %arg4[%add3A_1568, %dma_start3A_1573] : memref<12288x4096xf32, #tpu.memory_space<hbm>> -> memref<8x4096xf32, #tpu.memory_space<hbm>>
      %dma_start3A_1575 = tpu.memref_slice %arg9[%dma_start3A_1569] : memref<3x!tpu.dma_semaphore, #tpu.memory_space<semaphore_mem>> -> memref<1x!tpu.dma_semaphore, #tpu.memory_space<semaphore_mem>>
      %dma_start3A_1576 = tpu.memref_squeeze %dma_start3A_1575 : memref<1x!tpu.dma_semaphore, #tpu.memory_space<semaphore_mem>> -> memref<!tpu.dma_semaphore, #tpu.memory_space<semaphore_mem>>
      %dma_start3A_1577 = arith.constant 0 : i32
      %dma_start3A_1578 = tpu.memref_slice %arg4[%add3A_1568, %dma_start3A_1577] : memref<12288x4096xf32, #tpu.memory_space<hbm>> -> memref<8x4096xf32, #tpu.memory_space<hbm>>
      %dma_start3A_1579 = arith.constant 8 : i32
      %dma_start3A_1580 = arith.constant 0 : i32
      %dma_start3A_1581 = tpu.memref_slice %arg7[%dma_start3A_1579, %dma_start3A_1580] : memref<24x4096xf32, #tpu.memory_space<vmem>> -> memref<8x4096xf32, #tpu.memory_space<vmem>>
      tpu.enqueue_dma source(%dma_start3A_1581 : memref<8x4096xf32, #tpu.memory_space<vmem>>) target(%dma_start3A_1578 : memref<8x4096xf32, #tpu.memory_space<hbm>>) target_semaphore(%dma_start3A_1576 : memref<!tpu.dma_semaphore, #tpu.memory_space<semaphore_mem>>)
      %add3A_1582 = arith.constant 2 : i32
      %add3A_1583 = arith.addi %mul3A_1231, %add3A_1582 : i32
      %dma_wait3A_1584 = arith.constant 1 : i32
      %dma_wait3A_1585 = arith.constant 8 : i32
      %dma_wait3A_1586 = arith.constant 0 : i32
      %dma_wait3A_1587 = tpu.memref_slice %arg7[%dma_wait3A_1585, %dma_wait3A_1586] : memref<24x4096xf32, #tpu.memory_space<vmem>> -> memref<8x4096xf32, #tpu.memory_space<vmem>>
      %dma_wait3A_1588 = arith.constant 0 : i32
      %dma_wait3A_1589 = arith.constant 0 : i32
      %dma_wait3A_1590 = tpu.memref_slice %arg4[%dma_wait3A_1588, %dma_wait3A_1589] : memref<12288x4096xf32, #tpu.memory_space<hbm>> -> memref<8x4096xf32, #tpu.memory_space<hbm>>
      %dma_wait3A_1591 = tpu.memref_slice %arg9[%dma_wait3A_1584] : memref<3x!tpu.dma_semaphore, #tpu.memory_space<semaphore_mem>> -> memref<1x!tpu.dma_semaphore, #tpu.memory_space<semaphore_mem>>
      %dma_wait3A_1592 = tpu.memref_squeeze %dma_wait3A_1591 : memref<1x!tpu.dma_semaphore, #tpu.memory_space<semaphore_mem>> -> memref<!tpu.dma_semaphore, #tpu.memory_space<semaphore_mem>>
      %dma_wait3A_1593 = arith.constant 0 : i32
      %dma_wait3A_1594 = arith.constant 0 : i32
      %dma_wait3A_1595 = tpu.memref_slice %arg4[%dma_wait3A_1593, %dma_wait3A_1594] : memref<12288x4096xf32, #tpu.memory_space<hbm>> -> memref<8x4096xf32, #tpu.memory_space<hbm>>
      %dma_wait3A_1596 = arith.constant 8 : i32
      %dma_wait3A_1597 = arith.constant 0 : i32
      %dma_wait3A_1598 = tpu.memref_slice %arg7[%dma_wait3A_1596, %dma_wait3A_1597] : memref<24x4096xf32, #tpu.memory_space<vmem>> -> memref<8x4096xf32, #tpu.memory_space<vmem>>
      tpu.wait_dma2 semaphore(%dma_wait3A_1592 : memref<!tpu.dma_semaphore, #tpu.memory_space<semaphore_mem>>) src(%dma_wait3A_1598 : memref<8x4096xf32, #tpu.memory_space<vmem>>) dst(%dma_wait3A_1595 : memref<8x4096xf32, #tpu.memory_space<hbm>>)
      %add3A_1599 = arith.constant 2 : i32
      %add3A_1600 = arith.addi %add3A_1583, %add3A_1599 : i32
      %mul3A_1601 = arith.constant 8 : i32
      %mul3A_1602 = arith.muli %add3A_1600, %mul3A_1601 : i32
      %get3A_1603 = arith.index_cast %mul3A_1602 : i32 to index
      %get3A_1604 = tpu.vector_load %arg6[%get3A_1603] {strides = array<i32>} : memref<400xi32, #tpu.memory_space<vmem>>, vector<16xi32>,
      %get3A_1605 = vector.shape_cast %get3A_1604 : vector<16xi32> to vector<16xi32>
      %slice3A_1606 = vector.extract_strided_slice %get3A_1605 {offsets = [0], sizes = [1], strides = [1]} : vector<16xi32> to vector<1xi32>
      %squeeze3A_1607 = vector.extract %slice3A_1606[0] : i32 from vector<1xi32>
      %dma_start3A_1608 = arith.constant 1 : i32
      %dma_start3A_1609 = arith.constant 8 : i32
      %dma_start3A_1610 = arith.constant 0 : i32
      %dma_start3A_1611 = tpu.memref_slice %arg7[%dma_start3A_1609, %dma_start3A_1610] : memref<24x4096xf32, #tpu.memory_space<vmem>> -> memref<1x4096xf32, #tpu.memory_space<vmem>>
      %dma_start3A_1612 = arith.constant 0 : i32
      %dma_start3A_1613 = tpu.memref_slice %arg2[%squeeze3A_1607, %dma_start3A_1612] : memref<12288x4096xf32, #tpu.memory_space<hbm>> -> memref<1x4096xf32, #tpu.memory_space<hbm>>
      %dma_start3A_1614 = tpu.memref_slice %arg8[%dma_start3A_1608] : memref<3x!tpu.dma_semaphore, #tpu.memory_space<semaphore_mem>> -> memref<1x!tpu.dma_semaphore, #tpu.memory_space<semaphore_mem>>
      %dma_start3A_1615 = tpu.memref_squeeze %dma_start3A_1614 : memref<1x!tpu.dma_semaphore, #tpu.memory_space<semaphore_mem>> -> memref<!tpu.dma_semaphore, #tpu.memory_space<semaphore_mem>>
      %dma_start3A_1616 = arith.constant 8 : i32
      %dma_start3A_1617 = arith.constant 0 : i32
      %dma_start3A_1618 = tpu.memref_slice %arg7[%dma_start3A_1616, %dma_start3A_1617] : memref<24x4096xf32, #tpu.memory_space<vmem>> -> memref<1x4096xf32, #tpu.memory_space<vmem>>
      %dma_start3A_1619 = arith.constant 0 : i32
      %dma_start3A_1620 = tpu.memref_slice %arg2[%squeeze3A_1607, %dma_start3A_1619] : memref<12288x4096xf32, #tpu.memory_space<hbm>> -> memref<1x4096xf32, #tpu.memory_space<hbm>>
      tpu.enqueue_dma source(%dma_start3A_1620 : memref<1x4096xf32, #tpu.memory_space<hbm>>) target(%dma_start3A_1618 : memref<1x4096xf32, #tpu.memory_space<vmem>>) target_semaphore(%dma_start3A_1615 : memref<!tpu.dma_semaphore, #tpu.memory_space<semaphore_mem>>)
      %slice3A_1621 = vector.extract_strided_slice %get3A_1605 {offsets = [1], sizes = [1], strides = [1]} : vector<16xi32> to vector<1xi32>
      %squeeze3A_1622 = vector.extract %slice3A_1621[0] : i32 from vector<1xi32>
      %dma_start3A_1623 = arith.constant 1 : i32
      %dma_start3A_1624 = arith.constant 9 : i32
      %dma_start3A_1625 = arith.constant 0 : i32
      %dma_start3A_1626 = tpu.memref_slice %arg7[%dma_start3A_1624, %dma_start3A_1625] : memref<24x4096xf32, #tpu.memory_space<vmem>> -> memref<1x4096xf32, #tpu.memory_space<vmem>>
      %dma_start3A_1627 = arith.constant 0 : i32
      %dma_start3A_1628 = tpu.memref_slice %arg2[%squeeze3A_1622, %dma_start3A_1627] : memref<12288x4096xf32, #tpu.memory_space<hbm>> -> memref<1x4096xf32, #tpu.memory_space<hbm>>
      %dma_start3A_1629 = tpu.memref_slice %arg8[%dma_start3A_1623] : memref<3x!tpu.dma_semaphore, #tpu.memory_space<semaphore_mem>> -> memref<1x!tpu.dma_semaphore, #tpu.memory_space<semaphore_mem>>
      %dma_start3A_1630 = tpu.memref_squeeze %dma_start3A_1629 : memref<1x!tpu.dma_semaphore, #tpu.memory_space<semaphore_mem>> -> memref<!tpu.dma_semaphore, #tpu.memory_space<semaphore_mem>>
      %dma_start3A_1631 = arith.constant 9 : i32
      %dma_start3A_1632 = arith.constant 0 : i32
      %dma_start3A_1633 = tpu.memref_slice %arg7[%dma_start3A_1631, %dma_start3A_1632] : memref<24x4096xf32, #tpu.memory_space<vmem>> -> memref<1x4096xf32, #tpu.memory_space<vmem>>
      %dma_start3A_1634 = arith.constant 0 : i32
      %dma_start3A_1635 = tpu.memref_slice %arg2[%squeeze3A_1622, %dma_start3A_1634] : memref<12288x4096xf32, #tpu.memory_space<hbm>> -> memref<1x4096xf32, #tpu.memory_space<hbm>>
      tpu.enqueue_dma source(%dma_start3A_1635 : memref<1x4096xf32, #tpu.memory_space<hbm>>) target(%dma_start3A_1633 : memref<1x4096xf32, #tpu.memory_space<vmem>>) target_semaphore(%dma_start3A_1630 : memref<!tpu.dma_semaphore, #tpu.memory_space<semaphore_mem>>)
      %slice3A_1636 = vector.extract_strided_slice %get3A_1605 {offsets = [2], sizes = [1], strides = [1]} : vector<16xi32> to vector<1xi32>
      %squeeze3A_1637 = vector.extract %slice3A_1636[0] : i32 from vector<1xi32>
      %dma_start3A_1638 = arith.constant 1 : i32
      %dma_start3A_1639 = arith.constant 10 : i32
      %dma_start3A_1640 = arith.constant 0 : i32
      %dma_start3A_1641 = tpu.memref_slice %arg7[%dma_start3A_1639, %dma_start3A_1640] : memref<24x4096xf32, #tpu.memory_space<vmem>> -> memref<1x4096xf32, #tpu.memory_space<vmem>>
      %dma_start3A_1642 = arith.constant 0 : i32
      %dma_start3A_1643 = tpu.memref_slice %arg2[%squeeze3A_1637, %dma_start3A_1642] : memref<12288x4096xf32, #tpu.memory_space<hbm>> -> memref<1x4096xf32, #tpu.memory_space<hbm>>
      %dma_start3A_1644 = tpu.memref_slice %arg8[%dma_start3A_1638] : memref<3x!tpu.dma_semaphore, #tpu.memory_space<semaphore_mem>> -> memref<1x!tpu.dma_semaphore, #tpu.memory_space<semaphore_mem>>
      %dma_start3A_1645 = tpu.memref_squeeze %dma_start3A_1644 : memref<1x!tpu.dma_semaphore, #tpu.memory_space<semaphore_mem>> -> memref<!tpu.dma_semaphore, #tpu.memory_space<semaphore_mem>>
      %dma_start3A_1646 = arith.constant 10 : i32
      %dma_start3A_1647 = arith.constant 0 : i32
      %dma_start3A_1648 = tpu.memref_slice %arg7[%dma_start3A_1646, %dma_start3A_1647] : memref<24x4096xf32, #tpu.memory_space<vmem>> -> memref<1x4096xf32, #tpu.memory_space<vmem>>
      %dma_start3A_1649 = arith.constant 0 : i32
      %dma_start3A_1650 = tpu.memref_slice %arg2[%squeeze3A_1637, %dma_start3A_1649] : memref<12288x4096xf32, #tpu.memory_space<hbm>> -> memref<1x4096xf32, #tpu.memory_space<hbm>>
      tpu.enqueue_dma source(%dma_start3A_1650 : memref<1x4096xf32, #tpu.memory_space<hbm>>) target(%dma_start3A_1648 : memref<1x4096xf32, #tpu.memory_space<vmem>>) target_semaphore(%dma_start3A_1645 : memref<!tpu.dma_semaphore, #tpu.memory_space<semaphore_mem>>)
      %slice3A_1651 = vector.extract_strided_slice %get3A_1605 {offsets = [3], sizes = [1], strides = [1]} : vector<16xi32> to vector<1xi32>
      %squeeze3A_1652 = vector.extract %slice3A_1651[0] : i32 from vector<1xi32>
      %dma_start3A_1653 = arith.constant 1 : i32
      %dma_start3A_1654 = arith.constant 11 : i32
      %dma_start3A_1655 = arith.constant 0 : i32
      %dma_start3A_1656 = tpu.memref_slice %arg7[%dma_start3A_1654, %dma_start3A_1655] : memref<24x4096xf32, #tpu.memory_space<vmem>> -> memref<1x4096xf32, #tpu.memory_space<vmem>>
      %dma_start3A_1657 = arith.constant 0 : i32
      %dma_start3A_1658 = tpu.memref_slice %arg2[%squeeze3A_1652, %dma_start3A_1657] : memref<12288x4096xf32, #tpu.memory_space<hbm>> -> memref<1x4096xf32, #tpu.memory_space<hbm>>
      %dma_start3A_1659 = tpu.memref_slice %arg8[%dma_start3A_1653] : memref<3x!tpu.dma_semaphore, #tpu.memory_space<semaphore_mem>> -> memref<1x!tpu.dma_semaphore, #tpu.memory_space<semaphore_mem>>
      %dma_start3A_1660 = tpu.memref_squeeze %dma_start3A_1659 : memref<1x!tpu.dma_semaphore, #tpu.memory_space<semaphore_mem>> -> memref<!tpu.dma_semaphore, #tpu.memory_space<semaphore_mem>>
      %dma_start3A_1661 = arith.constant 11 : i32
      %dma_start3A_1662 = arith.constant 0 : i32
      %dma_start3A_1663 = tpu.memref_slice %arg7[%dma_start3A_1661, %dma_start3A_1662] : memref<24x4096xf32, #tpu.memory_space<vmem>> -> memref<1x4096xf32, #tpu.memory_space<vmem>>
      %dma_start3A_1664 = arith.constant 0 : i32
      %dma_start3A_1665 = tpu.memref_slice %arg2[%squeeze3A_1652, %dma_start3A_1664] : memref<12288x4096xf32, #tpu.memory_space<hbm>> -> memref<1x4096xf32, #tpu.memory_space<hbm>>
      tpu.enqueue_dma source(%dma_start3A_1665 : memref<1x4096xf32, #tpu.memory_space<hbm>>) target(%dma_start3A_1663 : memref<1x4096xf32, #tpu.memory_space<vmem>>) target_semaphore(%dma_start3A_1660 : memref<!tpu.dma_semaphore, #tpu.memory_space<semaphore_mem>>)
      %slice3A_1666 = vector.extract_strided_slice %get3A_1605 {offsets = [4], sizes = [1], strides = [1]} : vector<16xi32> to vector<1xi32>
      %squeeze3A_1667 = vector.extract %slice3A_1666[0] : i32 from vector<1xi32>
      %dma_start3A_1668 = arith.constant 1 : i32
      %dma_start3A_1669 = arith.constant 12 : i32
      %dma_start3A_1670 = arith.constant 0 : i32
      %dma_start3A_1671 = tpu.memref_slice %arg7[%dma_start3A_1669, %dma_start3A_1670] : memref<24x4096xf32, #tpu.memory_space<vmem>> -> memref<1x4096xf32, #tpu.memory_space<vmem>>
      %dma_start3A_1672 = arith.constant 0 : i32
      %dma_start3A_1673 = tpu.memref_slice %arg2[%squeeze3A_1667, %dma_start3A_1672] : memref<12288x4096xf32, #tpu.memory_space<hbm>> -> memref<1x4096xf32, #tpu.memory_space<hbm>>
      %dma_start3A_1674 = tpu.memref_slice %arg8[%dma_start3A_1668] : memref<3x!tpu.dma_semaphore, #tpu.memory_space<semaphore_mem>> -> memref<1x!tpu.dma_semaphore, #tpu.memory_space<semaphore_mem>>
      %dma_start3A_1675 = tpu.memref_squeeze %dma_start3A_1674 : memref<1x!tpu.dma_semaphore, #tpu.memory_space<semaphore_mem>> -> memref<!tpu.dma_semaphore, #tpu.memory_space<semaphore_mem>>
      %dma_start3A_1676 = arith.constant 12 : i32
      %dma_start3A_1677 = arith.constant 0 : i32
      %dma_start3A_1678 = tpu.memref_slice %arg7[%dma_start3A_1676, %dma_start3A_1677] : memref<24x4096xf32, #tpu.memory_space<vmem>> -> memref<1x4096xf32, #tpu.memory_space<vmem>>
      %dma_start3A_1679 = arith.constant 0 : i32
      %dma_start3A_1680 = tpu.memref_slice %arg2[%squeeze3A_1667, %dma_start3A_1679] : memref<12288x4096xf32, #tpu.memory_space<hbm>> -> memref<1x4096xf32, #tpu.memory_space<hbm>>
      tpu.enqueue_dma source(%dma_start3A_1680 : memref<1x4096xf32, #tpu.memory_space<hbm>>) target(%dma_start3A_1678 : memref<1x4096xf32, #tpu.memory_space<vmem>>) target_semaphore(%dma_start3A_1675 : memref<!tpu.dma_semaphore, #tpu.memory_space<semaphore_mem>>)
      %slice3A_1681 = vector.extract_strided_slice %get3A_1605 {offsets = [5], sizes = [1], strides = [1]} : vector<16xi32> to vector<1xi32>
      %squeeze3A_1682 = vector.extract %slice3A_1681[0] : i32 from vector<1xi32>
      %dma_start3A_1683 = arith.constant 1 : i32
      %dma_start3A_1684 = arith.constant 13 : i32
      %dma_start3A_1685 = arith.constant 0 : i32
      %dma_start3A_1686 = tpu.memref_slice %arg7[%dma_start3A_1684, %dma_start3A_1685] : memref<24x4096xf32, #tpu.memory_space<vmem>> -> memref<1x4096xf32, #tpu.memory_space<vmem>>
      %dma_start3A_1687 = arith.constant 0 : i32
      %dma_start3A_1688 = tpu.memref_slice %arg2[%squeeze3A_1682, %dma_start3A_1687] : memref<12288x4096xf32, #tpu.memory_space<hbm>> -> memref<1x4096xf32, #tpu.memory_space<hbm>>
      %dma_start3A_1689 = tpu.memref_slice %arg8[%dma_start3A_1683] : memref<3x!tpu.dma_semaphore, #tpu.memory_space<semaphore_mem>> -> memref<1x!tpu.dma_semaphore, #tpu.memory_space<semaphore_mem>>
      %dma_start3A_1690 = tpu.memref_squeeze %dma_start3A_1689 : memref<1x!tpu.dma_semaphore, #tpu.memory_space<semaphore_mem>> -> memref<!tpu.dma_semaphore, #tpu.memory_space<semaphore_mem>>
      %dma_start3A_1691 = arith.constant 13 : i32
      %dma_start3A_1692 = arith.constant 0 : i32
      %dma_start3A_1693 = tpu.memref_slice %arg7[%dma_start3A_1691, %dma_start3A_1692] : memref<24x4096xf32, #tpu.memory_space<vmem>> -> memref<1x4096xf32, #tpu.memory_space<vmem>>
      %dma_start3A_1694 = arith.constant 0 : i32
      %dma_start3A_1695 = tpu.memref_slice %arg2[%squeeze3A_1682, %dma_start3A_1694] : memref<12288x4096xf32, #tpu.memory_space<hbm>> -> memref<1x4096xf32, #tpu.memory_space<hbm>>
      tpu.enqueue_dma source(%dma_start3A_1695 : memref<1x4096xf32, #tpu.memory_space<hbm>>) target(%dma_start3A_1693 : memref<1x4096xf32, #tpu.memory_space<vmem>>) target_semaphore(%dma_start3A_1690 : memref<!tpu.dma_semaphore, #tpu.memory_space<semaphore_mem>>)
      %slice3A_1696 = vector.extract_strided_slice %get3A_1605 {offsets = [6], sizes = [1], strides = [1]} : vector<16xi32> to vector<1xi32>
      %squeeze3A_1697 = vector.extract %slice3A_1696[0] : i32 from vector<1xi32>
      %dma_start3A_1698 = arith.constant 1 : i32
      %dma_start3A_1699 = arith.constant 14 : i32
      %dma_start3A_1700 = arith.constant 0 : i32
      %dma_start3A_1701 = tpu.memref_slice %arg7[%dma_start3A_1699, %dma_start3A_1700] : memref<24x4096xf32, #tpu.memory_space<vmem>> -> memref<1x4096xf32, #tpu.memory_space<vmem>>
      %dma_start3A_1702 = arith.constant 0 : i32
      %dma_start3A_1703 = tpu.memref_slice %arg2[%squeeze3A_1697, %dma_start3A_1702] : memref<12288x4096xf32, #tpu.memory_space<hbm>> -> memref<1x4096xf32, #tpu.memory_space<hbm>>
      %dma_start3A_1704 = tpu.memref_slice %arg8[%dma_start3A_1698] : memref<3x!tpu.dma_semaphore, #tpu.memory_space<semaphore_mem>> -> memref<1x!tpu.dma_semaphore, #tpu.memory_space<semaphore_mem>>
      %dma_start3A_1705 = tpu.memref_squeeze %dma_start3A_1704 : memref<1x!tpu.dma_semaphore, #tpu.memory_space<semaphore_mem>> -> memref<!tpu.dma_semaphore, #tpu.memory_space<semaphore_mem>>
      %dma_start3A_1706 = arith.constant 14 : i32
      %dma_start3A_1707 = arith.constant 0 : i32
      %dma_start3A_1708 = tpu.memref_slice %arg7[%dma_start3A_1706, %dma_start3A_1707] : memref<24x4096xf32, #tpu.memory_space<vmem>> -> memref<1x4096xf32, #tpu.memory_space<vmem>>
      %dma_start3A_1709 = arith.constant 0 : i32
      %dma_start3A_1710 = tpu.memref_slice %arg2[%squeeze3A_1697, %dma_start3A_1709] : memref<12288x4096xf32, #tpu.memory_space<hbm>> -> memref<1x4096xf32, #tpu.memory_space<hbm>>
      tpu.enqueue_dma source(%dma_start3A_1710 : memref<1x4096xf32, #tpu.memory_space<hbm>>) target(%dma_start3A_1708 : memref<1x4096xf32, #tpu.memory_space<vmem>>) target_semaphore(%dma_start3A_1705 : memref<!tpu.dma_semaphore, #tpu.memory_space<semaphore_mem>>)
      %slice3A_1711 = vector.extract_strided_slice %get3A_1605 {offsets = [7], sizes = [1], strides = [1]} : vector<16xi32> to vector<1xi32>
      %squeeze3A_1712 = vector.extract %slice3A_1711[0] : i32 from vector<1xi32>
      %dma_start3A_1713 = arith.constant 1 : i32
      %dma_start3A_1714 = arith.constant 15 : i32
      %dma_start3A_1715 = arith.constant 0 : i32
      %dma_start3A_1716 = tpu.memref_slice %arg7[%dma_start3A_1714, %dma_start3A_1715] : memref<24x4096xf32, #tpu.memory_space<vmem>> -> memref<1x4096xf32, #tpu.memory_space<vmem>>
      %dma_start3A_1717 = arith.constant 0 : i32
      %dma_start3A_1718 = tpu.memref_slice %arg2[%squeeze3A_1712, %dma_start3A_1717] : memref<12288x4096xf32, #tpu.memory_space<hbm>> -> memref<1x4096xf32, #tpu.memory_space<hbm>>
      %dma_start3A_1719 = tpu.memref_slice %arg8[%dma_start3A_1713] : memref<3x!tpu.dma_semaphore, #tpu.memory_space<semaphore_mem>> -> memref<1x!tpu.dma_semaphore, #tpu.memory_space<semaphore_mem>>
      %dma_start3A_1720 = tpu.memref_squeeze %dma_start3A_1719 : memref<1x!tpu.dma_semaphore, #tpu.memory_space<semaphore_mem>> -> memref<!tpu.dma_semaphore, #tpu.memory_space<semaphore_mem>>
      %dma_start3A_1721 = arith.constant 15 : i32
      %dma_start3A_1722 = arith.constant 0 : i32
      %dma_start3A_1723 = tpu.memref_slice %arg7[%dma_start3A_1721, %dma_start3A_1722] : memref<24x4096xf32, #tpu.memory_space<vmem>> -> memref<1x4096xf32, #tpu.memory_space<vmem>>
      %dma_start3A_1724 = arith.constant 0 : i32
      %dma_start3A_1725 = tpu.memref_slice %arg2[%squeeze3A_1712, %dma_start3A_1724] : memref<12288x4096xf32, #tpu.memory_space<hbm>> -> memref<1x4096xf32, #tpu.memory_space<hbm>>
      tpu.enqueue_dma source(%dma_start3A_1725 : memref<1x4096xf32, #tpu.memory_space<hbm>>) target(%dma_start3A_1723 : memref<1x4096xf32, #tpu.memory_space<vmem>>) target_semaphore(%dma_start3A_1720 : memref<!tpu.dma_semaphore, #tpu.memory_space<semaphore_mem>>)
      %dma_wait3A_1726 = arith.constant 2 : i32
      %dma_wait3A_1727 = arith.constant 16 : i32
      %dma_wait3A_1728 = arith.constant 0 : i32
      %dma_wait3A_1729 = tpu.memref_slice %arg7[%dma_wait3A_1727, %dma_wait3A_1728] : memref<24x4096xf32, #tpu.memory_space<vmem>> -> memref<8x4096xf32, #tpu.memory_space<vmem>>
      %dma_wait3A_1730 = arith.constant 0 : i32
      %dma_wait3A_1731 = arith.constant 0 : i32
      %dma_wait3A_1732 = tpu.memref_slice %arg2[%dma_wait3A_1730, %dma_wait3A_1731] : memref<12288x4096xf32, #tpu.memory_space<hbm>> -> memref<8x4096xf32, #tpu.memory_space<hbm>>
      %dma_wait3A_1733 = tpu.memref_slice %arg8[%dma_wait3A_1726] : memref<3x!tpu.dma_semaphore, #tpu.memory_space<semaphore_mem>> -> memref<1x!tpu.dma_semaphore, #tpu.memory_space<semaphore_mem>>
      %dma_wait3A_1734 = tpu.memref_squeeze %dma_wait3A_1733 : memref<1x!tpu.dma_semaphore, #tpu.memory_space<semaphore_mem>> -> memref<!tpu.dma_semaphore, #tpu.memory_space<semaphore_mem>>
      %dma_wait3A_1735 = arith.constant 16 : i32
      %dma_wait3A_1736 = arith.constant 0 : i32
      %dma_wait3A_1737 = tpu.memref_slice %arg7[%dma_wait3A_1735, %dma_wait3A_1736] : memref<24x4096xf32, #tpu.memory_space<vmem>> -> memref<8x4096xf32, #tpu.memory_space<vmem>>
      %dma_wait3A_1738 = arith.constant 0 : i32
      %dma_wait3A_1739 = arith.constant 0 : i32
      %dma_wait3A_1740 = tpu.memref_slice %arg2[%dma_wait3A_1738, %dma_wait3A_1739] : memref<12288x4096xf32, #tpu.memory_space<hbm>> -> memref<8x4096xf32, #tpu.memory_space<hbm>>
      tpu.wait_dma2 semaphore(%dma_wait3A_1734 : memref<!tpu.dma_semaphore, #tpu.memory_space<semaphore_mem>>) src(%dma_wait3A_1740 : memref<8x4096xf32, #tpu.memory_space<hbm>>) dst(%dma_wait3A_1737 : memref<8x4096xf32, #tpu.memory_space<vmem>>)
      %mul3A_1741 = arith.constant 8 : i32
      %mul3A_1742 = arith.muli %add3A_1583, %mul3A_1741 : i32
      %add3A_1743 = arith.addi %mul3A_2, %mul3A_1742 : i32
      %dma_start3A_1744 = arith.constant 2 : i32
      %dma_start3A_1745 = arith.constant 16 : i32
      %dma_start3A_1746 = arith.constant 0 : i32
      %dma_start3A_1747 = tpu.memref_slice %arg7[%dma_start3A_1745, %dma_start3A_1746] : memref<24x4096xf32, #tpu.memory_space<vmem>> -> memref<8x4096xf32, #tpu.memory_space<vmem>>
      %dma_start3A_1748 = arith.constant 0 : i32
      %dma_start3A_1749 = tpu.memref_slice %arg4[%add3A_1743, %dma_start3A_1748] : memref<12288x4096xf32, #tpu.memory_space<hbm>> -> memref<8x4096xf32, #tpu.memory_space<hbm>>
      %dma_start3A_1750 = tpu.memref_slice %arg9[%dma_start3A_1744] : memref<3x!tpu.dma_semaphore, #tpu.memory_space<semaphore_mem>> -> memref<1x!tpu.dma_semaphore, #tpu.memory_space<semaphore_mem>>
      %dma_start3A_1751 = tpu.memref_squeeze %dma_start3A_1750 : memref<1x!tpu.dma_semaphore, #tpu.memory_space<semaphore_mem>> -> memref<!tpu.dma_semaphore, #tpu.memory_space<semaphore_mem>>
      %dma_start3A_1752 = arith.constant 0 : i32
      %dma_start3A_1753 = tpu.memref_slice %arg4[%add3A_1743, %dma_start3A_1752] : memref<12288x4096xf32, #tpu.memory_space<hbm>> -> memref<8x4096xf32, #tpu.memory_space<hbm>>
      %dma_start3A_1754 = arith.constant 16 : i32
      %dma_start3A_1755 = arith.constant 0 : i32
      %dma_start3A_1756 = tpu.memref_slice %arg7[%dma_start3A_1754, %dma_start3A_1755] : memref<24x4096xf32, #tpu.memory_space<vmem>> -> memref<8x4096xf32, #tpu.memory_space<vmem>>
      tpu.enqueue_dma source(%dma_start3A_1756 : memref<8x4096xf32, #tpu.memory_space<vmem>>) target(%dma_start3A_1753 : memref<8x4096xf32, #tpu.memory_space<hbm>>) target_semaphore(%dma_start3A_1751 : memref<!tpu.dma_semaphore, #tpu.memory_space<semaphore_mem>>)
    }
    %scan3A_951 = arith.constant 14 : i32
    %dma_wait3A_952 = arith.constant 2 : i32
    %dma_wait3A_953 = arith.constant 16 : i32
    %dma_wait3A_954 = arith.constant 0 : i32
    %dma_wait3A_955 = tpu.memref_slice %arg7[%dma_wait3A_953, %dma_wait3A_954] : memref<24x4096xf32, #tpu.memory_space<vmem>> -> memref<8x4096xf32, #tpu.memory_space<vmem>>
    %dma_wait3A_956 = arith.constant 0 : i32
    %dma_wait3A_957 = arith.constant 0 : i32
    %dma_wait3A_958 = tpu.memref_slice %arg4[%dma_wait3A_956, %dma_wait3A_957] : memref<12288x4096xf32, #tpu.memory_space<hbm>> -> memref<8x4096xf32, #tpu.memory_space<hbm>>
    %dma_wait3A_959 = tpu.memref_slice %arg9[%dma_wait3A_952] : memref<3x!tpu.dma_semaphore, #tpu.memory_space<semaphore_mem>> -> memref<1x!tpu.dma_semaphore, #tpu.memory_space<semaphore_mem>>
    %dma_wait3A_960 = tpu.memref_squeeze %dma_wait3A_959 : memref<1x!tpu.dma_semaphore, #tpu.memory_space<semaphore_mem>> -> memref<!tpu.dma_semaphore, #tpu.memory_space<semaphore_mem>>
    %dma_wait3A_961 = arith.constant 0 : i32
    %dma_wait3A_962 = arith.constant 0 : i32
    %dma_wait3A_963 = tpu.memref_slice %arg4[%dma_wait3A_961, %dma_wait3A_962] : memref<12288x4096xf32, #tpu.memory_space<hbm>> -> memref<8x4096xf32, #tpu.memory_space<hbm>>
    %dma_wait3A_964 = arith.constant 16 : i32
    %dma_wait3A_965 = arith.constant 0 : i32
    %dma_wait3A_966 = tpu.memref_slice %arg7[%dma_wait3A_964, %dma_wait3A_965] : memref<24x4096xf32, #tpu.memory_space<vmem>> -> memref<8x4096xf32, #tpu.memory_space<vmem>>
    tpu.wait_dma2 semaphore(%dma_wait3A_960 : memref<!tpu.dma_semaphore, #tpu.memory_space<semaphore_mem>>) src(%dma_wait3A_966 : memref<8x4096xf32, #tpu.memory_space<vmem>>) dst(%dma_wait3A_963 : memref<8x4096xf32, #tpu.memory_space<hbm>>)
    %get3A_967 = arith.constant 376 : index
    %get3A_968 = tpu.vector_load %arg6[%get3A_967] {strides = array<i32>} : memref<400xi32, #tpu.memory_space<vmem>>, vector<16xi32>,
    %get3A_969 = vector.shape_cast %get3A_968 : vector<16xi32> to vector<16xi32>
    %slice3A_970 = vector.extract_strided_slice %get3A_969 {offsets = [0], sizes = [1], strides = [1]} : vector<16xi32> to vector<1xi32>
    %squeeze3A_971 = vector.extract %slice3A_970[0] : i32 from vector<1xi32>
    %dma_start3A_972 = arith.constant 2 : i32
    %dma_start3A_973 = arith.constant 16 : i32
    %dma_start3A_974 = arith.constant 0 : i32
    %dma_start3A_975 = tpu.memref_slice %arg7[%dma_start3A_973, %dma_start3A_974] : memref<24x4096xf32, #tpu.memory_space<vmem>> -> memref<1x4096xf32, #tpu.memory_space<vmem>>
    %dma_start3A_976 = arith.constant 0 : i32
    %dma_start3A_977 = tpu.memref_slice %arg2[%squeeze3A_971, %dma_start3A_976] : memref<12288x4096xf32, #tpu.memory_space<hbm>> -> memref<1x4096xf32, #tpu.memory_space<hbm>>
    %dma_start3A_978 = tpu.memref_slice %arg8[%dma_start3A_972] : memref<3x!tpu.dma_semaphore, #tpu.memory_space<semaphore_mem>> -> memref<1x!tpu.dma_semaphore, #tpu.memory_space<semaphore_mem>>
    %dma_start3A_979 = tpu.memref_squeeze %dma_start3A_978 : memref<1x!tpu.dma_semaphore, #tpu.memory_space<semaphore_mem>> -> memref<!tpu.dma_semaphore, #tpu.memory_space<semaphore_mem>>
    %dma_start3A_980 = arith.constant 16 : i32
    %dma_start3A_981 = arith.constant 0 : i32
    %dma_start3A_982 = tpu.memref_slice %arg7[%dma_start3A_980, %dma_start3A_981] : memref<24x4096xf32, #tpu.memory_space<vmem>> -> memref<1x4096xf32, #tpu.memory_space<vmem>>
    %dma_start3A_983 = arith.constant 0 : i32
    %dma_start3A_984 = tpu.memref_slice %arg2[%squeeze3A_971, %dma_start3A_983] : memref<12288x4096xf32, #tpu.memory_space<hbm>> -> memref<1x4096xf32, #tpu.memory_space<hbm>>
    tpu.enqueue_dma source(%dma_start3A_984 : memref<1x4096xf32, #tpu.memory_space<hbm>>) target(%dma_start3A_982 : memref<1x4096xf32, #tpu.memory_space<vmem>>) target_semaphore(%dma_start3A_979 : memref<!tpu.dma_semaphore, #tpu.memory_space<semaphore_mem>>)
    %slice3A_985 = vector.extract_strided_slice %get3A_969 {offsets = [1], sizes = [1], strides = [1]} : vector<16xi32> to vector<1xi32>
    %squeeze3A_986 = vector.extract %slice3A_985[0] : i32 from vector<1xi32>
    %dma_start3A_987 = arith.constant 2 : i32
    %dma_start3A_988 = arith.constant 17 : i32
    %dma_start3A_989 = arith.constant 0 : i32
    %dma_start3A_990 = tpu.memref_slice %arg7[%dma_start3A_988, %dma_start3A_989] : memref<24x4096xf32, #tpu.memory_space<vmem>> -> memref<1x4096xf32, #tpu.memory_space<vmem>>
    %dma_start3A_991 = arith.constant 0 : i32
    %dma_start3A_992 = tpu.memref_slice %arg2[%squeeze3A_986, %dma_start3A_991] : memref<12288x4096xf32, #tpu.memory_space<hbm>> -> memref<1x4096xf32, #tpu.memory_space<hbm>>
    %dma_start3A_993 = tpu.memref_slice %arg8[%dma_start3A_987] : memref<3x!tpu.dma_semaphore, #tpu.memory_space<semaphore_mem>> -> memref<1x!tpu.dma_semaphore, #tpu.memory_space<semaphore_mem>>
    %dma_start3A_994 = tpu.memref_squeeze %dma_start3A_993 : memref<1x!tpu.dma_semaphore, #tpu.memory_space<semaphore_mem>> -> memref<!tpu.dma_semaphore, #tpu.memory_space<semaphore_mem>>
    %dma_start3A_995 = arith.constant 17 : i32
    %dma_start3A_996 = arith.constant 0 : i32
    %dma_start3A_997 = tpu.memref_slice %arg7[%dma_start3A_995, %dma_start3A_996] : memref<24x4096xf32, #tpu.memory_space<vmem>> -> memref<1x4096xf32, #tpu.memory_space<vmem>>
    %dma_start3A_998 = arith.constant 0 : i32
    %dma_start3A_999 = tpu.memref_slice %arg2[%squeeze3A_986, %dma_start3A_998] : memref<12288x4096xf32, #tpu.memory_space<hbm>> -> memref<1x4096xf32, #tpu.memory_space<hbm>>
    tpu.enqueue_dma source(%dma_start3A_999 : memref<1x4096xf32, #tpu.memory_space<hbm>>) target(%dma_start3A_997 : memref<1x4096xf32, #tpu.memory_space<vmem>>) target_semaphore(%dma_start3A_994 : memref<!tpu.dma_semaphore, #tpu.memory_space<semaphore_mem>>)
    %slice3A_1000 = vector.extract_strided_slice %get3A_969 {offsets = [2], sizes = [1], strides = [1]} : vector<16xi32> to vector<1xi32>
    %squeeze3A_1001 = vector.extract %slice3A_1000[0] : i32 from vector<1xi32>
    %dma_start3A_1002 = arith.constant 2 : i32
    %dma_start3A_1003 = arith.constant 18 : i32
    %dma_start3A_1004 = arith.constant 0 : i32
    %dma_start3A_1005 = tpu.memref_slice %arg7[%dma_start3A_1003, %dma_start3A_1004] : memref<24x4096xf32, #tpu.memory_space<vmem>> -> memref<1x4096xf32, #tpu.memory_space<vmem>>
    %dma_start3A_1006 = arith.constant 0 : i32
    %dma_start3A_1007 = tpu.memref_slice %arg2[%squeeze3A_1001, %dma_start3A_1006] : memref<12288x4096xf32, #tpu.memory_space<hbm>> -> memref<1x4096xf32, #tpu.memory_space<hbm>>
    %dma_start3A_1008 = tpu.memref_slice %arg8[%dma_start3A_1002] : memref<3x!tpu.dma_semaphore, #tpu.memory_space<semaphore_mem>> -> memref<1x!tpu.dma_semaphore, #tpu.memory_space<semaphore_mem>>
    %dma_start3A_1009 = tpu.memref_squeeze %dma_start3A_1008 : memref<1x!tpu.dma_semaphore, #tpu.memory_space<semaphore_mem>> -> memref<!tpu.dma_semaphore, #tpu.memory_space<semaphore_mem>>
    %dma_start3A_1010 = arith.constant 18 : i32
    %dma_start3A_1011 = arith.constant 0 : i32
    %dma_start3A_1012 = tpu.memref_slice %arg7[%dma_start3A_1010, %dma_start3A_1011] : memref<24x4096xf32, #tpu.memory_space<vmem>> -> memref<1x4096xf32, #tpu.memory_space<vmem>>
    %dma_start3A_1013 = arith.constant 0 : i32
    %dma_start3A_1014 = tpu.memref_slice %arg2[%squeeze3A_1001, %dma_start3A_1013] : memref<12288x4096xf32, #tpu.memory_space<hbm>> -> memref<1x4096xf32, #tpu.memory_space<hbm>>
    tpu.enqueue_dma source(%dma_start3A_1014 : memref<1x4096xf32, #tpu.memory_space<hbm>>) target(%dma_start3A_1012 : memref<1x4096xf32, #tpu.memory_space<vmem>>) target_semaphore(%dma_start3A_1009 : memref<!tpu.dma_semaphore, #tpu.memory_space<semaphore_mem>>)
    %slice3A_1015 = vector.extract_strided_slice %get3A_969 {offsets = [3], sizes = [1], strides = [1]} : vector<16xi32> to vector<1xi32>
    %squeeze3A_1016 = vector.extract %slice3A_1015[0] : i32 from vector<1xi32>
    %dma_start3A_1017 = arith.constant 2 : i32
    %dma_start3A_1018 = arith.constant 19 : i32
    %dma_start3A_1019 = arith.constant 0 : i32
    %dma_start3A_1020 = tpu.memref_slice %arg7[%dma_start3A_1018, %dma_start3A_1019] : memref<24x4096xf32, #tpu.memory_space<vmem>> -> memref<1x4096xf32, #tpu.memory_space<vmem>>
    %dma_start3A_1021 = arith.constant 0 : i32
    %dma_start3A_1022 = tpu.memref_slice %arg2[%squeeze3A_1016, %dma_start3A_1021] : memref<12288x4096xf32, #tpu.memory_space<hbm>> -> memref<1x4096xf32, #tpu.memory_space<hbm>>
    %dma_start3A_1023 = tpu.memref_slice %arg8[%dma_start3A_1017] : memref<3x!tpu.dma_semaphore, #tpu.memory_space<semaphore_mem>> -> memref<1x!tpu.dma_semaphore, #tpu.memory_space<semaphore_mem>>
    %dma_start3A_1024 = tpu.memref_squeeze %dma_start3A_1023 : memref<1x!tpu.dma_semaphore, #tpu.memory_space<semaphore_mem>> -> memref<!tpu.dma_semaphore, #tpu.memory_space<semaphore_mem>>
    %dma_start3A_1025 = arith.constant 19 : i32
    %dma_start3A_1026 = arith.constant 0 : i32
    %dma_start3A_1027 = tpu.memref_slice %arg7[%dma_start3A_1025, %dma_start3A_1026] : memref<24x4096xf32, #tpu.memory_space<vmem>> -> memref<1x4096xf32, #tpu.memory_space<vmem>>
    %dma_start3A_1028 = arith.constant 0 : i32
    %dma_start3A_1029 = tpu.memref_slice %arg2[%squeeze3A_1016, %dma_start3A_1028] : memref<12288x4096xf32, #tpu.memory_space<hbm>> -> memref<1x4096xf32, #tpu.memory_space<hbm>>
    tpu.enqueue_dma source(%dma_start3A_1029 : memref<1x4096xf32, #tpu.memory_space<hbm>>) target(%dma_start3A_1027 : memref<1x4096xf32, #tpu.memory_space<vmem>>) target_semaphore(%dma_start3A_1024 : memref<!tpu.dma_semaphore, #tpu.memory_space<semaphore_mem>>)
    %slice3A_1030 = vector.extract_strided_slice %get3A_969 {offsets = [4], sizes = [1], strides = [1]} : vector<16xi32> to vector<1xi32>
    %squeeze3A_1031 = vector.extract %slice3A_1030[0] : i32 from vector<1xi32>
    %dma_start3A_1032 = arith.constant 2 : i32
    %dma_start3A_1033 = arith.constant 20 : i32
    %dma_start3A_1034 = arith.constant 0 : i32
    %dma_start3A_1035 = tpu.memref_slice %arg7[%dma_start3A_1033, %dma_start3A_1034] : memref<24x4096xf32, #tpu.memory_space<vmem>> -> memref<1x4096xf32, #tpu.memory_space<vmem>>
    %dma_start3A_1036 = arith.constant 0 : i32
    %dma_start3A_1037 = tpu.memref_slice %arg2[%squeeze3A_1031, %dma_start3A_1036] : memref<12288x4096xf32, #tpu.memory_space<hbm>> -> memref<1x4096xf32, #tpu.memory_space<hbm>>
    %dma_start3A_1038 = tpu.memref_slice %arg8[%dma_start3A_1032] : memref<3x!tpu.dma_semaphore, #tpu.memory_space<semaphore_mem>> -> memref<1x!tpu.dma_semaphore, #tpu.memory_space<semaphore_mem>>
    %dma_start3A_1039 = tpu.memref_squeeze %dma_start3A_1038 : memref<1x!tpu.dma_semaphore, #tpu.memory_space<semaphore_mem>> -> memref<!tpu.dma_semaphore, #tpu.memory_space<semaphore_mem>>
    %dma_start3A_1040 = arith.constant 20 : i32
    %dma_start3A_1041 = arith.constant 0 : i32
    %dma_start3A_1042 = tpu.memref_slice %arg7[%dma_start3A_1040, %dma_start3A_1041] : memref<24x4096xf32, #tpu.memory_space<vmem>> -> memref<1x4096xf32, #tpu.memory_space<vmem>>
    %dma_start3A_1043 = arith.constant 0 : i32
    %dma_start3A_1044 = tpu.memref_slice %arg2[%squeeze3A_1031, %dma_start3A_1043] : memref<12288x4096xf32, #tpu.memory_space<hbm>> -> memref<1x4096xf32, #tpu.memory_space<hbm>>
    tpu.enqueue_dma source(%dma_start3A_1044 : memref<1x4096xf32, #tpu.memory_space<hbm>>) target(%dma_start3A_1042 : memref<1x4096xf32, #tpu.memory_space<vmem>>) target_semaphore(%dma_start3A_1039 : memref<!tpu.dma_semaphore, #tpu.memory_space<semaphore_mem>>)
    %slice3A_1045 = vector.extract_strided_slice %get3A_969 {offsets = [5], sizes = [1], strides = [1]} : vector<16xi32> to vector<1xi32>
    %squeeze3A_1046 = vector.extract %slice3A_1045[0] : i32 from vector<1xi32>
    %dma_start3A_1047 = arith.constant 2 : i32
    %dma_start3A_1048 = arith.constant 21 : i32
    %dma_start3A_1049 = arith.constant 0 : i32
    %dma_start3A_1050 = tpu.memref_slice %arg7[%dma_start3A_1048, %dma_start3A_1049] : memref<24x4096xf32, #tpu.memory_space<vmem>> -> memref<1x4096xf32, #tpu.memory_space<vmem>>
    %dma_start3A_1051 = arith.constant 0 : i32
    %dma_start3A_1052 = tpu.memref_slice %arg2[%squeeze3A_1046, %dma_start3A_1051] : memref<12288x4096xf32, #tpu.memory_space<hbm>> -> memref<1x4096xf32, #tpu.memory_space<hbm>>
    %dma_start3A_1053 = tpu.memref_slice %arg8[%dma_start3A_1047] : memref<3x!tpu.dma_semaphore, #tpu.memory_space<semaphore_mem>> -> memref<1x!tpu.dma_semaphore, #tpu.memory_space<semaphore_mem>>
    %dma_start3A_1054 = tpu.memref_squeeze %dma_start3A_1053 : memref<1x!tpu.dma_semaphore, #tpu.memory_space<semaphore_mem>> -> memref<!tpu.dma_semaphore, #tpu.memory_space<semaphore_mem>>
    %dma_start3A_1055 = arith.constant 21 : i32
    %dma_start3A_1056 = arith.constant 0 : i32
    %dma_start3A_1057 = tpu.memref_slice %arg7[%dma_start3A_1055, %dma_start3A_1056] : memref<24x4096xf32, #tpu.memory_space<vmem>> -> memref<1x4096xf32, #tpu.memory_space<vmem>>
    %dma_start3A_1058 = arith.constant 0 : i32
    %dma_start3A_1059 = tpu.memref_slice %arg2[%squeeze3A_1046, %dma_start3A_1058] : memref<12288x4096xf32, #tpu.memory_space<hbm>> -> memref<1x4096xf32, #tpu.memory_space<hbm>>
    tpu.enqueue_dma source(%dma_start3A_1059 : memref<1x4096xf32, #tpu.memory_space<hbm>>) target(%dma_start3A_1057 : memref<1x4096xf32, #tpu.memory_space<vmem>>) target_semaphore(%dma_start3A_1054 : memref<!tpu.dma_semaphore, #tpu.memory_space<semaphore_mem>>)
    %slice3A_1060 = vector.extract_strided_slice %get3A_969 {offsets = [6], sizes = [1], strides = [1]} : vector<16xi32> to vector<1xi32>
    %squeeze3A_1061 = vector.extract %slice3A_1060[0] : i32 from vector<1xi32>
    %dma_start3A_1062 = arith.constant 2 : i32
    %dma_start3A_1063 = arith.constant 22 : i32
    %dma_start3A_1064 = arith.constant 0 : i32
    %dma_start3A_1065 = tpu.memref_slice %arg7[%dma_start3A_1063, %dma_start3A_1064] : memref<24x4096xf32, #tpu.memory_space<vmem>> -> memref<1x4096xf32, #tpu.memory_space<vmem>>
    %dma_start3A_1066 = arith.constant 0 : i32
    %dma_start3A_1067 = tpu.memref_slice %arg2[%squeeze3A_1061, %dma_start3A_1066] : memref<12288x4096xf32, #tpu.memory_space<hbm>> -> memref<1x4096xf32, #tpu.memory_space<hbm>>
    %dma_start3A_1068 = tpu.memref_slice %arg8[%dma_start3A_1062] : memref<3x!tpu.dma_semaphore, #tpu.memory_space<semaphore_mem>> -> memref<1x!tpu.dma_semaphore, #tpu.memory_space<semaphore_mem>>
    %dma_start3A_1069 = tpu.memref_squeeze %dma_start3A_1068 : memref<1x!tpu.dma_semaphore, #tpu.memory_space<semaphore_mem>> -> memref<!tpu.dma_semaphore, #tpu.memory_space<semaphore_mem>>
    %dma_start3A_1070 = arith.constant 22 : i32
    %dma_start3A_1071 = arith.constant 0 : i32
    %dma_start3A_1072 = tpu.memref_slice %arg7[%dma_start3A_1070, %dma_start3A_1071] : memref<24x4096xf32, #tpu.memory_space<vmem>> -> memref<1x4096xf32, #tpu.memory_space<vmem>>
    %dma_start3A_1073 = arith.constant 0 : i32
    %dma_start3A_1074 = tpu.memref_slice %arg2[%squeeze3A_1061, %dma_start3A_1073] : memref<12288x4096xf32, #tpu.memory_space<hbm>> -> memref<1x4096xf32, #tpu.memory_space<hbm>>
    tpu.enqueue_dma source(%dma_start3A_1074 : memref<1x4096xf32, #tpu.memory_space<hbm>>) target(%dma_start3A_1072 : memref<1x4096xf32, #tpu.memory_space<vmem>>) target_semaphore(%dma_start3A_1069 : memref<!tpu.dma_semaphore, #tpu.memory_space<semaphore_mem>>)
    %slice3A_1075 = vector.extract_strided_slice %get3A_969 {offsets = [7], sizes = [1], strides = [1]} : vector<16xi32> to vector<1xi32>
    %squeeze3A_1076 = vector.extract %slice3A_1075[0] : i32 from vector<1xi32>
    %dma_start3A_1077 = arith.constant 2 : i32
    %dma_start3A_1078 = arith.constant 23 : i32
    %dma_start3A_1079 = arith.constant 0 : i32
    %dma_start3A_1080 = tpu.memref_slice %arg7[%dma_start3A_1078, %dma_start3A_1079] : memref<24x4096xf32, #tpu.memory_space<vmem>> -> memref<1x4096xf32, #tpu.memory_space<vmem>>
    %dma_start3A_1081 = arith.constant 0 : i32
    %dma_start3A_1082 = tpu.memref_slice %arg2[%squeeze3A_1076, %dma_start3A_1081] : memref<12288x4096xf32, #tpu.memory_space<hbm>> -> memref<1x4096xf32, #tpu.memory_space<hbm>>
    %dma_start3A_1083 = tpu.memref_slice %arg8[%dma_start3A_1077] : memref<3x!tpu.dma_semaphore, #tpu.memory_space<semaphore_mem>> -> memref<1x!tpu.dma_semaphore, #tpu.memory_space<semaphore_mem>>
    %dma_start3A_1084 = tpu.memref_squeeze %dma_start3A_1083 : memref<1x!tpu.dma_semaphore, #tpu.memory_space<semaphore_mem>> -> memref<!tpu.dma_semaphore, #tpu.memory_space<semaphore_mem>>
    %dma_start3A_1085 = arith.constant 23 : i32
    %dma_start3A_1086 = arith.constant 0 : i32
    %dma_start3A_1087 = tpu.memref_slice %arg7[%dma_start3A_1085, %dma_start3A_1086] : memref<24x4096xf32, #tpu.memory_space<vmem>> -> memref<1x4096xf32, #tpu.memory_space<vmem>>
    %dma_start3A_1088 = arith.constant 0 : i32
    %dma_start3A_1089 = tpu.memref_slice %arg2[%squeeze3A_1076, %dma_start3A_1088] : memref<12288x4096xf32, #tpu.memory_space<hbm>> -> memref<1x4096xf32, #tpu.memory_space<hbm>>
    tpu.enqueue_dma source(%dma_start3A_1089 : memref<1x4096xf32, #tpu.memory_space<hbm>>) target(%dma_start3A_1087 : memref<1x4096xf32, #tpu.memory_space<vmem>>) target_semaphore(%dma_start3A_1084 : memref<!tpu.dma_semaphore, #tpu.memory_space<semaphore_mem>>)
    %dma_wait3A_1090 = arith.constant 0 : i32
    %dma_wait3A_1091 = arith.constant 0 : i32
    %dma_wait3A_1092 = arith.constant 0 : i32
    %dma_wait3A_1093 = tpu.memref_slice %arg7[%dma_wait3A_1091, %dma_wait3A_1092] : memref<24x4096xf32, #tpu.memory_space<vmem>> -> memref<8x4096xf32, #tpu.memory_space<vmem>>
    %dma_wait3A_1094 = arith.constant 0 : i32
    %dma_wait3A_1095 = arith.constant 0 : i32
    %dma_wait3A_1096 = tpu.memref_slice %arg2[%dma_wait3A_1094, %dma_wait3A_1095] : memref<12288x4096xf32, #tpu.memory_space<hbm>> -> memref<8x4096xf32, #tpu.memory_space<hbm>>
    %dma_wait3A_1097 = tpu.memref_slice %arg8[%dma_wait3A_1090] : memref<3x!tpu.dma_semaphore, #tpu.memory_space<semaphore_mem>> -> memref<1x!tpu.dma_semaphore, #tpu.memory_space<semaphore_mem>>
    %dma_wait3A_1098 = tpu.memref_squeeze %dma_wait3A_1097 : memref<1x!tpu.dma_semaphore, #tpu.memory_space<semaphore_mem>> -> memref<!tpu.dma_semaphore, #tpu.memory_space<semaphore_mem>>
    %dma_wait3A_1099 = arith.constant 0 : i32
    %dma_wait3A_1100 = arith.constant 0 : i32
    %dma_wait3A_1101 = tpu.memref_slice %arg7[%dma_wait3A_1099, %dma_wait3A_1100] : memref<24x4096xf32, #tpu.memory_space<vmem>> -> memref<8x4096xf32, #tpu.memory_space<vmem>>
    %dma_wait3A_1102 = arith.constant 0 : i32
    %dma_wait3A_1103 = arith.constant 0 : i32
    %dma_wait3A_1104 = tpu.memref_slice %arg2[%dma_wait3A_1102, %dma_wait3A_1103] : memref<12288x4096xf32, #tpu.memory_space<hbm>> -> memref<8x4096xf32, #tpu.memory_space<hbm>>
    tpu.wait_dma2 semaphore(%dma_wait3A_1098 : memref<!tpu.dma_semaphore, #tpu.memory_space<semaphore_mem>>) src(%dma_wait3A_1104 : memref<8x4096xf32, #tpu.memory_space<hbm>>) dst(%dma_wait3A_1101 : memref<8x4096xf32, #tpu.memory_space<vmem>>)
    %add3A_1105 = arith.constant 360 : i32
    %add3A_1106 = arith.addi %mul3A_2, %add3A_1105 : i32
    %dma_start3A_1107 = arith.constant 0 : i32
    %dma_start3A_1108 = arith.constant 0 : i32
    %dma_start3A_1109 = arith.constant 0 : i32
    %dma_start3A_1110 = tpu.memref_slice %arg7[%dma_start3A_1108, %dma_start3A_1109] : memref<24x4096xf32, #tpu.memory_space<vmem>> -> memref<8x4096xf32, #tpu.memory_space<vmem>>
    %dma_start3A_1111 = arith.constant 0 : i32
    %dma_start3A_1112 = tpu.memref_slice %arg4[%add3A_1106, %dma_start3A_1111] : memref<12288x4096xf32, #tpu.memory_space<hbm>> -> memref<8x4096xf32, #tpu.memory_space<hbm>>
    %dma_start3A_1113 = tpu.memref_slice %arg9[%dma_start3A_1107] : memref<3x!tpu.dma_semaphore, #tpu.memory_space<semaphore_mem>> -> memref<1x!tpu.dma_semaphore, #tpu.memory_space<semaphore_mem>>
    %dma_start3A_1114 = tpu.memref_squeeze %dma_start3A_1113 : memref<1x!tpu.dma_semaphore, #tpu.memory_space<semaphore_mem>> -> memref<!tpu.dma_semaphore, #tpu.memory_space<semaphore_mem>>
    %dma_start3A_1115 = arith.constant 0 : i32
    %dma_start3A_1116 = tpu.memref_slice %arg4[%add3A_1106, %dma_start3A_1115] : memref<12288x4096xf32, #tpu.memory_space<hbm>> -> memref<8x4096xf32, #tpu.memory_space<hbm>>
    %dma_start3A_1117 = arith.constant 0 : i32
    %dma_start3A_1118 = arith.constant 0 : i32
    %dma_start3A_1119 = tpu.memref_slice %arg7[%dma_start3A_1117, %dma_start3A_1118] : memref<24x4096xf32, #tpu.memory_space<vmem>> -> memref<8x4096xf32, #tpu.memory_space<vmem>>
    tpu.enqueue_dma source(%dma_start3A_1119 : memref<8x4096xf32, #tpu.memory_space<vmem>>) target(%dma_start3A_1116 : memref<8x4096xf32, #tpu.memory_space<hbm>>) target_semaphore(%dma_start3A_1114 : memref<!tpu.dma_semaphore, #tpu.memory_space<semaphore_mem>>)
    %dma_wait3A_1120 = arith.constant 1 : i32
    %dma_wait3A_1121 = arith.constant 8 : i32
    %dma_wait3A_1122 = arith.constant 0 : i32
    %dma_wait3A_1123 = tpu.memref_slice %arg7[%dma_wait3A_1121, %dma_wait3A_1122] : memref<24x4096xf32, #tpu.memory_space<vmem>> -> memref<8x4096xf32, #tpu.memory_space<vmem>>
    %dma_wait3A_1124 = arith.constant 0 : i32
    %dma_wait3A_1125 = arith.constant 0 : i32
    %dma_wait3A_1126 = tpu.memref_slice %arg2[%dma_wait3A_1124, %dma_wait3A_1125] : memref<12288x4096xf32, #tpu.memory_space<hbm>> -> memref<8x4096xf32, #tpu.memory_space<hbm>>
    %dma_wait3A_1127 = tpu.memref_slice %arg8[%dma_wait3A_1120] : memref<3x!tpu.dma_semaphore, #tpu.memory_space<semaphore_mem>> -> memref<1x!tpu.dma_semaphore, #tpu.memory_space<semaphore_mem>>
    %dma_wait3A_1128 = tpu.memref_squeeze %dma_wait3A_1127 : memref<1x!tpu.dma_semaphore, #tpu.memory_space<semaphore_mem>> -> memref<!tpu.dma_semaphore, #tpu.memory_space<semaphore_mem>>
    %dma_wait3A_1129 = arith.constant 8 : i32
    %dma_wait3A_1130 = arith.constant 0 : i32
    %dma_wait3A_1131 = tpu.memref_slice %arg7[%dma_wait3A_1129, %dma_wait3A_1130] : memref<24x4096xf32, #tpu.memory_space<vmem>> -> memref<8x4096xf32, #tpu.memory_space<vmem>>
    %dma_wait3A_1132 = arith.constant 0 : i32
    %dma_wait3A_1133 = arith.constant 0 : i32
    %dma_wait3A_1134 = tpu.memref_slice %arg2[%dma_wait3A_1132, %dma_wait3A_1133] : memref<12288x4096xf32, #tpu.memory_space<hbm>> -> memref<8x4096xf32, #tpu.memory_space<hbm>>
    tpu.wait_dma2 semaphore(%dma_wait3A_1128 : memref<!tpu.dma_semaphore, #tpu.memory_space<semaphore_mem>>) src(%dma_wait3A_1134 : memref<8x4096xf32, #tpu.memory_space<hbm>>) dst(%dma_wait3A_1131 : memref<8x4096xf32, #tpu.memory_space<vmem>>)
    %add3A_1135 = arith.constant 368 : i32
    %add3A_1136 = arith.addi %mul3A_2, %add3A_1135 : i32
    %dma_start3A_1137 = arith.constant 1 : i32
    %dma_start3A_1138 = arith.constant 8 : i32
    %dma_start3A_1139 = arith.constant 0 : i32
    %dma_start3A_1140 = tpu.memref_slice %arg7[%dma_start3A_1138, %dma_start3A_1139] : memref<24x4096xf32, #tpu.memory_space<vmem>> -> memref<8x4096xf32, #tpu.memory_space<vmem>>
    %dma_start3A_1141 = arith.constant 0 : i32
    %dma_start3A_1142 = tpu.memref_slice %arg4[%add3A_1136, %dma_start3A_1141] : memref<12288x4096xf32, #tpu.memory_space<hbm>> -> memref<8x4096xf32, #tpu.memory_space<hbm>>
    %dma_start3A_1143 = tpu.memref_slice %arg9[%dma_start3A_1137] : memref<3x!tpu.dma_semaphore, #tpu.memory_space<semaphore_mem>> -> memref<1x!tpu.dma_semaphore, #tpu.memory_space<semaphore_mem>>
    %dma_start3A_1144 = tpu.memref_squeeze %dma_start3A_1143 : memref<1x!tpu.dma_semaphore, #tpu.memory_space<semaphore_mem>> -> memref<!tpu.dma_semaphore, #tpu.memory_space<semaphore_mem>>
    %dma_start3A_1145 = arith.constant 0 : i32
    %dma_start3A_1146 = tpu.memref_slice %arg4[%add3A_1136, %dma_start3A_1145] : memref<12288x4096xf32, #tpu.memory_space<hbm>> -> memref<8x4096xf32, #tpu.memory_space<hbm>>
    %dma_start3A_1147 = arith.constant 8 : i32
    %dma_start3A_1148 = arith.constant 0 : i32
    %dma_start3A_1149 = tpu.memref_slice %arg7[%dma_start3A_1147, %dma_start3A_1148] : memref<24x4096xf32, #tpu.memory_space<vmem>> -> memref<8x4096xf32, #tpu.memory_space<vmem>>
    tpu.enqueue_dma source(%dma_start3A_1149 : memref<8x4096xf32, #tpu.memory_space<vmem>>) target(%dma_start3A_1146 : memref<8x4096xf32, #tpu.memory_space<hbm>>) target_semaphore(%dma_start3A_1144 : memref<!tpu.dma_semaphore, #tpu.memory_space<semaphore_mem>>)
    %dma_wait3A_1150 = arith.constant 2 : i32
    %dma_wait3A_1151 = arith.constant 16 : i32
    %dma_wait3A_1152 = arith.constant 0 : i32
    %dma_wait3A_1153 = tpu.memref_slice %arg7[%dma_wait3A_1151, %dma_wait3A_1152] : memref<24x4096xf32, #tpu.memory_space<vmem>> -> memref<8x4096xf32, #tpu.memory_space<vmem>>
    %dma_wait3A_1154 = arith.constant 0 : i32
    %dma_wait3A_1155 = arith.constant 0 : i32
    %dma_wait3A_1156 = tpu.memref_slice %arg2[%dma_wait3A_1154, %dma_wait3A_1155] : memref<12288x4096xf32, #tpu.memory_space<hbm>> -> memref<8x4096xf32, #tpu.memory_space<hbm>>
    %dma_wait3A_1157 = tpu.memref_slice %arg8[%dma_wait3A_1150] : memref<3x!tpu.dma_semaphore, #tpu.memory_space<semaphore_mem>> -> memref<1x!tpu.dma_semaphore, #tpu.memory_space<semaphore_mem>>
    %dma_wait3A_1158 = tpu.memref_squeeze %dma_wait3A_1157 : memref<1x!tpu.dma_semaphore, #tpu.memory_space<semaphore_mem>> -> memref<!tpu.dma_semaphore, #tpu.memory_space<semaphore_mem>>
    %dma_wait3A_1159 = arith.constant 16 : i32
    %dma_wait3A_1160 = arith.constant 0 : i32
    %dma_wait3A_1161 = tpu.memref_slice %arg7[%dma_wait3A_1159, %dma_wait3A_1160] : memref<24x4096xf32, #tpu.memory_space<vmem>> -> memref<8x4096xf32, #tpu.memory_space<vmem>>
    %dma_wait3A_1162 = arith.constant 0 : i32
    %dma_wait3A_1163 = arith.constant 0 : i32
    %dma_wait3A_1164 = tpu.memref_slice %arg2[%dma_wait3A_1162, %dma_wait3A_1163] : memref<12288x4096xf32, #tpu.memory_space<hbm>> -> memref<8x4096xf32, #tpu.memory_space<hbm>>
    tpu.wait_dma2 semaphore(%dma_wait3A_1158 : memref<!tpu.dma_semaphore, #tpu.memory_space<semaphore_mem>>) src(%dma_wait3A_1164 : memref<8x4096xf32, #tpu.memory_space<hbm>>) dst(%dma_wait3A_1161 : memref<8x4096xf32, #tpu.memory_space<vmem>>)
    %add3A_1165 = arith.constant 376 : i32
    %add3A_1166 = arith.addi %mul3A_2, %add3A_1165 : i32
    %dma_start3A_1167 = arith.constant 2 : i32
    %dma_start3A_1168 = arith.constant 16 : i32
    %dma_start3A_1169 = arith.constant 0 : i32
    %dma_start3A_1170 = tpu.memref_slice %arg7[%dma_start3A_1168, %dma_start3A_1169] : memref<24x4096xf32, #tpu.memory_space<vmem>> -> memref<8x4096xf32, #tpu.memory_space<vmem>>
    %dma_start3A_1171 = arith.constant 0 : i32
    %dma_start3A_1172 = tpu.memref_slice %arg4[%add3A_1166, %dma_start3A_1171] : memref<12288x4096xf32, #tpu.memory_space<hbm>> -> memref<8x4096xf32, #tpu.memory_space<hbm>>
    %dma_start3A_1173 = tpu.memref_slice %arg9[%dma_start3A_1167] : memref<3x!tpu.dma_semaphore, #tpu.memory_space<semaphore_mem>> -> memref<1x!tpu.dma_semaphore, #tpu.memory_space<semaphore_mem>>
    %dma_start3A_1174 = tpu.memref_squeeze %dma_start3A_1173 : memref<1x!tpu.dma_semaphore, #tpu.memory_space<semaphore_mem>> -> memref<!tpu.dma_semaphore, #tpu.memory_space<semaphore_mem>>
    %dma_start3A_1175 = arith.constant 0 : i32
    %dma_start3A_1176 = tpu.memref_slice %arg4[%add3A_1166, %dma_start3A_1175] : memref<12288x4096xf32, #tpu.memory_space<hbm>> -> memref<8x4096xf32, #tpu.memory_space<hbm>>
    %dma_start3A_1177 = arith.constant 16 : i32
    %dma_start3A_1178 = arith.constant 0 : i32
    %dma_start3A_1179 = tpu.memref_slice %arg7[%dma_start3A_1177, %dma_start3A_1178] : memref<24x4096xf32, #tpu.memory_space<vmem>> -> memref<8x4096xf32, #tpu.memory_space<vmem>>
    tpu.enqueue_dma source(%dma_start3A_1179 : memref<8x4096xf32, #tpu.memory_space<vmem>>) target(%dma_start3A_1176 : memref<8x4096xf32, #tpu.memory_space<hbm>>) target_semaphore(%dma_start3A_1174 : memref<!tpu.dma_semaphore, #tpu.memory_space<semaphore_mem>>)
    %dma_wait3A_1180 = arith.constant 0 : i32
    %dma_wait3A_1181 = arith.constant 0 : i32
    %dma_wait3A_1182 = arith.constant 0 : i32
    %dma_wait3A_1183 = tpu.memref_slice %arg7[%dma_wait3A_1181, %dma_wait3A_1182] : memref<24x4096xf32, #tpu.memory_space<vmem>> -> memref<8x4096xf32, #tpu.memory_space<vmem>>
    %dma_wait3A_1184 = arith.constant 0 : i32
    %dma_wait3A_1185 = arith.constant 0 : i32
    %dma_wait3A_1186 = tpu.memref_slice %arg4[%dma_wait3A_1184, %dma_wait3A_1185] : memref<12288x4096xf32, #tpu.memory_space<hbm>> -> memref<8x4096xf32, #tpu.memory_space<hbm>>
    %dma_wait3A_1187 = tpu.memref_slice %arg9[%dma_wait3A_1180] : memref<3x!tpu.dma_semaphore, #tpu.memory_space<semaphore_mem>> -> memref<1x!tpu.dma_semaphore, #tpu.memory_space<semaphore_mem>>
    %dma_wait3A_1188 = tpu.memref_squeeze %dma_wait3A_1187 : memref<1x!tpu.dma_semaphore, #tpu.memory_space<semaphore_mem>> -> memref<!tpu.dma_semaphore, #tpu.memory_space<semaphore_mem>>
    %dma_wait3A_1189 = arith.constant 0 : i32
    %dma_wait3A_1190 = arith.constant 0 : i32
    %dma_wait3A_1191 = tpu.memref_slice %arg4[%dma_wait3A_1189, %dma_wait3A_1190] : memref<12288x4096xf32, #tpu.memory_space<hbm>> -> memref<8x4096xf32, #tpu.memory_space<hbm>>
    %dma_wait3A_1192 = arith.constant 0 : i32
    %dma_wait3A_1193 = arith.constant 0 : i32
    %dma_wait3A_1194 = tpu.memref_slice %arg7[%dma_wait3A_1192, %dma_wait3A_1193] : memref<24x4096xf32, #tpu.memory_space<vmem>> -> memref<8x4096xf32, #tpu.memory_space<vmem>>
    tpu.wait_dma2 semaphore(%dma_wait3A_1188 : memref<!tpu.dma_semaphore, #tpu.memory_space<semaphore_mem>>) src(%dma_wait3A_1194 : memref<8x4096xf32, #tpu.memory_space<vmem>>) dst(%dma_wait3A_1191 : memref<8x4096xf32, #tpu.memory_space<hbm>>)
    %dma_wait3A_1195 = arith.constant 1 : i32
    %dma_wait3A_1196 = arith.constant 8 : i32
    %dma_wait3A_1197 = arith.constant 0 : i32
    %dma_wait3A_1198 = tpu.memref_slice %arg7[%dma_wait3A_1196, %dma_wait3A_1197] : memref<24x4096xf32, #tpu.memory_space<vmem>> -> memref<8x4096xf32, #tpu.memory_space<vmem>>
    %dma_wait3A_1199 = arith.constant 0 : i32
    %dma_wait3A_1200 = arith.constant 0 : i32
    %dma_wait3A_1201 = tpu.memref_slice %arg4[%dma_wait3A_1199, %dma_wait3A_1200] : memref<12288x4096xf32, #tpu.memory_space<hbm>> -> memref<8x4096xf32, #tpu.memory_space<hbm>>
    %dma_wait3A_1202 = tpu.memref_slice %arg9[%dma_wait3A_1195] : memref<3x!tpu.dma_semaphore, #tpu.memory_space<semaphore_mem>> -> memref<1x!tpu.dma_semaphore, #tpu.memory_space<semaphore_mem>>
    %dma_wait3A_1203 = tpu.memref_squeeze %dma_wait3A_1202 : memref<1x!tpu.dma_semaphore, #tpu.memory_space<semaphore_mem>> -> memref<!tpu.dma_semaphore, #tpu.memory_space<semaphore_mem>>
    %dma_wait3A_1204 = arith.constant 0 : i32
    %dma_wait3A_1205 = arith.constant 0 : i32
    %dma_wait3A_1206 = tpu.memref_slice %arg4[%dma_wait3A_1204, %dma_wait3A_1205] : memref<12288x4096xf32, #tpu.memory_space<hbm>> -> memref<8x4096xf32, #tpu.memory_space<hbm>>
    %dma_wait3A_1207 = arith.constant 8 : i32
    %dma_wait3A_1208 = arith.constant 0 : i32
    %dma_wait3A_1209 = tpu.memref_slice %arg7[%dma_wait3A_1207, %dma_wait3A_1208] : memref<24x4096xf32, #tpu.memory_space<vmem>> -> memref<8x4096xf32, #tpu.memory_space<vmem>>
    tpu.wait_dma2 semaphore(%dma_wait3A_1203 : memref<!tpu.dma_semaphore, #tpu.memory_space<semaphore_mem>>) src(%dma_wait3A_1209 : memref<8x4096xf32, #tpu.memory_space<vmem>>) dst(%dma_wait3A_1206 : memref<8x4096xf32, #tpu.memory_space<hbm>>)
    %dma_wait3A_1210 = arith.constant 2 : i32
    %dma_wait3A_1211 = arith.constant 16 : i32
    %dma_wait3A_1212 = arith.constant 0 : i32
    %dma_wait3A_1213 = tpu.memref_slice %arg7[%dma_wait3A_1211, %dma_wait3A_1212] : memref<24x4096xf32, #tpu.memory_space<vmem>> -> memref<8x4096xf32, #tpu.memory_space<vmem>>
    %dma_wait3A_1214 = arith.constant 0 : i32
    %dma_wait3A_1215 = arith.constant 0 : i32
    %dma_wait3A_1216 = tpu.memref_slice %arg4[%dma_wait3A_1214, %dma_wait3A_1215] : memref<12288x4096xf32, #tpu.memory_space<hbm>> -> memref<8x4096xf32, #tpu.memory_space<hbm>>
    %dma_wait3A_1217 = tpu.memref_slice %arg9[%dma_wait3A_1210] : memref<3x!tpu.dma_semaphore, #tpu.memory_space<semaphore_mem>> -> memref<1x!tpu.dma_semaphore, #tpu.memory_space<semaphore_mem>>
    %dma_wait3A_1218 = tpu.memref_squeeze %dma_wait3A_1217 : memref<1x!tpu.dma_semaphore, #tpu.memory_space<semaphore_mem>> -> memref<!tpu.dma_semaphore, #tpu.memory_space<semaphore_mem>>
    %dma_wait3A_1219 = arith.constant 0 : i32
    %dma_wait3A_1220 = arith.constant 0 : i32
    %dma_wait3A_1221 = tpu.memref_slice %arg4[%dma_wait3A_1219, %dma_wait3A_1220] : memref<12288x4096xf32, #tpu.memory_space<hbm>> -> memref<8x4096xf32, #tpu.memory_space<hbm>>
    %dma_wait3A_1222 = arith.constant 16 : i32
    %dma_wait3A_1223 = arith.constant 0 : i32
    %dma_wait3A_1224 = tpu.memref_slice %arg7[%dma_wait3A_1222, %dma_wait3A_1223] : memref<24x4096xf32, #tpu.memory_space<vmem>> -> memref<8x4096xf32, #tpu.memory_space<vmem>>
    tpu.wait_dma2 semaphore(%dma_wait3A_1218 : memref<!tpu.dma_semaphore, #tpu.memory_space<semaphore_mem>>) src(%dma_wait3A_1224 : memref<8x4096xf32, #tpu.memory_space<vmem>>) dst(%dma_wait3A_1221 : memref<8x4096xf32, #tpu.memory_space<hbm>>)
    return
  }
}

</mosaic_0001>

<sc_bundles>
// kernel: kernel.3.cloned.1.call-start
scs
__scs_entry_jumppad:
0x0: {  	(pc) =	sbr.rel $0x88, $3  }
0x1: {  	(tag) =	ssettag $0x0;
	lr =	simm.s32 $0x1  }
0x2: {  	[smem:$0x3F9F] =	sst lr;
	_ =	strace $0xD0000000  }
0x3: {  	_ = 	snop  }
0x4: {  	_ = 	snop  }
0x5: {  	_ = 	snop  }
0x6: {  	_ = 	snop  }
0x7: {  	_ = 	snop  }
__scs_overlays_trampoline_lowered:
0x8: {  	[smem:$0x3FAE] =	sst s0  }
0x9: {  	[smem:$0x3FAF] =	sst s1  }
0xa: {  	[smem:$0x3FB0] =	sst s2  }
0xb: {  	[smem:$0x3FB1] =	sst s3  }
0xc: {  	[smem:$0x3FB2] =	sst s4  }
0xd: {  	[smem:$0x3FB3] =	sst s5  }
0xe: {  	[smem:$0x3FB4] =	sst s6  }
0xf: {  	[smem:$0x3FB5] =	sst s7  }
0x10: {  	[smem:$0x3FB6] =	sst s8  }
0x11: {  	[smem:$0x3FB7] =	sst s9;
	s0 =	simm.s32 @!p0 $0x0  }
0x12: {  	s1 =	sld [smem:$0x3F9D];
	s0 =	simm.s32 @p0 $0x1  }
0x13: {  	[smem:$0x3FB8] =	sst s0;
	s0 =	simm.s32 @!p1 $0x0  }
0x14: {  	s2 =	sld [smem:$0x3F9C];
	s0 =	simm.s32 @p1 $0x1  }
0x15: {  	[smem:$0x3FB9] =	sst s0;
	s0 =	simm.s32 @!p2 $0x0  }
0x16: {  	s3 =	sld [smem:$0x3FDB];
	s0 =	simm.s32 @p2 $0x1  }
0x17: {  	s4 =	simm.s32 $0x1BF5;
	[smem:$0x3FBB] =	sst s0  }
0x18: {  	s0 =	sld [smem:$0x3F9E];
	_ =	swait.ge [sflag:s4], $0x0  }
0x19: {  	s7 =	sld [smem:$0x3F9F]  }
0x1a: {  	s8 =	sadd.s32 $0xFFFFE003, lr  }
0x1b: {  	s9 =	sadd.s32 $0xFFFFFEF7, lr;
	s5 =	simm.s32 $0xFFFFFFFF;
	p2 =	slt.u32 s8, $0xFFFFF086  }
0x1c: {  	p1 =	slt.u32 s9, $0xF7A;
	s5 =	simm.s32 @!p2 $0x0  }
0x1d: {  	s5 =	simm.s32 @p1 $0x1;
	p0 =	seq.s32 s7, s2  }
0x1e: {  	s7 =	smul.u32 @!p0 $0xF7A, s2;
	p2 =	seq.s32 @!p0 s5, $0x0  }
0x1f: {  	s9 =	smul.u32 $0xF7A, s1;
	s8 =	simm.s32 @!p0 $0x1BF5;
	p2 =	por !p2, p0  }
0x20: {  	[sflag:s8] =	ssyncset.s32 @!p0 $0xFFFFF086;
	s6 =	sadd.s32 @!p0 s3, s7;
	s7 =	simm.s32 @!p0 $0x108  }
0x21: {  	s3 =	sadd.s32 s3, s9;
	s6 =	sadd.s32 @!p0 $0x88, s6;
	s7 =	simm.s32 @p2 $0x1082  }
0x22: {  	[simem:s7], [sflag:s8] =	dma.local @!p0 [hbm:s6], $0xF7A  }
0x23: {  	s9 =	sor.u32 $0xD0000000, s2;
	s6 =	simm.s32 $0x108;
	_ =	swait.ge @!p0 [sflag:s8], $0x0  }
0x24: {  	s3 =	sadd.s32 $0x88, s3;
	s6 =	simm.s32 @!p1 $0x1082;
	[sflag:s4] =	ssyncset.s32 $0xFFFFF086  }
0x25: {  	[simem:s6], [sflag:s4] =	dma.local [hbm:s3], $0xF7A  }
0x26: {  	[smem:$0x3F9F] =	sst s1;
	(tag) =	ssettag s2;
	_ =	strace s9  }
0x27: {  	s1 =	sld [smem:$0x3FAF]  }
0x28: {  	s2 =	sld [smem:$0x3FB0]  }
0x29: {  	s4 =	sld [smem:$0x3FB2]  }
0x2a: {  	p0 =	seq.s32 s5, $0x0;
	s5 =	sld [smem:$0x3FB3]  }
0x2b: {  	s6 =	sld [smem:$0x3FB4]  }
0x2c: {  	s7 =	sld [smem:$0x3FB5]  }
0x2d: {  	s3 =	simm.s32 $0x108;
	s8 =	sld [smem:$0x3FB6]  }
0x2e: {  	s3 =	simm.s32 @!p0 $0x1082;
	s9 =	sld [smem:$0x3FB7]  }
0x2f: {  	lr =	sadd.s32 s0, s3;
	s0 =	sld [smem:$0x3FAE]  }
0x30: {  	s3 =	sld [smem:$0x3FB1]  }
0x31: {  	[smem:$0x3FBA] =	sst s10  }
0x32: {  	s10 =	sld [smem:$0x3FB8];
	_ =	sdelay $0x3  }
0x33: {  	p0 =	seq.s32 s10, $0x1;
	s10 =	sld [smem:$0x3FBA];
	_ =	sdelay $0x3  }
0x34: {  	[smem:$0x3FBA] =	sst s10  }
0x35: {  	s10 =	sld [smem:$0x3FB9];
	_ =	sdelay $0x3  }
0x36: {  	p1 =	seq.s32 s10, $0x1;
	s10 =	sld [smem:$0x3FBA];
	_ =	sdelay $0x3  }
0x37: {  	[smem:$0x3FBA] =	sst s10  }
0x38: {  	s10 =	sld [smem:$0x3FBB]  }
0x39: {  	_ = 	snop;
	(pc) =	sbr.ind lr, $3  }
0x3a: {  	_ = 	snop  }
0x3b: {  	_ = 	snop  }
0x3c: {  	p2 =	seq.s32 s10, $0x1;
	s10 =	sld [smem:$0x3FBA]  }
0x3d: {  	_ =	shalt  }
0x3e: {  	_ =	shalt  }
0x3f: {  	_ =	shalt  }
0x40: {  	_ =	shalt  }
0x41: {  	_ =	shalt  }
0x42: {  	_ =	shalt  }
0x43: {  	_ =	shalt  }
0x44: {  	_ =	shalt  }
0x45: {  	_ =	shalt  }
0x46: {  	_ =	shalt  }
0x47: {  	_ =	shalt  }
0x48: {  	_ =	shalt  }
0x49: {  	_ =	shalt  }
0x4a: {  	_ =	shalt  }
0x4b: {  	_ =	shalt  }
0x4c: {  	_ =	shalt  }
0x4d: {  	_ =	shalt  }
0x4e: {  	_ =	shalt  }
0x4f: {  	_ =	shalt  }
0x50: {  	_ =	shalt  }
0x51: {  	_ =	shalt  }
0x52: {  	_ =	shalt  }
0x53: {  	_ =	shalt  }
0x54: {  	_ =	shalt  }
0x55: {  	_ =	shalt  }
0x56: {  	_ =	shalt  }
0x57: {  	_ =	shalt  }
0x58: {  	_ =	shalt  }
0x59: {  	_ =	shalt  }
0x5a: {  	_ =	shalt  }
0x5b: {  	_ =	shalt  }
0x5c: {  	_ =	shalt  }
0x5d: {  	_ =	shalt  }
0x5e: {  	_ =	shalt  }
0x5f: {  	_ =	shalt  }
0x60: {  	_ =	shalt  }
0x61: {  	_ =	shalt  }
0x62: {  	_ =	shalt  }
0x63: {  	_ =	shalt  }
0x64: {  	_ =	shalt  }
0x65: {  	_ =	shalt  }
0x66: {  	_ =	shalt  }
0x67: {  	_ =	shalt  }
0x68: {  	_ =	shalt  }
0x69: {  	_ =	shalt  }
0x6a: {  	_ =	shalt  }
0x6b: {  	_ =	shalt  }
0x6c: {  	_ =	shalt  }
0x6d: {  	_ =	shalt  }
0x6e: {  	_ =	shalt  }
0x6f: {  	_ =	shalt  }
0x70: {  	_ =	shalt  }
0x71: {  	_ =	shalt  }
0x72: {  	_ =	shalt  }
0x73: {  	_ =	shalt  }
0x74: {  	_ =	shalt  }
0x75: {  	_ =	shalt  }
0x76: {  	_ =	shalt  }
0x77: {  	_ =	shalt  }
0x78: {  	_ =	shalt  }
0x79: {  	_ =	shalt  }
0x7a: {  	_ =	shalt  }
0x7b: {  	_ =	shalt  }
0x7c: {  	_ =	shalt  }
0x7d: {  	_ =	shalt  }
0x7e: {  	_ =	shalt  }
0x7f: {  	_ =	shalt  }
0x80: {  	_ =	shalt  }
0x81: {  	_ =	shalt  }
0x82: {  	_ =	shalt  }
0x83: {  	_ =	shalt  }
0x84: {  	_ =	shalt  }
0x85: {  	_ =	shalt  }
0x86: {  	_ =	shalt  }
0x87: {  	_ =	shalt  }
.Lfunc_end0:
.L_simem_size_0:
called_computation.2_lowered:
.L_overlay_start_0:
0x88: {  	s2 =	sld [smem:$0x3FD9]  }
0x89: {  	s3 =	sld [smem:$0x3FFE];
	_ =	sdelay $0x1  }
0x8a: {  	s1 =	srdreg.scid  }
0x8b: {  	s0 =	sand.u32 $0x1, s1  }
0x8c: {  	s17 =	sshll.u32 s0, $0xA;
	s2 =	sadd.s32 s3, s2  }
0x8d: {  	s2 =	sadd.s32 s2, s17  }
0x8e: {  	[smem:$0x3FC6] =	sst s2  }
0x8f: {  	_ = 	snop  }
0x90: {  	s2 =	sld [smem:$0x3FC8]  }
0x91: {  	s18 =	sld [smem:$0x3FD0];
	(tm) =	ssettm $0x1  }
0x92: {  	s4 =	sld [smem:$0x3FFB];
	_ =	sdelay $0x3  }
0x93: {  	_ =	strace s4  }
0x94: {  	s4 =	sld [smem:$0x3FFC];
	_ =	sdelay $0x3  }
0x95: {  	_ =	strace s4  }
0x96: {  	s4 =	sld [smem:$0x3FFD];
	_ =	sdelay $0x3  }
0x97: {  	_ =	strace s4  }
0x98: {  	_ =	strace $0x8FFFFFFF  }
0x99: {  	s19 =	sld [smem:$0x3FDB];
	_ =	sdelay $0x1  }
0x9a: {  	s5 =	simm.s32 $_scs_section_size  }
0x9b: {  	s6 =	simm.s32 $_size__tile_overlayer_lowered;
	s7 =	simm.s32 $_tile_overlayer_lowered  }
0x9c: {  	s22 =	simm.s32 $0x1BFF;
	s21 =	sshll.u32 s7, $0x1;
	s4 =	sadd.s32 s5, s19  }
0x9d: {  	s8 =	simm.s32 $0x0;
	s20 =	sshll.u32 s6, $0x1;
	s6 =	sadd.s32 s21, s4  }
0x9e: {  	[timem:s8], [sflag:s22] =	dma.local [hbm:s6], s20  }
0x9f: {  	_ =	swait.ge [sflag:s22], s20  }
0xa0: {  	s5 =	ssub.s32 $0x0, s20;
	[sflag:s22] =	ssyncset.done $0x0  }
0xa1: {  	[sflag:s22] =	ssyncadd.s32 s5;
	_ =	sdelay $0x1  }
0xa2: {  	s23 =	simm.s32 $0x1B8B  }
0xa3: {  	_ =	swait.ge [sflag:s23], $0x1  }
0xa4: {  	[sflag:s23] =	ssyncset.done $0x0  }
0xa5: {  	s25 =	simm.s32 $0x1B8E;
	s24 =	sld [smem:$0x3FFE];
	[sflag:s23] =	ssyncadd.s32 $0xFFFFFFFF  }
0xa6: {  	s26 =	simm.s32 $execute0_lowered;
	[smem:$0x3FD2] =	sst s25  }
0xa7: {  	s6 =	sshll.u32 s26, $0x1;
	_ =	strace $0x80000049;
	[dreg:$0x1] =	wrdreg $0xFFFFFFFF  }
0xa8: {  	s28 =	simm.s32 $_size_execute0_lowered;
	s4 =	sadd.s32 s4, s6;
	[dreg:$0x0] =	wrdreg $0x0  }
0xa9: {  	s6 =	sshll.u32 s28, $0x1;
	[dreg:$0x2] =	wrdreg s4  }
0xaa: {  	[dreg:$0x3] =	wrdreg s6  }
0xab: {  	[dreg:$0x4] =	wrdreg $0xC0  }
0xac: {  	_ =	task [dreg:s8], $0x5FFFF  }
0xad: {  	[dreg:$0x1] =	wrdreg $0xFFFFFFFF  }
0xae: {  	[dreg:$0x0] =	wrdreg $0x60  }
0xaf: {  	[dreg:$0x2] =	wrdreg s18  }
0xb0: {  	[dreg:$0x3] =	wrdreg s2  }
0xb1: {  	[dreg:$0x4] =	wrdreg s24  }
0xb2: {  	[dreg:$0x5] =	wrdreg $0x9  }
0xb3: {  	_ =	task.clear_ibuf [dreg:s8], $0x6FFFF;
	_ =	strace $0x90000049  }
0xb4: {  	s29 =	simm.s32 $0x9;
	_ =	strace $0x8000004B  }
0xb5: {  	_ =	swait.ge [sflag:s29], $0x1  }
0xb6: {  	[sflag:s29] =	ssyncadd.s32 $0xFFFFFFFF  }
0xb7: {  	_ =	strace $0x9000004B  }
0xb8: {  	_ =	sfence  }
0xb9: {  	s30 =	sld [smem:$0x0];
	_ =	sdelay $0x2  }
0xba: {  	s31 =	sshll.u32 s1, $0xD;
	s1 =	sshrl.u32 s1, $0x2  }
0xbb: {  	s3 =	sand.u32 $0x4000, s31;
	s1 =	sadd.s32 s1, s30  }
0xbc: {  	s0 =	sor.u32 s3, s0;
	s1 =	sshll.u32 s1, $0x11  }
0xbd: {  	s0 =	sor.u32 s1, s0  }
0xbe: {  	s0 =	sadd.s32 $0x8F2B, s0  }
0xbf: {  	[sflag:s0] =	ssyncadd.remote.s32 $0x1  }
0xc0: {  	_ =	sfence.sel $0xFFFF  }
0xc1: {  	[dreg:$0x0] =	wrdreg $0xFFFFFFFF;
	(pc) =	sbr.abs _section_cstart, $3  }
0xc2: {  	[dreg:$0x1] =	wrdreg $0xFFFFFFFF  }
0xc3: {  	_ =	task.clear_ibuf [dreg:s8], $0x2FFFF;
	_ =	strace $0x9FFFFFFF  }
0xc4: {  	(tm) =	ssettm $0x7FFFFFFF  }
0xc5: {  	_ =	shalt  }
tec
execute0_lowered:
.L_overlay_start_1:
0x0: {  	(tag) =	ssettag $0x1  }
0x1: {  	s1 =	rddreg [dreg:$0x0]  }
0x2: {  	s0 =	rddreg [dreg:$0x2]  }
0x3: {  	s2 =	srdreg.scid;
	s3 =	stileid.u32  }
0x4: {  	s4 =	simm.s32 $0x0;
	s15 =	simm.s32 $0x7;
	s16 =	simm.s32 $0x1  }
0x5: {  	s17 =	simm.s32 $0x4;
	s18 =	simm.s32 $0x2;
	s19 =	simm.s32 $0x5  }
0x6: {  	s20 =	simm.s32 $0x3;
	s2 =	sand.u32 $0x1, s2;
	s3 =	sshll.u32 s3, $0x1  }
0x7: {  	s21 =	simm.s32 $0x10380;
	s22 =	simm.s32 $0x6;
	s3 =	sor.u32 s2, s3  }
0x8: {  	s24 =	simm.s32 $0x8380;
	s25 =	simm.s32 $0x0;
	s7 =	smul.u32 $0x30000, s3  }
0x9: {  	[smem:$0x7FF] =	sst s4;
	s30 =	ssub.s32 $0x2, s2;
	s31 =	smul.u32 $0x180000, s3  }
0xa: {  	s5 =	sadd.s32 $0xC00, s0;
	s8 =	sshrl.u32 s30, $0x1;
	s6 =	smul.u32 $0x180, s3  }
0xb: {  	_ =	strace $0x8000004A;
	s0 =	ssub.s32 s30, s8;
	s7 =	sadd.s32 s5, s7  }
0xc: {  	s2 =	sshrl.u32 s31, $0x3;
	s10 =	sor.u32 $0x8, s6;
	s14 =	smax.u32 s0, $0x1  }
0xd: {  	s8 =	sadd.s32 $0x1000, s7;
	s9 =	sadd.s32 $0x2000, s7;
	s2 =	sadd.s32 s5, s2  }
0xe: {  	v0 =	vmov s6;
	s11 =	sadd.s32 $0x2D000, s2;
	s12 =	sadd.s32 $0x2E000, s2;
	s13 =	sadd.s32 $0x2F000, s2  }
.LBB2_1:
0xf: {  	s0 =	rddreg [dreg:$0x1]  }
0x10: {  	[tilespmem:s4], [sflag:$0x7] =	stream.linear.gather [hbm4b:s0+s4], $0x180, $0x38;
	[tilespmem:$0x18380] =	vst v63  }
0x11: {  	_ =	swait.ge [sflag:s15], $0x180  }
0x12: {  	[sflag:s15] =	ssyncset.done $0x0  }
0x13: {  	[sflag:s15] =	ssyncadd.s32 $0xFFFFFE80  }
0x14: {  	v2 =	vld [tilespmem:$0x10]  }
0x15: {  	v1 =	vld [tilespmem:$0x0]  }
0x16: {  	v3 =	vld [tilespmem:$0x20]  }
0x17: {  	v4 =	vld [tilespmem:$0x30]  }
0x18: {  	v5 =	vld [tilespmem:$0x40]  }
0x19: {  	v6 =	vld [tilespmem:$0x50];
	v2 =	vadd.s32 v0, v2  }
0x1a: {  	v7 =	vld [tilespmem:$0x60];
	v1 =	vadd.s32 v0, v1;
	[tilespmem:$0x190] =	vst v2  }
0x1b: {  	v2 =	vadd.s32 v0, v3;
	v3 =	vld [tilespmem:$0x70];
	[tilespmem:$0x180] =	vst v1  }
0x1c: {  	v51 =	vld [tilespmem:$0x80];
	(v2sf) =	vpush v1, $0x0;
	[tilespmem:$0x1A0] =	vst v2;
	v2 =	vadd.s32 v0, v4  }
0x1d: {  	v52 =	vld [tilespmem:$0x90];
	[tilespmem:$0x1B0] =	vst v2;
	v2 =	vadd.s32 v0, v5  }
0x1e: {  	v53 =	vld [tilespmem:$0xA0];
	[tilespmem:$0x1C0] =	vst v2;
	v2 =	vadd.s32 v0, v6  }
0x1f: {  	v54 =	vld [tilespmem:$0xB0];
	[tilespmem:$0x1D0] =	vst v2;
	v2 =	vadd.s32 v0, v7  }
0x20: {  	[tilespmem:$0x1E0] =	vst v2;
	v2 =	vadd.s32 v0, v3;
	v3 =	vld [tilespmem:$0xC0]  }
0x21: {  	v55 =	vld [tilespmem:$0xD0];
	[tilespmem:$0x1F0] =	vst v2;
	v2 =	vadd.s32 v0, v51  }
0x22: {  	v56 =	vld [tilespmem:$0xE0];
	[tilespmem:$0x200] =	vst v2;
	v2 =	vadd.s32 v0, v52  }
0x23: {  	v57 =	vld [tilespmem:$0xF0];
	[tilespmem:$0x210] =	vst v2;
	v2 =	vadd.s32 v0, v53  }
0x24: {  	v58 =	vld [tilespmem:$0x100];
	[tilespmem:$0x220] =	vst v2;
	v2 =	vadd.s32 v0, v54  }
0x25: {  	[tilespmem:$0x230] =	vst v2;
	v2 =	vadd.s32 v0, v3;
	v3 =	vld [tilespmem:$0x110]  }
0x26: {  	v59 =	vld [tilespmem:$0x120];
	[tilespmem:$0x240] =	vst v2;
	v2 =	vadd.s32 v0, v55  }
0x27: {  	v60 =	vld [tilespmem:$0x130];
	[tilespmem:$0x250] =	vst v2;
	v2 =	vadd.s32 v0, v56  }
0x28: {  	v61 =	vld [tilespmem:$0x140];
	[tilespmem:$0x260] =	vst v2;
	v2 =	vadd.s32 v0, v57  }
0x29: {  	v62 =	vld [tilespmem:$0x150];
	[tilespmem:$0x270] =	vst v2;
	v2 =	vadd.s32 v0, v58  }
0x2a: {  	[tilespmem:$0x280] =	vst v2;
	v2 =	vadd.s32 v0, v3;
	v3 =	vld [tilespmem:$0x160]  }
0x2b: {  	v63 =	vld [tilespmem:$0x170];
	s31 =	spop (v2sf);
	[tilespmem:$0x290] =	vst v2;
	v2 =	vadd.s32 v0, v59  }
0x2c: {  	s2 =	sshll.u32 s31, $0xC;
	s0 =	sshll.u32 s31, $0x7;
	[tilespmem:$0x2A0] =	vst v2;
	v2 =	vadd.s32 v0, v60  }
0x2d: {  	s2 =	sand.u32 $0xFFFF8000, s2;
	s0 =	sand.u32 $0x380, s0;
	[tilespmem:$0x2B0] =	vst v2;
	v2 =	vadd.s32 v0, v61  }
0x2e: {  	s0 =	sor.u32 s0, s2;
	[tilespmem:$0x2C0] =	vst v2;
	v2 =	vadd.s32 v0, v62  }
0x2f: {  	s0 =	sshrl.u32 s0, $0x3;
	[tilespmem:$0x2D0] =	vst v2;
	v2 =	vadd.s32 v0, v3  }
0x30: {  	s28 =	simm.s32 $0x80;
	s26 =	sadd.s32 s1, s0;
	[tilespmem:$0x2E0] =	vst v2;
	v2 =	vadd.s32 v0, v63  }
0x31: {  	s2 =	simm.s32 $0x380;
	s0 =	simm.s32 $0x780;
	s3 =	sadd.s32 $0x0, s26;
	[tilespmem:$0x2F0] =	vst v2  }
.LBB2_2:
0x32: {  	[tilespmem:s2], [sflag:$0x1] =	stream.linear.gather [hbm4b:s3+s4], $0x80, $0x38;
	[tilespmem:$0x18380] =	vst v63  }
0x33: {  	s3 =	smov.u32 s28;
	s2 =	smov.u32 s0;
	p0 =	sne.s32 s28, $0xF80  }
.Ltmp0:
0x34: {  	s28 =	sadd.s32 $0x80, s28;
	(pc) =	sbr.rel @p0 .LBB2_2-.Ltmp0, $2  }
0x35: {  	_ =	sdelay $0x2  }
0x36: {  	s0 =	sadd.s32 $0x400, s0;
	s3 =	sadd.s32 s3, s26  }
0x37: {  	(v2sf) =	vpush v1, $0x1;
	_ =	sdelay $0xd  }
0x38: {  	[tilespmem:s2], [sflag:$0x1] =	stream.linear.gather [hbm4b:s3+s4], $0x80, $0x38;
	[tilespmem:$0x18380] =	vst v63  }
0x39: {  	s0 =	spop (v2sf)  }
0x3a: {  	s31 =	sshll.u32 s0, $0xC;
	s0 =	sshll.u32 s0, $0x7  }
0x3b: {  	s2 =	sand.u32 $0xFFFF8000, s31;
	s0 =	sand.u32 $0x380, s0  }
0x3c: {  	s0 =	sor.u32 s0, s2  }
0x3d: {  	s0 =	sshrl.u32 s0, $0x3  }
0x3e: {  	s28 =	simm.s32 $0x400;
	s26 =	sadd.s32 s1, s0  }
0x3f: {  	s2 =	simm.s32 $0x800;
	s0 =	simm.s32 $0x80;
	s3 =	sadd.s32 $0x0, s26  }
.LBB2_4:
0x40: {  	[tilespmem:s28], [sflag:$0x1] =	stream.linear.gather [hbm4b:s3+s4], $0x80, $0x38;
	[tilespmem:$0x18380] =	vst v63  }
0x41: {  	s3 =	smov.u32 s0;
	s28 =	smov.u32 s2;
	p0 =	sne.s32 s0, $0xF80  }
.Ltmp1:
0x42: {  	s0 =	sadd.s32 $0x80, s0;
	(pc) =	sbr.rel @p0 .LBB2_4-.Ltmp1, $2  }
0x43: {  	_ =	sdelay $0x2  }
0x44: {  	s2 =	sadd.s32 $0x400, s2;
	s3 =	sadd.s32 s3, s26  }
0x45: {  	(v2sf) =	vpush v1, $0x2;
	_ =	sdelay $0xd  }
0x46: {  	[tilespmem:s28], [sflag:$0x1] =	stream.linear.gather [hbm4b:s3+s4], $0x80, $0x38;
	[tilespmem:$0x18380] =	vst v63  }
0x47: {  	s0 =	spop (v2sf)  }
0x48: {  	s2 =	sshll.u32 s0, $0xC;
	s0 =	sshll.u32 s0, $0x7  }
0x49: {  	s2 =	sand.u32 $0xFFFF8000, s2;
	s0 =	sand.u32 $0x380, s0  }
0x4a: {  	s0 =	sor.u32 s0, s2  }
0x4b: {  	s0 =	sshrl.u32 s0, $0x3  }
0x4c: {  	s28 =	simm.s32 $0x480;
	s26 =	sadd.s32 s1, s0  }
0x4d: {  	s2 =	simm.s32 $0x880;
	s0 =	simm.s32 $0x80;
	s3 =	sadd.s32 $0x0, s26  }
.LBB2_6:
0x4e: {  	[tilespmem:s28], [sflag:$0x1] =	stream.linear.gather [hbm4b:s3+s4], $0x80, $0x38;
	[tilespmem:$0x18380] =	vst v63  }
0x4f: {  	s3 =	smov.u32 s0;
	s28 =	smov.u32 s2;
	p0 =	sne.s32 s0, $0xF80  }
.Ltmp2:
0x50: {  	s0 =	sadd.s32 $0x80, s0;
	(pc) =	sbr.rel @p0 .LBB2_6-.Ltmp2, $2  }
0x51: {  	_ =	sdelay $0x2  }
0x52: {  	s2 =	sadd.s32 $0x400, s2;
	s3 =	sadd.s32 s3, s26  }
0x53: {  	(v2sf) =	vpush v1, $0x3;
	_ =	sdelay $0xd  }
0x54: {  	[tilespmem:s28], [sflag:$0x1] =	stream.linear.gather [hbm4b:s3+s4], $0x80, $0x38;
	[tilespmem:$0x18380] =	vst v63  }
0x55: {  	s0 =	spop (v2sf)  }
0x56: {  	s2 =	sshll.u32 s0, $0xC;
	s0 =	sshll.u32 s0, $0x7  }
0x57: {  	s2 =	sand.u32 $0xFFFF8000, s2;
	s0 =	sand.u32 $0x380, s0  }
0x58: {  	s0 =	sor.u32 s0, s2  }
0x59: {  	s0 =	sshrl.u32 s0, $0x3  }
0x5a: {  	s28 =	simm.s32 $0x500;
	s26 =	sadd.s32 s1, s0  }
0x5b: {  	s2 =	simm.s32 $0x900;
	s0 =	simm.s32 $0x80;
	s3 =	sadd.s32 $0x0, s26  }
.LBB2_8:
0x5c: {  	[tilespmem:s28], [sflag:$0x1] =	stream.linear.gather [hbm4b:s3+s4], $0x80, $0x38;
	[tilespmem:$0x18380] =	vst v63  }
0x5d: {  	s3 =	smov.u32 s0;
	s28 =	smov.u32 s2;
	p0 =	sne.s32 s0, $0xF80  }
.Ltmp3:
0x5e: {  	s0 =	sadd.s32 $0x80, s0;
	(pc) =	sbr.rel @p0 .LBB2_8-.Ltmp3, $2  }
0x5f: {  	_ =	sdelay $0x2  }
0x60: {  	s2 =	sadd.s32 $0x400, s2;
	s3 =	sadd.s32 s3, s26  }
0x61: {  	(v2sf) =	vpush v1, $0x4;
	_ =	sdelay $0xd  }
0x62: {  	[tilespmem:s28], [sflag:$0x1] =	stream.linear.gather [hbm4b:s3+s4], $0x80, $0x38;
	[tilespmem:$0x18380] =	vst v63  }
0x63: {  	s0 =	spop (v2sf)  }
0x64: {  	s2 =	sshll.u32 s0, $0xC;
	s0 =	sshll.u32 s0, $0x7  }
0x65: {  	s2 =	sand.u32 $0xFFFF8000, s2;
	s0 =	sand.u32 $0x380, s0  }
0x66: {  	s0 =	sor.u32 s0, s2  }
0x67: {  	s0 =	sshrl.u32 s0, $0x3  }
0x68: {  	s28 =	simm.s32 $0x580;
	s26 =	sadd.s32 s1, s0  }
0x69: {  	s2 =	simm.s32 $0x980;
	s0 =	simm.s32 $0x80;
	s3 =	sadd.s32 $0x0, s26  }
.LBB2_10:
0x6a: {  	[tilespmem:s28], [sflag:$0x1] =	stream.linear.gather [hbm4b:s3+s4], $0x80, $0x38;
	[tilespmem:$0x18380] =	vst v63  }
0x6b: {  	s3 =	smov.u32 s0;
	s28 =	smov.u32 s2;
	p0 =	sne.s32 s0, $0xF80  }
.Ltmp4:
0x6c: {  	s0 =	sadd.s32 $0x80, s0;
	(pc) =	sbr.rel @p0 .LBB2_10-.Ltmp4, $2  }
0x6d: {  	_ =	sdelay $0x2  }
0x6e: {  	s2 =	sadd.s32 $0x400, s2;
	s3 =	sadd.s32 s3, s26  }
0x6f: {  	(v2sf) =	vpush v1, $0x5;
	_ =	sdelay $0xd  }
0x70: {  	[tilespmem:s28], [sflag:$0x1] =	stream.linear.gather [hbm4b:s3+s4], $0x80, $0x38;
	[tilespmem:$0x18380] =	vst v63  }
0x71: {  	s0 =	spop (v2sf)  }
0x72: {  	s2 =	sshll.u32 s0, $0xC;
	s0 =	sshll.u32 s0, $0x7  }
0x73: {  	s2 =	sand.u32 $0xFFFF8000, s2;
	s0 =	sand.u32 $0x380, s0  }
0x74: {  	s0 =	sor.u32 s0, s2  }
0x75: {  	s0 =	sshrl.u32 s0, $0x3  }
0x76: {  	s28 =	simm.s32 $0x600;
	s26 =	sadd.s32 s1, s0  }
0x77: {  	s2 =	simm.s32 $0xA00;
	s0 =	simm.s32 $0x80;
	s3 =	sadd.s32 $0x0, s26  }
.LBB2_12:
0x78: {  	[tilespmem:s28], [sflag:$0x1] =	stream.linear.gather [hbm4b:s3+s4], $0x80, $0x38;
	[tilespmem:$0x18380] =	vst v63  }
0x79: {  	s3 =	smov.u32 s0;
	s28 =	smov.u32 s2;
	p0 =	sne.s32 s0, $0xF80  }
.Ltmp5:
0x7a: {  	s0 =	sadd.s32 $0x80, s0;
	(pc) =	sbr.rel @p0 .LBB2_12-.Ltmp5, $2  }
0x7b: {  	_ =	sdelay $0x2  }
0x7c: {  	s2 =	sadd.s32 $0x400, s2;
	s3 =	sadd.s32 s3, s26  }
0x7d: {  	(v2sf) =	vpush v1, $0x6;
	_ =	sdelay $0xd  }
0x7e: {  	[tilespmem:s28], [sflag:$0x1] =	stream.linear.gather [hbm4b:s3+s4], $0x80, $0x38;
	[tilespmem:$0x18380] =	vst v63  }
0x7f: {  	s0 =	spop (v2sf)  }
0x80: {  	s2 =	sshll.u32 s0, $0xC;
	s0 =	sshll.u32 s0, $0x7  }
0x81: {  	s2 =	sand.u32 $0xFFFF8000, s2;
	s0 =	sand.u32 $0x380, s0  }
0x82: {  	s0 =	sor.u32 s0, s2  }
0x83: {  	s0 =	sshrl.u32 s0, $0x3  }
0x84: {  	s28 =	simm.s32 $0x680;
	s26 =	sadd.s32 s1, s0  }
0x85: {  	s2 =	simm.s32 $0xA80;
	s0 =	simm.s32 $0x80;
	s3 =	sadd.s32 $0x0, s26  }
.LBB2_14:
0x86: {  	[tilespmem:s28], [sflag:$0x1] =	stream.linear.gather [hbm4b:s3+s4], $0x80, $0x38;
	[tilespmem:$0x18380] =	vst v63  }
0x87: {  	s3 =	smov.u32 s0;
	s28 =	smov.u32 s2;
	p0 =	sne.s32 s0, $0xF80  }
.Ltmp6:
0x88: {  	s0 =	sadd.s32 $0x80, s0;
	(pc) =	sbr.rel @p0 .LBB2_14-.Ltmp6, $2  }
0x89: {  	_ =	sdelay $0x2  }
0x8a: {  	s2 =	sadd.s32 $0x400, s2;
	s3 =	sadd.s32 s3, s26  }
0x8b: {  	(v2sf) =	vpush v1, $0x7;
	_ =	sdelay $0xd  }
0x8c: {  	[tilespmem:s28], [sflag:$0x1] =	stream.linear.gather [hbm4b:s3+s4], $0x80, $0x38;
	[tilespmem:$0x18380] =	vst v63  }
0x8d: {  	s0 =	spop (v2sf)  }
0x8e: {  	s2 =	sshll.u32 s0, $0xC;
	s0 =	sshll.u32 s0, $0x7  }
0x8f: {  	s2 =	sand.u32 $0xFFFF8000, s2;
	s0 =	sand.u32 $0x380, s0  }
0x90: {  	s0 =	sor.u32 s0, s2  }
0x91: {  	s0 =	sshrl.u32 s0, $0x3  }
0x92: {  	s28 =	simm.s32 $0x80;
	s26 =	sadd.s32 s1, s0  }
0x93: {  	s2 =	simm.s32 $0xB00;
	s0 =	simm.s32 $0x700;
	s3 =	sadd.s32 $0x0, s26  }
.LBB2_16:
0x94: {  	[tilespmem:s0], [sflag:$0x1] =	stream.linear.gather [hbm4b:s3+s4], $0x80, $0x38;
	[tilespmem:$0x18380] =	vst v63  }
0x95: {  	s3 =	smov.u32 s28;
	s0 =	smov.u32 s2;
	p0 =	sne.s32 s28, $0xF80  }
.Ltmp7:
0x96: {  	s28 =	sadd.s32 $0x80, s28;
	(pc) =	sbr.rel @p0 .LBB2_16-.Ltmp7, $2  }
0x97: {  	_ =	sdelay $0x2  }
0x98: {  	s2 =	sadd.s32 $0x400, s2;
	s3 =	sadd.s32 s3, s26  }
0x99: {  	[tilespmem:s0], [sflag:$0x1] =	stream.linear.gather [hbm4b:s3+s4], $0x80, $0x38;
	[tilespmem:$0x18380] =	vst v63  }
0x9a: {  	v1 =	vld [tilespmem:$0x188];
	_ =	sdelay $0x4  }
0x9b: {  	(v2sf) =	vpush v1, $0x0;
	_ =	sdelay $0xe  }
0x9c: {  	s31 =	spop (v2sf)  }
0x9d: {  	s2 =	sshll.u32 s31, $0xC;
	s0 =	sshll.u32 s31, $0x7  }
0x9e: {  	s2 =	sand.u32 $0xFFFF8000, s2;
	s0 =	sand.u32 $0x380, s0  }
0x9f: {  	s0 =	sor.u32 s0, s2  }
0xa0: {  	s0 =	sshrl.u32 s0, $0x3  }
0xa1: {  	s28 =	simm.s32 $0x8380;
	s26 =	sadd.s32 s1, s0  }
0xa2: {  	s2 =	simm.s32 $0x8780;
	s0 =	simm.s32 $0x80;
	s3 =	sadd.s32 $0x0, s26  }
.LBB2_18:
0xa3: {  	[tilespmem:s28], [sflag:$0x2] =	stream.linear.gather [hbm4b:s3+s4], $0x80, $0x38;
	[tilespmem:$0x18380] =	vst v63  }
0xa4: {  	s3 =	smov.u32 s0;
	s28 =	smov.u32 s2;
	p0 =	sne.s32 s0, $0xF80  }
.Ltmp8:
0xa5: {  	s0 =	sadd.s32 $0x80, s0;
	(pc) =	sbr.rel @p0 .LBB2_18-.Ltmp8, $2  }
0xa6: {  	_ =	sdelay $0x2  }
0xa7: {  	s2 =	sadd.s32 $0x400, s2;
	s3 =	sadd.s32 s3, s26  }
0xa8: {  	(v2sf) =	vpush v1, $0x1;
	_ =	sdelay $0xd  }
0xa9: {  	[tilespmem:s28], [sflag:$0x2] =	stream.linear.gather [hbm4b:s3+s4], $0x80, $0x38;
	[tilespmem:$0x18380] =	vst v63  }
0xaa: {  	s0 =	spop (v2sf)  }
0xab: {  	s2 =	sshll.u32 s0, $0xC;
	s0 =	sshll.u32 s0, $0x7  }
0xac: {  	s2 =	sand.u32 $0xFFFF8000, s2;
	s0 =	sand.u32 $0x380, s0  }
0xad: {  	s0 =	sor.u32 s0, s2  }
0xae: {  	s0 =	sshrl.u32 s0, $0x3  }
0xaf: {  	s28 =	simm.s32 $0x8400;
	s26 =	sadd.s32 s1, s0  }
0xb0: {  	s2 =	simm.s32 $0x8800;
	s0 =	simm.s32 $0x80;
	s3 =	sadd.s32 $0x0, s26  }
.LBB2_20:
0xb1: {  	[tilespmem:s28], [sflag:$0x2] =	stream.linear.gather [hbm4b:s3+s4], $0x80, $0x38;
	[tilespmem:$0x18380] =	vst v63  }
0xb2: {  	s3 =	smov.u32 s0;
	s28 =	smov.u32 s2;
	p0 =	sne.s32 s0, $0xF80  }
.Ltmp9:
0xb3: {  	s0 =	sadd.s32 $0x80, s0;
	(pc) =	sbr.rel @p0 .LBB2_20-.Ltmp9, $2  }
0xb4: {  	_ =	sdelay $0x2  }
0xb5: {  	s2 =	sadd.s32 $0x400, s2;
	s3 =	sadd.s32 s3, s26  }
0xb6: {  	(v2sf) =	vpush v1, $0x2;
	_ =	sdelay $0xd  }
0xb7: {  	[tilespmem:s28], [sflag:$0x2] =	stream.linear.gather [hbm4b:s3+s4], $0x80, $0x38;
	[tilespmem:$0x18380] =	vst v63  }
0xb8: {  	s0 =	spop (v2sf)  }
0xb9: {  	s2 =	sshll.u32 s0, $0xC;
	s0 =	sshll.u32 s0, $0x7  }
0xba: {  	s2 =	sand.u32 $0xFFFF8000, s2;
	s0 =	sand.u32 $0x380, s0  }
0xbb: {  	s0 =	sor.u32 s0, s2  }
0xbc: {  	s0 =	sshrl.u32 s0, $0x3  }
0xbd: {  	s28 =	simm.s32 $0x8480;
	s26 =	sadd.s32 s1, s0  }
0xbe: {  	s2 =	simm.s32 $0x8880;
	s0 =	simm.s32 $0x80;
	s3 =	sadd.s32 $0x0, s26  }
.LBB2_22:
0xbf: {  	[tilespmem:s28], [sflag:$0x2] =	stream.linear.gather [hbm4b:s3+s4], $0x80, $0x38;
	[tilespmem:$0x18380] =	vst v63  }
0xc0: {  	s3 =	smov.u32 s0;
	s28 =	smov.u32 s2;
	p0 =	sne.s32 s0, $0xF80  }
.Ltmp10:
0xc1: {  	s0 =	sadd.s32 $0x80, s0;
	(pc) =	sbr.rel @p0 .LBB2_22-.Ltmp10, $2  }
0xc2: {  	_ =	sdelay $0x2  }
0xc3: {  	s2 =	sadd.s32 $0x400, s2;
	s3 =	sadd.s32 s3, s26  }
0xc4: {  	(v2sf) =	vpush v1, $0x3;
	_ =	sdelay $0xd  }
0xc5: {  	[tilespmem:s28], [sflag:$0x2] =	stream.linear.gather [hbm4b:s3+s4], $0x80, $0x38;
	[tilespmem:$0x18380] =	vst v63  }
0xc6: {  	s0 =	spop (v2sf)  }
0xc7: {  	s2 =	sshll.u32 s0, $0xC;
	s0 =	sshll.u32 s0, $0x7  }
0xc8: {  	s2 =	sand.u32 $0xFFFF8000, s2;
	s0 =	sand.u32 $0x380, s0  }
0xc9: {  	s0 =	sor.u32 s0, s2  }
0xca: {  	s0 =	sshrl.u32 s0, $0x3  }
0xcb: {  	s28 =	simm.s32 $0x8500;
	s26 =	sadd.s32 s1, s0  }
0xcc: {  	s2 =	simm.s32 $0x8900;
	s0 =	simm.s32 $0x80;
	s3 =	sadd.s32 $0x0, s26  }
.LBB2_24:
0xcd: {  	[tilespmem:s28], [sflag:$0x2] =	stream.linear.gather [hbm4b:s3+s4], $0x80, $0x38;
	[tilespmem:$0x18380] =	vst v63  }
0xce: {  	s3 =	smov.u32 s0;
	s28 =	smov.u32 s2;
	p0 =	sne.s32 s0, $0xF80  }
.Ltmp11:
0xcf: {  	s0 =	sadd.s32 $0x80, s0;
	(pc) =	sbr.rel @p0 .LBB2_24-.Ltmp11, $2  }
0xd0: {  	_ =	sdelay $0x2  }
0xd1: {  	s2 =	sadd.s32 $0x400, s2;
	s3 =	sadd.s32 s3, s26  }
0xd2: {  	(v2sf) =	vpush v1, $0x4;
	_ =	sdelay $0xd  }
0xd3: {  	[tilespmem:s28], [sflag:$0x2] =	stream.linear.gather [hbm4b:s3+s4], $0x80, $0x38;
	[tilespmem:$0x18380] =	vst v63  }
0xd4: {  	s0 =	spop (v2sf)  }
0xd5: {  	s2 =	sshll.u32 s0, $0xC;
	s0 =	sshll.u32 s0, $0x7  }
0xd6: {  	s2 =	sand.u32 $0xFFFF8000, s2;
	s0 =	sand.u32 $0x380, s0  }
0xd7: {  	s0 =	sor.u32 s0, s2  }
0xd8: {  	s0 =	sshrl.u32 s0, $0x3  }
0xd9: {  	s28 =	simm.s32 $0x8580;
	s26 =	sadd.s32 s1, s0  }
0xda: {  	s2 =	simm.s32 $0x8980;
	s0 =	simm.s32 $0x80;
	s3 =	sadd.s32 $0x0, s26  }
.LBB2_26:
0xdb: {  	[tilespmem:s28], [sflag:$0x2] =	stream.linear.gather [hbm4b:s3+s4], $0x80, $0x38;
	[tilespmem:$0x18380] =	vst v63  }
0xdc: {  	s3 =	smov.u32 s0;
	s28 =	smov.u32 s2;
	p0 =	sne.s32 s0, $0xF80  }
.Ltmp12:
0xdd: {  	s0 =	sadd.s32 $0x80, s0;
	(pc) =	sbr.rel @p0 .LBB2_26-.Ltmp12, $2  }
0xde: {  	_ =	sdelay $0x2  }
0xdf: {  	s2 =	sadd.s32 $0x400, s2;
	s3 =	sadd.s32 s3, s26  }
0xe0: {  	(v2sf) =	vpush v1, $0x5;
	_ =	sdelay $0xd  }
0xe1: {  	[tilespmem:s28], [sflag:$0x2] =	stream.linear.gather [hbm4b:s3+s4], $0x80, $0x38;
	[tilespmem:$0x18380] =	vst v63  }
0xe2: {  	s0 =	spop (v2sf)  }
0xe3: {  	s2 =	sshll.u32 s0, $0xC;
	s0 =	sshll.u32 s0, $0x7  }
0xe4: {  	s2 =	sand.u32 $0xFFFF8000, s2;
	s0 =	sand.u32 $0x380, s0  }
0xe5: {  	s0 =	sor.u32 s0, s2  }
0xe6: {  	s0 =	sshrl.u32 s0, $0x3  }
0xe7: {  	s28 =	simm.s32 $0x8600;
	s26 =	sadd.s32 s1, s0  }
0xe8: {  	s2 =	simm.s32 $0x8A00;
	s0 =	simm.s32 $0x80;
	s3 =	sadd.s32 $0x0, s26  }
.LBB2_28:
0xe9: {  	[tilespmem:s28], [sflag:$0x2] =	stream.linear.gather [hbm4b:s3+s4], $0x80, $0x38;
	[tilespmem:$0x18380] =	vst v63  }
0xea: {  	s3 =	smov.u32 s0;
	s28 =	smov.u32 s2;
	p0 =	sne.s32 s0, $0xF80  }
.Ltmp13:
0xeb: {  	s0 =	sadd.s32 $0x80, s0;
	(pc) =	sbr.rel @p0 .LBB2_28-.Ltmp13, $2  }
0xec: {  	_ =	sdelay $0x2  }
0xed: {  	s2 =	sadd.s32 $0x400, s2;
	s3 =	sadd.s32 s3, s26  }
0xee: {  	(v2sf) =	vpush v1, $0x6;
	_ =	sdelay $0xd  }
0xef: {  	[tilespmem:s28], [sflag:$0x2] =	stream.linear.gather [hbm4b:s3+s4], $0x80, $0x38;
	[tilespmem:$0x18380] =	vst v63  }
0xf0: {  	s0 =	spop (v2sf)  }
0xf1: {  	s2 =	sshll.u32 s0, $0xC;
	s0 =	sshll.u32 s0, $0x7  }
0xf2: {  	s2 =	sand.u32 $0xFFFF8000, s2;
	s0 =	sand.u32 $0x380, s0  }
0xf3: {  	s0 =	sor.u32 s0, s2  }
0xf4: {  	s0 =	sshrl.u32 s0, $0x3  }
0xf5: {  	s28 =	simm.s32 $0x8680;
	s26 =	sadd.s32 s1, s0  }
0xf6: {  	s2 =	simm.s32 $0x8A80;
	s0 =	simm.s32 $0x80;
	s3 =	sadd.s32 $0x0, s26  }
.LBB2_30:
0xf7: {  	[tilespmem:s28], [sflag:$0x2] =	stream.linear.gather [hbm4b:s3+s4], $0x80, $0x38;
	[tilespmem:$0x18380] =	vst v63  }
0xf8: {  	s3 =	smov.u32 s0;
	s28 =	smov.u32 s2;
	p0 =	sne.s32 s0, $0xF80  }
.Ltmp14:
0xf9: {  	s0 =	sadd.s32 $0x80, s0;
	(pc) =	sbr.rel @p0 .LBB2_30-.Ltmp14, $2  }
0xfa: {  	_ =	sdelay $0x2  }
0xfb: {  	s2 =	sadd.s32 $0x400, s2;
	s3 =	sadd.s32 s3, s26  }
0xfc: {  	(v2sf) =	vpush v1, $0x7;
	_ =	sdelay $0xd  }
0xfd: {  	[tilespmem:s28], [sflag:$0x2] =	stream.linear.gather [hbm4b:s3+s4], $0x80, $0x38;
	[tilespmem:$0x18380] =	vst v63  }
0xfe: {  	s0 =	spop (v2sf)  }
0xff: {  	s2 =	sshll.u32 s0, $0xC;
	s0 =	sshll.u32 s0, $0x7  }
0x100: {  	s2 =	sand.u32 $0xFFFF8000, s2;
	s0 =	sand.u32 $0x380, s0  }
0x101: {  	s0 =	sor.u32 s0, s2  }
0x102: {  	s0 =	sshrl.u32 s0, $0x3  }
0x103: {  	s28 =	simm.s32 $0x80;
	s26 =	sadd.s32 s1, s0  }
0x104: {  	s2 =	simm.s32 $0x8B00;
	s0 =	simm.s32 $0x8700;
	s3 =	sadd.s32 $0x0, s26  }
.LBB2_32:
0x105: {  	[tilespmem:s0], [sflag:$0x2] =	stream.linear.gather [hbm4b:s3+s4], $0x80, $0x38;
	[tilespmem:$0x18380] =	vst v63  }
0x106: {  	s3 =	smov.u32 s28;
	s0 =	smov.u32 s2;
	p0 =	sne.s32 s28, $0xF80  }
.Ltmp15:
0x107: {  	s28 =	sadd.s32 $0x80, s28;
	(pc) =	sbr.rel @p0 .LBB2_32-.Ltmp15, $2  }
0x108: {  	_ =	sdelay $0x2  }
0x109: {  	s2 =	sadd.s32 $0x400, s2;
	s3 =	sadd.s32 s3, s26  }
0x10a: {  	[tilespmem:s0], [sflag:$0x2] =	stream.linear.gather [hbm4b:s3+s4], $0x80, $0x38;
	[tilespmem:$0x18380] =	vst v63  }
0x10b: {  	v1 =	vld [tilespmem:$0x190];
	_ =	sdelay $0x4  }
0x10c: {  	(v2sf) =	vpush v1, $0x0;
	_ =	sdelay $0xe  }
0x10d: {  	s31 =	spop (v2sf)  }
0x10e: {  	s2 =	sshll.u32 s31, $0xC;
	s0 =	sshll.u32 s31, $0x7  }
0x10f: {  	s2 =	sand.u32 $0xFFFF8000, s2;
	s0 =	sand.u32 $0x380, s0  }
0x110: {  	s0 =	sor.u32 s0, s2  }
0x111: {  	s0 =	sshrl.u32 s0, $0x3  }
0x112: {  	s28 =	simm.s32 $0x10380;
	s26 =	sadd.s32 s1, s0  }
0x113: {  	s2 =	simm.s32 $0x10780;
	s0 =	simm.s32 $0x80;
	s3 =	sadd.s32 $0x0, s26  }
.LBB2_34:
0x114: {  	[tilespmem:s28], [sflag:$0x3] =	stream.linear.gather [hbm4b:s3+s4], $0x80, $0x38;
	[tilespmem:$0x18380] =	vst v63  }
0x115: {  	s3 =	smov.u32 s0;
	s28 =	smov.u32 s2;
	p0 =	sne.s32 s0, $0xF80  }
.Ltmp16:
0x116: {  	s0 =	sadd.s32 $0x80, s0;
	(pc) =	sbr.rel @p0 .LBB2_34-.Ltmp16, $2  }
0x117: {  	_ =	sdelay $0x2  }
0x118: {  	s2 =	sadd.s32 $0x400, s2;
	s3 =	sadd.s32 s3, s26  }
0x119: {  	(v2sf) =	vpush v1, $0x1;
	_ =	sdelay $0xd  }
0x11a: {  	[tilespmem:s28], [sflag:$0x3] =	stream.linear.gather [hbm4b:s3+s4], $0x80, $0x38;
	[tilespmem:$0x18380] =	vst v63  }
0x11b: {  	s0 =	spop (v2sf)  }
0x11c: {  	s2 =	sshll.u32 s0, $0xC;
	s0 =	sshll.u32 s0, $0x7  }
0x11d: {  	s2 =	sand.u32 $0xFFFF8000, s2;
	s0 =	sand.u32 $0x380, s0  }
0x11e: {  	s0 =	sor.u32 s0, s2  }
0x11f: {  	s0 =	sshrl.u32 s0, $0x3  }
0x120: {  	s28 =	simm.s32 $0x10400;
	s26 =	sadd.s32 s1, s0  }
0x121: {  	s2 =	simm.s32 $0x10800;
	s0 =	simm.s32 $0x80;
	s3 =	sadd.s32 $0x0, s26  }
.LBB2_36:
0x122: {  	[tilespmem:s28], [sflag:$0x3] =	stream.linear.gather [hbm4b:s3+s4], $0x80, $0x38;
	[tilespmem:$0x18380] =	vst v63  }
0x123: {  	s3 =	smov.u32 s0;
	s28 =	smov.u32 s2;
	p0 =	sne.s32 s0, $0xF80  }
.Ltmp17:
0x124: {  	s0 =	sadd.s32 $0x80, s0;
	(pc) =	sbr.rel @p0 .LBB2_36-.Ltmp17, $2  }
0x125: {  	_ =	sdelay $0x2  }
0x126: {  	s2 =	sadd.s32 $0x400, s2;
	s3 =	sadd.s32 s3, s26  }
0x127: {  	(v2sf) =	vpush v1, $0x2;
	_ =	sdelay $0xd  }
0x128: {  	[tilespmem:s28], [sflag:$0x3] =	stream.linear.gather [hbm4b:s3+s4], $0x80, $0x38;
	[tilespmem:$0x18380] =	vst v63  }
0x129: {  	s0 =	spop (v2sf)  }
0x12a: {  	s2 =	sshll.u32 s0, $0xC;
	s0 =	sshll.u32 s0, $0x7  }
0x12b: {  	s2 =	sand.u32 $0xFFFF8000, s2;
	s0 =	sand.u32 $0x380, s0  }
0x12c: {  	s0 =	sor.u32 s0, s2  }
0x12d: {  	s0 =	sshrl.u32 s0, $0x3  }
0x12e: {  	s28 =	simm.s32 $0x10480;
	s26 =	sadd.s32 s1, s0  }
0x12f: {  	s2 =	simm.s32 $0x10880;
	s0 =	simm.s32 $0x80;
	s3 =	sadd.s32 $0x0, s26  }
.LBB2_38:
0x130: {  	[tilespmem:s28], [sflag:$0x3] =	stream.linear.gather [hbm4b:s3+s4], $0x80, $0x38;
	[tilespmem:$0x18380] =	vst v63  }
0x131: {  	s3 =	smov.u32 s0;
	s28 =	smov.u32 s2;
	p0 =	sne.s32 s0, $0xF80  }
.Ltmp18:
0x132: {  	s0 =	sadd.s32 $0x80, s0;
	(pc) =	sbr.rel @p0 .LBB2_38-.Ltmp18, $2  }
0x133: {  	_ =	sdelay $0x2  }
0x134: {  	s2 =	sadd.s32 $0x400, s2;
	s3 =	sadd.s32 s3, s26  }
0x135: {  	(v2sf) =	vpush v1, $0x3;
	_ =	sdelay $0xd  }
0x136: {  	[tilespmem:s28], [sflag:$0x3] =	stream.linear.gather [hbm4b:s3+s4], $0x80, $0x38;
	[tilespmem:$0x18380] =	vst v63  }
0x137: {  	s0 =	spop (v2sf)  }
0x138: {  	s2 =	sshll.u32 s0, $0xC;
	s0 =	sshll.u32 s0, $0x7  }
0x139: {  	s2 =	sand.u32 $0xFFFF8000, s2;
	s0 =	sand.u32 $0x380, s0  }
0x13a: {  	s0 =	sor.u32 s0, s2  }
0x13b: {  	s0 =	sshrl.u32 s0, $0x3  }
0x13c: {  	s28 =	simm.s32 $0x10500;
	s26 =	sadd.s32 s1, s0  }
0x13d: {  	s2 =	simm.s32 $0x10900;
	s0 =	simm.s32 $0x80;
	s3 =	sadd.s32 $0x0, s26  }
.LBB2_40:
0x13e: {  	[tilespmem:s28], [sflag:$0x3] =	stream.linear.gather [hbm4b:s3+s4], $0x80, $0x38;
	[tilespmem:$0x18380] =	vst v63  }
0x13f: {  	s3 =	smov.u32 s0;
	s28 =	smov.u32 s2;
	p0 =	sne.s32 s0, $0xF80  }
.Ltmp19:
0x140: {  	s0 =	sadd.s32 $0x80, s0;
	(pc) =	sbr.rel @p0 .LBB2_40-.Ltmp19, $2  }
0x141: {  	_ =	sdelay $0x2  }
0x142: {  	s2 =	sadd.s32 $0x400, s2;
	s3 =	sadd.s32 s3, s26  }
0x143: {  	(v2sf) =	vpush v1, $0x4;
	_ =	sdelay $0xd  }
0x144: {  	[tilespmem:s28], [sflag:$0x3] =	stream.linear.gather [hbm4b:s3+s4], $0x80, $0x38;
	[tilespmem:$0x18380] =	vst v63  }
0x145: {  	s0 =	spop (v2sf)  }
0x146: {  	s2 =	sshll.u32 s0, $0xC;
	s0 =	sshll.u32 s0, $0x7  }
0x147: {  	s2 =	sand.u32 $0xFFFF8000, s2;
	s0 =	sand.u32 $0x380, s0  }
0x148: {  	s0 =	sor.u32 s0, s2  }
0x149: {  	s0 =	sshrl.u32 s0, $0x3  }
0x14a: {  	s28 =	simm.s32 $0x10580;
	s26 =	sadd.s32 s1, s0  }
0x14b: {  	s2 =	simm.s32 $0x10980;
	s0 =	simm.s32 $0x80;
	s3 =	sadd.s32 $0x0, s26  }
.LBB2_42:
0x14c: {  	[tilespmem:s28], [sflag:$0x3] =	stream.linear.gather [hbm4b:s3+s4], $0x80, $0x38;
	[tilespmem:$0x18380] =	vst v63  }
0x14d: {  	s3 =	smov.u32 s0;
	s28 =	smov.u32 s2;
	p0 =	sne.s32 s0, $0xF80  }
.Ltmp20:
0x14e: {  	s0 =	sadd.s32 $0x80, s0;
	(pc) =	sbr.rel @p0 .LBB2_42-.Ltmp20, $2  }
0x14f: {  	_ =	sdelay $0x2  }
0x150: {  	s2 =	sadd.s32 $0x400, s2;
	s3 =	sadd.s32 s3, s26  }
0x151: {  	(v2sf) =	vpush v1, $0x5;
	_ =	sdelay $0xd  }
0x152: {  	[tilespmem:s28], [sflag:$0x3] =	stream.linear.gather [hbm4b:s3+s4], $0x80, $0x38;
	[tilespmem:$0x18380] =	vst v63  }
0x153: {  	s0 =	spop (v2sf)  }
0x154: {  	s2 =	sshll.u32 s0, $0xC;
	s0 =	sshll.u32 s0, $0x7  }
0x155: {  	s2 =	sand.u32 $0xFFFF8000, s2;
	s0 =	sand.u32 $0x380, s0  }
0x156: {  	s0 =	sor.u32 s0, s2  }
0x157: {  	s0 =	sshrl.u32 s0, $0x3  }
0x158: {  	s28 =	simm.s32 $0x10600;
	s26 =	sadd.s32 s1, s0  }
0x159: {  	s2 =	simm.s32 $0x10A00;
	s0 =	simm.s32 $0x80;
	s3 =	sadd.s32 $0x0, s26  }
.LBB2_44:
0x15a: {  	[tilespmem:s28], [sflag:$0x3] =	stream.linear.gather [hbm4b:s3+s4], $0x80, $0x38;
	[tilespmem:$0x18380] =	vst v63  }
0x15b: {  	s3 =	smov.u32 s0;
	s28 =	smov.u32 s2;
	p0 =	sne.s32 s0, $0xF80  }
.Ltmp21:
0x15c: {  	s0 =	sadd.s32 $0x80, s0;
	(pc) =	sbr.rel @p0 .LBB2_44-.Ltmp21, $2  }
0x15d: {  	_ =	sdelay $0x2  }
0x15e: {  	s2 =	sadd.s32 $0x400, s2;
	s3 =	sadd.s32 s3, s26  }
0x15f: {  	(v2sf) =	vpush v1, $0x6;
	_ =	sdelay $0xd  }
0x160: {  	[tilespmem:s28], [sflag:$0x3] =	stream.linear.gather [hbm4b:s3+s4], $0x80, $0x38;
	[tilespmem:$0x18380] =	vst v63  }
0x161: {  	s0 =	spop (v2sf)  }
0x162: {  	s2 =	sshll.u32 s0, $0xC;
	s0 =	sshll.u32 s0, $0x7  }
0x163: {  	s2 =	sand.u32 $0xFFFF8000, s2;
	s0 =	sand.u32 $0x380, s0  }
0x164: {  	s0 =	sor.u32 s0, s2  }
0x165: {  	s0 =	sshrl.u32 s0, $0x3  }
0x166: {  	s28 =	simm.s32 $0x10680;
	s26 =	sadd.s32 s1, s0  }
0x167: {  	s2 =	simm.s32 $0x10A80;
	s0 =	simm.s32 $0x80;
	s3 =	sadd.s32 $0x0, s26  }
.LBB2_46:
0x168: {  	[tilespmem:s28], [sflag:$0x3] =	stream.linear.gather [hbm4b:s3+s4], $0x80, $0x38;
	[tilespmem:$0x18380] =	vst v63  }
0x169: {  	s3 =	smov.u32 s0;
	s28 =	smov.u32 s2;
	p0 =	sne.s32 s0, $0xF80  }
.Ltmp22:
0x16a: {  	s0 =	sadd.s32 $0x80, s0;
	(pc) =	sbr.rel @p0 .LBB2_46-.Ltmp22, $2  }
0x16b: {  	_ =	sdelay $0x2  }
0x16c: {  	s2 =	sadd.s32 $0x400, s2;
	s3 =	sadd.s32 s3, s26  }
0x16d: {  	(v2sf) =	vpush v1, $0x7;
	_ =	sdelay $0xd  }
0x16e: {  	[tilespmem:s28], [sflag:$0x3] =	stream.linear.gather [hbm4b:s3+s4], $0x80, $0x38;
	[tilespmem:$0x18380] =	vst v63  }
0x16f: {  	s0 =	spop (v2sf)  }
0x170: {  	s2 =	sshll.u32 s0, $0xC;
	s0 =	sshll.u32 s0, $0x7  }
0x171: {  	s2 =	sand.u32 $0xFFFF8000, s2;
	s0 =	sand.u32 $0x380, s0  }
0x172: {  	s0 =	sor.u32 s0, s2  }
0x173: {  	s0 =	sshrl.u32 s0, $0x3  }
0x174: {  	s28 =	simm.s32 $0x80;
	s26 =	sadd.s32 s1, s0  }
0x175: {  	s2 =	simm.s32 $0x10B00;
	s0 =	simm.s32 $0x10700;
	s3 =	sadd.s32 $0x0, s26  }
.LBB2_48:
0x176: {  	[tilespmem:s0], [sflag:$0x3] =	stream.linear.gather [hbm4b:s3+s4], $0x80, $0x38;
	[tilespmem:$0x18380] =	vst v63  }
0x177: {  	s3 =	smov.u32 s28;
	s0 =	smov.u32 s2;
	p0 =	sne.s32 s28, $0xF80  }
.Ltmp23:
0x178: {  	s28 =	sadd.s32 $0x80, s28;
	(pc) =	sbr.rel @p0 .LBB2_48-.Ltmp23, $2  }
0x179: {  	_ =	sdelay $0x2  }
0x17a: {  	s2 =	sadd.s32 $0x400, s2;
	s3 =	sadd.s32 s3, s26  }
0x17b: {  	[tilespmem:s0], [sflag:$0x3] =	stream.linear.gather [hbm4b:s3+s4], $0x80, $0x38;
	[tilespmem:$0x18380] =	vst v63  }
0x17c: {  	_ =	swait.ge [sflag:s16], $0x8000  }
0x17d: {  	[sflag:s16] =	ssyncset.done $0x0  }
0x17e: {  	s30 =	simm.s32 $0x0;
	s26 =	simm.s32 $0x380;
	[sflag:s16] =	ssyncadd.s32 $0xFFFF8000  }
0x17f: {  	[hbm4b:s7+s30] =	stream.linear.scatter [tilespmem:s26], [sflag:$0x4], $0x8000, $0x38;
	[tilespmem:$0x18380] =	vst v63  }
0x180: {  	_ =	swait.ge [sflag:s17], $0x8000  }
0x181: {  	[sflag:s17] =	ssyncset.done $0x0  }
0x182: {  	[sflag:s17] =	ssyncadd.s32 $0xFFFF8000  }
0x183: {  	v1 =	vld [tilespmem:$0x198];
	_ =	sdelay $0x4  }
0x184: {  	(v2sf) =	vpush v1, $0x0;
	_ =	sdelay $0xe  }
0x185: {  	s31 =	spop (v2sf)  }
0x186: {  	s2 =	sshll.u32 s31, $0xC;
	s0 =	sshll.u32 s31, $0x7  }
0x187: {  	s2 =	sand.u32 $0xFFFF8000, s2;
	s0 =	sand.u32 $0x380, s0  }
0x188: {  	s0 =	sor.u32 s0, s2  }
0x189: {  	s0 =	sshrl.u32 s0, $0x3  }
0x18a: {  	s0 =	sadd.s32 s1, s0  }
0x18b: {  	s28 =	simm.s32 $0x80;
	s2 =	simm.s32 $0x780;
	s3 =	sadd.s32 $0x0, s0  }
.LBB2_50:
0x18c: {  	[tilespmem:s26], [sflag:$0x1] =	stream.linear.gather [hbm4b:s3+s4], $0x80, $0x38;
	[tilespmem:$0x18380] =	vst v63  }
0x18d: {  	s3 =	smov.u32 s28;
	s26 =	smov.u32 s2;
	p0 =	sne.s32 s28, $0xF80  }
.Ltmp24:
0x18e: {  	s28 =	sadd.s32 $0x80, s28;
	(pc) =	sbr.rel @p0 .LBB2_50-.Ltmp24, $2  }
0x18f: {  	_ =	sdelay $0x2  }
0x190: {  	s2 =	sadd.s32 $0x400, s2;
	s3 =	sadd.s32 s3, s0  }
0x191: {  	(v2sf) =	vpush v1, $0x1;
	_ =	sdelay $0xd  }
0x192: {  	[tilespmem:s26], [sflag:$0x1] =	stream.linear.gather [hbm4b:s3+s4], $0x80, $0x38;
	[tilespmem:$0x18380] =	vst v63  }
0x193: {  	s0 =	spop (v2sf)  }
0x194: {  	s2 =	sshll.u32 s0, $0xC;
	s0 =	sshll.u32 s0, $0x7  }
0x195: {  	s2 =	sand.u32 $0xFFFF8000, s2;
	s0 =	sand.u32 $0x380, s0  }
0x196: {  	s0 =	sor.u32 s0, s2  }
0x197: {  	s0 =	sshrl.u32 s0, $0x3  }
0x198: {  	s28 =	simm.s32 $0x400;
	s26 =	sadd.s32 s1, s0  }
0x199: {  	s2 =	simm.s32 $0x800;
	s0 =	simm.s32 $0x80;
	s3 =	sadd.s32 $0x0, s26  }
.LBB2_52:
0x19a: {  	[tilespmem:s28], [sflag:$0x1] =	stream.linear.gather [hbm4b:s3+s4], $0x80, $0x38;
	[tilespmem:$0x18380] =	vst v63  }
0x19b: {  	s3 =	smov.u32 s0;
	s28 =	smov.u32 s2;
	p0 =	sne.s32 s0, $0xF80  }
.Ltmp25:
0x19c: {  	s0 =	sadd.s32 $0x80, s0;
	(pc) =	sbr.rel @p0 .LBB2_52-.Ltmp25, $2  }
0x19d: {  	_ =	sdelay $0x2  }
0x19e: {  	s2 =	sadd.s32 $0x400, s2;
	s3 =	sadd.s32 s3, s26  }
0x19f: {  	(v2sf) =	vpush v1, $0x2;
	_ =	sdelay $0xd  }
0x1a0: {  	[tilespmem:s28], [sflag:$0x1] =	stream.linear.gather [hbm4b:s3+s4], $0x80, $0x38;
	[tilespmem:$0x18380] =	vst v63  }
0x1a1: {  	s0 =	spop (v2sf)  }
0x1a2: {  	s2 =	sshll.u32 s0, $0xC;
	s0 =	sshll.u32 s0, $0x7  }
0x1a3: {  	s2 =	sand.u32 $0xFFFF8000, s2;
	s0 =	sand.u32 $0x380, s0  }
0x1a4: {  	s0 =	sor.u32 s0, s2  }
0x1a5: {  	s0 =	sshrl.u32 s0, $0x3  }
0x1a6: {  	s28 =	simm.s32 $0x480;
	s26 =	sadd.s32 s1, s0  }
0x1a7: {  	s2 =	simm.s32 $0x880;
	s0 =	simm.s32 $0x80;
	s3 =	sadd.s32 $0x0, s26  }
.LBB2_54:
0x1a8: {  	[tilespmem:s28], [sflag:$0x1] =	stream.linear.gather [hbm4b:s3+s4], $0x80, $0x38;
	[tilespmem:$0x18380] =	vst v63  }
0x1a9: {  	s3 =	smov.u32 s0;
	s28 =	smov.u32 s2;
	p0 =	sne.s32 s0, $0xF80  }
.Ltmp26:
0x1aa: {  	s0 =	sadd.s32 $0x80, s0;
	(pc) =	sbr.rel @p0 .LBB2_54-.Ltmp26, $2  }
0x1ab: {  	_ =	sdelay $0x2  }
0x1ac: {  	s2 =	sadd.s32 $0x400, s2;
	s3 =	sadd.s32 s3, s26  }
0x1ad: {  	(v2sf) =	vpush v1, $0x3;
	_ =	sdelay $0xd  }
0x1ae: {  	[tilespmem:s28], [sflag:$0x1] =	stream.linear.gather [hbm4b:s3+s4], $0x80, $0x38;
	[tilespmem:$0x18380] =	vst v63  }
0x1af: {  	s0 =	spop (v2sf)  }
0x1b0: {  	s2 =	sshll.u32 s0, $0xC;
	s0 =	sshll.u32 s0, $0x7  }
0x1b1: {  	s2 =	sand.u32 $0xFFFF8000, s2;
	s0 =	sand.u32 $0x380, s0  }
0x1b2: {  	s0 =	sor.u32 s0, s2  }
0x1b3: {  	s0 =	sshrl.u32 s0, $0x3  }
0x1b4: {  	s28 =	simm.s32 $0x500;
	s26 =	sadd.s32 s1, s0  }
0x1b5: {  	s2 =	simm.s32 $0x900;
	s0 =	simm.s32 $0x80;
	s3 =	sadd.s32 $0x0, s26  }
.LBB2_56:
0x1b6: {  	[tilespmem:s28], [sflag:$0x1] =	stream.linear.gather [hbm4b:s3+s4], $0x80, $0x38;
	[tilespmem:$0x18380] =	vst v63  }
0x1b7: {  	s3 =	smov.u32 s0;
	s28 =	smov.u32 s2;
	p0 =	sne.s32 s0, $0xF80  }
.Ltmp27:
0x1b8: {  	s0 =	sadd.s32 $0x80, s0;
	(pc) =	sbr.rel @p0 .LBB2_56-.Ltmp27, $2  }
0x1b9: {  	_ =	sdelay $0x2  }
0x1ba: {  	s2 =	sadd.s32 $0x400, s2;
	s3 =	sadd.s32 s3, s26  }
0x1bb: {  	(v2sf) =	vpush v1, $0x4;
	_ =	sdelay $0xd  }
0x1bc: {  	[tilespmem:s28], [sflag:$0x1] =	stream.linear.gather [hbm4b:s3+s4], $0x80, $0x38;
	[tilespmem:$0x18380] =	vst v63  }
0x1bd: {  	s0 =	spop (v2sf)  }
0x1be: {  	s2 =	sshll.u32 s0, $0xC;
	s0 =	sshll.u32 s0, $0x7  }
0x1bf: {  	s2 =	sand.u32 $0xFFFF8000, s2;
	s0 =	sand.u32 $0x380, s0  }
0x1c0: {  	s0 =	sor.u32 s0, s2  }
0x1c1: {  	s0 =	sshrl.u32 s0, $0x3  }
0x1c2: {  	s28 =	simm.s32 $0x580;
	s26 =	sadd.s32 s1, s0  }
0x1c3: {  	s2 =	simm.s32 $0x980;
	s0 =	simm.s32 $0x80;
	s3 =	sadd.s32 $0x0, s26  }
.LBB2_58:
0x1c4: {  	[tilespmem:s28], [sflag:$0x1] =	stream.linear.gather [hbm4b:s3+s4], $0x80, $0x38;
	[tilespmem:$0x18380] =	vst v63  }
0x1c5: {  	s3 =	smov.u32 s0;
	s28 =	smov.u32 s2;
	p0 =	sne.s32 s0, $0xF80  }
.Ltmp28:
0x1c6: {  	s0 =	sadd.s32 $0x80, s0;
	(pc) =	sbr.rel @p0 .LBB2_58-.Ltmp28, $2  }
0x1c7: {  	_ =	sdelay $0x2  }
0x1c8: {  	s2 =	sadd.s32 $0x400, s2;
	s3 =	sadd.s32 s3, s26  }
0x1c9: {  	(v2sf) =	vpush v1, $0x5;
	_ =	sdelay $0xd  }
0x1ca: {  	[tilespmem:s28], [sflag:$0x1] =	stream.linear.gather [hbm4b:s3+s4], $0x80, $0x38;
	[tilespmem:$0x18380] =	vst v63  }
0x1cb: {  	s0 =	spop (v2sf)  }
0x1cc: {  	s2 =	sshll.u32 s0, $0xC;
	s0 =	sshll.u32 s0, $0x7  }
0x1cd: {  	s2 =	sand.u32 $0xFFFF8000, s2;
	s0 =	sand.u32 $0x380, s0  }
0x1ce: {  	s0 =	sor.u32 s0, s2  }
0x1cf: {  	s0 =	sshrl.u32 s0, $0x3  }
0x1d0: {  	s28 =	simm.s32 $0x600;
	s26 =	sadd.s32 s1, s0  }
0x1d1: {  	s2 =	simm.s32 $0xA00;
	s0 =	simm.s32 $0x80;
	s3 =	sadd.s32 $0x0, s26  }
.LBB2_60:
0x1d2: {  	[tilespmem:s28], [sflag:$0x1] =	stream.linear.gather [hbm4b:s3+s4], $0x80, $0x38;
	[tilespmem:$0x18380] =	vst v63  }
0x1d3: {  	s3 =	smov.u32 s0;
	s28 =	smov.u32 s2;
	p0 =	sne.s32 s0, $0xF80  }
.Ltmp29:
0x1d4: {  	s0 =	sadd.s32 $0x80, s0;
	(pc) =	sbr.rel @p0 .LBB2_60-.Ltmp29, $2  }
0x1d5: {  	_ =	sdelay $0x2  }
0x1d6: {  	s2 =	sadd.s32 $0x400, s2;
	s3 =	sadd.s32 s3, s26  }
0x1d7: {  	(v2sf) =	vpush v1, $0x6;
	_ =	sdelay $0xd  }
0x1d8: {  	[tilespmem:s28], [sflag:$0x1] =	stream.linear.gather [hbm4b:s3+s4], $0x80, $0x38;
	[tilespmem:$0x18380] =	vst v63  }
0x1d9: {  	s0 =	spop (v2sf)  }
0x1da: {  	s2 =	sshll.u32 s0, $0xC;
	s0 =	sshll.u32 s0, $0x7  }
0x1db: {  	s2 =	sand.u32 $0xFFFF8000, s2;
	s0 =	sand.u32 $0x380, s0  }
0x1dc: {  	s0 =	sor.u32 s0, s2  }
0x1dd: {  	s0 =	sshrl.u32 s0, $0x3  }
0x1de: {  	s28 =	simm.s32 $0x680;
	s26 =	sadd.s32 s1, s0  }
0x1df: {  	s2 =	simm.s32 $0xA80;
	s0 =	simm.s32 $0x80;
	s3 =	sadd.s32 $0x0, s26  }
.LBB2_62:
0x1e0: {  	[tilespmem:s28], [sflag:$0x1] =	stream.linear.gather [hbm4b:s3+s4], $0x80, $0x38;
	[tilespmem:$0x18380] =	vst v63  }
0x1e1: {  	s3 =	smov.u32 s0;
	s28 =	smov.u32 s2;
	p0 =	sne.s32 s0, $0xF80  }
.Ltmp30:
0x1e2: {  	s0 =	sadd.s32 $0x80, s0;
	(pc) =	sbr.rel @p0 .LBB2_62-.Ltmp30, $2  }
0x1e3: {  	_ =	sdelay $0x2  }
0x1e4: {  	s2 =	sadd.s32 $0x400, s2;
	s3 =	sadd.s32 s3, s26  }
0x1e5: {  	(v2sf) =	vpush v1, $0x7;
	_ =	sdelay $0xd  }
0x1e6: {  	[tilespmem:s28], [sflag:$0x1] =	stream.linear.gather [hbm4b:s3+s4], $0x80, $0x38;
	[tilespmem:$0x18380] =	vst v63  }
0x1e7: {  	s0 =	spop (v2sf)  }
0x1e8: {  	s2 =	sshll.u32 s0, $0xC;
	s0 =	sshll.u32 s0, $0x7  }
0x1e9: {  	s2 =	sand.u32 $0xFFFF8000, s2;
	s0 =	sand.u32 $0x380, s0  }
0x1ea: {  	s0 =	sor.u32 s0, s2  }
0x1eb: {  	s0 =	sshrl.u32 s0, $0x3  }
0x1ec: {  	s28 =	simm.s32 $0x80;
	s26 =	sadd.s32 s1, s0  }
0x1ed: {  	s2 =	simm.s32 $0xB00;
	s0 =	simm.s32 $0x700;
	s3 =	sadd.s32 $0x0, s26  }
.LBB2_64:
0x1ee: {  	[tilespmem:s0], [sflag:$0x1] =	stream.linear.gather [hbm4b:s3+s4], $0x80, $0x38;
	[tilespmem:$0x18380] =	vst v63  }
0x1ef: {  	s3 =	smov.u32 s28;
	s0 =	smov.u32 s2;
	p0 =	sne.s32 s28, $0xF80  }
.Ltmp31:
0x1f0: {  	s28 =	sadd.s32 $0x80, s28;
	(pc) =	sbr.rel @p0 .LBB2_64-.Ltmp31, $2  }
0x1f1: {  	_ =	sdelay $0x2  }
0x1f2: {  	s2 =	sadd.s32 $0x400, s2;
	s3 =	sadd.s32 s3, s26  }
0x1f3: {  	[tilespmem:s0], [sflag:$0x1] =	stream.linear.gather [hbm4b:s3+s4], $0x80, $0x38;
	[tilespmem:$0x18380] =	vst v63  }
0x1f4: {  	_ =	swait.ge [sflag:s18], $0x8000  }
0x1f5: {  	[sflag:s18] =	ssyncset.done $0x0  }
0x1f6: {  	s30 =	simm.s32 $0x0;
	s26 =	simm.s32 $0x8380;
	[sflag:s18] =	ssyncadd.s32 $0xFFFF8000  }
0x1f7: {  	[hbm4b:s8+s30] =	stream.linear.scatter [tilespmem:s26], [sflag:$0x5], $0x8000, $0x38;
	[tilespmem:$0x18380] =	vst v63  }
0x1f8: {  	_ =	swait.ge [sflag:s19], $0x8000  }
0x1f9: {  	[sflag:s19] =	ssyncset.done $0x0  }
0x1fa: {  	[sflag:s19] =	ssyncadd.s32 $0xFFFF8000  }
0x1fb: {  	v1 =	vld [tilespmem:$0x1A0];
	_ =	sdelay $0x4  }
0x1fc: {  	(v2sf) =	vpush v1, $0x0;
	_ =	sdelay $0xe  }
0x1fd: {  	s31 =	spop (v2sf)  }
0x1fe: {  	s2 =	sshll.u32 s31, $0xC;
	s0 =	sshll.u32 s31, $0x7  }
0x1ff: {  	s2 =	sand.u32 $0xFFFF8000, s2;
	s0 =	sand.u32 $0x380, s0  }
0x200: {  	s0 =	sor.u32 s0, s2  }
0x201: {  	s0 =	sshrl.u32 s0, $0x3  }
0x202: {  	s0 =	sadd.s32 s1, s0  }
0x203: {  	s28 =	simm.s32 $0x80;
	s2 =	simm.s32 $0x8780;
	s3 =	sadd.s32 $0x0, s0  }
.LBB2_66:
0x204: {  	[tilespmem:s26], [sflag:$0x2] =	stream.linear.gather [hbm4b:s3+s4], $0x80, $0x38;
	[tilespmem:$0x18380] =	vst v63  }
0x205: {  	s3 =	smov.u32 s28;
	s26 =	smov.u32 s2;
	p0 =	sne.s32 s28, $0xF80  }
.Ltmp32:
0x206: {  	s28 =	sadd.s32 $0x80, s28;
	(pc) =	sbr.rel @p0 .LBB2_66-.Ltmp32, $2  }
0x207: {  	_ =	sdelay $0x2  }
0x208: {  	s2 =	sadd.s32 $0x400, s2;
	s3 =	sadd.s32 s3, s0  }
0x209: {  	(v2sf) =	vpush v1, $0x1;
	_ =	sdelay $0xd  }
0x20a: {  	[tilespmem:s26], [sflag:$0x2] =	stream.linear.gather [hbm4b:s3+s4], $0x80, $0x38;
	[tilespmem:$0x18380] =	vst v63  }
0x20b: {  	s0 =	spop (v2sf)  }
0x20c: {  	s2 =	sshll.u32 s0, $0xC;
	s0 =	sshll.u32 s0, $0x7  }
0x20d: {  	s2 =	sand.u32 $0xFFFF8000, s2;
	s0 =	sand.u32 $0x380, s0  }
0x20e: {  	s0 =	sor.u32 s0, s2  }
0x20f: {  	s0 =	sshrl.u32 s0, $0x3  }
0x210: {  	s28 =	simm.s32 $0x8400;
	s26 =	sadd.s32 s1, s0  }
0x211: {  	s2 =	simm.s32 $0x8800;
	s0 =	simm.s32 $0x80;
	s3 =	sadd.s32 $0x0, s26  }
.LBB2_68:
0x212: {  	[tilespmem:s28], [sflag:$0x2] =	stream.linear.gather [hbm4b:s3+s4], $0x80, $0x38;
	[tilespmem:$0x18380] =	vst v63  }
0x213: {  	s3 =	smov.u32 s0;
	s28 =	smov.u32 s2;
	p0 =	sne.s32 s0, $0xF80  }
.Ltmp33:
0x214: {  	s0 =	sadd.s32 $0x80, s0;
	(pc) =	sbr.rel @p0 .LBB2_68-.Ltmp33, $2  }
0x215: {  	_ =	sdelay $0x2  }
0x216: {  	s2 =	sadd.s32 $0x400, s2;
	s3 =	sadd.s32 s3, s26  }
0x217: {  	(v2sf) =	vpush v1, $0x2;
	_ =	sdelay $0xd  }
0x218: {  	[tilespmem:s28], [sflag:$0x2] =	stream.linear.gather [hbm4b:s3+s4], $0x80, $0x38;
	[tilespmem:$0x18380] =	vst v63  }
0x219: {  	s0 =	spop (v2sf)  }
0x21a: {  	s2 =	sshll.u32 s0, $0xC;
	s0 =	sshll.u32 s0, $0x7  }
0x21b: {  	s2 =	sand.u32 $0xFFFF8000, s2;
	s0 =	sand.u32 $0x380, s0  }
0x21c: {  	s0 =	sor.u32 s0, s2  }
0x21d: {  	s0 =	sshrl.u32 s0, $0x3  }
0x21e: {  	s28 =	simm.s32 $0x8480;
	s26 =	sadd.s32 s1, s0  }
0x21f: {  	s2 =	simm.s32 $0x8880;
	s0 =	simm.s32 $0x80;
	s3 =	sadd.s32 $0x0, s26  }
.LBB2_70:
0x220: {  	[tilespmem:s28], [sflag:$0x2] =	stream.linear.gather [hbm4b:s3+s4], $0x80, $0x38;
	[tilespmem:$0x18380] =	vst v63  }
0x221: {  	s3 =	smov.u32 s0;
	s28 =	smov.u32 s2;
	p0 =	sne.s32 s0, $0xF80  }
.Ltmp34:
0x222: {  	s0 =	sadd.s32 $0x80, s0;
	(pc) =	sbr.rel @p0 .LBB2_70-.Ltmp34, $2  }
0x223: {  	_ =	sdelay $0x2  }
0x224: {  	s2 =	sadd.s32 $0x400, s2;
	s3 =	sadd.s32 s3, s26  }
0x225: {  	(v2sf) =	vpush v1, $0x3;
	_ =	sdelay $0xd  }
0x226: {  	[tilespmem:s28], [sflag:$0x2] =	stream.linear.gather [hbm4b:s3+s4], $0x80, $0x38;
	[tilespmem:$0x18380] =	vst v63  }
0x227: {  	s0 =	spop (v2sf)  }
0x228: {  	s2 =	sshll.u32 s0, $0xC;
	s0 =	sshll.u32 s0, $0x7  }
0x229: {  	s2 =	sand.u32 $0xFFFF8000, s2;
	s0 =	sand.u32 $0x380, s0  }
0x22a: {  	s0 =	sor.u32 s0, s2  }
0x22b: {  	s0 =	sshrl.u32 s0, $0x3  }
0x22c: {  	s28 =	simm.s32 $0x8500;
	s26 =	sadd.s32 s1, s0  }
0x22d: {  	s2 =	simm.s32 $0x8900;
	s0 =	simm.s32 $0x80;
	s3 =	sadd.s32 $0x0, s26  }
.LBB2_72:
0x22e: {  	[tilespmem:s28], [sflag:$0x2] =	stream.linear.gather [hbm4b:s3+s4], $0x80, $0x38;
	[tilespmem:$0x18380] =	vst v63  }
0x22f: {  	s3 =	smov.u32 s0;
	s28 =	smov.u32 s2;
	p0 =	sne.s32 s0, $0xF80  }
.Ltmp35:
0x230: {  	s0 =	sadd.s32 $0x80, s0;
	(pc) =	sbr.rel @p0 .LBB2_72-.Ltmp35, $2  }
0x231: {  	_ =	sdelay $0x2  }
0x232: {  	s2 =	sadd.s32 $0x400, s2;
	s3 =	sadd.s32 s3, s26  }
0x233: {  	(v2sf) =	vpush v1, $0x4;
	_ =	sdelay $0xd  }
0x234: {  	[tilespmem:s28], [sflag:$0x2] =	stream.linear.gather [hbm4b:s3+s4], $0x80, $0x38;
	[tilespmem:$0x18380] =	vst v63  }
0x235: {  	s0 =	spop (v2sf)  }
0x236: {  	s2 =	sshll.u32 s0, $0xC;
	s0 =	sshll.u32 s0, $0x7  }
0x237: {  	s2 =	sand.u32 $0xFFFF8000, s2;
	s0 =	sand.u32 $0x380, s0  }
0x238: {  	s0 =	sor.u32 s0, s2  }
0x239: {  	s0 =	sshrl.u32 s0, $0x3  }
0x23a: {  	s28 =	simm.s32 $0x8580;
	s26 =	sadd.s32 s1, s0  }
0x23b: {  	s2 =	simm.s32 $0x8980;
	s0 =	simm.s32 $0x80;
	s3 =	sadd.s32 $0x0, s26  }
.LBB2_74:
0x23c: {  	[tilespmem:s28], [sflag:$0x2] =	stream.linear.gather [hbm4b:s3+s4], $0x80, $0x38;
	[tilespmem:$0x18380] =	vst v63  }
0x23d: {  	s3 =	smov.u32 s0;
	s28 =	smov.u32 s2;
	p0 =	sne.s32 s0, $0xF80  }
.Ltmp36:
0x23e: {  	s0 =	sadd.s32 $0x80, s0;
	(pc) =	sbr.rel @p0 .LBB2_74-.Ltmp36, $2  }
0x23f: {  	_ =	sdelay $0x2  }
0x240: {  	s2 =	sadd.s32 $0x400, s2;
	s3 =	sadd.s32 s3, s26  }
0x241: {  	(v2sf) =	vpush v1, $0x5;
	_ =	sdelay $0xd  }
0x242: {  	[tilespmem:s28], [sflag:$0x2] =	stream.linear.gather [hbm4b:s3+s4], $0x80, $0x38;
	[tilespmem:$0x18380] =	vst v63  }
0x243: {  	s0 =	spop (v2sf)  }
0x244: {  	s2 =	sshll.u32 s0, $0xC;
	s0 =	sshll.u32 s0, $0x7  }
0x245: {  	s2 =	sand.u32 $0xFFFF8000, s2;
	s0 =	sand.u32 $0x380, s0  }
0x246: {  	s0 =	sor.u32 s0, s2  }
0x247: {  	s0 =	sshrl.u32 s0, $0x3  }
0x248: {  	s28 =	simm.s32 $0x8600;
	s26 =	sadd.s32 s1, s0  }
0x249: {  	s2 =	simm.s32 $0x8A00;
	s0 =	simm.s32 $0x80;
	s3 =	sadd.s32 $0x0, s26  }
.LBB2_76:
0x24a: {  	[tilespmem:s28], [sflag:$0x2] =	stream.linear.gather [hbm4b:s3+s4], $0x80, $0x38;
	[tilespmem:$0x18380] =	vst v63  }
0x24b: {  	s3 =	smov.u32 s0;
	s28 =	smov.u32 s2;
	p0 =	sne.s32 s0, $0xF80  }
.Ltmp37:
0x24c: {  	s0 =	sadd.s32 $0x80, s0;
	(pc) =	sbr.rel @p0 .LBB2_76-.Ltmp37, $2  }
0x24d: {  	_ =	sdelay $0x2  }
0x24e: {  	s2 =	sadd.s32 $0x400, s2;
	s3 =	sadd.s32 s3, s26  }
0x24f: {  	(v2sf) =	vpush v1, $0x6;
	_ =	sdelay $0xd  }
0x250: {  	[tilespmem:s28], [sflag:$0x2] =	stream.linear.gather [hbm4b:s3+s4], $0x80, $0x38;
	[tilespmem:$0x18380] =	vst v63  }
0x251: {  	s0 =	spop (v2sf)  }
0x252: {  	s2 =	sshll.u32 s0, $0xC;
	s0 =	sshll.u32 s0, $0x7  }
0x253: {  	s2 =	sand.u32 $0xFFFF8000, s2;
	s0 =	sand.u32 $0x380, s0  }
0x254: {  	s0 =	sor.u32 s0, s2  }
0x255: {  	s0 =	sshrl.u32 s0, $0x3  }
0x256: {  	s28 =	simm.s32 $0x8680;
	s26 =	sadd.s32 s1, s0  }
0x257: {  	s2 =	simm.s32 $0x8A80;
	s0 =	simm.s32 $0x80;
	s3 =	sadd.s32 $0x0, s26  }
.LBB2_78:
0x258: {  	[tilespmem:s28], [sflag:$0x2] =	stream.linear.gather [hbm4b:s3+s4], $0x80, $0x38;
	[tilespmem:$0x18380] =	vst v63  }
0x259: {  	s3 =	smov.u32 s0;
	s28 =	smov.u32 s2;
	p0 =	sne.s32 s0, $0xF80  }
.Ltmp38:
0x25a: {  	s0 =	sadd.s32 $0x80, s0;
	(pc) =	sbr.rel @p0 .LBB2_78-.Ltmp38, $2  }
0x25b: {  	_ =	sdelay $0x2  }
0x25c: {  	s2 =	sadd.s32 $0x400, s2;
	s3 =	sadd.s32 s3, s26  }
0x25d: {  	(v2sf) =	vpush v1, $0x7;
	_ =	sdelay $0xd  }
0x25e: {  	[tilespmem:s28], [sflag:$0x2] =	stream.linear.gather [hbm4b:s3+s4], $0x80, $0x38;
	[tilespmem:$0x18380] =	vst v63  }
0x25f: {  	s0 =	spop (v2sf)  }
0x260: {  	s2 =	sshll.u32 s0, $0xC;
	s0 =	sshll.u32 s0, $0x7  }
0x261: {  	s2 =	sand.u32 $0xFFFF8000, s2;
	s0 =	sand.u32 $0x380, s0  }
0x262: {  	s0 =	sor.u32 s0, s2  }
0x263: {  	s0 =	sshrl.u32 s0, $0x3  }
0x264: {  	s28 =	simm.s32 $0x80;
	s26 =	sadd.s32 s1, s0  }
0x265: {  	s2 =	simm.s32 $0x8B00;
	s0 =	simm.s32 $0x8700;
	s3 =	sadd.s32 $0x0, s26  }
.LBB2_80:
0x266: {  	[tilespmem:s0], [sflag:$0x2] =	stream.linear.gather [hbm4b:s3+s4], $0x80, $0x38;
	[tilespmem:$0x18380] =	vst v63  }
0x267: {  	s3 =	smov.u32 s28;
	s0 =	smov.u32 s2;
	p0 =	sne.s32 s28, $0xF80  }
.Ltmp39:
0x268: {  	s28 =	sadd.s32 $0x80, s28;
	(pc) =	sbr.rel @p0 .LBB2_80-.Ltmp39, $2  }
0x269: {  	_ =	sdelay $0x2  }
0x26a: {  	s2 =	sadd.s32 $0x400, s2;
	s3 =	sadd.s32 s3, s26  }
0x26b: {  	[tilespmem:s0], [sflag:$0x2] =	stream.linear.gather [hbm4b:s3+s4], $0x80, $0x38;
	[tilespmem:$0x18380] =	vst v63  }
0x26c: {  	_ =	swait.ge [sflag:s20], $0x8000  }
0x26d: {  	[sflag:s20] =	ssyncset.done $0x0  }
0x26e: {  	s26 =	simm.s32 $0x0;
	[sflag:s20] =	ssyncadd.s32 $0xFFFF8000  }
0x26f: {  	[hbm4b:s9+s26] =	stream.linear.scatter [tilespmem:s21], [sflag:$0x6], $0x8000, $0x38;
	[tilespmem:$0x18380] =	vst v63  }
.LBB2_82:
0x270: {  	s26 =	sadd.s32 $0x1, s26;
	_ =	swait.ge [sflag:s22], $0x8000  }
0x271: {  	[sflag:s22] =	ssyncset.done $0x0;
	s29 =	smul.u32 $0x18, s26  }
0x272: {  	[sflag:s22] =	ssyncadd.s32 $0xFFFF8000  }
0x273: {  	v1 =	vld [tilespmem:s29+$0x190];
	_ =	sdelay $0x4  }
0x274: {  	(v2sf) =	vpush v1, $0x0;
	_ =	sdelay $0xe  }
0x275: {  	s0 =	spop (v2sf)  }
0x276: {  	s2 =	sshll.u32 s0, $0xC;
	s0 =	sshll.u32 s0, $0x7  }
0x277: {  	s2 =	sand.u32 $0xFFFF8000, s2;
	s0 =	sand.u32 $0x380, s0  }
0x278: {  	s0 =	sor.u32 s0, s2  }
0x279: {  	s0 =	sshrl.u32 s0, $0x3  }
0x27a: {  	s31 =	simm.s32 $0x10380;
	s28 =	sadd.s32 $0x10, s29;
	s30 =	sadd.s32 s1, s0  }
0x27b: {  	s2 =	simm.s32 $0x10780;
	s0 =	simm.s32 $0x80;
	s3 =	sadd.s32 $0x0, s30  }
.LBB2_83:
0x27c: {  	[tilespmem:s31], [sflag:$0x3] =	stream.linear.gather [hbm4b:s3+s4], $0x80, $0x38;
	[tilespmem:$0x18380] =	vst v63  }
0x27d: {  	s3 =	smov.u32 s0;
	s31 =	smov.u32 s2;
	p0 =	sne.s32 s0, $0xF80  }
.Ltmp40:
0x27e: {  	s0 =	sadd.s32 $0x80, s0;
	(pc) =	sbr.rel @p0 .LBB2_83-.Ltmp40, $2  }
0x27f: {  	_ =	sdelay $0x2  }
0x280: {  	s2 =	sadd.s32 $0x400, s2;
	s3 =	sadd.s32 s3, s30  }
0x281: {  	(v2sf) =	vpush v1, $0x1;
	_ =	sdelay $0xd  }
0x282: {  	[tilespmem:s31], [sflag:$0x3] =	stream.linear.gather [hbm4b:s3+s4], $0x80, $0x38;
	[tilespmem:$0x18380] =	vst v63  }
0x283: {  	s0 =	spop (v2sf)  }
0x284: {  	s2 =	sshll.u32 s0, $0xC;
	s0 =	sshll.u32 s0, $0x7  }
0x285: {  	s2 =	sand.u32 $0xFFFF8000, s2;
	s0 =	sand.u32 $0x380, s0  }
0x286: {  	s0 =	sor.u32 s0, s2  }
0x287: {  	s0 =	sshrl.u32 s0, $0x3  }
0x288: {  	s31 =	simm.s32 $0x10400;
	s30 =	sadd.s32 s1, s0  }
0x289: {  	s2 =	simm.s32 $0x10800;
	s0 =	simm.s32 $0x80;
	s3 =	sadd.s32 $0x0, s30  }
.LBB2_85:
0x28a: {  	[tilespmem:s31], [sflag:$0x3] =	stream.linear.gather [hbm4b:s3+s4], $0x80, $0x38;
	[tilespmem:$0x18380] =	vst v63  }
0x28b: {  	s3 =	smov.u32 s0;
	s31 =	smov.u32 s2;
	p0 =	sne.s32 s0, $0xF80  }
.Ltmp41:
0x28c: {  	s0 =	sadd.s32 $0x80, s0;
	(pc) =	sbr.rel @p0 .LBB2_85-.Ltmp41, $2  }
0x28d: {  	_ =	sdelay $0x2  }
0x28e: {  	s2 =	sadd.s32 $0x400, s2;
	s3 =	sadd.s32 s3, s30  }
0x28f: {  	(v2sf) =	vpush v1, $0x2;
	_ =	sdelay $0xd  }
0x290: {  	[tilespmem:s31], [sflag:$0x3] =	stream.linear.gather [hbm4b:s3+s4], $0x80, $0x38;
	[tilespmem:$0x18380] =	vst v63  }
0x291: {  	s0 =	spop (v2sf)  }
0x292: {  	s2 =	sshll.u32 s0, $0xC;
	s0 =	sshll.u32 s0, $0x7  }
0x293: {  	s2 =	sand.u32 $0xFFFF8000, s2;
	s0 =	sand.u32 $0x380, s0  }
0x294: {  	s0 =	sor.u32 s0, s2  }
0x295: {  	s0 =	sshrl.u32 s0, $0x3  }
0x296: {  	s31 =	simm.s32 $0x10480;
	s30 =	sadd.s32 s1, s0  }
0x297: {  	s2 =	simm.s32 $0x10880;
	s0 =	simm.s32 $0x80;
	s3 =	sadd.s32 $0x0, s30  }
.LBB2_87:
0x298: {  	[tilespmem:s31], [sflag:$0x3] =	stream.linear.gather [hbm4b:s3+s4], $0x80, $0x38;
	[tilespmem:$0x18380] =	vst v63  }
0x299: {  	s3 =	smov.u32 s0;
	s31 =	smov.u32 s2;
	p0 =	sne.s32 s0, $0xF80  }
.Ltmp42:
0x29a: {  	s0 =	sadd.s32 $0x80, s0;
	(pc) =	sbr.rel @p0 .LBB2_87-.Ltmp42, $2  }
0x29b: {  	_ =	sdelay $0x2  }
0x29c: {  	s2 =	sadd.s32 $0x400, s2;
	s3 =	sadd.s32 s3, s30  }
0x29d: {  	(v2sf) =	vpush v1, $0x3;
	_ =	sdelay $0xd  }
0x29e: {  	[tilespmem:s31], [sflag:$0x3] =	stream.linear.gather [hbm4b:s3+s4], $0x80, $0x38;
	[tilespmem:$0x18380] =	vst v63  }
0x29f: {  	s0 =	spop (v2sf)  }
0x2a0: {  	s2 =	sshll.u32 s0, $0xC;
	s0 =	sshll.u32 s0, $0x7  }
0x2a1: {  	s2 =	sand.u32 $0xFFFF8000, s2;
	s0 =	sand.u32 $0x380, s0  }
0x2a2: {  	s0 =	sor.u32 s0, s2  }
0x2a3: {  	s0 =	sshrl.u32 s0, $0x3  }
0x2a4: {  	s31 =	simm.s32 $0x10500;
	s30 =	sadd.s32 s1, s0  }
0x2a5: {  	s2 =	simm.s32 $0x10900;
	s0 =	simm.s32 $0x80;
	s3 =	sadd.s32 $0x0, s30  }
.LBB2_89:
0x2a6: {  	[tilespmem:s31], [sflag:$0x3] =	stream.linear.gather [hbm4b:s3+s4], $0x80, $0x38;
	[tilespmem:$0x18380] =	vst v63  }
0x2a7: {  	s3 =	smov.u32 s0;
	s31 =	smov.u32 s2;
	p0 =	sne.s32 s0, $0xF80  }
.Ltmp43:
0x2a8: {  	s0 =	sadd.s32 $0x80, s0;
	(pc) =	sbr.rel @p0 .LBB2_89-.Ltmp43, $2  }
0x2a9: {  	_ =	sdelay $0x2  }
0x2aa: {  	s2 =	sadd.s32 $0x400, s2;
	s3 =	sadd.s32 s3, s30  }
0x2ab: {  	(v2sf) =	vpush v1, $0x4;
	_ =	sdelay $0xd  }
0x2ac: {  	[tilespmem:s31], [sflag:$0x3] =	stream.linear.gather [hbm4b:s3+s4], $0x80, $0x38;
	[tilespmem:$0x18380] =	vst v63  }
0x2ad: {  	s0 =	spop (v2sf)  }
0x2ae: {  	s2 =	sshll.u32 s0, $0xC;
	s0 =	sshll.u32 s0, $0x7  }
0x2af: {  	s2 =	sand.u32 $0xFFFF8000, s2;
	s0 =	sand.u32 $0x380, s0  }
0x2b0: {  	s0 =	sor.u32 s0, s2  }
0x2b1: {  	s0 =	sshrl.u32 s0, $0x3  }
0x2b2: {  	s31 =	simm.s32 $0x10580;
	s30 =	sadd.s32 s1, s0  }
0x2b3: {  	s2 =	simm.s32 $0x10980;
	s0 =	simm.s32 $0x80;
	s3 =	sadd.s32 $0x0, s30  }
.LBB2_91:
0x2b4: {  	[tilespmem:s31], [sflag:$0x3] =	stream.linear.gather [hbm4b:s3+s4], $0x80, $0x38;
	[tilespmem:$0x18380] =	vst v63  }
0x2b5: {  	s3 =	smov.u32 s0;
	s31 =	smov.u32 s2;
	p0 =	sne.s32 s0, $0xF80  }
.Ltmp44:
0x2b6: {  	s0 =	sadd.s32 $0x80, s0;
	(pc) =	sbr.rel @p0 .LBB2_91-.Ltmp44, $2  }
0x2b7: {  	_ =	sdelay $0x2  }
0x2b8: {  	s2 =	sadd.s32 $0x400, s2;
	s3 =	sadd.s32 s3, s30  }
0x2b9: {  	(v2sf) =	vpush v1, $0x5;
	_ =	sdelay $0xd  }
0x2ba: {  	[tilespmem:s31], [sflag:$0x3] =	stream.linear.gather [hbm4b:s3+s4], $0x80, $0x38;
	[tilespmem:$0x18380] =	vst v63  }
0x2bb: {  	s0 =	spop (v2sf)  }
0x2bc: {  	s2 =	sshll.u32 s0, $0xC;
	s0 =	sshll.u32 s0, $0x7  }
0x2bd: {  	s2 =	sand.u32 $0xFFFF8000, s2;
	s0 =	sand.u32 $0x380, s0  }
0x2be: {  	s0 =	sor.u32 s0, s2  }
0x2bf: {  	s0 =	sshrl.u32 s0, $0x3  }
0x2c0: {  	s31 =	simm.s32 $0x10600;
	s30 =	sadd.s32 s1, s0  }
0x2c1: {  	s2 =	simm.s32 $0x10A00;
	s0 =	simm.s32 $0x80;
	s3 =	sadd.s32 $0x0, s30  }
.LBB2_93:
0x2c2: {  	[tilespmem:s31], [sflag:$0x3] =	stream.linear.gather [hbm4b:s3+s4], $0x80, $0x38;
	[tilespmem:$0x18380] =	vst v63  }
0x2c3: {  	s3 =	smov.u32 s0;
	s31 =	smov.u32 s2;
	p0 =	sne.s32 s0, $0xF80  }
.Ltmp45:
0x2c4: {  	s0 =	sadd.s32 $0x80, s0;
	(pc) =	sbr.rel @p0 .LBB2_93-.Ltmp45, $2  }
0x2c5: {  	_ =	sdelay $0x2  }
0x2c6: {  	s2 =	sadd.s32 $0x400, s2;
	s3 =	sadd.s32 s3, s30  }
0x2c7: {  	(v2sf) =	vpush v1, $0x6;
	_ =	sdelay $0xd  }
0x2c8: {  	[tilespmem:s31], [sflag:$0x3] =	stream.linear.gather [hbm4b:s3+s4], $0x80, $0x38;
	[tilespmem:$0x18380] =	vst v63  }
0x2c9: {  	s0 =	spop (v2sf)  }
0x2ca: {  	s2 =	sshll.u32 s0, $0xC;
	s0 =	sshll.u32 s0, $0x7  }
0x2cb: {  	s2 =	sand.u32 $0xFFFF8000, s2;
	s0 =	sand.u32 $0x380, s0  }
0x2cc: {  	s0 =	sor.u32 s0, s2  }
0x2cd: {  	s0 =	sshrl.u32 s0, $0x3  }
0x2ce: {  	s31 =	simm.s32 $0x10680;
	s30 =	sadd.s32 s1, s0  }
0x2cf: {  	s2 =	simm.s32 $0x10A80;
	s0 =	simm.s32 $0x80;
	s3 =	sadd.s32 $0x0, s30  }
.LBB2_95:
0x2d0: {  	[tilespmem:s31], [sflag:$0x3] =	stream.linear.gather [hbm4b:s3+s4], $0x80, $0x38;
	[tilespmem:$0x18380] =	vst v63  }
0x2d1: {  	s3 =	smov.u32 s0;
	s31 =	smov.u32 s2;
	p0 =	sne.s32 s0, $0xF80  }
.Ltmp46:
0x2d2: {  	s0 =	sadd.s32 $0x80, s0;
	(pc) =	sbr.rel @p0 .LBB2_95-.Ltmp46, $2  }
0x2d3: {  	_ =	sdelay $0x2  }
0x2d4: {  	s2 =	sadd.s32 $0x400, s2;
	s3 =	sadd.s32 s3, s30  }
0x2d5: {  	(v2sf) =	vpush v1, $0x7;
	_ =	sdelay $0xd  }
0x2d6: {  	[tilespmem:s31], [sflag:$0x3] =	stream.linear.gather [hbm4b:s3+s4], $0x80, $0x38;
	[tilespmem:$0x18380] =	vst v63  }
0x2d7: {  	s0 =	spop (v2sf)  }
0x2d8: {  	s2 =	sshll.u32 s0, $0xC;
	s0 =	sshll.u32 s0, $0x7  }
0x2d9: {  	s2 =	sand.u32 $0xFFFF8000, s2;
	s0 =	sand.u32 $0x380, s0  }
0x2da: {  	s0 =	sor.u32 s0, s2  }
0x2db: {  	s0 =	sshrl.u32 s0, $0x3  }
0x2dc: {  	s31 =	simm.s32 $0x80;
	s30 =	sadd.s32 s1, s0  }
0x2dd: {  	s2 =	simm.s32 $0x10B00;
	s0 =	simm.s32 $0x10700;
	s3 =	sadd.s32 $0x0, s30  }
.LBB2_97:
0x2de: {  	[tilespmem:s0], [sflag:$0x3] =	stream.linear.gather [hbm4b:s3+s4], $0x80, $0x38;
	[tilespmem:$0x18380] =	vst v63  }
0x2df: {  	s3 =	smov.u32 s31;
	s0 =	smov.u32 s2;
	p0 =	sne.s32 s31, $0xF80  }
.Ltmp47:
0x2e0: {  	s31 =	sadd.s32 $0x80, s31;
	(pc) =	sbr.rel @p0 .LBB2_97-.Ltmp47, $2  }
0x2e1: {  	_ =	sdelay $0x2  }
0x2e2: {  	s2 =	sadd.s32 $0x400, s2;
	s3 =	sadd.s32 s3, s30  }
0x2e3: {  	[tilespmem:s0], [sflag:$0x3] =	stream.linear.gather [hbm4b:s3+s4], $0x80, $0x38;
	[tilespmem:$0x18380] =	vst v63  }
0x2e4: {  	s23 =	sadd.s32 s6, s29;
	_ =	swait.ge [sflag:s16], $0x8000  }
0x2e5: {  	s2 =	simm.s32 $0x0;
	s0 =	sshll.u32 s23, $0x9;
	[sflag:s16] =	ssyncset.done $0x0  }
0x2e6: {  	s31 =	simm.s32 $0x380;
	s0 =	sadd.s32 s5, s0;
	[sflag:s16] =	ssyncadd.s32 $0xFFFF8000  }
0x2e7: {  	[hbm4b:s0+s2] =	stream.linear.scatter [tilespmem:s31], [sflag:$0x4], $0x8000, $0x38;
	[tilespmem:$0x18380] =	vst v63  }
0x2e8: {  	s2 =	smul.u32 $0x60, s26;
	_ =	swait.ge [sflag:s17], $0x8000  }
0x2e9: {  	[sflag:s17] =	ssyncset.done $0x0  }
0x2ea: {  	s30 =	sshra.s32 s2, $0x2;
	[sflag:s17] =	ssyncadd.s32 $0xFFFF8000  }
0x2eb: {  	v1 =	vld [tilespmem:s30+$0x198];
	_ =	sdelay $0x4  }
0x2ec: {  	(v2sf) =	vpush v1, $0x0;
	_ =	sdelay $0xe  }
0x2ed: {  	s3 =	spop (v2sf)  }
0x2ee: {  	s23 =	sshll.u32 s3, $0xC;
	s0 =	sshll.u32 s3, $0x7  }
0x2ef: {  	s2 =	sand.u32 $0xFFFF8000, s23;
	s0 =	sand.u32 $0x380, s0  }
0x2f0: {  	s0 =	sor.u32 s0, s2  }
0x2f1: {  	s0 =	sshrl.u32 s0, $0x3  }
0x2f2: {  	s0 =	sadd.s32 s1, s0  }
0x2f3: {  	s3 =	simm.s32 $0x780;
	s2 =	simm.s32 $0x80;
	s23 =	sadd.s32 $0x0, s0  }
.LBB2_99:
0x2f4: {  	[tilespmem:s31], [sflag:$0x1] =	stream.linear.gather [hbm4b:s23+s4], $0x80, $0x38;
	[tilespmem:$0x18380] =	vst v63  }
0x2f5: {  	s23 =	smov.u32 s2;
	s31 =	smov.u32 s3;
	p0 =	sne.s32 s2, $0xF80  }
.Ltmp48:
0x2f6: {  	s2 =	sadd.s32 $0x80, s2;
	(pc) =	sbr.rel @p0 .LBB2_99-.Ltmp48, $2  }
0x2f7: {  	_ =	sdelay $0x2  }
0x2f8: {  	s3 =	sadd.s32 $0x400, s3;
	s23 =	sadd.s32 s23, s0  }
0x2f9: {  	(v2sf) =	vpush v1, $0x1;
	_ =	sdelay $0xd  }
0x2fa: {  	[tilespmem:s31], [sflag:$0x1] =	stream.linear.gather [hbm4b:s23+s4], $0x80, $0x38;
	[tilespmem:$0x18380] =	vst v63  }
0x2fb: {  	s0 =	spop (v2sf)  }
0x2fc: {  	s2 =	sshll.u32 s0, $0xC;
	s0 =	sshll.u32 s0, $0x7  }
0x2fd: {  	s2 =	sand.u32 $0xFFFF8000, s2;
	s0 =	sand.u32 $0x380, s0  }
0x2fe: {  	s0 =	sor.u32 s0, s2  }
0x2ff: {  	s0 =	sshrl.u32 s0, $0x3  }
0x300: {  	s3 =	simm.s32 $0x800;
	s31 =	sadd.s32 s1, s0  }
0x301: {  	s2 =	simm.s32 $0x80;
	s0 =	simm.s32 $0x400;
	s23 =	sadd.s32 $0x0, s31  }
.LBB2_101:
0x302: {  	[tilespmem:s0], [sflag:$0x1] =	stream.linear.gather [hbm4b:s23+s4], $0x80, $0x38;
	[tilespmem:$0x18380] =	vst v63  }
0x303: {  	s23 =	smov.u32 s2;
	s0 =	smov.u32 s3;
	p0 =	sne.s32 s2, $0xF80  }
.Ltmp49:
0x304: {  	s2 =	sadd.s32 $0x80, s2;
	(pc) =	sbr.rel @p0 .LBB2_101-.Ltmp49, $2  }
0x305: {  	_ =	sdelay $0x2  }
0x306: {  	s3 =	sadd.s32 $0x400, s3;
	s23 =	sadd.s32 s23, s31  }
0x307: {  	(v2sf) =	vpush v1, $0x2;
	_ =	sdelay $0xd  }
0x308: {  	[tilespmem:s0], [sflag:$0x1] =	stream.linear.gather [hbm4b:s23+s4], $0x80, $0x38;
	[tilespmem:$0x18380] =	vst v63  }
0x309: {  	s23 =	spop (v2sf)  }
0x30a: {  	s2 =	sshll.u32 s23, $0xC;
	s0 =	sshll.u32 s23, $0x7  }
0x30b: {  	s2 =	sand.u32 $0xFFFF8000, s2;
	s0 =	sand.u32 $0x380, s0  }
0x30c: {  	s0 =	sor.u32 s0, s2  }
0x30d: {  	s0 =	sshrl.u32 s0, $0x3  }
0x30e: {  	s3 =	simm.s32 $0x880;
	s31 =	sadd.s32 s1, s0  }
0x30f: {  	s2 =	simm.s32 $0x80;
	s0 =	simm.s32 $0x480;
	s23 =	sadd.s32 $0x0, s31  }
.LBB2_103:
0x310: {  	[tilespmem:s0], [sflag:$0x1] =	stream.linear.gather [hbm4b:s23+s4], $0x80, $0x38;
	[tilespmem:$0x18380] =	vst v63  }
0x311: {  	s23 =	smov.u32 s2;
	s0 =	smov.u32 s3;
	p0 =	sne.s32 s2, $0xF80  }
.Ltmp50:
0x312: {  	s2 =	sadd.s32 $0x80, s2;
	(pc) =	sbr.rel @p0 .LBB2_103-.Ltmp50, $2  }
0x313: {  	_ =	sdelay $0x2  }
0x314: {  	s3 =	sadd.s32 $0x400, s3;
	s23 =	sadd.s32 s23, s31  }
0x315: {  	(v2sf) =	vpush v1, $0x3;
	_ =	sdelay $0xd  }
0x316: {  	[tilespmem:s0], [sflag:$0x1] =	stream.linear.gather [hbm4b:s23+s4], $0x80, $0x38;
	[tilespmem:$0x18380] =	vst v63  }
0x317: {  	s23 =	spop (v2sf)  }
0x318: {  	s2 =	sshll.u32 s23, $0xC;
	s0 =	sshll.u32 s23, $0x7  }
0x319: {  	s2 =	sand.u32 $0xFFFF8000, s2;
	s0 =	sand.u32 $0x380, s0  }
0x31a: {  	s0 =	sor.u32 s0, s2  }
0x31b: {  	s0 =	sshrl.u32 s0, $0x3  }
0x31c: {  	s3 =	simm.s32 $0x900;
	s31 =	sadd.s32 s1, s0  }
0x31d: {  	s2 =	simm.s32 $0x80;
	s0 =	simm.s32 $0x500;
	s23 =	sadd.s32 $0x0, s31  }
.LBB2_105:
0x31e: {  	[tilespmem:s0], [sflag:$0x1] =	stream.linear.gather [hbm4b:s23+s4], $0x80, $0x38;
	[tilespmem:$0x18380] =	vst v63  }
0x31f: {  	s23 =	smov.u32 s2;
	s0 =	smov.u32 s3;
	p0 =	sne.s32 s2, $0xF80  }
.Ltmp51:
0x320: {  	s2 =	sadd.s32 $0x80, s2;
	(pc) =	sbr.rel @p0 .LBB2_105-.Ltmp51, $2  }
0x321: {  	_ =	sdelay $0x2  }
0x322: {  	s3 =	sadd.s32 $0x400, s3;
	s23 =	sadd.s32 s23, s31  }
0x323: {  	(v2sf) =	vpush v1, $0x4;
	_ =	sdelay $0xd  }
0x324: {  	[tilespmem:s0], [sflag:$0x1] =	stream.linear.gather [hbm4b:s23+s4], $0x80, $0x38;
	[tilespmem:$0x18380] =	vst v63  }
0x325: {  	s23 =	spop (v2sf)  }
0x326: {  	s2 =	sshll.u32 s23, $0xC;
	s0 =	sshll.u32 s23, $0x7  }
0x327: {  	s2 =	sand.u32 $0xFFFF8000, s2;
	s0 =	sand.u32 $0x380, s0  }
0x328: {  	s0 =	sor.u32 s0, s2  }
0x329: {  	s0 =	sshrl.u32 s0, $0x3  }
0x32a: {  	s3 =	simm.s32 $0x980;
	s31 =	sadd.s32 s1, s0  }
0x32b: {  	s2 =	simm.s32 $0x80;
	s0 =	simm.s32 $0x580;
	s23 =	sadd.s32 $0x0, s31  }
.LBB2_107:
0x32c: {  	[tilespmem:s0], [sflag:$0x1] =	stream.linear.gather [hbm4b:s23+s4], $0x80, $0x38;
	[tilespmem:$0x18380] =	vst v63  }
0x32d: {  	s23 =	smov.u32 s2;
	s0 =	smov.u32 s3;
	p0 =	sne.s32 s2, $0xF80  }
.Ltmp52:
0x32e: {  	s2 =	sadd.s32 $0x80, s2;
	(pc) =	sbr.rel @p0 .LBB2_107-.Ltmp52, $2  }
0x32f: {  	_ =	sdelay $0x2  }
0x330: {  	s3 =	sadd.s32 $0x400, s3;
	s23 =	sadd.s32 s23, s31  }
0x331: {  	(v2sf) =	vpush v1, $0x5;
	_ =	sdelay $0xd  }
0x332: {  	[tilespmem:s0], [sflag:$0x1] =	stream.linear.gather [hbm4b:s23+s4], $0x80, $0x38;
	[tilespmem:$0x18380] =	vst v63  }
0x333: {  	s23 =	spop (v2sf)  }
0x334: {  	s2 =	sshll.u32 s23, $0xC;
	s0 =	sshll.u32 s23, $0x7  }
0x335: {  	s2 =	sand.u32 $0xFFFF8000, s2;
	s0 =	sand.u32 $0x380, s0  }
0x336: {  	s0 =	sor.u32 s0, s2  }
0x337: {  	s0 =	sshrl.u32 s0, $0x3  }
0x338: {  	s3 =	simm.s32 $0xA00;
	s31 =	sadd.s32 s1, s0  }
0x339: {  	s2 =	simm.s32 $0x80;
	s0 =	simm.s32 $0x600;
	s23 =	sadd.s32 $0x0, s31  }
.LBB2_109:
0x33a: {  	[tilespmem:s0], [sflag:$0x1] =	stream.linear.gather [hbm4b:s23+s4], $0x80, $0x38;
	[tilespmem:$0x18380] =	vst v63  }
0x33b: {  	s23 =	smov.u32 s2;
	s0 =	smov.u32 s3;
	p0 =	sne.s32 s2, $0xF80  }
.Ltmp53:
0x33c: {  	s2 =	sadd.s32 $0x80, s2;
	(pc) =	sbr.rel @p0 .LBB2_109-.Ltmp53, $2  }
0x33d: {  	_ =	sdelay $0x2  }
0x33e: {  	s3 =	sadd.s32 $0x400, s3;
	s23 =	sadd.s32 s23, s31  }
0x33f: {  	(v2sf) =	vpush v1, $0x6;
	_ =	sdelay $0xd  }
0x340: {  	[tilespmem:s0], [sflag:$0x1] =	stream.linear.gather [hbm4b:s23+s4], $0x80, $0x38;
	[tilespmem:$0x18380] =	vst v63  }
0x341: {  	s23 =	spop (v2sf)  }
0x342: {  	s2 =	sshll.u32 s23, $0xC;
	s0 =	sshll.u32 s23, $0x7  }
0x343: {  	s2 =	sand.u32 $0xFFFF8000, s2;
	s0 =	sand.u32 $0x380, s0  }
0x344: {  	s0 =	sor.u32 s0, s2  }
0x345: {  	s0 =	sshrl.u32 s0, $0x3  }
0x346: {  	s3 =	simm.s32 $0xA80;
	s31 =	sadd.s32 s1, s0  }
0x347: {  	s2 =	simm.s32 $0x80;
	s0 =	simm.s32 $0x680;
	s23 =	sadd.s32 $0x0, s31  }
.LBB2_111:
0x348: {  	[tilespmem:s0], [sflag:$0x1] =	stream.linear.gather [hbm4b:s23+s4], $0x80, $0x38;
	[tilespmem:$0x18380] =	vst v63  }
0x349: {  	s23 =	smov.u32 s2;
	s0 =	smov.u32 s3;
	p0 =	sne.s32 s2, $0xF80  }
.Ltmp54:
0x34a: {  	s2 =	sadd.s32 $0x80, s2;
	(pc) =	sbr.rel @p0 .LBB2_111-.Ltmp54, $2  }
0x34b: {  	_ =	sdelay $0x2  }
0x34c: {  	s3 =	sadd.s32 $0x400, s3;
	s23 =	sadd.s32 s23, s31  }
0x34d: {  	(v2sf) =	vpush v1, $0x7;
	_ =	sdelay $0xd  }
0x34e: {  	[tilespmem:s0], [sflag:$0x1] =	stream.linear.gather [hbm4b:s23+s4], $0x80, $0x38;
	[tilespmem:$0x18380] =	vst v63  }
0x34f: {  	s23 =	spop (v2sf)  }
0x350: {  	s2 =	sshll.u32 s23, $0xC;
	s0 =	sshll.u32 s23, $0x7  }
0x351: {  	s2 =	sand.u32 $0xFFFF8000, s2;
	s0 =	sand.u32 $0x380, s0  }
0x352: {  	s0 =	sor.u32 s0, s2  }
0x353: {  	s0 =	sshrl.u32 s0, $0x3  }
0x354: {  	s3 =	simm.s32 $0xB00;
	s31 =	sadd.s32 s1, s0  }
0x355: {  	s2 =	simm.s32 $0x80;
	s0 =	simm.s32 $0x700;
	s23 =	sadd.s32 $0x0, s31  }
.LBB2_113:
0x356: {  	[tilespmem:s0], [sflag:$0x1] =	stream.linear.gather [hbm4b:s23+s4], $0x80, $0x38;
	[tilespmem:$0x18380] =	vst v63  }
0x357: {  	s23 =	smov.u32 s2;
	s0 =	smov.u32 s3;
	p0 =	sne.s32 s2, $0xF80  }
.Ltmp55:
0x358: {  	s2 =	sadd.s32 $0x80, s2;
	(pc) =	sbr.rel @p0 .LBB2_113-.Ltmp55, $2  }
0x359: {  	_ =	sdelay $0x2  }
0x35a: {  	s3 =	sadd.s32 $0x400, s3;
	s23 =	sadd.s32 s23, s31  }
0x35b: {  	[tilespmem:s0], [sflag:$0x1] =	stream.linear.gather [hbm4b:s23+s4], $0x80, $0x38;
	[tilespmem:$0x18380] =	vst v63  }
0x35c: {  	s23 =	sadd.s32 s29, s10;
	_ =	swait.ge [sflag:s18], $0x8000  }
0x35d: {  	s2 =	simm.s32 $0x0;
	s0 =	sshll.u32 s23, $0x9;
	[sflag:s18] =	ssyncset.done $0x0  }
0x35e: {  	s29 =	simm.s32 $0x8380;
	s0 =	sadd.s32 s5, s0;
	[sflag:s18] =	ssyncadd.s32 $0xFFFF8000  }
0x35f: {  	[hbm4b:s0+s2] =	stream.linear.scatter [tilespmem:s29], [sflag:$0x5], $0x8000, $0x38;
	[tilespmem:$0x18380] =	vst v63  }
0x360: {  	_ =	swait.ge [sflag:s19], $0x8000  }
0x361: {  	[sflag:s19] =	ssyncset.done $0x0  }
0x362: {  	[sflag:s19] =	ssyncadd.s32 $0xFFFF8000  }
0x363: {  	v1 =	vld [tilespmem:s30+$0x1A0];
	_ =	sdelay $0x4  }
0x364: {  	(v2sf) =	vpush v1, $0x0;
	_ =	sdelay $0xe  }
0x365: {  	s30 =	spop (v2sf)  }
0x366: {  	s31 =	sshll.u32 s30, $0xC;
	s0 =	sshll.u32 s30, $0x7  }
0x367: {  	s2 =	sand.u32 $0xFFFF8000, s31;
	s0 =	sand.u32 $0x380, s0  }
0x368: {  	s0 =	sor.u32 s0, s2  }
0x369: {  	s0 =	sshrl.u32 s0, $0x3  }
0x36a: {  	s0 =	sadd.s32 s1, s0  }
0x36b: {  	s3 =	simm.s32 $0x8780;
	s2 =	simm.s32 $0x80;
	s23 =	sadd.s32 $0x0, s0  }
.LBB2_115:
0x36c: {  	[tilespmem:s29], [sflag:$0x2] =	stream.linear.gather [hbm4b:s23+s4], $0x80, $0x38;
	[tilespmem:$0x18380] =	vst v63  }
0x36d: {  	s23 =	smov.u32 s2;
	s29 =	smov.u32 s3;
	p0 =	sne.s32 s2, $0xF80  }
.Ltmp56:
0x36e: {  	s2 =	sadd.s32 $0x80, s2;
	(pc) =	sbr.rel @p0 .LBB2_115-.Ltmp56, $2  }
0x36f: {  	_ =	sdelay $0x2  }
0x370: {  	s3 =	sadd.s32 $0x400, s3;
	s23 =	sadd.s32 s23, s0  }
0x371: {  	(v2sf) =	vpush v1, $0x1;
	_ =	sdelay $0xd  }
0x372: {  	[tilespmem:s29], [sflag:$0x2] =	stream.linear.gather [hbm4b:s23+s4], $0x80, $0x38;
	[tilespmem:$0x18380] =	vst v63  }
0x373: {  	s0 =	spop (v2sf)  }
0x374: {  	s2 =	sshll.u32 s0, $0xC;
	s0 =	sshll.u32 s0, $0x7  }
0x375: {  	s2 =	sand.u32 $0xFFFF8000, s2;
	s0 =	sand.u32 $0x380, s0  }
0x376: {  	s0 =	sor.u32 s0, s2  }
0x377: {  	s0 =	sshrl.u32 s0, $0x3  }
0x378: {  	s3 =	simm.s32 $0x8800;
	s29 =	sadd.s32 s1, s0  }
0x379: {  	s2 =	simm.s32 $0x80;
	s0 =	simm.s32 $0x8400;
	s23 =	sadd.s32 $0x0, s29  }
.LBB2_117:
0x37a: {  	[tilespmem:s0], [sflag:$0x2] =	stream.linear.gather [hbm4b:s23+s4], $0x80, $0x38;
	[tilespmem:$0x18380] =	vst v63  }
0x37b: {  	s23 =	smov.u32 s2;
	s0 =	smov.u32 s3;
	p0 =	sne.s32 s2, $0xF80  }
.Ltmp57:
0x37c: {  	s2 =	sadd.s32 $0x80, s2;
	(pc) =	sbr.rel @p0 .LBB2_117-.Ltmp57, $2  }
0x37d: {  	_ =	sdelay $0x2  }
0x37e: {  	s3 =	sadd.s32 $0x400, s3;
	s23 =	sadd.s32 s23, s29  }
0x37f: {  	(v2sf) =	vpush v1, $0x2;
	_ =	sdelay $0xd  }
0x380: {  	[tilespmem:s0], [sflag:$0x2] =	stream.linear.gather [hbm4b:s23+s4], $0x80, $0x38;
	[tilespmem:$0x18380] =	vst v63  }
0x381: {  	s31 =	spop (v2sf)  }
0x382: {  	s2 =	sshll.u32 s31, $0xC;
	s0 =	sshll.u32 s31, $0x7  }
0x383: {  	s2 =	sand.u32 $0xFFFF8000, s2;
	s0 =	sand.u32 $0x380, s0  }
0x384: {  	s0 =	sor.u32 s0, s2  }
0x385: {  	s0 =	sshrl.u32 s0, $0x3  }
0x386: {  	s3 =	simm.s32 $0x8880;
	s29 =	sadd.s32 s1, s0  }
0x387: {  	s2 =	simm.s32 $0x80;
	s0 =	simm.s32 $0x8480;
	s23 =	sadd.s32 $0x0, s29  }
.LBB2_119:
0x388: {  	[tilespmem:s0], [sflag:$0x2] =	stream.linear.gather [hbm4b:s23+s4], $0x80, $0x38;
	[tilespmem:$0x18380] =	vst v63  }
0x389: {  	s23 =	smov.u32 s2;
	s0 =	smov.u32 s3;
	p0 =	sne.s32 s2, $0xF80  }
.Ltmp58:
0x38a: {  	s2 =	sadd.s32 $0x80, s2;
	(pc) =	sbr.rel @p0 .LBB2_119-.Ltmp58, $2  }
0x38b: {  	_ =	sdelay $0x2  }
0x38c: {  	s3 =	sadd.s32 $0x400, s3;
	s23 =	sadd.s32 s23, s29  }
0x38d: {  	(v2sf) =	vpush v1, $0x3;
	_ =	sdelay $0xd  }
0x38e: {  	[tilespmem:s0], [sflag:$0x2] =	stream.linear.gather [hbm4b:s23+s4], $0x80, $0x38;
	[tilespmem:$0x18380] =	vst v63  }
0x38f: {  	s31 =	spop (v2sf)  }
0x390: {  	s2 =	sshll.u32 s31, $0xC;
	s0 =	sshll.u32 s31, $0x7  }
0x391: {  	s2 =	sand.u32 $0xFFFF8000, s2;
	s0 =	sand.u32 $0x380, s0  }
0x392: {  	s0 =	sor.u32 s0, s2  }
0x393: {  	s0 =	sshrl.u32 s0, $0x3  }
0x394: {  	s3 =	simm.s32 $0x8900;
	s29 =	sadd.s32 s1, s0  }
0x395: {  	s2 =	simm.s32 $0x80;
	s0 =	simm.s32 $0x8500;
	s23 =	sadd.s32 $0x0, s29  }
.LBB2_121:
0x396: {  	[tilespmem:s0], [sflag:$0x2] =	stream.linear.gather [hbm4b:s23+s4], $0x80, $0x38;
	[tilespmem:$0x18380] =	vst v63  }
0x397: {  	s23 =	smov.u32 s2;
	s0 =	smov.u32 s3;
	p0 =	sne.s32 s2, $0xF80  }
.Ltmp59:
0x398: {  	s2 =	sadd.s32 $0x80, s2;
	(pc) =	sbr.rel @p0 .LBB2_121-.Ltmp59, $2  }
0x399: {  	_ =	sdelay $0x2  }
0x39a: {  	s3 =	sadd.s32 $0x400, s3;
	s23 =	sadd.s32 s23, s29  }
0x39b: {  	(v2sf) =	vpush v1, $0x4;
	_ =	sdelay $0xd  }
0x39c: {  	[tilespmem:s0], [sflag:$0x2] =	stream.linear.gather [hbm4b:s23+s4], $0x80, $0x38;
	[tilespmem:$0x18380] =	vst v63  }
0x39d: {  	s31 =	spop (v2sf)  }
0x39e: {  	s2 =	sshll.u32 s31, $0xC;
	s0 =	sshll.u32 s31, $0x7  }
0x39f: {  	s2 =	sand.u32 $0xFFFF8000, s2;
	s0 =	sand.u32 $0x380, s0  }
0x3a0: {  	s0 =	sor.u32 s0, s2  }
0x3a1: {  	s0 =	sshrl.u32 s0, $0x3  }
0x3a2: {  	s3 =	simm.s32 $0x8980;
	s29 =	sadd.s32 s1, s0  }
0x3a3: {  	s2 =	simm.s32 $0x80;
	s0 =	simm.s32 $0x8580;
	s23 =	sadd.s32 $0x0, s29  }
.LBB2_123:
0x3a4: {  	[tilespmem:s0], [sflag:$0x2] =	stream.linear.gather [hbm4b:s23+s4], $0x80, $0x38;
	[tilespmem:$0x18380] =	vst v63  }
0x3a5: {  	s23 =	smov.u32 s2;
	s0 =	smov.u32 s3;
	p0 =	sne.s32 s2, $0xF80  }
.Ltmp60:
0x3a6: {  	s2 =	sadd.s32 $0x80, s2;
	(pc) =	sbr.rel @p0 .LBB2_123-.Ltmp60, $2  }
0x3a7: {  	_ =	sdelay $0x2  }
0x3a8: {  	s3 =	sadd.s32 $0x400, s3;
	s23 =	sadd.s32 s23, s29  }
0x3a9: {  	(v2sf) =	vpush v1, $0x5;
	_ =	sdelay $0xd  }
0x3aa: {  	[tilespmem:s0], [sflag:$0x2] =	stream.linear.gather [hbm4b:s23+s4], $0x80, $0x38;
	[tilespmem:$0x18380] =	vst v63  }
0x3ab: {  	s31 =	spop (v2sf)  }
0x3ac: {  	s2 =	sshll.u32 s31, $0xC;
	s0 =	sshll.u32 s31, $0x7  }
0x3ad: {  	s2 =	sand.u32 $0xFFFF8000, s2;
	s0 =	sand.u32 $0x380, s0  }
0x3ae: {  	s0 =	sor.u32 s0, s2  }
0x3af: {  	s0 =	sshrl.u32 s0, $0x3  }
0x3b0: {  	s3 =	simm.s32 $0x8A00;
	s29 =	sadd.s32 s1, s0  }
0x3b1: {  	s2 =	simm.s32 $0x80;
	s0 =	simm.s32 $0x8600;
	s23 =	sadd.s32 $0x0, s29  }
.LBB2_125:
0x3b2: {  	[tilespmem:s0], [sflag:$0x2] =	stream.linear.gather [hbm4b:s23+s4], $0x80, $0x38;
	[tilespmem:$0x18380] =	vst v63  }
0x3b3: {  	s23 =	smov.u32 s2;
	s0 =	smov.u32 s3;
	p0 =	sne.s32 s2, $0xF80  }
.Ltmp61:
0x3b4: {  	s2 =	sadd.s32 $0x80, s2;
	(pc) =	sbr.rel @p0 .LBB2_125-.Ltmp61, $2  }
0x3b5: {  	_ =	sdelay $0x2  }
0x3b6: {  	s3 =	sadd.s32 $0x400, s3;
	s23 =	sadd.s32 s23, s29  }
0x3b7: {  	(v2sf) =	vpush v1, $0x6;
	_ =	sdelay $0xd  }
0x3b8: {  	[tilespmem:s0], [sflag:$0x2] =	stream.linear.gather [hbm4b:s23+s4], $0x80, $0x38;
	[tilespmem:$0x18380] =	vst v63  }
0x3b9: {  	s31 =	spop (v2sf)  }
0x3ba: {  	s2 =	sshll.u32 s31, $0xC;
	s0 =	sshll.u32 s31, $0x7  }
0x3bb: {  	s2 =	sand.u32 $0xFFFF8000, s2;
	s0 =	sand.u32 $0x380, s0  }
0x3bc: {  	s0 =	sor.u32 s0, s2  }
0x3bd: {  	s0 =	sshrl.u32 s0, $0x3  }
0x3be: {  	s3 =	simm.s32 $0x8A80;
	s29 =	sadd.s32 s1, s0  }
0x3bf: {  	s2 =	simm.s32 $0x80;
	s0 =	simm.s32 $0x8680;
	s23 =	sadd.s32 $0x0, s29  }
.LBB2_127:
0x3c0: {  	[tilespmem:s0], [sflag:$0x2] =	stream.linear.gather [hbm4b:s23+s4], $0x80, $0x38;
	[tilespmem:$0x18380] =	vst v63  }
0x3c1: {  	s23 =	smov.u32 s2;
	s0 =	smov.u32 s3;
	p0 =	sne.s32 s2, $0xF80  }
.Ltmp62:
0x3c2: {  	s2 =	sadd.s32 $0x80, s2;
	(pc) =	sbr.rel @p0 .LBB2_127-.Ltmp62, $2  }
0x3c3: {  	_ =	sdelay $0x2  }
0x3c4: {  	s3 =	sadd.s32 $0x400, s3;
	s23 =	sadd.s32 s23, s29  }
0x3c5: {  	(v2sf) =	vpush v1, $0x7;
	_ =	sdelay $0xd  }
0x3c6: {  	[tilespmem:s0], [sflag:$0x2] =	stream.linear.gather [hbm4b:s23+s4], $0x80, $0x38;
	[tilespmem:$0x18380] =	vst v63  }
0x3c7: {  	s31 =	spop (v2sf)  }
0x3c8: {  	s2 =	sshll.u32 s31, $0xC;
	s0 =	sshll.u32 s31, $0x7  }
0x3c9: {  	s2 =	sand.u32 $0xFFFF8000, s2;
	s0 =	sand.u32 $0x380, s0  }
0x3ca: {  	s0 =	sor.u32 s0, s2  }
0x3cb: {  	s0 =	sshrl.u32 s0, $0x3  }
0x3cc: {  	s3 =	simm.s32 $0x8B00;
	s29 =	sadd.s32 s1, s0  }
0x3cd: {  	s2 =	simm.s32 $0x80;
	s0 =	simm.s32 $0x8700;
	s23 =	sadd.s32 $0x0, s29  }
.LBB2_129:
0x3ce: {  	[tilespmem:s0], [sflag:$0x2] =	stream.linear.gather [hbm4b:s23+s4], $0x80, $0x38;
	[tilespmem:$0x18380] =	vst v63  }
0x3cf: {  	s23 =	smov.u32 s2;
	s0 =	smov.u32 s3;
	p0 =	sne.s32 s2, $0xF80  }
.Ltmp63:
0x3d0: {  	s2 =	sadd.s32 $0x80, s2;
	(pc) =	sbr.rel @p0 .LBB2_129-.Ltmp63, $2  }
0x3d1: {  	_ =	sdelay $0x2  }
0x3d2: {  	s3 =	sadd.s32 $0x400, s3;
	s23 =	sadd.s32 s23, s29  }
0x3d3: {  	[tilespmem:s0], [sflag:$0x2] =	stream.linear.gather [hbm4b:s23+s4], $0x80, $0x38;
	[tilespmem:$0x18380] =	vst v63  }
0x3d4: {  	p0 =	sne.s32 s26, $0xE  }
.Ltmp64:
0x3d5: {  	_ = 	snop;
	(pc) =	sbr.rel @p0 .LBB2_82-.Ltmp64, $4  }
0x3d6: {  	s31 =	sadd.s32 s6, s28;
	_ =	swait.ge [sflag:s20], $0x8000  }
0x3d7: {  	s0 =	sshll.u32 s31, $0x9;
	[sflag:s20] =	ssyncset.done $0x0  }
0x3d8: {  	s0 =	sadd.s32 s5, s0;
	[sflag:s20] =	ssyncadd.s32 $0xFFFF8000  }
0x3d9: {  	[hbm4b:s0+s4] =	stream.linear.scatter [tilespmem:s21], [sflag:$0x6], $0x8000, $0x38;
	[tilespmem:$0x18380] =	vst v63  }
0x3da: {  	_ =	swait.ge [sflag:s22], $0x8000  }
0x3db: {  	[sflag:s22] =	ssyncset.done $0x0  }
0x3dc: {  	[sflag:s22] =	ssyncadd.s32 $0xFFFF8000  }
0x3dd: {  	v1 =	vld [tilespmem:$0x2F8];
	_ =	sdelay $0x4  }
0x3de: {  	(v2sf) =	vpush v1, $0x0;
	_ =	sdelay $0xe  }
0x3df: {  	s0 =	spop (v2sf)  }
0x3e0: {  	s2 =	sshll.u32 s0, $0xC;
	s0 =	sshll.u32 s0, $0x7  }
0x3e1: {  	s2 =	sand.u32 $0xFFFF8000, s2;
	s0 =	sand.u32 $0x380, s0  }
0x3e2: {  	s0 =	sor.u32 s0, s2  }
0x3e3: {  	s0 =	sshrl.u32 s0, $0x3  }
0x3e4: {  	s3 =	simm.s32 $0x10780;
	s26 =	sadd.s32 s1, s0  }
0x3e5: {  	s2 =	simm.s32 $0x80;
	s0 =	simm.s32 $0x10380;
	s23 =	sadd.s32 $0x0, s26  }
.LBB2_132:
0x3e6: {  	[tilespmem:s0], [sflag:$0x3] =	stream.linear.gather [hbm4b:s23+s4], $0x80, $0x38;
	[tilespmem:$0x18380] =	vst v63  }
0x3e7: {  	s23 =	smov.u32 s2;
	s0 =	smov.u32 s3;
	p0 =	sne.s32 s2, $0xF80  }
.Ltmp65:
0x3e8: {  	s2 =	sadd.s32 $0x80, s2;
	(pc) =	sbr.rel @p0 .LBB2_132-.Ltmp65, $2  }
0x3e9: {  	_ =	sdelay $0x2  }
0x3ea: {  	s3 =	sadd.s32 $0x400, s3;
	s23 =	sadd.s32 s23, s26  }
0x3eb: {  	(v2sf) =	vpush v1, $0x1;
	_ =	sdelay $0xd  }
0x3ec: {  	[tilespmem:s0], [sflag:$0x3] =	stream.linear.gather [hbm4b:s23+s4], $0x80, $0x38;
	[tilespmem:$0x18380] =	vst v63  }
0x3ed: {  	s31 =	spop (v2sf)  }
0x3ee: {  	s2 =	sshll.u32 s31, $0xC;
	s0 =	sshll.u32 s31, $0x7  }
0x3ef: {  	s2 =	sand.u32 $0xFFFF8000, s2;
	s0 =	sand.u32 $0x380, s0  }
0x3f0: {  	s0 =	sor.u32 s0, s2  }
0x3f1: {  	s0 =	sshrl.u32 s0, $0x3  }
0x3f2: {  	s3 =	simm.s32 $0x10800;
	s26 =	sadd.s32 s1, s0  }
0x3f3: {  	s2 =	simm.s32 $0x80;
	s0 =	simm.s32 $0x10400;
	s23 =	sadd.s32 $0x0, s26  }
.LBB2_134:
0x3f4: {  	[tilespmem:s0], [sflag:$0x3] =	stream.linear.gather [hbm4b:s23+s4], $0x80, $0x38;
	[tilespmem:$0x18380] =	vst v63  }
0x3f5: {  	s23 =	smov.u32 s2;
	s0 =	smov.u32 s3;
	p0 =	sne.s32 s2, $0xF80  }
.Ltmp66:
0x3f6: {  	s2 =	sadd.s32 $0x80, s2;
	(pc) =	sbr.rel @p0 .LBB2_134-.Ltmp66, $2  }
0x3f7: {  	_ =	sdelay $0x2  }
0x3f8: {  	s3 =	sadd.s32 $0x400, s3;
	s23 =	sadd.s32 s23, s26  }
0x3f9: {  	(v2sf) =	vpush v1, $0x2;
	_ =	sdelay $0xd  }
0x3fa: {  	[tilespmem:s0], [sflag:$0x3] =	stream.linear.gather [hbm4b:s23+s4], $0x80, $0x38;
	[tilespmem:$0x18380] =	vst v63  }
0x3fb: {  	s31 =	spop (v2sf)  }
0x3fc: {  	s2 =	sshll.u32 s31, $0xC;
	s0 =	sshll.u32 s31, $0x7  }
0x3fd: {  	s2 =	sand.u32 $0xFFFF8000, s2;
	s0 =	sand.u32 $0x380, s0  }
0x3fe: {  	s0 =	sor.u32 s0, s2  }
0x3ff: {  	s0 =	sshrl.u32 s0, $0x3  }
0x400: {  	s3 =	simm.s32 $0x10880;
	s26 =	sadd.s32 s1, s0  }
0x401: {  	s2 =	simm.s32 $0x80;
	s0 =	simm.s32 $0x10480;
	s23 =	sadd.s32 $0x0, s26  }
.LBB2_136:
0x402: {  	[tilespmem:s0], [sflag:$0x3] =	stream.linear.gather [hbm4b:s23+s4], $0x80, $0x38;
	[tilespmem:$0x18380] =	vst v63  }
0x403: {  	s23 =	smov.u32 s2;
	s0 =	smov.u32 s3;
	p0 =	sne.s32 s2, $0xF80  }
.Ltmp67:
0x404: {  	s2 =	sadd.s32 $0x80, s2;
	(pc) =	sbr.rel @p0 .LBB2_136-.Ltmp67, $2  }
0x405: {  	_ =	sdelay $0x2  }
0x406: {  	s3 =	sadd.s32 $0x400, s3;
	s23 =	sadd.s32 s23, s26  }
0x407: {  	(v2sf) =	vpush v1, $0x3;
	_ =	sdelay $0xd  }
0x408: {  	[tilespmem:s0], [sflag:$0x3] =	stream.linear.gather [hbm4b:s23+s4], $0x80, $0x38;
	[tilespmem:$0x18380] =	vst v63  }
0x409: {  	s31 =	spop (v2sf)  }
0x40a: {  	s2 =	sshll.u32 s31, $0xC;
	s0 =	sshll.u32 s31, $0x7  }
0x40b: {  	s2 =	sand.u32 $0xFFFF8000, s2;
	s0 =	sand.u32 $0x380, s0  }
0x40c: {  	s0 =	sor.u32 s0, s2  }
0x40d: {  	s0 =	sshrl.u32 s0, $0x3  }
0x40e: {  	s3 =	simm.s32 $0x10900;
	s26 =	sadd.s32 s1, s0  }
0x40f: {  	s2 =	simm.s32 $0x80;
	s0 =	simm.s32 $0x10500;
	s23 =	sadd.s32 $0x0, s26  }
.LBB2_138:
0x410: {  	[tilespmem:s0], [sflag:$0x3] =	stream.linear.gather [hbm4b:s23+s4], $0x80, $0x38;
	[tilespmem:$0x18380] =	vst v63  }
0x411: {  	s23 =	smov.u32 s2;
	s0 =	smov.u32 s3;
	p0 =	sne.s32 s2, $0xF80  }
.Ltmp68:
0x412: {  	s2 =	sadd.s32 $0x80, s2;
	(pc) =	sbr.rel @p0 .LBB2_138-.Ltmp68, $2  }
0x413: {  	_ =	sdelay $0x2  }
0x414: {  	s3 =	sadd.s32 $0x400, s3;
	s23 =	sadd.s32 s23, s26  }
0x415: {  	(v2sf) =	vpush v1, $0x4;
	_ =	sdelay $0xd  }
0x416: {  	[tilespmem:s0], [sflag:$0x3] =	stream.linear.gather [hbm4b:s23+s4], $0x80, $0x38;
	[tilespmem:$0x18380] =	vst v63  }
0x417: {  	s31 =	spop (v2sf)  }
0x418: {  	s2 =	sshll.u32 s31, $0xC;
	s0 =	sshll.u32 s31, $0x7  }
0x419: {  	s2 =	sand.u32 $0xFFFF8000, s2;
	s0 =	sand.u32 $0x380, s0  }
0x41a: {  	s0 =	sor.u32 s0, s2  }
0x41b: {  	s0 =	sshrl.u32 s0, $0x3  }
0x41c: {  	s3 =	simm.s32 $0x10980;
	s26 =	sadd.s32 s1, s0  }
0x41d: {  	s2 =	simm.s32 $0x80;
	s0 =	simm.s32 $0x10580;
	s23 =	sadd.s32 $0x0, s26  }
.LBB2_140:
0x41e: {  	[tilespmem:s0], [sflag:$0x3] =	stream.linear.gather [hbm4b:s23+s4], $0x80, $0x38;
	[tilespmem:$0x18380] =	vst v63  }
0x41f: {  	s23 =	smov.u32 s2;
	s0 =	smov.u32 s3;
	p0 =	sne.s32 s2, $0xF80  }
.Ltmp69:
0x420: {  	s2 =	sadd.s32 $0x80, s2;
	(pc) =	sbr.rel @p0 .LBB2_140-.Ltmp69, $2  }
0x421: {  	_ =	sdelay $0x2  }
0x422: {  	s3 =	sadd.s32 $0x400, s3;
	s23 =	sadd.s32 s23, s26  }
0x423: {  	(v2sf) =	vpush v1, $0x5;
	_ =	sdelay $0xd  }
0x424: {  	[tilespmem:s0], [sflag:$0x3] =	stream.linear.gather [hbm4b:s23+s4], $0x80, $0x38;
	[tilespmem:$0x18380] =	vst v63  }
0x425: {  	s31 =	spop (v2sf)  }
0x426: {  	s2 =	sshll.u32 s31, $0xC;
	s0 =	sshll.u32 s31, $0x7  }
0x427: {  	s2 =	sand.u32 $0xFFFF8000, s2;
	s0 =	sand.u32 $0x380, s0  }
0x428: {  	s0 =	sor.u32 s0, s2  }
0x429: {  	s0 =	sshrl.u32 s0, $0x3  }
0x42a: {  	s3 =	simm.s32 $0x10A00;
	s26 =	sadd.s32 s1, s0  }
0x42b: {  	s2 =	simm.s32 $0x80;
	s0 =	simm.s32 $0x10600;
	s23 =	sadd.s32 $0x0, s26  }
.LBB2_142:
0x42c: {  	[tilespmem:s0], [sflag:$0x3] =	stream.linear.gather [hbm4b:s23+s4], $0x80, $0x38;
	[tilespmem:$0x18380] =	vst v63  }
0x42d: {  	s23 =	smov.u32 s2;
	s0 =	smov.u32 s3;
	p0 =	sne.s32 s2, $0xF80  }
.Ltmp70:
0x42e: {  	s2 =	sadd.s32 $0x80, s2;
	(pc) =	sbr.rel @p0 .LBB2_142-.Ltmp70, $2  }
0x42f: {  	_ =	sdelay $0x2  }
0x430: {  	s3 =	sadd.s32 $0x400, s3;
	s23 =	sadd.s32 s23, s26  }
0x431: {  	(v2sf) =	vpush v1, $0x6;
	_ =	sdelay $0xd  }
0x432: {  	[tilespmem:s0], [sflag:$0x3] =	stream.linear.gather [hbm4b:s23+s4], $0x80, $0x38;
	[tilespmem:$0x18380] =	vst v63  }
0x433: {  	s31 =	spop (v2sf)  }
0x434: {  	s2 =	sshll.u32 s31, $0xC;
	s0 =	sshll.u32 s31, $0x7  }
0x435: {  	s2 =	sand.u32 $0xFFFF8000, s2;
	s0 =	sand.u32 $0x380, s0  }
0x436: {  	s0 =	sor.u32 s0, s2  }
0x437: {  	s0 =	sshrl.u32 s0, $0x3  }
0x438: {  	s3 =	simm.s32 $0x10A80;
	s26 =	sadd.s32 s1, s0  }
0x439: {  	s2 =	simm.s32 $0x80;
	s0 =	simm.s32 $0x10680;
	s23 =	sadd.s32 $0x0, s26  }
.LBB2_144:
0x43a: {  	[tilespmem:s0], [sflag:$0x3] =	stream.linear.gather [hbm4b:s23+s4], $0x80, $0x38;
	[tilespmem:$0x18380] =	vst v63  }
0x43b: {  	s23 =	smov.u32 s2;
	s0 =	smov.u32 s3;
	p0 =	sne.s32 s2, $0xF80  }
.Ltmp71:
0x43c: {  	s2 =	sadd.s32 $0x80, s2;
	(pc) =	sbr.rel @p0 .LBB2_144-.Ltmp71, $2  }
0x43d: {  	_ =	sdelay $0x2  }
0x43e: {  	s3 =	sadd.s32 $0x400, s3;
	s23 =	sadd.s32 s23, s26  }
0x43f: {  	(v2sf) =	vpush v1, $0x7;
	_ =	sdelay $0xd  }
0x440: {  	[tilespmem:s0], [sflag:$0x3] =	stream.linear.gather [hbm4b:s23+s4], $0x80, $0x38;
	[tilespmem:$0x18380] =	vst v63  }
0x441: {  	s31 =	spop (v2sf)  }
0x442: {  	s2 =	sshll.u32 s31, $0xC;
	s0 =	sshll.u32 s31, $0x7  }
0x443: {  	s2 =	sand.u32 $0xFFFF8000, s2;
	s0 =	sand.u32 $0x380, s0  }
0x444: {  	s0 =	sor.u32 s0, s2  }
0x445: {  	s0 =	sshrl.u32 s0, $0x3  }
0x446: {  	s3 =	simm.s32 $0x10B00;
	s26 =	sadd.s32 s1, s0  }
0x447: {  	s2 =	simm.s32 $0x80;
	s0 =	simm.s32 $0x10700;
	s23 =	sadd.s32 $0x0, s26  }
.LBB2_146:
0x448: {  	[tilespmem:s0], [sflag:$0x3] =	stream.linear.gather [hbm4b:s23+s4], $0x80, $0x38;
	[tilespmem:$0x18380] =	vst v63  }
0x449: {  	s23 =	smov.u32 s2;
	s0 =	smov.u32 s3;
	p0 =	sne.s32 s2, $0xF80  }
.Ltmp72:
0x44a: {  	s2 =	sadd.s32 $0x80, s2;
	(pc) =	sbr.rel @p0 .LBB2_146-.Ltmp72, $2  }
0x44b: {  	_ =	sdelay $0x2  }
0x44c: {  	s3 =	sadd.s32 $0x400, s3;
	s23 =	sadd.s32 s23, s26  }
0x44d: {  	[tilespmem:s0], [sflag:$0x3] =	stream.linear.gather [hbm4b:s23+s4], $0x80, $0x38;
	[tilespmem:$0x18380] =	vst v63  }
0x44e: {  	_ =	swait.ge [sflag:s16], $0x8000  }
0x44f: {  	[sflag:s16] =	ssyncset.done $0x0  }
0x450: {  	s31 =	simm.s32 $0x380;
	[sflag:s16] =	ssyncadd.s32 $0xFFFF8000  }
0x451: {  	[hbm4b:s11+s4] =	stream.linear.scatter [tilespmem:s31], [sflag:$0x4], $0x8000, $0x38;
	[tilespmem:$0x18380] =	vst v63  }
0x452: {  	_ =	swait.ge [sflag:s18], $0x8000  }
0x453: {  	[sflag:s18] =	ssyncset.done $0x0  }
0x454: {  	[sflag:s18] =	ssyncadd.s32 $0xFFFF8000  }
0x455: {  	[hbm4b:s12+s4] =	stream.linear.scatter [tilespmem:s24], [sflag:$0x5], $0x8000, $0x38;
	[tilespmem:$0x18380] =	vst v63  }
0x456: {  	_ =	swait.ge [sflag:s20], $0x8000  }
0x457: {  	[sflag:s20] =	ssyncset.done $0x0  }
0x458: {  	[sflag:s20] =	ssyncadd.s32 $0xFFFF8000  }
0x459: {  	[hbm4b:s13+s4] =	stream.linear.scatter [tilespmem:s21], [sflag:$0x6], $0x8000, $0x38;
	[tilespmem:$0x18380] =	vst v63  }
0x45a: {  	_ =	swait.ge [sflag:s17], $0x8000  }
0x45b: {  	[sflag:s17] =	ssyncset.done $0x0  }
0x45c: {  	s25 =	sadd.s32 $0x1, s25;
	[sflag:s17] =	ssyncadd.s32 $0xFFFF8000  }
0x45d: {  	p0 =	sne.s32 s25, s14;
	_ =	swait.ge [sflag:s19], $0x8000  }
.Ltmp73:
0x45e: {  	[sflag:s19] =	ssyncset.done $0x0;
	(pc) =	sbr.rel @p0 .LBB2_1-.Ltmp73, $4  }
0x45f: {  	[sflag:s19] =	ssyncadd.s32 $0xFFFF8000  }
0x460: {  	_ =	swait.ge [sflag:s22], $0x8000  }
0x461: {  	[sflag:s22] =	ssyncset.done $0x0  }
0x462: {  	[sflag:s22] =	ssyncadd.s32 $0xFFFF8000  }
0x463: {  	_ =	sfence.sel $0x180000  }
0x464: {  	[bflag:$0x0] =	sbarrier.arrive $0xFFFF  }
0x465: {  	_ =	strace $0x9000004A  }
0x466: {  	s0 =	stileid.u32;
	[bflag:$0x2] =	sbarrier.arrive $0xFFFF  }
0x467: {  	p0 =	sne.s32 s0, $0x0;
	s0 =	rddreg [dreg:$0x3]  }
0x468: {  	s0 =	sadd.s32 @!p0 $0x100000, s0  }
0x469: {  	[sflag:s0] =	ssyncadd.tile.s32 @!p0 $0x1;
	_ =	shalt  }
.Lfunc_end2:
_tile_overlayer_lowered:
.L_overlay_start_2:
0x46a: {  	(tag) =	ssettag $0x2  }
0x46b: {  	s0 =	rddreg [dreg:$0x0];
	s2 =	stileid.u32  }
0x46c: {  	s1 =	rddreg [dreg:$0x1];
	p0 =	sne.s32 s2, $0x0  }
0x46d: {  	s3 =	rddreg [dreg:$0x2];
	[bflag:$0x3] =	sbarrier.arrive $0xFFFF;
	s2 =	simm.s32 @!p0 $0x1C07  }
0x46e: {  	[timem:s3], [sflag:s2] =	dma.local @!p0 [hbm:s0], s1  }
0x46f: {  	s0 =	simm.s32 @!p0 $0x7  }
0x470: {  	_ =	swait.ge @!p0 [sflag:s0], s1  }
0x471: {  	s1 =	ssub.s32 @!p0 $0x0, s1;
	[sflag:s0] =	ssyncset.done @!p0 $0x0  }
0x472: {  	[sflag:s0] =	ssyncadd.s32 @!p0 s1  }
0x473: {  	[bflag:$0x3] =	sbarrier.arrive $0xFFFF  }
0x474: {  	_ =	shalt  }

// kernel: sparse-core-data-format-call.1.cloned.1.call-start
scs
called_computation.1_lowered:
.L_overlay_start_0:
0x0: {  	s2 =	sld [smem:$0x3FD9]  }
0x1: {  	s3 =	sld [smem:$0x3FFE];
	_ =	sdelay $0x1  }
0x2: {  	s1 =	srdreg.scid  }
0x3: {  	s0 =	sand.u32 $0x1, s1  }
0x4: {  	s18 =	sshll.u32 s0, $0xA;
	s2 =	sadd.s32 s3, s2  }
0x5: {  	s2 =	sadd.s32 s2, s18  }
0x6: {  	[smem:$0x3FC6] =	sst s2  }
0x7: {  	_ = 	snop  }
0x8: {  	s2 =	sld [smem:$0x3FC9];
	(tm) =	ssettm $0x1  }
0x9: {  	s19 =	sld [smem:$0x3FFB];
	_ =	sdelay $0x3  }
0xa: {  	_ =	strace s19  }
0xb: {  	s3 =	sld [smem:$0x3FFC];
	_ =	sdelay $0x3  }
0xc: {  	_ =	strace s3  }
0xd: {  	s3 =	sld [smem:$0x3FFD];
	_ =	sdelay $0x3  }
0xe: {  	_ =	strace s3  }
0xf: {  	_ =	strace $0x8FFFFFFF  }
0x10: {  	s20 =	sld [smem:$0x3FDB];
	_ =	sdelay $0x1  }
0x11: {  	s4 =	simm.s32 $_scs_section_size  }
0x12: {  	s5 =	simm.s32 $_size__tile_overlayer_lowered;
	s6 =	simm.s32 $_tile_overlayer_lowered  }
0x13: {  	s23 =	simm.s32 $0x1BFF;
	s22 =	sshll.u32 s6, $0x1;
	s3 =	sadd.s32 s4, s20  }
0x14: {  	s7 =	simm.s32 $0x0;
	s21 =	sshll.u32 s5, $0x1;
	s5 =	sadd.s32 s22, s3  }
0x15: {  	[timem:s7], [sflag:s23] =	dma.local [hbm:s5], s21  }
0x16: {  	_ =	swait.ge [sflag:s23], s21  }
0x17: {  	s4 =	ssub.s32 $0x0, s21;
	[sflag:s23] =	ssyncset.done $0x0  }
0x18: {  	[sflag:s23] =	ssyncadd.s32 s4;
	_ =	sdelay $0x1  }
0x19: {  	s24 =	simm.s32 $0x1B8B  }
0x1a: {  	_ =	swait.ge [sflag:s24], $0x1  }
0x1b: {  	[sflag:s24] =	ssyncset.done $0x0  }
0x1c: {  	s26 =	simm.s32 $0x1B8E;
	s25 =	sld [smem:$0x3FFE];
	[sflag:s24] =	ssyncadd.s32 $0xFFFFFFFF  }
0x1d: {  	s27 =	simm.s32 $execute0_lowered;
	[smem:$0x3FD2] =	sst s26  }
0x1e: {  	s5 =	sshll.u32 s27, $0x1;
	_ =	strace $0x80000046;
	[dreg:$0x1] =	wrdreg $0xFFFFFFFF  }
0x1f: {  	s28 =	simm.s32 $_size_execute0_lowered;
	s3 =	sadd.s32 s3, s5;
	[dreg:$0x0] =	wrdreg $0x0  }
0x20: {  	s5 =	sshll.u32 s28, $0x1;
	[dreg:$0x2] =	wrdreg s3  }
0x21: {  	[dreg:$0x3] =	wrdreg s5  }
0x22: {  	[dreg:$0x4] =	wrdreg $0xC0  }
0x23: {  	_ =	task [dreg:s7], $0x5FFFF  }
0x24: {  	[dreg:$0x1] =	wrdreg $0xFFFFFFFF  }
0x25: {  	[dreg:$0x0] =	wrdreg $0x60  }
0x26: {  	[dreg:$0x2] =	wrdreg s2  }
0x27: {  	[dreg:$0x3] =	wrdreg s25  }
0x28: {  	[dreg:$0x4] =	wrdreg $0x9  }
0x29: {  	_ =	task.clear_ibuf [dreg:s7], $0x5FFFF;
	_ =	strace $0x90000046  }
0x2a: {  	s29 =	simm.s32 $0x9;
	_ =	strace $0x80000048  }
0x2b: {  	_ =	swait.ge [sflag:s29], $0x1  }
0x2c: {  	[sflag:s29] =	ssyncadd.s32 $0xFFFFFFFF  }
0x2d: {  	_ =	strace $0x90000048  }
0x2e: {  	_ =	sfence  }
0x2f: {  	s30 =	sld [smem:$0x0];
	_ =	sdelay $0x2  }
0x30: {  	s31 =	sshll.u32 s1, $0xD;
	s1 =	sshrl.u32 s1, $0x2  }
0x31: {  	s3 =	sand.u32 $0x4000, s31;
	s1 =	sadd.s32 s1, s30  }
0x32: {  	s0 =	sor.u32 s3, s0;
	s1 =	sshll.u32 s1, $0x11  }
0x33: {  	s0 =	sor.u32 s1, s0  }
0x34: {  	s0 =	sadd.s32 $0x8F2B, s0  }
0x35: {  	[sflag:s0] =	ssyncadd.remote.s32 $0x1  }
0x36: {  	_ =	sfence.sel $0xFFFF  }
0x37: {  	[dreg:$0x0] =	wrdreg $0xFFFFFFFF;
	(pc) =	sbr.abs _section_cstart, $3  }
0x38: {  	[dreg:$0x1] =	wrdreg $0xFFFFFFFF  }
0x39: {  	_ =	task.clear_ibuf [dreg:s7], $0x2FFFF;
	_ =	strace $0x9FFFFFFF  }
0x3a: {  	(tm) =	ssettm $0x7FFFFFFF  }
0x3b: {  	_ =	shalt  }
tec
execute0_lowered:
.L_overlay_start_1:
0x0: {  	(tag) =	ssettag $0x1  }
0x1: {  	s2 =	rddreg [dreg:$0x0]  }
0x2: {  	s1 =	rddreg [dreg:$0x1]  }
0x3: {  	s0 =	rddreg [dreg:$0x2];
	_ =	strace $0x80000047;
	s4 =	srdreg.scid  }
0x4: {  	s6 =	simm.s32 $0x2;
	s13 =	simm.s32 $0x0;
	p0 =	por $0x0, $0x0  }
0x5: {  	s12 =	simm.s32 $0x0;
	s15 =	simm.s32 $0x0;
	s14 =	simm.s32 $0x0  }
.Ltmp0:
0x6: {  	s8 =	simm.s32 $0x0;
	s9 =	simm.s32 $0x0;
	(pc) =	sbr.rel .LBB1_1-.Ltmp0, $4  }
0x7: {  	s10 =	simm.s32 $0x0;
	s3 =	sadd.s32 $0xC00, s1;
	s5 =	sshll.u32 s4, $0x4  }
0x8: {  	s1 =	stileid.u32;
	s4 =	simm.s32 $0x1;
	s5 =	sand.u32 $0x10, s5  }
0x9: {  	s7 =	simm.s32 $0x0;
	[sflag:s4] =	ssyncpa.u1 $0x0;
	s5 =	sor.u32 s1, s5  }
0xa: {  	[sflag:s6] =	ssyncpa.u1 $0x0;
	s6 =	simm.s32 $0x2000;
	s11 =	smov.u32 s5  }
.LBB1_5:
0xb: {  	s16 =	sadd.s32 $0x80, s8  }
0xc: {  	s12 =	sadd.s32 $0x40, s9;
	s17 =	smov.u32 s9;
	p2 =	sgt.s32 s16, $0x17F  }
0xd: {  	s17 =	smov.u32 @p2 s12  }
0xe: {  	s12 =	simm.s32 $0x1;
	p3 =	sgt.s32 s17, $0x3F  }
0xf: {  	s12 =	simm.s32 @!p3 $0x0  }
0x10: {  	s18 =	sadd.s32 s12, s10  }
0x11: {  	s19 =	smov.u32 s11;
	s12 =	sadd.s32 $0x20, s11;
	p4 =	sgt.s32 s18, $0x3F  }
0x12: {  	p1 =	slt.u32 s7, $0x2;
	s19 =	smov.u32 @p4 s12  }
0x13: {  	s7 =	sadd.s32 $0x1, s7;
	s16 =	simm.s32 @p2 $0x0;
	p2 =	sgt.s32 s19, $0x1F  }
0x14: {  	s13 =	smov.u32 s8;
	s19 =	smov.u32 @p2 s5;
	p2 =	sne.s32 s7, $0xC2  }
.Ltmp1:
0x15: {  	s15 =	smov.u32 s10;
	s20 =	simm.s32 @!p1 $0x2;
	(pc) =	sbr.rel @!p2 .LBB1_6-.Ltmp1, $4  }
0x16: {  	s14 =	smov.u32 s11;
	p0 =	por !p0, !p0;
	_ =	swait.ge @!p1 [sflag:s20], $0x2000  }
0x17: {  	[sflag:s20] =	ssyncset.done @!p1 $0x0;
	s8 =	smov.u32 s16;
	s17 =	simm.s32 @p3 $0x0  }
0x18: {  	[sflag:s20] =	ssyncadd.s32 @!p1 $0xFFFFE000;
	s18 =	simm.s32 @p4 $0x0;
	s12 =	smov.u32 s9  }
0x19: {  	s9 =	smov.u32 s17;
	s10 =	smov.u32 s18;
	s11 =	smov.u32 s19  }
.LBB1_1:
0x1a: {  	p1 =	sgt.u32 s7, $0xBF  }
0x1b: {  	s16 =	sshrl.u32 @!p1 s9, $0x3  }
0x1c: {  	s17 =	sshll.u32 @!p1 s8, $0x3;
	s16 =	smul.u32 @!p1 $0xC00, s16  }
0x1d: {  	s18 =	sshll.u32 @!p1 s9, $0x7;
	s17 =	sand.u32 @!p1 $0xFFFFFC00, s17  }
0x1e: {  	s16 =	sadd.s32 @!p1 s16, s17;
	s17 =	sand.u32 @!p1 $0x380, s18  }
0x1f: {  	s18 =	sand.u32 @!p1 $0x7F, s8;
	s16 =	sor.u32 @!p1 s17, s16  }
0x20: {  	s17 =	sor.u32 @!p1 s18, s16  }
0x21: {  	s18 =	smulhi.u32 @!p1 $0xAAAAAAAB, s17  }
0x22: {  	s16 =	smulhi.u32 @!p1 $0xAAAAAAAB, s16  }
0x23: {  	s20 =	smul.u32 @!p1 $0x30000, s11;
	s18 =	sshrl.u32 @!p1 s18, $0x8  }
0x24: {  	s19 =	sxor.u32 @!p1 $0xFFFFFFFF, s7;
	s16 =	sshrl.u32 @!p1 s16, $0x8;
	s18 =	smul.u32 @!p1 $0x180, s18  }
0x25: {  	s21 =	smul.u32 @!p1 $0xC00, s10;
	s19 =	sshll.u32 @!p1 s19, $0xD;
	s16 =	sand.u32 @!p1 $0x3F, s16  }
0x26: {  	s16 =	smul.u32 @!p1 $0x30, s16;
	s17 =	ssub.s32 @!p1 s17, s18;
	s18 =	sadd.s32 @!p1 s2, s20  }
0x27: {  	s19 =	sand.u32 @!p1 $0x2000, s19;
	s18 =	sadd.s32 @!p1 s21, s18;
	s20 =	sand.u32 @!p1 $0x7, s17  }
0x28: {  	s17 =	sshrl.u32 @!p1 s17, $0x3;
	s16 =	sadd.s32 @!p1 s16, s18;
	s18 =	sshll.u32 @!p1 s20, $0x12  }
0x29: {  	s16 =	sadd.s32 @!p1 s17, s16;
	s17 =	sor.u32 @!p1 $0x400, s18;
	s18 =	simm.s32 @!p1 $0xC00  }
0x2a: {  	[tilespmem:s19], [sflag:$0x1] =	stream.strided.gather @!p1 [hbm4b:s16+s17], $0x2000, s18, s17, $0x38;
	[tilespmem:$0x8100] =	vst v63  }
0x2b: {  	p1 =	seq.s32 s7, $0x0  }
0x2c: {  	p2 =	seq.s32 @!p1 s7, $0xC1  }
0x2d: {  	p1 =	por p1, p2  }
.Ltmp2:
0x2e: {  	_ = 	snop;
	(pc) =	sbr.rel @p1 .LBB1_5-.Ltmp2, $1  }
0x2f: {  	_ =	sdelay $0x3  }
0x30: {  	s16 =	simm.s32 $0x1  }
0x31: {  	_ =	swait.ge [sflag:s4], $0x2000;
	s16 =	simm.s32 @!p0 $0x0  }
0x32: {  	[sflag:s4] =	ssyncset.done $0x0;
	s17 =	sshll.u32 s16, $0xD  }
0x33: {  	[sflag:s4] =	ssyncadd.s32 $0xFFFFE000;
	s18 =	sor.u32 $0x40, s17  }
0x34: {  	s16 =	smul.u32 $0x8200, s16;
	v0 =	vld [tilespmem:s18+$0x30]  }
0x35: {  	v1 =	vld [tilespmem:s18+$0xFFFFFFD0]  }
0x36: {  	s16 =	sshrl.u32 s16, $0x2;
	v5 =	vld [tilespmem:s18+$0xFFFFFFE0]  }
0x37: {  	v6 =	vld [tilespmem:s18+$0xFFFFFFF0];
	s17 =	sor.u32 $0x4000, s16  }
0x38: {  	s31 =	sand.u32 $0x1, s7;
	v2 =	vld [tilespmem:s18+$0x0];
	s19 =	sadd.s32 $0x0, s17  }
0x39: {  	v3 =	vld [tilespmem:s18+$0x10];
	s16 =	smul.u32 $0x8200, s31;
	[tilespmem:s19+$0x1C70 ss:$0x41] =	vst.msk $0xffff, v0  }
0x3a: {  	v4 =	vld [tilespmem:s18+$0x20];
	[tilespmem:s19+$0x410 ss:$0x41] =	vst.msk $0xffff, v1  }
0x3b: {  	s16 =	sshrl.u32 s16, $0x2;
	v0 =	vld [tilespmem:s18+$0xFFFFFFC0];
	[tilespmem:s19+$0x820 ss:$0x41] =	vst.msk $0xffff, v5;
	s18 =	sadd.s32 $0x80, s18  }
0x3c: {  	s20 =	simm.s32 $0x4;
	s21 =	simm.s32 $0x8;
	s16 =	sor.u32 $0x4000, s16;
	[tilespmem:s19+$0xC30 ss:$0x41] =	vst.msk $0xffff, v6;
	v1 =	vld [tilespmem:s18+$0x30]  }
.LBB1_3:
0x3d: {  	p1 =	sne.s32 s21, $0xFC;
	v5 =	vld [tilespmem:s18+$0xFFFFFFD0];
	[tilespmem:s19+$0x1040 ss:$0x41] =	vst.msk $0xffff, v2  }
0x3e: {  	v6 =	vld [tilespmem:s18+$0xFFFFFFE0];
	[tilespmem:s19+$0x1450 ss:$0x41] =	vst.msk $0xffff, v3  }
0x3f: {  	s22 =	sshra.s32 s20, $0x2;
	s20 =	smov.u32 s21;
	v7 =	vld [tilespmem:s18+$0xFFFFFFF0];
	[tilespmem:s19+$0x1860 ss:$0x41] =	vst.msk $0xffff, v4  }
.Ltmp3:
0x40: {  	v2 =	vld [tilespmem:s18+$0x0];
	[tilespmem:s19+$0x0 ss:$0x41] =	vst.msk $0xffff, v0;
	s19 =	sadd.s32 s22, s17;
	(pc) =	sbr.rel @p1 .LBB1_3-.Ltmp3, $4  }
0x41: {  	v3 =	vld [tilespmem:s18+$0x10];
	[tilespmem:s19+$0x1C70 ss:$0x41] =	vst.msk $0xffff, v1  }
0x42: {  	[tilespmem:s19+$0x410 ss:$0x41] =	vst.msk $0xffff, v5;
	v4 =	vld [tilespmem:s18+$0x20]  }
0x43: {  	v0 =	vld [tilespmem:s18+$0xFFFFFFC0];
	[tilespmem:s19+$0x820 ss:$0x41] =	vst.msk $0xffff, v6;
	s18 =	sadd.s32 $0x80, s18  }
0x44: {  	s21 =	sadd.s32 $0x4, s21;
	v1 =	vld [tilespmem:s18+$0x30];
	[tilespmem:s19+$0xC30 ss:$0x41] =	vst.msk $0xffff, v7  }
0x45: {  	v5 =	vld [tilespmem:s18+$0xFFFFFFD0];
	[tilespmem:s19+$0x1040 ss:$0x41] =	vst.msk $0xffff, v2  }
0x46: {  	v58 =	vld [tilespmem:s18+$0xFFFFFFE0];
	[tilespmem:s19+$0x1450 ss:$0x41] =	vst.msk $0xffff, v3  }
0x47: {  	s20 =	sshra.s32 s20, $0x2;
	v59 =	vld [tilespmem:s18+$0xFFFFFFF0];
	[tilespmem:s19+$0x1860 ss:$0x41] =	vst.msk $0xffff, v4  }
0x48: {  	v60 =	vld [tilespmem:s18+$0x0];
	s17 =	sadd.s32 s20, s17;
	[tilespmem:s19+$0x0 ss:$0x41] =	vst.msk $0xffff, v0  }
0x49: {  	s15 =	sshll.u32 s15, $0x7;
	v61 =	vld [tilespmem:s18+$0x10];
	[tilespmem:s17+$0x1C70 ss:$0x41] =	vst.msk $0xffff, v1  }
0x4a: {  	s27 =	sshll.u32 s12, $0x3;
	v62 =	vld [tilespmem:s18+$0x20];
	s14 =	smul.u32 $0x60000, s14;
	s13 =	sshll.u32 s13, $0xA;
	[tilespmem:s17+$0x410 ss:$0x41] =	vst.msk $0xffff, v5  }
0x4b: {  	v63 =	vld [tilespmem:s18+$0xFFFFFFC0];
	s29 =	sshrl.u32 s12, $0x3;
	s28 =	sand.u32 $0x1C00, s15;
	s19 =	sand.u32 $0x1C00, s27;
	[tilespmem:s17+$0x820 ss:$0x41] =	vst.msk $0xffff, v58  }
0x4c: {  	s30 =	sand.u32 $0x7, s12;
	s15 =	sand.u32 $0x380, s15;
	s19 =	sadd.s32 s28, s19;
	[tilespmem:s17+$0xC30 ss:$0x41] =	vst.msk $0xffff, v59  }
.Ltmp4:
0x4d: {  	s14 =	sadd.s32 s3, s14;
	s15 =	sor.u32 s15, s19;
	[tilespmem:s17+$0x1040 ss:$0x41] =	vst.msk $0xffff, v60;
	(pc) =	sbr.rel .LBB1_5-.Ltmp4, $4  }
0x4e: {  	s18 =	sand.u32 $0xF, s29;
	s13 =	sadd.s32 s13, s14;
	[tilespmem:s17+$0x1450 ss:$0x41] =	vst.msk $0xffff, v61;
	s15 =	sshrl.u32 s15, $0x3  }
0x4f: {  	s12 =	sshll.u32 s30, $0x12;
	s13 =	sadd.s32 s18, s13;
	[tilespmem:s17+$0x1860 ss:$0x41] =	vst.msk $0xffff, v62;
	s31 =	sand.u32 $0x3F0, s15  }
0x50: {  	s12 =	sor.u32 $0x40, s12;
	[tilespmem:s17+$0x0 ss:$0x41] =	vst.msk $0xffff, v63;
	s13 =	sadd.s32 s31, s13  }
0x51: {  	[hbm4b:s13+s12] =	stream.strided.scatter [tilespmem:s16], [sflag:$0x2], $0x2000, s6, s12, $0x18;
	[tilespmem:$0x8100] =	vst v63  }
.LBB1_6:
0x52: {  	_ =	sfence.sel $0x180000  }
0x53: {  	s2 =	simm.s32 $0x1;
	[bflag:$0x0] =	sbarrier.arrive $0xFFFF  }
0x54: {  	s31 =	simm.s32 $0x2;
	[sflag:s2] =	ssyncpa.u1 $0x1  }
0x55: {  	[sflag:s31] =	ssyncpa.u1 $0x1  }
0x56: {  	p0 =	sne.s32 s1, $0x0;
	_ =	strace $0x90000047  }
0x57: {  	s0 =	sadd.s32 @!p0 $0x100000, s0;
	[bflag:$0x2] =	sbarrier.arrive $0xFFFF  }
0x58: {  	[sflag:s0] =	ssyncadd.tile.s32 @!p0 $0x1;
	_ =	shalt  }
.Lfunc_end1:
_tile_overlayer_lowered:
.L_overlay_start_2:
0x59: {  	(tag) =	ssettag $0x2  }
0x5a: {  	s0 =	rddreg [dreg:$0x0];
	s2 =	stileid.u32  }
0x5b: {  	s1 =	rddreg [dreg:$0x1];
	p0 =	sne.s32 s2, $0x0  }
0x5c: {  	s3 =	rddreg [dreg:$0x2];
	[bflag:$0x3] =	sbarrier.arrive $0xFFFF;
	s2 =	simm.s32 @!p0 $0x1C01  }
0x5d: {  	[timem:s3], [sflag:s2] =	dma.local @!p0 [hbm:s0], s1  }
0x5e: {  	s0 =	simm.s32 @!p0 $0x1  }
0x5f: {  	_ =	swait.ge @!p0 [sflag:s0], s1  }
0x60: {  	s1 =	ssub.s32 @!p0 $0x0, s1;
	[sflag:s0] =	ssyncset.done @!p0 $0x0  }
0x61: {  	[sflag:s0] =	ssyncadd.s32 @!p0 s1  }
0x62: {  	[bflag:$0x3] =	sbarrier.arrive $0xFFFF  }
0x63: {  	_ =	shalt  }

// kernel: sparse-core-data-format-call.cloned.1.call-start
scs
called_computation_lowered:
.L_overlay_start_0:
0x0: {  	s2 =	sld [smem:$0x3FD9]  }
0x1: {  	s3 =	sld [smem:$0x3FFE];
	_ =	sdelay $0x1  }
0x2: {  	s1 =	srdreg.scid  }
0x3: {  	s0 =	sand.u32 $0x1, s1  }
0x4: {  	s18 =	sshll.u32 s0, $0xA;
	s2 =	sadd.s32 s3, s2  }
0x5: {  	s2 =	sadd.s32 s2, s18  }
0x6: {  	[smem:$0x3FC6] =	sst s2  }
0x7: {  	_ = 	snop  }
0x8: {  	s2 =	sld [smem:$0x3FD0];
	(tm) =	ssettm $0x1  }
0x9: {  	s19 =	sld [smem:$0x3FFB];
	_ =	sdelay $0x3  }
0xa: {  	_ =	strace s19  }
0xb: {  	s3 =	sld [smem:$0x3FFC];
	_ =	sdelay $0x3  }
0xc: {  	_ =	strace s3  }
0xd: {  	s3 =	sld [smem:$0x3FFD];
	_ =	sdelay $0x3  }
0xe: {  	_ =	strace s3  }
0xf: {  	_ =	strace $0x8FFFFFFF  }
0x10: {  	s20 =	sld [smem:$0x3FDB];
	_ =	sdelay $0x1  }
0x11: {  	s4 =	simm.s32 $_scs_section_size  }
0x12: {  	s5 =	simm.s32 $_size__tile_overlayer_lowered;
	s6 =	simm.s32 $_tile_overlayer_lowered  }
0x13: {  	s23 =	simm.s32 $0x1BFF;
	s22 =	sshll.u32 s6, $0x1;
	s3 =	sadd.s32 s4, s20  }
0x14: {  	s7 =	simm.s32 $0x0;
	s21 =	sshll.u32 s5, $0x1;
	s5 =	sadd.s32 s22, s3  }
0x15: {  	[timem:s7], [sflag:s23] =	dma.local [hbm:s5], s21  }
0x16: {  	_ =	swait.ge [sflag:s23], s21  }
0x17: {  	s4 =	ssub.s32 $0x0, s21;
	[sflag:s23] =	ssyncset.done $0x0  }
0x18: {  	[sflag:s23] =	ssyncadd.s32 s4;
	_ =	sdelay $0x1  }
0x19: {  	s24 =	simm.s32 $0x1B8B  }
0x1a: {  	_ =	swait.ge [sflag:s24], $0x1  }
0x1b: {  	[sflag:s24] =	ssyncset.done $0x0  }
0x1c: {  	s26 =	simm.s32 $0x1B8E;
	s25 =	sld [smem:$0x3FFE];
	[sflag:s24] =	ssyncadd.s32 $0xFFFFFFFF  }
0x1d: {  	s27 =	simm.s32 $execute0_lowered;
	[smem:$0x3FD2] =	sst s26  }
0x1e: {  	s5 =	sshll.u32 s27, $0x1;
	_ =	strace $0x8000004C;
	[dreg:$0x1] =	wrdreg $0xFFFFFFFF  }
0x1f: {  	s28 =	simm.s32 $_size_execute0_lowered;
	s3 =	sadd.s32 s3, s5;
	[dreg:$0x0] =	wrdreg $0x0  }
0x20: {  	s5 =	sshll.u32 s28, $0x1;
	[dreg:$0x2] =	wrdreg s3  }
0x21: {  	[dreg:$0x3] =	wrdreg s5  }
0x22: {  	[dreg:$0x4] =	wrdreg $0xC0  }
0x23: {  	_ =	task [dreg:s7], $0x5FFFF  }
0x24: {  	[dreg:$0x1] =	wrdreg $0xFFFFFFFF  }
0x25: {  	[dreg:$0x0] =	wrdreg $0x60  }
0x26: {  	[dreg:$0x2] =	wrdreg s25  }
0x27: {  	[dreg:$0x3] =	wrdreg s2  }
0x28: {  	[dreg:$0x4] =	wrdreg $0x9  }
0x29: {  	_ =	task.clear_ibuf [dreg:s7], $0x5FFFF;
	_ =	strace $0x9000004C  }
0x2a: {  	s29 =	simm.s32 $0x9;
	_ =	strace $0x8000004E  }
0x2b: {  	_ =	swait.ge [sflag:s29], $0x1  }
0x2c: {  	[sflag:s29] =	ssyncadd.s32 $0xFFFFFFFF  }
0x2d: {  	_ =	strace $0x9000004E  }
0x2e: {  	_ =	sfence  }
0x2f: {  	s30 =	sld [smem:$0x0];
	_ =	sdelay $0x2  }
0x30: {  	s31 =	sshll.u32 s1, $0xD;
	s1 =	sshrl.u32 s1, $0x2  }
0x31: {  	s3 =	sand.u32 $0x4000, s31;
	s1 =	sadd.s32 s1, s30  }
0x32: {  	s0 =	sor.u32 s3, s0;
	s1 =	sshll.u32 s1, $0x11  }
0x33: {  	s0 =	sor.u32 s1, s0  }
0x34: {  	s0 =	sadd.s32 $0x8F2B, s0  }
0x35: {  	[sflag:s0] =	ssyncadd.remote.s32 $0x1  }
0x36: {  	_ =	sfence.sel $0xFFFF  }
0x37: {  	[dreg:$0x0] =	wrdreg $0xFFFFFFFF;
	(pc) =	sbr.abs _section_cstart, $3  }
0x38: {  	[dreg:$0x1] =	wrdreg $0xFFFFFFFF  }
0x39: {  	_ =	task.clear_ibuf [dreg:s7], $0x2FFFF;
	_ =	strace $0x9FFFFFFF  }
0x3a: {  	(tm) =	ssettm $0x7FFFFFFF  }
0x3b: {  	_ =	shalt  }
tec
execute0_lowered:
.L_overlay_start_1:
0x0: {  	(tag) =	ssettag $0x1  }
0x1: {  	s1 =	rddreg [dreg:$0x0]  }
0x2: {  	s2 =	rddreg [dreg:$0x1]  }
0x3: {  	s0 =	rddreg [dreg:$0x2]  }
0x4: {  	s4 =	srdreg.scid;
	_ =	strace $0x8000004D;
	s6 =	simm.s32 $0x2  }
0x5: {  	s11 =	simm.s32 $0x0;
	p0 =	por $0x0, $0x0;
	s13 =	simm.s32 $0x0  }
.Ltmp0:
0x6: {  	s12 =	simm.s32 $0x0;
	s8 =	simm.s32 $0x0;
	(pc) =	sbr.rel .LBB1_1-.Ltmp0, $4  }
0x7: {  	s9 =	simm.s32 $0x0;
	s3 =	sadd.s32 $0x600C00, s1;
	s4 =	sshll.u32 s4, $0x4  }
0x8: {  	s1 =	stileid.u32;
	s5 =	sand.u32 $0x10, s4;
	s4 =	simm.s32 $0x1  }
0x9: {  	s7 =	simm.s32 $0x0;
	s5 =	sor.u32 s1, s5;
	[sflag:s4] =	ssyncpa.u1 $0x0  }
0xa: {  	[sflag:s6] =	ssyncpa.u1 $0x0;
	s6 =	simm.s32 $0xC00;
	s10 =	smov.u32 s5  }
.LBB1_5:
0xb: {  	s14 =	sadd.s32 $0x1, s8  }
0xc: {  	s11 =	sadd.s32 $0x80, s9;
	s15 =	smov.u32 s9;
	p2 =	sgt.s32 s14, $0x3F  }
0xd: {  	s15 =	smov.u32 @p2 s11  }
0xe: {  	s17 =	smov.u32 s10;
	s11 =	sadd.s32 $0x20, s10;
	p3 =	sgt.s32 s15, $0x17F  }
0xf: {  	p1 =	slt.u32 s7, $0x2;
	s17 =	smov.u32 @p3 s11  }
0x10: {  	s7 =	sadd.s32 $0x1, s7;
	s14 =	simm.s32 @p2 $0x0;
	p2 =	sgt.s32 s17, $0x1F  }
0x11: {  	s17 =	smov.u32 @p2 s5;
	p2 =	sne.s32 s7, $0xC2  }
.Ltmp1:
0x12: {  	s16 =	simm.s32 @!p1 $0x2;
	(pc) =	sbr.rel @!p2 .LBB1_6-.Ltmp1, $4  }
0x13: {  	s13 =	smov.u32 s9;
	_ =	swait.ge @!p1 [sflag:s16], $0x2000  }
0x14: {  	s12 =	smov.u32 s10;
	p0 =	por !p0, !p0;
	[sflag:s16] =	ssyncset.done @!p1 $0x0  }
0x15: {  	s15 =	simm.s32 @p3 $0x0;
	s11 =	smov.u32 s8;
	[sflag:s16] =	ssyncadd.s32 @!p1 $0xFFFFE000  }
0x16: {  	s8 =	smov.u32 s14;
	s9 =	smov.u32 s15;
	s10 =	smov.u32 s17  }
.LBB1_1:
0x17: {  	p1 =	sgt.u32 s7, $0xBF  }
0x18: {  	s15 =	smul.u32 @!p1 $0x60000, s10  }
0x19: {  	s14 =	sxor.u32 @!p1 $0xFFFFFFFF, s7;
	s16 =	sshll.u32 @!p1 s9, $0xA  }
0x1a: {  	s17 =	sshll.u32 @!p1 s8, $0x4;
	s14 =	sshll.u32 @!p1 s14, $0xD;
	s15 =	sadd.s32 @!p1 s3, s15  }
0x1b: {  	s17 =	sand.u32 @!p1 $0x3F0, s17;
	s14 =	sand.u32 @!p1 $0x2000, s14;
	s15 =	sadd.s32 @!p1 s16, s15  }
0x1c: {  	s16 =	simm.s32 @!p1 $0x40;
	s15 =	sadd.s32 @!p1 s17, s15;
	s17 =	simm.s32 @!p1 $0x2000  }
0x1d: {  	[tilespmem:s14], [sflag:$0x1] =	stream.strided.gather @!p1 [hbm4b:s15+s16], $0x2000, s17, s16, $0x38;
	[tilespmem:$0x8080] =	vst v63  }
0x1e: {  	p1 =	seq.s32 s7, $0x0  }
0x1f: {  	p2 =	seq.s32 @!p1 s7, $0xC1  }
0x20: {  	p1 =	por p1, p2  }
.Ltmp2:
0x21: {  	_ = 	snop;
	(pc) =	sbr.rel @p1 .LBB1_5-.Ltmp2, $1  }
0x22: {  	_ =	sdelay $0x3  }
0x23: {  	s14 =	simm.s32 $0x1  }
0x24: {  	_ =	swait.ge [sflag:s4], $0x2000;
	s14 =	simm.s32 @!p0 $0x0  }
0x25: {  	[sflag:s4] =	ssyncset.done $0x0;
	s15 =	sshll.u32 s14, $0xD  }
0x26: {  	[sflag:s4] =	ssyncadd.s32 $0xFFFFE000;
	s18 =	sor.u32 $0x20, s15  }
0x27: {  	s14 =	smul.u32 $0x8100, s14;
	v3 =	vld [tilespmem:s18+$0x10]  }
0x28: {  	s30 =	sand.u32 $0x1, s7;
	v2 =	vld [tilespmem:s18+$0xFFFFFFF0]  }
0x29: {  	s15 =	smul.u32 $0x8100, s30;
	s14 =	sshrl.u32 s14, $0x2;
	v0 =	vld [tilespmem:s18+$0x0]  }
0x2a: {  	v1 =	vld [tilespmem:s18+$0xFFFFFFE0];
	s16 =	sor.u32 $0x4000, s14  }
0x2b: {  	s31 =	sshrl.u32 s15, $0x2;
	s15 =	sadd.s32 $0x0, s16  }
0x2c: {  	s17 =	simm.s32 $0x4;
	s18 =	sadd.s32 $0x40, s18;
	s14 =	sor.u32 $0x4000, s31;
	[tilespmem:s15+$0x1830 ss:$0x81] =	vst.msk $0xffff, v3  }
.LBB1_3:
0x2d: {  	v3 =	vld [tilespmem:s18+$0x10];
	p1 =	sne.s32 s17, $0x1FC;
	[tilespmem:s15+$0x810 ss:$0x81] =	vst.msk $0xffff, v2;
	s19 =	smov.u32 s17;
	s17 =	sadd.s32 $0x4, s17  }
.Ltmp3:
0x2e: {  	v2 =	vld [tilespmem:s18+$0xFFFFFFF0];
	[tilespmem:s15+$0x1020 ss:$0x81] =	vst.msk $0xffff, v0;
	(pc) =	sbr.rel @p1 .LBB1_3-.Ltmp3, $4  }
0x2f: {  	v0 =	vld [tilespmem:s18+$0x0];
	[tilespmem:s15+$0x0 ss:$0x81] =	vst.msk $0xffff, v1  }
0x30: {  	s15 =	sshra.s32 s19, $0x2;
	v1 =	vld [tilespmem:s18+$0xFFFFFFE0]  }
0x31: {  	s15 =	sadd.s32 s15, s16  }
0x32: {  	s18 =	sadd.s32 $0x40, s18;
	[tilespmem:s15+$0x1830 ss:$0x81] =	vst.msk $0xffff, v3  }
0x33: {  	s16 =	sshll.u32 s13, $0x3  }
0x34: {  	s30 =	sand.u32 $0x7F, s13;
	s16 =	sand.u32 $0xFFFFFC00, s16  }
0x35: {  	s13 =	sor.u32 s30, s16;
	s16 =	smulhi.u32 $0xAAAAAAAB, s16  }
0x36: {  	s17 =	smulhi.u32 $0xAAAAAAAB, s13  }
0x37: {  	s12 =	smul.u32 $0x30000, s12  }
0x38: {  	s11 =	smul.u32 $0xC00, s11;
	s16 =	sshrl.u32 s16, $0x8;
	s17 =	sshrl.u32 s17, $0x8  }
0x39: {  	s16 =	sand.u32 $0x3F, s16;
	s17 =	smul.u32 $0x180, s17  }
0x3a: {  	s16 =	smul.u32 $0x30, s16  }
.Ltmp4:
0x3b: {  	s12 =	sadd.s32 s2, s12;
	s13 =	ssub.s32 s13, s17;
	(pc) =	sbr.rel .LBB1_5-.Ltmp4, $4  }
0x3c: {  	[tilespmem:s15+$0x810 ss:$0x81] =	vst.msk $0xffff, v2;
	s11 =	sadd.s32 s11, s12;
	s31 =	sand.u32 $0x7, s13  }
0x3d: {  	[tilespmem:s15+$0x1020 ss:$0x81] =	vst.msk $0xffff, v0;
	s11 =	sadd.s32 s16, s11;
	s13 =	sshrl.u32 s13, $0x3;
	s12 =	sshll.u32 s31, $0x12  }
0x3e: {  	[tilespmem:s15+$0x0 ss:$0x81] =	vst.msk $0xffff, v1;
	s11 =	sadd.s32 s13, s11;
	s12 =	sor.u32 $0x400, s12  }
0x3f: {  	[hbm4b:s11+s12] =	stream.strided.scatter [tilespmem:s14], [sflag:$0x2], $0x2000, s6, s12, $0x20;
	[tilespmem:$0x8080] =	vst v63  }
.LBB1_6:
0x40: {  	_ =	sfence.sel $0x180000  }
0x41: {  	s2 =	simm.s32 $0x1;
	[bflag:$0x0] =	sbarrier.arrive $0xFFFF  }
0x42: {  	s31 =	simm.s32 $0x2;
	[sflag:s2] =	ssyncpa.u1 $0x1  }
0x43: {  	[sflag:s31] =	ssyncpa.u1 $0x1  }
0x44: {  	p0 =	sne.s32 s1, $0x0;
	_ =	strace $0x9000004D  }
0x45: {  	s0 =	sadd.s32 @!p0 $0x100000, s0;
	[bflag:$0x2] =	sbarrier.arrive $0xFFFF  }
0x46: {  	[sflag:s0] =	ssyncadd.tile.s32 @!p0 $0x1;
	_ =	shalt  }
.Lfunc_end1:
_tile_overlayer_lowered:
.L_overlay_start_2:
0x47: {  	(tag) =	ssettag $0x2  }
0x48: {  	s0 =	rddreg [dreg:$0x0];
	s2 =	stileid.u32  }
0x49: {  	s1 =	rddreg [dreg:$0x1];
	p0 =	sne.s32 s2, $0x0  }
0x4a: {  	s3 =	rddreg [dreg:$0x2];
	[bflag:$0x3] =	sbarrier.arrive $0xFFFF;
	s2 =	simm.s32 @!p0 $0x1C01  }
0x4b: {  	[timem:s3], [sflag:s2] =	dma.local @!p0 [hbm:s0], s1  }
0x4c: {  	s0 =	simm.s32 @!p0 $0x1  }
0x4d: {  	_ =	swait.ge @!p0 [sflag:s0], s1  }
0x4e: {  	s1 =	ssub.s32 @!p0 $0x0, s1;
	[sflag:s0] =	ssyncset.done @!p0 $0x0  }
0x4f: {  	[sflag:s0] =	ssyncadd.s32 @!p0 s1  }
0x50: {  	[bflag:$0x3] =	sbarrier.arrive $0xFFFF  }
0x51: {  	_ =	shalt  }

</sc_bundles>
